<compile_context>
chip_gen: v7x
topology: tpu7x:2x2x1
jax: 0.10.2.dev20260603
libtpu: 0.0.44.dev20260713+nightly
codegen_flags: <defaults>
</compile_context>

<pallas_src>
import dataclasses
import functools

import jax
import jax.numpy as jnp
from jax import lax
from jax.experimental import pallas as pl
from jax.experimental.pallas import tpu as pltpu
from jax.experimental.pallas import tpu_sc as plsc

NC, NS, L = 2, 16, 16
NW = NC * NS


@functools.lru_cache(maxsize=None)
def _build(E, H, R, W):
    EW = E // NW
    C = EW // W
    HW = H // 2
    mesh = plsc.VectorSubcoreMesh(
        core_axis_name="c", subcore_axis_name="s", num_cores=NC, num_subcores=NS
    )
    cp = pltpu.CompilerParams()
    if "needs_layout_passes" in pltpu.CompilerParams.__dataclass_fields__:
        cp = dataclasses.replace(cp, needs_layout_passes=False)

    @functools.partial(
        pl.kernel,
        compiler_params=cp,
        out_type=jax.ShapeDtypeStruct((NW, 1, EW), jnp.float32),
        mesh=mesh,
        scratch_types=[
            pltpu.VMEM((C, W), jnp.int32),
            pltpu.VMEM((C, W), jnp.int32),
            pltpu.VMEM((C, W), jnp.int32),
            pltpu.VMEM((W, H), jnp.int32),
            pltpu.VMEM((W, H), jnp.int32),
            pltpu.VMEM((W, H), jnp.int32),
            pltpu.VMEM((W, H), jnp.int32),
            pltpu.VMEM((W, H), jnp.int32),
            pltpu.VMEM((W, H), jnp.int32),
            pltpu.VMEM((R * HW,), jnp.int32),
            pltpu.VMEM((1, EW), jnp.float32),
            pltpu.VMEM((L * (L + 1),), jnp.float32),
            pltpu.SemaphoreType.DMA,
            pltpu.SemaphoreType.DMA,
            pltpu.SemaphoreType.DMA,
        ],
    )
    def k(zp_hbm, src_hbm, dst_hbm, typ_hbm, rel_hbm, out_hbm,
          src_v, dst_v, typ_v,
          srowsA, drowsA, srowsB, drowsB, srowsC, drowsC,
          rel_v, out_v, part_v, semA, semB, semC):
        wid = lax.axis_index("s") * NC + lax.axis_index("c")
        pltpu.sync_copy(src_hbm.at[wid], src_v)
        pltpu.sync_copy(dst_hbm.at[wid], dst_v)
        pltpu.sync_copy(typ_hbm.at[wid], typ_v)
        pltpu.sync_copy(rel_hbm, rel_v)
        lanes = lax.iota(jnp.int32, L)
        m_last = lanes == (L - 1)

        def start(kk, srows, drows, sem):
            pltpu.async_copy(zp_hbm.at[src_v.at[kk]], srows, sem)
            pltpu.async_copy(zp_hbm.at[dst_v.at[kk]], drows, sem)

        def drain(srows, drows, sem):
            pltpu.make_async_copy(zp_hbm.at[src_v.at[0]], srows, sem).wait()
            pltpu.make_async_copy(zp_hbm.at[dst_v.at[0]], drows, sem).wait()

        tr_idx = lanes * (L + 1)

        def compute(kk, srows, drows):
            @pl.loop(0, W // L)
            def _group(g):
                sl = pl.ds(g * L, L)
                tv = typ_v[kk, sl]
                fmt = plsc.PackFormat.INTERLEAVED

                def loads(u):
                    e = g * L + u
                    t = tv[u]
                    out = []
                    for q in range(HW // L):
                        out.append((
                            plsc.bitcast(
                                srows[e, pl.ds(q * L, L)], jnp.bfloat16),
                            plsc.bitcast(
                                drows[e, pl.ds(q * L, L)], jnp.bfloat16),
                            plsc.bitcast(
                                rel_v[pl.ds(t * HW + q * L, L)], jnp.bfloat16),
                        ))
                    return out

                pend = [loads(0), loads(1)]
                for u in range(L):
                    if u + 2 < L:
                        pend.append(loads(u + 2))
                    a0 = a1 = None
                    for sab, dab, rab in pend.pop(0):
                        prod = sab * dab * rab
                        p0, p1 = plsc.unpack(prod, format=fmt)
                        a0 = p0 if a0 is None else a0 + p0
                        a1 = p1 if a1 is None else a1 + p1
                    part_v[pl.ds(u * (L + 1), L)] = a0 + a1
                b0 = b1 = None
                for l in range(L):
                    v = plsc.load_gather(part_v, [tr_idx + l])
                    if l % 2 == 0:
                        b0 = v if b0 is None else b0 + v
                    else:
                        b1 = v if b1 is None else b1 + v
                out_v[0, pl.ds(kk * W + g * L, L)] = b0 + b1

        bufs = (
            (srowsA, drowsA, semA),
            (srowsB, drowsB, semB),
            (srowsC, drowsC, semC),
        )
        start(0, srowsA, drowsA, semA)
        start(1, srowsB, drowsB, semB)

        @pl.loop(0, C)
        def _chunk(kk):
            m = kk % 3
            for b in range(3):
                sr, dr, sm = bufs[b]
                s2, d2, m2 = bufs[(b + 2) % 3]

                @pl.when(m == b)
                def _(sr=sr, dr=dr, sm=sm, s2=s2, d2=d2, m2=m2):
                    drain(sr, dr, sm)

                    @pl.when(kk + 2 < C)
                    def _():
                        start(kk + 2, s2, d2, m2)

                    compute(kk, sr, dr)

        pltpu.sync_copy(out_v, out_hbm.at[wid])

    return k


def kernel(z, edge_index, edge_type, rel_emb):
    E = edge_type.shape[0]
    H = z.shape[1]
    R = rel_emb.shape[0]
    W = 80
    C = E // (NW * W)
    src = edge_index[0].astype(jnp.int32).reshape(NW, C, W)
    dst = edge_index[1].astype(jnp.int32).reshape(NW, C, W)
    typ = edge_type.astype(jnp.int32).reshape(NW, C, W)
    n = z.shape[0]
    zw = lax.bitcast_convert_type(
        z.astype(jnp.bfloat16).reshape(n, H // 2, 2), jnp.int32
    )
    z_tab = jnp.concatenate([zw, zw], axis=1)
    rel_i32 = lax.bitcast_convert_type(
        rel_emb.astype(jnp.bfloat16).reshape(R, H // 2, 2), jnp.int32
    ).reshape(R * (H // 2))
    out = _build(E, H, R, W)(z_tab, src, dst, typ, rel_i32)
    return out.reshape(E)

# --- scband reference (transcript-rebuilt; emitter-appended) ---
"""Pipeline reference for scband-dist-mult-decoder-592705487138 (READ-ONLY COPY).

The authoritative reference and input builder live on the scoring server;
editing this copy changes nothing except your own understanding.
"""

import jax, jax.numpy as jnp
import numpy as np

NUM_NODES = 10000
NUM_EDGES = 320000
NUM_RELATIONS = 64
HIDDEN = 128

def setup_inputs(seed: int = 0) -> dict:
    key = jax.random.key(seed)
    k1, k2, k3, k4 = jax.random.split(key, 4)
    z = jax.random.normal(k1, (NUM_NODES, HIDDEN), dtype=jnp.float32)
    edge_index = jax.random.randint(k2, (2, NUM_EDGES), 0, NUM_NODES, dtype=jnp.int64)
    edge_type = jax.random.randint(k3, (NUM_EDGES,), 0, NUM_RELATIONS, dtype=jnp.int64)
    # xavier_uniform init for rel_emb: bound = sqrt(6/(fan_in+fan_out))
    bound = float(np.sqrt(6.0 / (NUM_RELATIONS + HIDDEN)))
    rel_emb = jax.random.uniform(k4, (NUM_RELATIONS, HIDDEN), dtype=jnp.float32, minval=-bound, maxval=bound)
    return {"z": z, "edge_index": edge_index, "edge_type": edge_type, "rel_emb": rel_emb}

def reference(z, edge_index, edge_type, rel_emb):
    z_src = jnp.take(z, edge_index[0], axis=0)
    z_dst = jnp.take(z, edge_index[1], axis=0)
    rel = jnp.take(rel_emb, edge_type, axis=0)
    return jnp.sum(z_src * rel * z_dst, axis=1)

if __name__ == "__main__":
    import jax
    _d = setup_inputs()
    print(jax.jit(kernel)(*tuple(_d.values())))

</pallas_src>

<mosaic_0001>
#map = affine_map<(d0, d1) -> (0, 0)>
#map1 = affine_map<(d0, d1) -> (0, 0, 0)>
#map2 = affine_map<(d0, d1) -> (0)>
module attributes {stable_mosaic.version = 14 : i64} {
  func.func @k(%arg0: i32, %arg1: i32, %arg2: memref<10000x128xi32, #tpu.memory_space<hbm>>, %arg3: memref<32x125x80xi32, #tpu.memory_space<hbm>>, %arg4: memref<32x125x80xi32, #tpu.memory_space<hbm>>, %arg5: memref<32x125x80xi32, #tpu.memory_space<hbm>>, %arg6: memref<4096xi32, #tpu.memory_space<hbm>>, %arg7: memref<32x1x10000xf32, #tpu.memory_space<hbm>>, %arg8: memref<125x80xi32, #tpu.memory_space<vmem>>, %arg9: memref<125x80xi32, #tpu.memory_space<vmem>>, %arg10: memref<125x80xi32, #tpu.memory_space<vmem>>, %arg11: memref<80x128xi32, #tpu.memory_space<vmem>>, %arg12: memref<80x128xi32, #tpu.memory_space<vmem>>, %arg13: memref<80x128xi32, #tpu.memory_space<vmem>>, %arg14: memref<80x128xi32, #tpu.memory_space<vmem>>, %arg15: memref<80x128xi32, #tpu.memory_space<vmem>>, %arg16: memref<80x128xi32, #tpu.memory_space<vmem>>, %arg17: memref<4096xi32, #tpu.memory_space<vmem>>, %arg18: memref<1x10000xf32, #tpu.memory_space<vmem>>, %arg19: memref<272xf32, #tpu.memory_space<vmem>>, %arg20: memref<!tpu.dma_semaphore, #tpu.memory_space<semaphore_mem>>, %arg21: memref<!tpu.dma_semaphore, #tpu.memory_space<semaphore_mem>>, %arg22: memref<!tpu.dma_semaphore, #tpu.memory_space<semaphore_mem>>) attributes {dimension_semantics = [#tpu.dimension_semantics<core_parallel>, #tpu.dimension_semantics<subcore_parallel>], iteration_bounds = array<i64: 2, 16>, scalar_prefetch = 0 : i64, scratch_operands = 15 : i64, tpu.core_type = #tpu.core_type<sc_vector_subcore>, window_params = [{transform_indices = #map}, {transform_indices = #map1}, {transform_indices = #map1}, {transform_indices = #map1}, {transform_indices = #map2}, {transform_indices = #map1}]} {
    %mul3A = arith.constant 2 : i32
    %mul3A_0 = arith.muli %arg1, %mul3A : i32
    %add3A = arith.addi %mul3A_0, %arg0 : i32
    "tpu.region"() ({
      %run_scoped3A = tpu.sem_alloc : memref<!tpu.dma_semaphore, #tpu.memory_space<semaphore_mem>>
      %dma_start3A_37 = arith.constant 0 : i32
      %dma_start3A_38 = arith.constant 0 : i32
      %dma_start3A_39 = tpu.memref_slice %arg3[%add3A, %dma_start3A_37, %dma_start3A_38] : memref<32x125x80xi32, #tpu.memory_space<hbm>> -> memref<1x125x80xi32, #tpu.memory_space<hbm>>
      %dma_start3A_40 = tpu.memref_squeeze %dma_start3A_39 : memref<1x125x80xi32, #tpu.memory_space<hbm>> -> memref<125x80xi32, #tpu.memory_space<hbm>>
      %dma_start3A_41 = arith.constant 0 : i32
      %dma_start3A_42 = arith.constant 0 : i32
      %dma_start3A_43 = tpu.memref_slice %arg3[%add3A, %dma_start3A_41, %dma_start3A_42] : memref<32x125x80xi32, #tpu.memory_space<hbm>> -> memref<1x125x80xi32, #tpu.memory_space<hbm>>
      %dma_start3A_44 = tpu.memref_squeeze %dma_start3A_43 : memref<1x125x80xi32, #tpu.memory_space<hbm>> -> memref<125x80xi32, #tpu.memory_space<hbm>>
      tpu.enqueue_dma source(%dma_start3A_44 : memref<125x80xi32, #tpu.memory_space<hbm>>) target(%arg8 : memref<125x80xi32, #tpu.memory_space<vmem>>) target_semaphore(%run_scoped3A : memref<!tpu.dma_semaphore, #tpu.memory_space<semaphore_mem>>)
      %dma_wait3A = arith.constant 0 : i32
      %dma_wait3A_45 = arith.constant 0 : i32
      %dma_wait3A_46 = tpu.memref_slice %arg3[%add3A, %dma_wait3A, %dma_wait3A_45] : memref<32x125x80xi32, #tpu.memory_space<hbm>> -> memref<1x125x80xi32, #tpu.memory_space<hbm>>
      %dma_wait3A_47 = tpu.memref_squeeze %dma_wait3A_46 : memref<1x125x80xi32, #tpu.memory_space<hbm>> -> memref<125x80xi32, #tpu.memory_space<hbm>>
      %dma_wait3A_48 = arith.constant 0 : i32
      %dma_wait3A_49 = arith.constant 0 : i32
      %dma_wait3A_50 = tpu.memref_slice %arg3[%add3A, %dma_wait3A_48, %dma_wait3A_49] : memref<32x125x80xi32, #tpu.memory_space<hbm>> -> memref<1x125x80xi32, #tpu.memory_space<hbm>>
      %dma_wait3A_51 = tpu.memref_squeeze %dma_wait3A_50 : memref<1x125x80xi32, #tpu.memory_space<hbm>> -> memref<125x80xi32, #tpu.memory_space<hbm>>
      tpu.wait_dma2 semaphore(%run_scoped3A : memref<!tpu.dma_semaphore, #tpu.memory_space<semaphore_mem>>) src(%dma_wait3A_51 : memref<125x80xi32, #tpu.memory_space<hbm>>) dst(%arg8 : memref<125x80xi32, #tpu.memory_space<vmem>>)
      tpu.yield
    }) : () -> ()
    "tpu.region"() ({
      %run_scoped3A = tpu.sem_alloc : memref<!tpu.dma_semaphore, #tpu.memory_space<semaphore_mem>>
      %dma_start3A_37 = arith.constant 0 : i32
      %dma_start3A_38 = arith.constant 0 : i32
      %dma_start3A_39 = tpu.memref_slice %arg4[%add3A, %dma_start3A_37, %dma_start3A_38] : memref<32x125x80xi32, #tpu.memory_space<hbm>> -> memref<1x125x80xi32, #tpu.memory_space<hbm>>
      %dma_start3A_40 = tpu.memref_squeeze %dma_start3A_39 : memref<1x125x80xi32, #tpu.memory_space<hbm>> -> memref<125x80xi32, #tpu.memory_space<hbm>>
      %dma_start3A_41 = arith.constant 0 : i32
      %dma_start3A_42 = arith.constant 0 : i32
      %dma_start3A_43 = tpu.memref_slice %arg4[%add3A, %dma_start3A_41, %dma_start3A_42] : memref<32x125x80xi32, #tpu.memory_space<hbm>> -> memref<1x125x80xi32, #tpu.memory_space<hbm>>
      %dma_start3A_44 = tpu.memref_squeeze %dma_start3A_43 : memref<1x125x80xi32, #tpu.memory_space<hbm>> -> memref<125x80xi32, #tpu.memory_space<hbm>>
      tpu.enqueue_dma source(%dma_start3A_44 : memref<125x80xi32, #tpu.memory_space<hbm>>) target(%arg9 : memref<125x80xi32, #tpu.memory_space<vmem>>) target_semaphore(%run_scoped3A : memref<!tpu.dma_semaphore, #tpu.memory_space<semaphore_mem>>)
      %dma_wait3A = arith.constant 0 : i32
      %dma_wait3A_45 = arith.constant 0 : i32
      %dma_wait3A_46 = tpu.memref_slice %arg4[%add3A, %dma_wait3A, %dma_wait3A_45] : memref<32x125x80xi32, #tpu.memory_space<hbm>> -> memref<1x125x80xi32, #tpu.memory_space<hbm>>
      %dma_wait3A_47 = tpu.memref_squeeze %dma_wait3A_46 : memref<1x125x80xi32, #tpu.memory_space<hbm>> -> memref<125x80xi32, #tpu.memory_space<hbm>>
      %dma_wait3A_48 = arith.constant 0 : i32
      %dma_wait3A_49 = arith.constant 0 : i32
      %dma_wait3A_50 = tpu.memref_slice %arg4[%add3A, %dma_wait3A_48, %dma_wait3A_49] : memref<32x125x80xi32, #tpu.memory_space<hbm>> -> memref<1x125x80xi32, #tpu.memory_space<hbm>>
      %dma_wait3A_51 = tpu.memref_squeeze %dma_wait3A_50 : memref<1x125x80xi32, #tpu.memory_space<hbm>> -> memref<125x80xi32, #tpu.memory_space<hbm>>
      tpu.wait_dma2 semaphore(%run_scoped3A : memref<!tpu.dma_semaphore, #tpu.memory_space<semaphore_mem>>) src(%dma_wait3A_51 : memref<125x80xi32, #tpu.memory_space<hbm>>) dst(%arg9 : memref<125x80xi32, #tpu.memory_space<vmem>>)
      tpu.yield
    }) : () -> ()
    "tpu.region"() ({
      %run_scoped3A = tpu.sem_alloc : memref<!tpu.dma_semaphore, #tpu.memory_space<semaphore_mem>>
      %dma_start3A_37 = arith.constant 0 : i32
      %dma_start3A_38 = arith.constant 0 : i32
      %dma_start3A_39 = tpu.memref_slice %arg5[%add3A, %dma_start3A_37, %dma_start3A_38] : memref<32x125x80xi32, #tpu.memory_space<hbm>> -> memref<1x125x80xi32, #tpu.memory_space<hbm>>
      %dma_start3A_40 = tpu.memref_squeeze %dma_start3A_39 : memref<1x125x80xi32, #tpu.memory_space<hbm>> -> memref<125x80xi32, #tpu.memory_space<hbm>>
      %dma_start3A_41 = arith.constant 0 : i32
      %dma_start3A_42 = arith.constant 0 : i32
      %dma_start3A_43 = tpu.memref_slice %arg5[%add3A, %dma_start3A_41, %dma_start3A_42] : memref<32x125x80xi32, #tpu.memory_space<hbm>> -> memref<1x125x80xi32, #tpu.memory_space<hbm>>
      %dma_start3A_44 = tpu.memref_squeeze %dma_start3A_43 : memref<1x125x80xi32, #tpu.memory_space<hbm>> -> memref<125x80xi32, #tpu.memory_space<hbm>>
      tpu.enqueue_dma source(%dma_start3A_44 : memref<125x80xi32, #tpu.memory_space<hbm>>) target(%arg10 : memref<125x80xi32, #tpu.memory_space<vmem>>) target_semaphore(%run_scoped3A : memref<!tpu.dma_semaphore, #tpu.memory_space<semaphore_mem>>)
      %dma_wait3A = arith.constant 0 : i32
      %dma_wait3A_45 = arith.constant 0 : i32
      %dma_wait3A_46 = tpu.memref_slice %arg5[%add3A, %dma_wait3A, %dma_wait3A_45] : memref<32x125x80xi32, #tpu.memory_space<hbm>> -> memref<1x125x80xi32, #tpu.memory_space<hbm>>
      %dma_wait3A_47 = tpu.memref_squeeze %dma_wait3A_46 : memref<1x125x80xi32, #tpu.memory_space<hbm>> -> memref<125x80xi32, #tpu.memory_space<hbm>>
      %dma_wait3A_48 = arith.constant 0 : i32
      %dma_wait3A_49 = arith.constant 0 : i32
      %dma_wait3A_50 = tpu.memref_slice %arg5[%add3A, %dma_wait3A_48, %dma_wait3A_49] : memref<32x125x80xi32, #tpu.memory_space<hbm>> -> memref<1x125x80xi32, #tpu.memory_space<hbm>>
      %dma_wait3A_51 = tpu.memref_squeeze %dma_wait3A_50 : memref<1x125x80xi32, #tpu.memory_space<hbm>> -> memref<125x80xi32, #tpu.memory_space<hbm>>
      tpu.wait_dma2 semaphore(%run_scoped3A : memref<!tpu.dma_semaphore, #tpu.memory_space<semaphore_mem>>) src(%dma_wait3A_51 : memref<125x80xi32, #tpu.memory_space<hbm>>) dst(%arg10 : memref<125x80xi32, #tpu.memory_space<vmem>>)
      tpu.yield
    }) : () -> ()
    "tpu.region"() ({
      %run_scoped3A = tpu.sem_alloc : memref<!tpu.dma_semaphore, #tpu.memory_space<semaphore_mem>>
      tpu.enqueue_dma source(%arg6 : memref<4096xi32, #tpu.memory_space<hbm>>) target(%arg17 : memref<4096xi32, #tpu.memory_space<vmem>>) target_semaphore(%run_scoped3A : memref<!tpu.dma_semaphore, #tpu.memory_space<semaphore_mem>>)
      tpu.wait_dma2 semaphore(%run_scoped3A : memref<!tpu.dma_semaphore, #tpu.memory_space<semaphore_mem>>) src(%arg6 : memref<4096xi32, #tpu.memory_space<hbm>>) dst(%arg17 : memref<4096xi32, #tpu.memory_space<vmem>>)
      tpu.yield
    }) : () -> ()
    %iota3A = tpu.iota {dimensions = array<i32: 0>} : vector<16xi32>
    %eq3A = arith.constant 15 : i32
    %eq3A_1 = vector.broadcast %eq3A : i32 to vector<16xi32>
    %eq3A_2 = arith.cmpi eq, %iota3A, %eq3A_1 : vector<16xi32>
    %mul3A_3 = arith.constant 17 : i32
    %mul3A_4 = vector.broadcast %mul3A_3 : i32 to vector<16xi32>
    %mul3A_5 = arith.muli %iota3A, %mul3A_4 : vector<16xi32>
    %dma_start3A = arith.constant 0 : i32
    %dma_start3A_6 = arith.constant 0 : i32
    %dma_start3A_7 = tpu.memref_slice %arg8[%dma_start3A, %dma_start3A_6] : memref<125x80xi32, #tpu.memory_space<vmem>> -> memref<1x80xi32, #tpu.memory_space<vmem>>
    %dma_start3A_8 = tpu.memref_squeeze %dma_start3A_7 : memref<1x80xi32, #tpu.memory_space<vmem>> -> memref<80xi32, #tpu.memory_space<vmem>>
    %dma_start3A_9 = arith.constant 0 : i32
    %dma_start3A_10 = arith.constant 0 : i32
    %dma_start3A_11 = tpu.memref_slice %arg2[%dma_start3A_9, %dma_start3A_10] : memref<10000x128xi32, #tpu.memory_space<hbm>> -> memref<10000x128xi32, #tpu.memory_space<hbm>>
    tpu.enqueue_indirect_dma source(%dma_start3A_11 : memref<10000x128xi32, #tpu.memory_space<hbm>>) target(%arg11 : memref<80x128xi32, #tpu.memory_space<vmem>>) offsets(%dma_start3A_8 : memref<80xi32, #tpu.memory_space<vmem>>) semaphore(%arg20 : memref<!tpu.dma_semaphore, #tpu.memory_space<semaphore_mem>>)
    %dma_start3A_12 = arith.constant 0 : i32
    %dma_start3A_13 = arith.constant 0 : i32
    %dma_start3A_14 = tpu.memref_slice %arg9[%dma_start3A_12, %dma_start3A_13] : memref<125x80xi32, #tpu.memory_space<vmem>> -> memref<1x80xi32, #tpu.memory_space<vmem>>
    %dma_start3A_15 = tpu.memref_squeeze %dma_start3A_14 : memref<1x80xi32, #tpu.memory_space<vmem>> -> memref<80xi32, #tpu.memory_space<vmem>>
    %dma_start3A_16 = arith.constant 0 : i32
    %dma_start3A_17 = arith.constant 0 : i32
    %dma_start3A_18 = tpu.memref_slice %arg2[%dma_start3A_16, %dma_start3A_17] : memref<10000x128xi32, #tpu.memory_space<hbm>> -> memref<10000x128xi32, #tpu.memory_space<hbm>>
    tpu.enqueue_indirect_dma source(%dma_start3A_18 : memref<10000x128xi32, #tpu.memory_space<hbm>>) target(%arg12 : memref<80x128xi32, #tpu.memory_space<vmem>>) offsets(%dma_start3A_15 : memref<80xi32, #tpu.memory_space<vmem>>) semaphore(%arg20 : memref<!tpu.dma_semaphore, #tpu.memory_space<semaphore_mem>>)
    %dma_start3A_19 = arith.constant 1 : i32
    %dma_start3A_20 = arith.constant 0 : i32
    %dma_start3A_21 = tpu.memref_slice %arg8[%dma_start3A_19, %dma_start3A_20] : memref<125x80xi32, #tpu.memory_space<vmem>> -> memref<1x80xi32, #tpu.memory_space<vmem>>
    %dma_start3A_22 = tpu.memref_squeeze %dma_start3A_21 : memref<1x80xi32, #tpu.memory_space<vmem>> -> memref<80xi32, #tpu.memory_space<vmem>>
    %dma_start3A_23 = arith.constant 0 : i32
    %dma_start3A_24 = arith.constant 0 : i32
    %dma_start3A_25 = tpu.memref_slice %arg2[%dma_start3A_23, %dma_start3A_24] : memref<10000x128xi32, #tpu.memory_space<hbm>> -> memref<10000x128xi32, #tpu.memory_space<hbm>>
    tpu.enqueue_indirect_dma source(%dma_start3A_25 : memref<10000x128xi32, #tpu.memory_space<hbm>>) target(%arg13 : memref<80x128xi32, #tpu.memory_space<vmem>>) offsets(%dma_start3A_22 : memref<80xi32, #tpu.memory_space<vmem>>) semaphore(%arg21 : memref<!tpu.dma_semaphore, #tpu.memory_space<semaphore_mem>>)
    %dma_start3A_26 = arith.constant 1 : i32
    %dma_start3A_27 = arith.constant 0 : i32
    %dma_start3A_28 = tpu.memref_slice %arg9[%dma_start3A_26, %dma_start3A_27] : memref<125x80xi32, #tpu.memory_space<vmem>> -> memref<1x80xi32, #tpu.memory_space<vmem>>
    %dma_start3A_29 = tpu.memref_squeeze %dma_start3A_28 : memref<1x80xi32, #tpu.memory_space<vmem>> -> memref<80xi32, #tpu.memory_space<vmem>>
    %dma_start3A_30 = arith.constant 0 : i32
    %dma_start3A_31 = arith.constant 0 : i32
    %dma_start3A_32 = tpu.memref_slice %arg2[%dma_start3A_30, %dma_start3A_31] : memref<10000x128xi32, #tpu.memory_space<hbm>> -> memref<10000x128xi32, #tpu.memory_space<hbm>>
    tpu.enqueue_indirect_dma source(%dma_start3A_32 : memref<10000x128xi32, #tpu.memory_space<hbm>>) target(%arg14 : memref<80x128xi32, #tpu.memory_space<vmem>>) offsets(%dma_start3A_29 : memref<80xi32, #tpu.memory_space<vmem>>) semaphore(%arg21 : memref<!tpu.dma_semaphore, #tpu.memory_space<semaphore_mem>>)
    %scan3A = arith.constant 0 : i32
    %scan3A_33 = arith.constant 125 : i32
    %scan3A_34 = arith.addi %scan3A, %scan3A_33 : i32
    %scan3A_35 = arith.constant 1 : i32
    scf.for %scan3A_37 = %scan3A to %scan3A_34 step %scan3A_35  : i32 {
      %mul3A_38 = arith.constant 1 : i32
      %mul3A_39 = arith.muli %scan3A_37, %mul3A_38 : i32
      %add3A_40 = arith.constant 0 : i32
      %add3A_41 = arith.addi %add3A_40, %mul3A_39 : i32
      %jit3A = arith.constant 3 : i32
      %eq3A_42 = arith.constant 0 : i32
      %eq3A_43 = arith.cmpi eq, %jit3A, %eq3A_42 : i32
      %jit3A_44 = arith.constant 1 : i32
      %select_n3A = arith.select %eq3A_43, %jit3A_44, %jit3A : i32
      %rem3A = arith.remsi %add3A_41, %select_n3A : i32
      %ne3A = arith.constant 0 : i32
      %ne3A_45 = arith.cmpi ne, %rem3A, %ne3A : i32
      %lt3A = arith.constant 0 : i32
      %lt3A_46 = arith.cmpi slt, %rem3A, %lt3A : i32
      %lt3A_47 = arith.constant 0 : i32
      %lt3A_48 = arith.cmpi slt, %select_n3A, %lt3A_47 : i32
      %ne3A_49 = arith.xori %lt3A_46, %lt3A_48 : i1
      %and3A = arith.andi %ne3A_49, %ne3A_45 : i1
      %add3A_50 = arith.addi %rem3A, %select_n3A : i32
      %select_n3A_51 = arith.select %and3A, %add3A_50, %rem3A : i32
      %eq3A_52 = arith.constant 0 : i32
      %eq3A_53 = arith.cmpi eq, %select_n3A_51, %eq3A_52 : i32
      %convert_element_type3A = arith.extui %eq3A_53 : i1 to i32
      %cond3A = arith.constant 0 : i32
      %cond3A_54 = arith.cmpi ne, %convert_element_type3A, %cond3A : i32
      scf.if %cond3A_54 {
        %dma_wait3A = arith.constant 0 : i32
        %dma_wait3A_65 = arith.constant 0 : i32
        %dma_wait3A_66 = tpu.memref_slice %arg8[%dma_wait3A, %dma_wait3A_65] : memref<125x80xi32, #tpu.memory_space<vmem>> -> memref<1x80xi32, #tpu.memory_space<vmem>>
        %dma_wait3A_67 = tpu.memref_squeeze %dma_wait3A_66 : memref<1x80xi32, #tpu.memory_space<vmem>> -> memref<80xi32, #tpu.memory_space<vmem>>
        %dma_wait3A_68 = arith.constant 0 : i32
        %dma_wait3A_69 = arith.constant 0 : i32
        %dma_wait3A_70 = tpu.memref_slice %arg2[%dma_wait3A_68, %dma_wait3A_69] : memref<10000x128xi32, #tpu.memory_space<hbm>> -> memref<10000x128xi32, #tpu.memory_space<hbm>>
        tpu.wait_indirect_dma semaphore(%arg20 : memref<!tpu.dma_semaphore, #tpu.memory_space<semaphore_mem>>) src(%dma_wait3A_70 : memref<10000x128xi32, #tpu.memory_space<hbm>>) dst(%arg11 : memref<80x128xi32, #tpu.memory_space<vmem>>)
        %dma_wait3A_71 = arith.constant 0 : i32
        %dma_wait3A_72 = arith.constant 0 : i32
        %dma_wait3A_73 = tpu.memref_slice %arg9[%dma_wait3A_71, %dma_wait3A_72] : memref<125x80xi32, #tpu.memory_space<vmem>> -> memref<1x80xi32, #tpu.memory_space<vmem>>
        %dma_wait3A_74 = tpu.memref_squeeze %dma_wait3A_73 : memref<1x80xi32, #tpu.memory_space<vmem>> -> memref<80xi32, #tpu.memory_space<vmem>>
        %dma_wait3A_75 = arith.constant 0 : i32
        %dma_wait3A_76 = arith.constant 0 : i32
        %dma_wait3A_77 = tpu.memref_slice %arg2[%dma_wait3A_75, %dma_wait3A_76] : memref<10000x128xi32, #tpu.memory_space<hbm>> -> memref<10000x128xi32, #tpu.memory_space<hbm>>
        tpu.wait_indirect_dma semaphore(%arg20 : memref<!tpu.dma_semaphore, #tpu.memory_space<semaphore_mem>>) src(%dma_wait3A_77 : memref<10000x128xi32, #tpu.memory_space<hbm>>) dst(%arg12 : memref<80x128xi32, #tpu.memory_space<vmem>>)
        %add3A_78 = arith.constant 2 : i32
        %add3A_79 = arith.addi %add3A_41, %add3A_78 : i32
        %lt3A_80 = arith.constant 125 : i32
        %lt3A_81 = arith.cmpi slt, %add3A_79, %lt3A_80 : i32
        %convert_element_type3A_82 = arith.extui %lt3A_81 : i1 to i32
        %cond3A_83 = arith.constant 0 : i32
        %cond3A_84 = arith.cmpi ne, %convert_element_type3A_82, %cond3A_83 : i32
        scf.if %cond3A_84 {
          %add3A_90 = arith.constant 2 : i32
          %add3A_91 = arith.addi %add3A_41, %add3A_90 : i32
          %dma_start3A_92 = arith.constant 0 : i32
          %dma_start3A_93 = tpu.memref_slice %arg8[%add3A_91, %dma_start3A_92] : memref<125x80xi32, #tpu.memory_space<vmem>> -> memref<1x80xi32, #tpu.memory_space<vmem>>
          %dma_start3A_94 = tpu.memref_squeeze %dma_start3A_93 : memref<1x80xi32, #tpu.memory_space<vmem>> -> memref<80xi32, #tpu.memory_space<vmem>>
          %dma_start3A_95 = arith.constant 0 : i32
          %dma_start3A_96 = arith.constant 0 : i32
          %dma_start3A_97 = tpu.memref_slice %arg2[%dma_start3A_95, %dma_start3A_96] : memref<10000x128xi32, #tpu.memory_space<hbm>> -> memref<10000x128xi32, #tpu.memory_space<hbm>>
          tpu.enqueue_indirect_dma source(%dma_start3A_97 : memref<10000x128xi32, #tpu.memory_space<hbm>>) target(%arg15 : memref<80x128xi32, #tpu.memory_space<vmem>>) offsets(%dma_start3A_94 : memref<80xi32, #tpu.memory_space<vmem>>) semaphore(%arg22 : memref<!tpu.dma_semaphore, #tpu.memory_space<semaphore_mem>>)
          %dma_start3A_98 = arith.constant 0 : i32
          %dma_start3A_99 = tpu.memref_slice %arg9[%add3A_91, %dma_start3A_98] : memref<125x80xi32, #tpu.memory_space<vmem>> -> memref<1x80xi32, #tpu.memory_space<vmem>>
          %dma_start3A_100 = tpu.memref_squeeze %dma_start3A_99 : memref<1x80xi32, #tpu.memory_space<vmem>> -> memref<80xi32, #tpu.memory_space<vmem>>
          %dma_start3A_101 = arith.constant 0 : i32
          %dma_start3A_102 = arith.constant 0 : i32
          %dma_start3A_103 = tpu.memref_slice %arg2[%dma_start3A_101, %dma_start3A_102] : memref<10000x128xi32, #tpu.memory_space<hbm>> -> memref<10000x128xi32, #tpu.memory_space<hbm>>
          tpu.enqueue_indirect_dma source(%dma_start3A_103 : memref<10000x128xi32, #tpu.memory_space<hbm>>) target(%arg16 : memref<80x128xi32, #tpu.memory_space<vmem>>) offsets(%dma_start3A_100 : memref<80xi32, #tpu.memory_space<vmem>>) semaphore(%arg22 : memref<!tpu.dma_semaphore, #tpu.memory_space<semaphore_mem>>)
        } else {
        }
        %scan3A_85 = arith.constant 0 : i32
        %scan3A_86 = arith.constant 5 : i32
        %scan3A_87 = arith.addi %scan3A_85, %scan3A_86 : i32
        %scan3A_88 = arith.constant 1 : i32
        scf.for %scan3A_90 = %scan3A_85 to %scan3A_87 step %scan3A_88  : i32 {
          %mul3A_91 = arith.constant 1 : i32
          %mul3A_92 = arith.muli %scan3A_90, %mul3A_91 : i32
          %add3A_93 = arith.constant 0 : i32
          %add3A_94 = arith.addi %add3A_93, %mul3A_92 : i32
          %mul3A_95 = arith.constant 16 : i32
          %mul3A_96 = arith.muli %add3A_94, %mul3A_95 : i32
          %get3A = arith.index_cast %add3A_41 : i32 to index
          %get3A_97 = arith.index_cast %mul3A_96 : i32 to index
          %get3A_98 = tpu.vector_load %arg10[%get3A, %get3A_97] {strides = array<i32>} : memref<125x80xi32, #tpu.memory_space<vmem>>, vector<16xi32>,
          %mul3A_99 = arith.constant 16 : i32
          %mul3A_100 = arith.muli %add3A_94, %mul3A_99 : i32
          %add3A_101 = arith.constant 0 : i32
          %add3A_102 = arith.addi %mul3A_100, %add3A_101 : i32
          %slice3A = vector.extract_strided_slice %get3A_98 {offsets = [0], sizes = [1], strides = [1]} : vector<16xi32> to vector<1xi32>
          %squeeze3A = vector.extract %slice3A[0] : i32 from vector<1xi32>
          %get3A_103 = arith.index_cast %add3A_102 : i32 to index
          %get3A_104 = arith.constant 0 : index
          %get3A_105 = tpu.vector_load %arg11[%get3A_103, %get3A_104] {strides = array<i32>} : memref<80x128xi32, #tpu.memory_space<vmem>>, vector<16xi32>,
          %bitcast3A = vector.bitcast %get3A_105 : vector<16xi32> to vector<32xbf16>
          %get3A_106 = arith.index_cast %add3A_102 : i32 to index
          %get3A_107 = arith.constant 0 : index
          %get3A_108 = tpu.vector_load %arg12[%get3A_106, %get3A_107] {strides = array<i32>} : memref<80x128xi32, #tpu.memory_space<vmem>>, vector<16xi32>,
          %bitcast3A_109 = vector.bitcast %get3A_108 : vector<16xi32> to vector<32xbf16>
          %mul3A_110 = arith.constant 64 : i32
          %mul3A_111 = arith.muli %squeeze3A, %mul3A_110 : i32
          %add3A_112 = arith.constant 0 : i32
          %add3A_113 = arith.addi %mul3A_111, %add3A_112 : i32
          %get3A_114 = arith.index_cast %add3A_113 : i32 to index
          %get3A_115 = tpu.vector_load %arg17[%get3A_114] {strides = array<i32>} : memref<4096xi32, #tpu.memory_space<vmem>>, vector<16xi32>,
          %bitcast3A_116 = vector.bitcast %get3A_115 : vector<16xi32> to vector<32xbf16>
          %get3A_117 = arith.index_cast %add3A_102 : i32 to index
          %get3A_118 = arith.constant 16 : index
          %get3A_119 = tpu.vector_load %arg11[%get3A_117, %get3A_118] {strides = array<i32>} : memref<80x128xi32, #tpu.memory_space<vmem>>, vector<16xi32>,
          %bitcast3A_120 = vector.bitcast %get3A_119 : vector<16xi32> to vector<32xbf16>
          %get3A_121 = arith.index_cast %add3A_102 : i32 to index
          %get3A_122 = arith.constant 16 : index
          %get3A_123 = tpu.vector_load %arg12[%get3A_121, %get3A_122] {strides = array<i32>} : memref<80x128xi32, #tpu.memory_space<vmem>>, vector<16xi32>,
          %bitcast3A_124 = vector.bitcast %get3A_123 : vector<16xi32> to vector<32xbf16>
          %mul3A_125 = arith.constant 64 : i32
          %mul3A_126 = arith.muli %squeeze3A, %mul3A_125 : i32
          %add3A_127 = arith.constant 16 : i32
          %add3A_128 = arith.addi %mul3A_126, %add3A_127 : i32
          %get3A_129 = arith.index_cast %add3A_128 : i32 to index
          %get3A_130 = tpu.vector_load %arg17[%get3A_129] {strides = array<i32>} : memref<4096xi32, #tpu.memory_space<vmem>>, vector<16xi32>,
          %bitcast3A_131 = vector.bitcast %get3A_130 : vector<16xi32> to vector<32xbf16>
          %get3A_132 = arith.index_cast %add3A_102 : i32 to index
          %get3A_133 = arith.constant 32 : index
          %get3A_134 = tpu.vector_load %arg11[%get3A_132, %get3A_133] {strides = array<i32>} : memref<80x128xi32, #tpu.memory_space<vmem>>, vector<16xi32>,
          %bitcast3A_135 = vector.bitcast %get3A_134 : vector<16xi32> to vector<32xbf16>
          %get3A_136 = arith.index_cast %add3A_102 : i32 to index
          %get3A_137 = arith.constant 32 : index
          %get3A_138 = tpu.vector_load %arg12[%get3A_136, %get3A_137] {strides = array<i32>} : memref<80x128xi32, #tpu.memory_space<vmem>>, vector<16xi32>,
          %bitcast3A_139 = vector.bitcast %get3A_138 : vector<16xi32> to vector<32xbf16>
          %mul3A_140 = arith.constant 64 : i32
          %mul3A_141 = arith.muli %squeeze3A, %mul3A_140 : i32
          %add3A_142 = arith.constant 32 : i32
          %add3A_143 = arith.addi %mul3A_141, %add3A_142 : i32
          %get3A_144 = arith.index_cast %add3A_143 : i32 to index
          %get3A_145 = tpu.vector_load %arg17[%get3A_144] {strides = array<i32>} : memref<4096xi32, #tpu.memory_space<vmem>>, vector<16xi32>,
          %bitcast3A_146 = vector.bitcast %get3A_145 : vector<16xi32> to vector<32xbf16>
          %get3A_147 = arith.index_cast %add3A_102 : i32 to index
          %get3A_148 = arith.constant 48 : index
          %get3A_149 = tpu.vector_load %arg11[%get3A_147, %get3A_148] {strides = array<i32>} : memref<80x128xi32, #tpu.memory_space<vmem>>, vector<16xi32>,
          %bitcast3A_150 = vector.bitcast %get3A_149 : vector<16xi32> to vector<32xbf16>
          %get3A_151 = arith.index_cast %add3A_102 : i32 to index
          %get3A_152 = arith.constant 48 : index
          %get3A_153 = tpu.vector_load %arg12[%get3A_151, %get3A_152] {strides = array<i32>} : memref<80x128xi32, #tpu.memory_space<vmem>>, vector<16xi32>,
          %bitcast3A_154 = vector.bitcast %get3A_153 : vector<16xi32> to vector<32xbf16>
          %mul3A_155 = arith.constant 64 : i32
          %mul3A_156 = arith.muli %squeeze3A, %mul3A_155 : i32
          %add3A_157 = arith.constant 48 : i32
          %add3A_158 = arith.addi %mul3A_156, %add3A_157 : i32
          %get3A_159 = arith.index_cast %add3A_158 : i32 to index
          %get3A_160 = tpu.vector_load %arg17[%get3A_159] {strides = array<i32>} : memref<4096xi32, #tpu.memory_space<vmem>>, vector<16xi32>,
          %bitcast3A_161 = vector.bitcast %get3A_160 : vector<16xi32> to vector<32xbf16>
          %mul3A_162 = arith.constant 16 : i32
          %mul3A_163 = arith.muli %add3A_94, %mul3A_162 : i32
          %add3A_164 = arith.constant 1 : i32
          %add3A_165 = arith.addi %mul3A_163, %add3A_164 : i32
          %slice3A_166 = vector.extract_strided_slice %get3A_98 {offsets = [1], sizes = [1], strides = [1]} : vector<16xi32> to vector<1xi32>
          %squeeze3A_167 = vector.extract %slice3A_166[0] : i32 from vector<1xi32>
          %get3A_168 = arith.index_cast %add3A_165 : i32 to index
          %get3A_169 = arith.constant 0 : index
          %get3A_170 = tpu.vector_load %arg11[%get3A_168, %get3A_169] {strides = array<i32>} : memref<80x128xi32, #tpu.memory_space<vmem>>, vector<16xi32>,
          %bitcast3A_171 = vector.bitcast %get3A_170 : vector<16xi32> to vector<32xbf16>
          %get3A_172 = arith.index_cast %add3A_165 : i32 to index
          %get3A_173 = arith.constant 0 : index
          %get3A_174 = tpu.vector_load %arg12[%get3A_172, %get3A_173] {strides = array<i32>} : memref<80x128xi32, #tpu.memory_space<vmem>>, vector<16xi32>,
          %bitcast3A_175 = vector.bitcast %get3A_174 : vector<16xi32> to vector<32xbf16>
          %mul3A_176 = arith.constant 64 : i32
          %mul3A_177 = arith.muli %squeeze3A_167, %mul3A_176 : i32
          %add3A_178 = arith.constant 0 : i32
          %add3A_179 = arith.addi %mul3A_177, %add3A_178 : i32
          %get3A_180 = arith.index_cast %add3A_179 : i32 to index
          %get3A_181 = tpu.vector_load %arg17[%get3A_180] {strides = array<i32>} : memref<4096xi32, #tpu.memory_space<vmem>>, vector<16xi32>,
          %bitcast3A_182 = vector.bitcast %get3A_181 : vector<16xi32> to vector<32xbf16>
          %get3A_183 = arith.index_cast %add3A_165 : i32 to index
          %get3A_184 = arith.constant 16 : index
          %get3A_185 = tpu.vector_load %arg11[%get3A_183, %get3A_184] {strides = array<i32>} : memref<80x128xi32, #tpu.memory_space<vmem>>, vector<16xi32>,
          %bitcast3A_186 = vector.bitcast %get3A_185 : vector<16xi32> to vector<32xbf16>
          %get3A_187 = arith.index_cast %add3A_165 : i32 to index
          %get3A_188 = arith.constant 16 : index
          %get3A_189 = tpu.vector_load %arg12[%get3A_187, %get3A_188] {strides = array<i32>} : memref<80x128xi32, #tpu.memory_space<vmem>>, vector<16xi32>,
          %bitcast3A_190 = vector.bitcast %get3A_189 : vector<16xi32> to vector<32xbf16>
          %mul3A_191 = arith.constant 64 : i32
          %mul3A_192 = arith.muli %squeeze3A_167, %mul3A_191 : i32
          %add3A_193 = arith.constant 16 : i32
          %add3A_194 = arith.addi %mul3A_192, %add3A_193 : i32
          %get3A_195 = arith.index_cast %add3A_194 : i32 to index
          %get3A_196 = tpu.vector_load %arg17[%get3A_195] {strides = array<i32>} : memref<4096xi32, #tpu.memory_space<vmem>>, vector<16xi32>,
          %bitcast3A_197 = vector.bitcast %get3A_196 : vector<16xi32> to vector<32xbf16>
          %get3A_198 = arith.index_cast %add3A_165 : i32 to index
          %get3A_199 = arith.constant 32 : index
          %get3A_200 = tpu.vector_load %arg11[%get3A_198, %get3A_199] {strides = array<i32>} : memref<80x128xi32, #tpu.memory_space<vmem>>, vector<16xi32>,
          %bitcast3A_201 = vector.bitcast %get3A_200 : vector<16xi32> to vector<32xbf16>
          %get3A_202 = arith.index_cast %add3A_165 : i32 to index
          %get3A_203 = arith.constant 32 : index
          %get3A_204 = tpu.vector_load %arg12[%get3A_202, %get3A_203] {strides = array<i32>} : memref<80x128xi32, #tpu.memory_space<vmem>>, vector<16xi32>,
          %bitcast3A_205 = vector.bitcast %get3A_204 : vector<16xi32> to vector<32xbf16>
          %mul3A_206 = arith.constant 64 : i32
          %mul3A_207 = arith.muli %squeeze3A_167, %mul3A_206 : i32
          %add3A_208 = arith.constant 32 : i32
          %add3A_209 = arith.addi %mul3A_207, %add3A_208 : i32
          %get3A_210 = arith.index_cast %add3A_209 : i32 to index
          %get3A_211 = tpu.vector_load %arg17[%get3A_210] {strides = array<i32>} : memref<4096xi32, #tpu.memory_space<vmem>>, vector<16xi32>,
          %bitcast3A_212 = vector.bitcast %get3A_211 : vector<16xi32> to vector<32xbf16>
          %get3A_213 = arith.index_cast %add3A_165 : i32 to index
          %get3A_214 = arith.constant 48 : index
          %get3A_215 = tpu.vector_load %arg11[%get3A_213, %get3A_214] {strides = array<i32>} : memref<80x128xi32, #tpu.memory_space<vmem>>, vector<16xi32>,
          %bitcast3A_216 = vector.bitcast %get3A_215 : vector<16xi32> to vector<32xbf16>
          %get3A_217 = arith.index_cast %add3A_165 : i32 to index
          %get3A_218 = arith.constant 48 : index
          %get3A_219 = tpu.vector_load %arg12[%get3A_217, %get3A_218] {strides = array<i32>} : memref<80x128xi32, #tpu.memory_space<vmem>>, vector<16xi32>,
          %bitcast3A_220 = vector.bitcast %get3A_219 : vector<16xi32> to vector<32xbf16>
          %mul3A_221 = arith.constant 64 : i32
          %mul3A_222 = arith.muli %squeeze3A_167, %mul3A_221 : i32
          %add3A_223 = arith.constant 48 : i32
          %add3A_224 = arith.addi %mul3A_222, %add3A_223 : i32
          %get3A_225 = arith.index_cast %add3A_224 : i32 to index
          %get3A_226 = tpu.vector_load %arg17[%get3A_225] {strides = array<i32>} : memref<4096xi32, #tpu.memory_space<vmem>>, vector<16xi32>,
          %bitcast3A_227 = vector.bitcast %get3A_226 : vector<16xi32> to vector<32xbf16>
          %mul3A_228 = arith.constant 16 : i32
          %mul3A_229 = arith.muli %add3A_94, %mul3A_228 : i32
          %add3A_230 = arith.constant 2 : i32
          %add3A_231 = arith.addi %mul3A_229, %add3A_230 : i32
          %slice3A_232 = vector.extract_strided_slice %get3A_98 {offsets = [2], sizes = [1], strides = [1]} : vector<16xi32> to vector<1xi32>
          %squeeze3A_233 = vector.extract %slice3A_232[0] : i32 from vector<1xi32>
          %get3A_234 = arith.index_cast %add3A_231 : i32 to index
          %get3A_235 = arith.constant 0 : index
          %get3A_236 = tpu.vector_load %arg11[%get3A_234, %get3A_235] {strides = array<i32>} : memref<80x128xi32, #tpu.memory_space<vmem>>, vector<16xi32>,
          %bitcast3A_237 = vector.bitcast %get3A_236 : vector<16xi32> to vector<32xbf16>
          %get3A_238 = arith.index_cast %add3A_231 : i32 to index
          %get3A_239 = arith.constant 0 : index
          %get3A_240 = tpu.vector_load %arg12[%get3A_238, %get3A_239] {strides = array<i32>} : memref<80x128xi32, #tpu.memory_space<vmem>>, vector<16xi32>,
          %bitcast3A_241 = vector.bitcast %get3A_240 : vector<16xi32> to vector<32xbf16>
          %mul3A_242 = arith.constant 64 : i32
          %mul3A_243 = arith.muli %squeeze3A_233, %mul3A_242 : i32
          %add3A_244 = arith.constant 0 : i32
          %add3A_245 = arith.addi %mul3A_243, %add3A_244 : i32
          %get3A_246 = arith.index_cast %add3A_245 : i32 to index
          %get3A_247 = tpu.vector_load %arg17[%get3A_246] {strides = array<i32>} : memref<4096xi32, #tpu.memory_space<vmem>>, vector<16xi32>,
          %bitcast3A_248 = vector.bitcast %get3A_247 : vector<16xi32> to vector<32xbf16>
          %get3A_249 = arith.index_cast %add3A_231 : i32 to index
          %get3A_250 = arith.constant 16 : index
          %get3A_251 = tpu.vector_load %arg11[%get3A_249, %get3A_250] {strides = array<i32>} : memref<80x128xi32, #tpu.memory_space<vmem>>, vector<16xi32>,
          %bitcast3A_252 = vector.bitcast %get3A_251 : vector<16xi32> to vector<32xbf16>
          %get3A_253 = arith.index_cast %add3A_231 : i32 to index
          %get3A_254 = arith.constant 16 : index
          %get3A_255 = tpu.vector_load %arg12[%get3A_253, %get3A_254] {strides = array<i32>} : memref<80x128xi32, #tpu.memory_space<vmem>>, vector<16xi32>,
          %bitcast3A_256 = vector.bitcast %get3A_255 : vector<16xi32> to vector<32xbf16>
          %mul3A_257 = arith.constant 64 : i32
          %mul3A_258 = arith.muli %squeeze3A_233, %mul3A_257 : i32
          %add3A_259 = arith.constant 16 : i32
          %add3A_260 = arith.addi %mul3A_258, %add3A_259 : i32
          %get3A_261 = arith.index_cast %add3A_260 : i32 to index
          %get3A_262 = tpu.vector_load %arg17[%get3A_261] {strides = array<i32>} : memref<4096xi32, #tpu.memory_space<vmem>>, vector<16xi32>,
          %bitcast3A_263 = vector.bitcast %get3A_262 : vector<16xi32> to vector<32xbf16>
          %get3A_264 = arith.index_cast %add3A_231 : i32 to index
          %get3A_265 = arith.constant 32 : index
          %get3A_266 = tpu.vector_load %arg11[%get3A_264, %get3A_265] {strides = array<i32>} : memref<80x128xi32, #tpu.memory_space<vmem>>, vector<16xi32>,
          %bitcast3A_267 = vector.bitcast %get3A_266 : vector<16xi32> to vector<32xbf16>
          %get3A_268 = arith.index_cast %add3A_231 : i32 to index
          %get3A_269 = arith.constant 32 : index
          %get3A_270 = tpu.vector_load %arg12[%get3A_268, %get3A_269] {strides = array<i32>} : memref<80x128xi32, #tpu.memory_space<vmem>>, vector<16xi32>,
          %bitcast3A_271 = vector.bitcast %get3A_270 : vector<16xi32> to vector<32xbf16>
          %mul3A_272 = arith.constant 64 : i32
          %mul3A_273 = arith.muli %squeeze3A_233, %mul3A_272 : i32
          %add3A_274 = arith.constant 32 : i32
          %add3A_275 = arith.addi %mul3A_273, %add3A_274 : i32
          %get3A_276 = arith.index_cast %add3A_275 : i32 to index
          %get3A_277 = tpu.vector_load %arg17[%get3A_276] {strides = array<i32>} : memref<4096xi32, #tpu.memory_space<vmem>>, vector<16xi32>,
          %bitcast3A_278 = vector.bitcast %get3A_277 : vector<16xi32> to vector<32xbf16>
          %get3A_279 = arith.index_cast %add3A_231 : i32 to index
          %get3A_280 = arith.constant 48 : index
          %get3A_281 = tpu.vector_load %arg11[%get3A_279, %get3A_280] {strides = array<i32>} : memref<80x128xi32, #tpu.memory_space<vmem>>, vector<16xi32>,
          %bitcast3A_282 = vector.bitcast %get3A_281 : vector<16xi32> to vector<32xbf16>
          %get3A_283 = arith.index_cast %add3A_231 : i32 to index
          %get3A_284 = arith.constant 48 : index
          %get3A_285 = tpu.vector_load %arg12[%get3A_283, %get3A_284] {strides = array<i32>} : memref<80x128xi32, #tpu.memory_space<vmem>>, vector<16xi32>,
          %bitcast3A_286 = vector.bitcast %get3A_285 : vector<16xi32> to vector<32xbf16>
          %mul3A_287 = arith.constant 64 : i32
          %mul3A_288 = arith.muli %squeeze3A_233, %mul3A_287 : i32
          %add3A_289 = arith.constant 48 : i32
          %add3A_290 = arith.addi %mul3A_288, %add3A_289 : i32
          %get3A_291 = arith.index_cast %add3A_290 : i32 to index
          %get3A_292 = tpu.vector_load %arg17[%get3A_291] {strides = array<i32>} : memref<4096xi32, #tpu.memory_space<vmem>>, vector<16xi32>,
          %bitcast3A_293 = vector.bitcast %get3A_292 : vector<16xi32> to vector<32xbf16>
          %mul3A_294 = arith.mulf %bitcast3A, %bitcast3A_109 : vector<32xbf16>
          %mul3A_295 = arith.mulf %mul3A_294, %bitcast3A_116 : vector<32xbf16>
          %unpack3A = tpu.unpack_subelements %mul3A_295, 0 {pack_format = #tpu.pack_format<interleaved>} : vector<32xbf16> -> vector<16xf32>
          %unpack3A_296 = tpu.unpack_subelements %mul3A_295, 1 {pack_format = #tpu.pack_format<interleaved>} : vector<32xbf16> -> vector<16xf32>
          %mul3A_297 = arith.mulf %bitcast3A_120, %bitcast3A_124 : vector<32xbf16>
          %mul3A_298 = arith.mulf %mul3A_297, %bitcast3A_131 : vector<32xbf16>
          %unpack3A_299 = tpu.unpack_subelements %mul3A_298, 0 {pack_format = #tpu.pack_format<interleaved>} : vector<32xbf16> -> vector<16xf32>
          %unpack3A_300 = tpu.unpack_subelements %mul3A_298, 1 {pack_format = #tpu.pack_format<interleaved>} : vector<32xbf16> -> vector<16xf32>
          %add3A_301 = arith.addf %unpack3A, %unpack3A_299 : vector<16xf32>
          %add3A_302 = arith.addf %unpack3A_296, %unpack3A_300 : vector<16xf32>
          %mul3A_303 = arith.mulf %bitcast3A_135, %bitcast3A_139 : vector<32xbf16>
          %mul3A_304 = arith.mulf %mul3A_303, %bitcast3A_146 : vector<32xbf16>
          %unpack3A_305 = tpu.unpack_subelements %mul3A_304, 0 {pack_format = #tpu.pack_format<interleaved>} : vector<32xbf16> -> vector<16xf32>
          %unpack3A_306 = tpu.unpack_subelements %mul3A_304, 1 {pack_format = #tpu.pack_format<interleaved>} : vector<32xbf16> -> vector<16xf32>
          %add3A_307 = arith.addf %add3A_301, %unpack3A_305 : vector<16xf32>
          %add3A_308 = arith.addf %add3A_302, %unpack3A_306 : vector<16xf32>
          %mul3A_309 = arith.mulf %bitcast3A_150, %bitcast3A_154 : vector<32xbf16>
          %mul3A_310 = arith.mulf %mul3A_309, %bitcast3A_161 : vector<32xbf16>
          %unpack3A_311 = tpu.unpack_subelements %mul3A_310, 0 {pack_format = #tpu.pack_format<interleaved>} : vector<32xbf16> -> vector<16xf32>
          %unpack3A_312 = tpu.unpack_subelements %mul3A_310, 1 {pack_format = #tpu.pack_format<interleaved>} : vector<32xbf16> -> vector<16xf32>
          %add3A_313 = arith.addf %add3A_307, %unpack3A_311 : vector<16xf32>
          %add3A_314 = arith.addf %add3A_308, %unpack3A_312 : vector<16xf32>
          %add3A_315 = arith.addf %add3A_313, %add3A_314 : vector<16xf32>
          %swap3A = arith.constant 0 : index
          %swap3A_316 = tpu.vector_load %arg19[%swap3A] {strides = array<i32>} : memref<272xf32, #tpu.memory_space<vmem>>, vector<16xf32>,
          tpu.vector_store %arg19[%swap3A], %add3A_315 {strides = array<i32>} : memref<272xf32, #tpu.memory_space<vmem>>, vector<16xf32>,
          %mul3A_317 = arith.constant 16 : i32
          %mul3A_318 = arith.muli %add3A_94, %mul3A_317 : i32
          %add3A_319 = arith.constant 3 : i32
          %add3A_320 = arith.addi %mul3A_318, %add3A_319 : i32
          %slice3A_321 = vector.extract_strided_slice %get3A_98 {offsets = [3], sizes = [1], strides = [1]} : vector<16xi32> to vector<1xi32>
          %squeeze3A_322 = vector.extract %slice3A_321[0] : i32 from vector<1xi32>
          %get3A_323 = arith.index_cast %add3A_320 : i32 to index
          %get3A_324 = arith.constant 0 : index
          %get3A_325 = tpu.vector_load %arg11[%get3A_323, %get3A_324] {strides = array<i32>} : memref<80x128xi32, #tpu.memory_space<vmem>>, vector<16xi32>,
          %bitcast3A_326 = vector.bitcast %get3A_325 : vector<16xi32> to vector<32xbf16>
          %get3A_327 = arith.index_cast %add3A_320 : i32 to index
          %get3A_328 = arith.constant 0 : index
          %get3A_329 = tpu.vector_load %arg12[%get3A_327, %get3A_328] {strides = array<i32>} : memref<80x128xi32, #tpu.memory_space<vmem>>, vector<16xi32>,
          %bitcast3A_330 = vector.bitcast %get3A_329 : vector<16xi32> to vector<32xbf16>
          %mul3A_331 = arith.constant 64 : i32
          %mul3A_332 = arith.muli %squeeze3A_322, %mul3A_331 : i32
          %add3A_333 = arith.constant 0 : i32
          %add3A_334 = arith.addi %mul3A_332, %add3A_333 : i32
          %get3A_335 = arith.index_cast %add3A_334 : i32 to index
          %get3A_336 = tpu.vector_load %arg17[%get3A_335] {strides = array<i32>} : memref<4096xi32, #tpu.memory_space<vmem>>, vector<16xi32>,
          %bitcast3A_337 = vector.bitcast %get3A_336 : vector<16xi32> to vector<32xbf16>
          %get3A_338 = arith.index_cast %add3A_320 : i32 to index
          %get3A_339 = arith.constant 16 : index
          %get3A_340 = tpu.vector_load %arg11[%get3A_338, %get3A_339] {strides = array<i32>} : memref<80x128xi32, #tpu.memory_space<vmem>>, vector<16xi32>,
          %bitcast3A_341 = vector.bitcast %get3A_340 : vector<16xi32> to vector<32xbf16>
          %get3A_342 = arith.index_cast %add3A_320 : i32 to index
          %get3A_343 = arith.constant 16 : index
          %get3A_344 = tpu.vector_load %arg12[%get3A_342, %get3A_343] {strides = array<i32>} : memref<80x128xi32, #tpu.memory_space<vmem>>, vector<16xi32>,
          %bitcast3A_345 = vector.bitcast %get3A_344 : vector<16xi32> to vector<32xbf16>
          %mul3A_346 = arith.constant 64 : i32
          %mul3A_347 = arith.muli %squeeze3A_322, %mul3A_346 : i32
          %add3A_348 = arith.constant 16 : i32
          %add3A_349 = arith.addi %mul3A_347, %add3A_348 : i32
          %get3A_350 = arith.index_cast %add3A_349 : i32 to index
          %get3A_351 = tpu.vector_load %arg17[%get3A_350] {strides = array<i32>} : memref<4096xi32, #tpu.memory_space<vmem>>, vector<16xi32>,
          %bitcast3A_352 = vector.bitcast %get3A_351 : vector<16xi32> to vector<32xbf16>
          %get3A_353 = arith.index_cast %add3A_320 : i32 to index
          %get3A_354 = arith.constant 32 : index
          %get3A_355 = tpu.vector_load %arg11[%get3A_353, %get3A_354] {strides = array<i32>} : memref<80x128xi32, #tpu.memory_space<vmem>>, vector<16xi32>,
          %bitcast3A_356 = vector.bitcast %get3A_355 : vector<16xi32> to vector<32xbf16>
          %get3A_357 = arith.index_cast %add3A_320 : i32 to index
          %get3A_358 = arith.constant 32 : index
          %get3A_359 = tpu.vector_load %arg12[%get3A_357, %get3A_358] {strides = array<i32>} : memref<80x128xi32, #tpu.memory_space<vmem>>, vector<16xi32>,
          %bitcast3A_360 = vector.bitcast %get3A_359 : vector<16xi32> to vector<32xbf16>
          %mul3A_361 = arith.constant 64 : i32
          %mul3A_362 = arith.muli %squeeze3A_322, %mul3A_361 : i32
          %add3A_363 = arith.constant 32 : i32
          %add3A_364 = arith.addi %mul3A_362, %add3A_363 : i32
          %get3A_365 = arith.index_cast %add3A_364 : i32 to index
          %get3A_366 = tpu.vector_load %arg17[%get3A_365] {strides = array<i32>} : memref<4096xi32, #tpu.memory_space<vmem>>, vector<16xi32>,
          %bitcast3A_367 = vector.bitcast %get3A_366 : vector<16xi32> to vector<32xbf16>
          %get3A_368 = arith.index_cast %add3A_320 : i32 to index
          %get3A_369 = arith.constant 48 : index
          %get3A_370 = tpu.vector_load %arg11[%get3A_368, %get3A_369] {strides = array<i32>} : memref<80x128xi32, #tpu.memory_space<vmem>>, vector<16xi32>,
          %bitcast3A_371 = vector.bitcast %get3A_370 : vector<16xi32> to vector<32xbf16>
          %get3A_372 = arith.index_cast %add3A_320 : i32 to index
          %get3A_373 = arith.constant 48 : index
          %get3A_374 = tpu.vector_load %arg12[%get3A_372, %get3A_373] {strides = array<i32>} : memref<80x128xi32, #tpu.memory_space<vmem>>, vector<16xi32>,
          %bitcast3A_375 = vector.bitcast %get3A_374 : vector<16xi32> to vector<32xbf16>
          %mul3A_376 = arith.constant 64 : i32
          %mul3A_377 = arith.muli %squeeze3A_322, %mul3A_376 : i32
          %add3A_378 = arith.constant 48 : i32
          %add3A_379 = arith.addi %mul3A_377, %add3A_378 : i32
          %get3A_380 = arith.index_cast %add3A_379 : i32 to index
          %get3A_381 = tpu.vector_load %arg17[%get3A_380] {strides = array<i32>} : memref<4096xi32, #tpu.memory_space<vmem>>, vector<16xi32>,
          %bitcast3A_382 = vector.bitcast %get3A_381 : vector<16xi32> to vector<32xbf16>
          %mul3A_383 = arith.mulf %bitcast3A_171, %bitcast3A_175 : vector<32xbf16>
          %mul3A_384 = arith.mulf %mul3A_383, %bitcast3A_182 : vector<32xbf16>
          %unpack3A_385 = tpu.unpack_subelements %mul3A_384, 0 {pack_format = #tpu.pack_format<interleaved>} : vector<32xbf16> -> vector<16xf32>
          %unpack3A_386 = tpu.unpack_subelements %mul3A_384, 1 {pack_format = #tpu.pack_format<interleaved>} : vector<32xbf16> -> vector<16xf32>
          %mul3A_387 = arith.mulf %bitcast3A_186, %bitcast3A_190 : vector<32xbf16>
          %mul3A_388 = arith.mulf %mul3A_387, %bitcast3A_197 : vector<32xbf16>
          %unpack3A_389 = tpu.unpack_subelements %mul3A_388, 0 {pack_format = #tpu.pack_format<interleaved>} : vector<32xbf16> -> vector<16xf32>
          %unpack3A_390 = tpu.unpack_subelements %mul3A_388, 1 {pack_format = #tpu.pack_format<interleaved>} : vector<32xbf16> -> vector<16xf32>
          %add3A_391 = arith.addf %unpack3A_385, %unpack3A_389 : vector<16xf32>
          %add3A_392 = arith.addf %unpack3A_386, %unpack3A_390 : vector<16xf32>
          %mul3A_393 = arith.mulf %bitcast3A_201, %bitcast3A_205 : vector<32xbf16>
          %mul3A_394 = arith.mulf %mul3A_393, %bitcast3A_212 : vector<32xbf16>
          %unpack3A_395 = tpu.unpack_subelements %mul3A_394, 0 {pack_format = #tpu.pack_format<interleaved>} : vector<32xbf16> -> vector<16xf32>
          %unpack3A_396 = tpu.unpack_subelements %mul3A_394, 1 {pack_format = #tpu.pack_format<interleaved>} : vector<32xbf16> -> vector<16xf32>
          %add3A_397 = arith.addf %add3A_391, %unpack3A_395 : vector<16xf32>
          %add3A_398 = arith.addf %add3A_392, %unpack3A_396 : vector<16xf32>
          %mul3A_399 = arith.mulf %bitcast3A_216, %bitcast3A_220 : vector<32xbf16>
          %mul3A_400 = arith.mulf %mul3A_399, %bitcast3A_227 : vector<32xbf16>
          %unpack3A_401 = tpu.unpack_subelements %mul3A_400, 0 {pack_format = #tpu.pack_format<interleaved>} : vector<32xbf16> -> vector<16xf32>
          %unpack3A_402 = tpu.unpack_subelements %mul3A_400, 1 {pack_format = #tpu.pack_format<interleaved>} : vector<32xbf16> -> vector<16xf32>
          %add3A_403 = arith.addf %add3A_397, %unpack3A_401 : vector<16xf32>
          %add3A_404 = arith.addf %add3A_398, %unpack3A_402 : vector<16xf32>
          %add3A_405 = arith.addf %add3A_403, %add3A_404 : vector<16xf32>
          %swap3A_406 = arith.constant 17 : index
          %swap3A_407 = tpu.vector_load %arg19[%swap3A_406] {strides = array<i32>} : memref<272xf32, #tpu.memory_space<vmem>>, vector<16xf32>,
          tpu.vector_store %arg19[%swap3A_406], %add3A_405 {strides = array<i32>} : memref<272xf32, #tpu.memory_space<vmem>>, vector<16xf32>,
          %mul3A_408 = arith.constant 16 : i32
          %mul3A_409 = arith.muli %add3A_94, %mul3A_408 : i32
          %add3A_410 = arith.constant 4 : i32
          %add3A_411 = arith.addi %mul3A_409, %add3A_410 : i32
          %slice3A_412 = vector.extract_strided_slice %get3A_98 {offsets = [4], sizes = [1], strides = [1]} : vector<16xi32> to vector<1xi32>
          %squeeze3A_413 = vector.extract %slice3A_412[0] : i32 from vector<1xi32>
          %get3A_414 = arith.index_cast %add3A_411 : i32 to index
          %get3A_415 = arith.constant 0 : index
          %get3A_416 = tpu.vector_load %arg11[%get3A_414, %get3A_415] {strides = array<i32>} : memref<80x128xi32, #tpu.memory_space<vmem>>, vector<16xi32>,
          %bitcast3A_417 = vector.bitcast %get3A_416 : vector<16xi32> to vector<32xbf16>
          %get3A_418 = arith.index_cast %add3A_411 : i32 to index
          %get3A_419 = arith.constant 0 : index
          %get3A_420 = tpu.vector_load %arg12[%get3A_418, %get3A_419] {strides = array<i32>} : memref<80x128xi32, #tpu.memory_space<vmem>>, vector<16xi32>,
          %bitcast3A_421 = vector.bitcast %get3A_420 : vector<16xi32> to vector<32xbf16>
          %mul3A_422 = arith.constant 64 : i32
          %mul3A_423 = arith.muli %squeeze3A_413, %mul3A_422 : i32
          %add3A_424 = arith.constant 0 : i32
          %add3A_425 = arith.addi %mul3A_423, %add3A_424 : i32
          %get3A_426 = arith.index_cast %add3A_425 : i32 to index
          %get3A_427 = tpu.vector_load %arg17[%get3A_426] {strides = array<i32>} : memref<4096xi32, #tpu.memory_space<vmem>>, vector<16xi32>,
          %bitcast3A_428 = vector.bitcast %get3A_427 : vector<16xi32> to vector<32xbf16>
          %get3A_429 = arith.index_cast %add3A_411 : i32 to index
          %get3A_430 = arith.constant 16 : index
          %get3A_431 = tpu.vector_load %arg11[%get3A_429, %get3A_430] {strides = array<i32>} : memref<80x128xi32, #tpu.memory_space<vmem>>, vector<16xi32>,
          %bitcast3A_432 = vector.bitcast %get3A_431 : vector<16xi32> to vector<32xbf16>
          %get3A_433 = arith.index_cast %add3A_411 : i32 to index
          %get3A_434 = arith.constant 16 : index
          %get3A_435 = tpu.vector_load %arg12[%get3A_433, %get3A_434] {strides = array<i32>} : memref<80x128xi32, #tpu.memory_space<vmem>>, vector<16xi32>,
          %bitcast3A_436 = vector.bitcast %get3A_435 : vector<16xi32> to vector<32xbf16>
          %mul3A_437 = arith.constant 64 : i32
          %mul3A_438 = arith.muli %squeeze3A_413, %mul3A_437 : i32
          %add3A_439 = arith.constant 16 : i32
          %add3A_440 = arith.addi %mul3A_438, %add3A_439 : i32
          %get3A_441 = arith.index_cast %add3A_440 : i32 to index
          %get3A_442 = tpu.vector_load %arg17[%get3A_441] {strides = array<i32>} : memref<4096xi32, #tpu.memory_space<vmem>>, vector<16xi32>,
          %bitcast3A_443 = vector.bitcast %get3A_442 : vector<16xi32> to vector<32xbf16>
          %get3A_444 = arith.index_cast %add3A_411 : i32 to index
          %get3A_445 = arith.constant 32 : index
          %get3A_446 = tpu.vector_load %arg11[%get3A_444, %get3A_445] {strides = array<i32>} : memref<80x128xi32, #tpu.memory_space<vmem>>, vector<16xi32>,
          %bitcast3A_447 = vector.bitcast %get3A_446 : vector<16xi32> to vector<32xbf16>
          %get3A_448 = arith.index_cast %add3A_411 : i32 to index
          %get3A_449 = arith.constant 32 : index
          %get3A_450 = tpu.vector_load %arg12[%get3A_448, %get3A_449] {strides = array<i32>} : memref<80x128xi32, #tpu.memory_space<vmem>>, vector<16xi32>,
          %bitcast3A_451 = vector.bitcast %get3A_450 : vector<16xi32> to vector<32xbf16>
          %mul3A_452 = arith.constant 64 : i32
          %mul3A_453 = arith.muli %squeeze3A_413, %mul3A_452 : i32
          %add3A_454 = arith.constant 32 : i32
          %add3A_455 = arith.addi %mul3A_453, %add3A_454 : i32
          %get3A_456 = arith.index_cast %add3A_455 : i32 to index
          %get3A_457 = tpu.vector_load %arg17[%get3A_456] {strides = array<i32>} : memref<4096xi32, #tpu.memory_space<vmem>>, vector<16xi32>,
          %bitcast3A_458 = vector.bitcast %get3A_457 : vector<16xi32> to vector<32xbf16>
          %get3A_459 = arith.index_cast %add3A_411 : i32 to index
          %get3A_460 = arith.constant 48 : index
          %get3A_461 = tpu.vector_load %arg11[%get3A_459, %get3A_460] {strides = array<i32>} : memref<80x128xi32, #tpu.memory_space<vmem>>, vector<16xi32>,
          %bitcast3A_462 = vector.bitcast %get3A_461 : vector<16xi32> to vector<32xbf16>
          %get3A_463 = arith.index_cast %add3A_411 : i32 to index
          %get3A_464 = arith.constant 48 : index
          %get3A_465 = tpu.vector_load %arg12[%get3A_463, %get3A_464] {strides = array<i32>} : memref<80x128xi32, #tpu.memory_space<vmem>>, vector<16xi32>,
          %bitcast3A_466 = vector.bitcast %get3A_465 : vector<16xi32> to vector<32xbf16>
          %mul3A_467 = arith.constant 64 : i32
          %mul3A_468 = arith.muli %squeeze3A_413, %mul3A_467 : i32
          %add3A_469 = arith.constant 48 : i32
          %add3A_470 = arith.addi %mul3A_468, %add3A_469 : i32
          %get3A_471 = arith.index_cast %add3A_470 : i32 to index
          %get3A_472 = tpu.vector_load %arg17[%get3A_471] {strides = array<i32>} : memref<4096xi32, #tpu.memory_space<vmem>>, vector<16xi32>,
          %bitcast3A_473 = vector.bitcast %get3A_472 : vector<16xi32> to vector<32xbf16>
          %mul3A_474 = arith.mulf %bitcast3A_237, %bitcast3A_241 : vector<32xbf16>
          %mul3A_475 = arith.mulf %mul3A_474, %bitcast3A_248 : vector<32xbf16>
          %unpack3A_476 = tpu.unpack_subelements %mul3A_475, 0 {pack_format = #tpu.pack_format<interleaved>} : vector<32xbf16> -> vector<16xf32>
          %unpack3A_477 = tpu.unpack_subelements %mul3A_475, 1 {pack_format = #tpu.pack_format<interleaved>} : vector<32xbf16> -> vector<16xf32>
          %mul3A_478 = arith.mulf %bitcast3A_252, %bitcast3A_256 : vector<32xbf16>
          %mul3A_479 = arith.mulf %mul3A_478, %bitcast3A_263 : vector<32xbf16>
          %unpack3A_480 = tpu.unpack_subelements %mul3A_479, 0 {pack_format = #tpu.pack_format<interleaved>} : vector<32xbf16> -> vector<16xf32>
          %unpack3A_481 = tpu.unpack_subelements %mul3A_479, 1 {pack_format = #tpu.pack_format<interleaved>} : vector<32xbf16> -> vector<16xf32>
          %add3A_482 = arith.addf %unpack3A_476, %unpack3A_480 : vector<16xf32>
          %add3A_483 = arith.addf %unpack3A_477, %unpack3A_481 : vector<16xf32>
          %mul3A_484 = arith.mulf %bitcast3A_267, %bitcast3A_271 : vector<32xbf16>
          %mul3A_485 = arith.mulf %mul3A_484, %bitcast3A_278 : vector<32xbf16>
          %unpack3A_486 = tpu.unpack_subelements %mul3A_485, 0 {pack_format = #tpu.pack_format<interleaved>} : vector<32xbf16> -> vector<16xf32>
          %unpack3A_487 = tpu.unpack_subelements %mul3A_485, 1 {pack_format = #tpu.pack_format<interleaved>} : vector<32xbf16> -> vector<16xf32>
          %add3A_488 = arith.addf %add3A_482, %unpack3A_486 : vector<16xf32>
          %add3A_489 = arith.addf %add3A_483, %unpack3A_487 : vector<16xf32>
          %mul3A_490 = arith.mulf %bitcast3A_282, %bitcast3A_286 : vector<32xbf16>
          %mul3A_491 = arith.mulf %mul3A_490, %bitcast3A_293 : vector<32xbf16>
          %unpack3A_492 = tpu.unpack_subelements %mul3A_491, 0 {pack_format = #tpu.pack_format<interleaved>} : vector<32xbf16> -> vector<16xf32>
          %unpack3A_493 = tpu.unpack_subelements %mul3A_491, 1 {pack_format = #tpu.pack_format<interleaved>} : vector<32xbf16> -> vector<16xf32>
          %add3A_494 = arith.addf %add3A_488, %unpack3A_492 : vector<16xf32>
          %add3A_495 = arith.addf %add3A_489, %unpack3A_493 : vector<16xf32>
          %add3A_496 = arith.addf %add3A_494, %add3A_495 : vector<16xf32>
          %swap3A_497 = arith.constant 34 : index
          %swap3A_498 = tpu.vector_load %arg19[%swap3A_497] {strides = array<i32>} : memref<272xf32, #tpu.memory_space<vmem>>, vector<16xf32>,
          tpu.vector_store %arg19[%swap3A_497], %add3A_496 {strides = array<i32>} : memref<272xf32, #tpu.memory_space<vmem>>, vector<16xf32>,
          %mul3A_499 = arith.constant 16 : i32
          %mul3A_500 = arith.muli %add3A_94, %mul3A_499 : i32
          %add3A_501 = arith.constant 5 : i32
          %add3A_502 = arith.addi %mul3A_500, %add3A_501 : i32
          %slice3A_503 = vector.extract_strided_slice %get3A_98 {offsets = [5], sizes = [1], strides = [1]} : vector<16xi32> to vector<1xi32>
          %squeeze3A_504 = vector.extract %slice3A_503[0] : i32 from vector<1xi32>
          %get3A_505 = arith.index_cast %add3A_502 : i32 to index
          %get3A_506 = arith.constant 0 : index
          %get3A_507 = tpu.vector_load %arg11[%get3A_505, %get3A_506] {strides = array<i32>} : memref<80x128xi32, #tpu.memory_space<vmem>>, vector<16xi32>,
          %bitcast3A_508 = vector.bitcast %get3A_507 : vector<16xi32> to vector<32xbf16>
          %get3A_509 = arith.index_cast %add3A_502 : i32 to index
          %get3A_510 = arith.constant 0 : index
          %get3A_511 = tpu.vector_load %arg12[%get3A_509, %get3A_510] {strides = array<i32>} : memref<80x128xi32, #tpu.memory_space<vmem>>, vector<16xi32>,
          %bitcast3A_512 = vector.bitcast %get3A_511 : vector<16xi32> to vector<32xbf16>
          %mul3A_513 = arith.constant 64 : i32
          %mul3A_514 = arith.muli %squeeze3A_504, %mul3A_513 : i32
          %add3A_515 = arith.constant 0 : i32
          %add3A_516 = arith.addi %mul3A_514, %add3A_515 : i32
          %get3A_517 = arith.index_cast %add3A_516 : i32 to index
          %get3A_518 = tpu.vector_load %arg17[%get3A_517] {strides = array<i32>} : memref<4096xi32, #tpu.memory_space<vmem>>, vector<16xi32>,
          %bitcast3A_519 = vector.bitcast %get3A_518 : vector<16xi32> to vector<32xbf16>
          %get3A_520 = arith.index_cast %add3A_502 : i32 to index
          %get3A_521 = arith.constant 16 : index
          %get3A_522 = tpu.vector_load %arg11[%get3A_520, %get3A_521] {strides = array<i32>} : memref<80x128xi32, #tpu.memory_space<vmem>>, vector<16xi32>,
          %bitcast3A_523 = vector.bitcast %get3A_522 : vector<16xi32> to vector<32xbf16>
          %get3A_524 = arith.index_cast %add3A_502 : i32 to index
          %get3A_525 = arith.constant 16 : index
          %get3A_526 = tpu.vector_load %arg12[%get3A_524, %get3A_525] {strides = array<i32>} : memref<80x128xi32, #tpu.memory_space<vmem>>, vector<16xi32>,
          %bitcast3A_527 = vector.bitcast %get3A_526 : vector<16xi32> to vector<32xbf16>
          %mul3A_528 = arith.constant 64 : i32
          %mul3A_529 = arith.muli %squeeze3A_504, %mul3A_528 : i32
          %add3A_530 = arith.constant 16 : i32
          %add3A_531 = arith.addi %mul3A_529, %add3A_530 : i32
          %get3A_532 = arith.index_cast %add3A_531 : i32 to index
          %get3A_533 = tpu.vector_load %arg17[%get3A_532] {strides = array<i32>} : memref<4096xi32, #tpu.memory_space<vmem>>, vector<16xi32>,
          %bitcast3A_534 = vector.bitcast %get3A_533 : vector<16xi32> to vector<32xbf16>
          %get3A_535 = arith.index_cast %add3A_502 : i32 to index
          %get3A_536 = arith.constant 32 : index
          %get3A_537 = tpu.vector_load %arg11[%get3A_535, %get3A_536] {strides = array<i32>} : memref<80x128xi32, #tpu.memory_space<vmem>>, vector<16xi32>,
          %bitcast3A_538 = vector.bitcast %get3A_537 : vector<16xi32> to vector<32xbf16>
          %get3A_539 = arith.index_cast %add3A_502 : i32 to index
          %get3A_540 = arith.constant 32 : index
          %get3A_541 = tpu.vector_load %arg12[%get3A_539, %get3A_540] {strides = array<i32>} : memref<80x128xi32, #tpu.memory_space<vmem>>, vector<16xi32>,
          %bitcast3A_542 = vector.bitcast %get3A_541 : vector<16xi32> to vector<32xbf16>
          %mul3A_543 = arith.constant 64 : i32
          %mul3A_544 = arith.muli %squeeze3A_504, %mul3A_543 : i32
          %add3A_545 = arith.constant 32 : i32
          %add3A_546 = arith.addi %mul3A_544, %add3A_545 : i32
          %get3A_547 = arith.index_cast %add3A_546 : i32 to index
          %get3A_548 = tpu.vector_load %arg17[%get3A_547] {strides = array<i32>} : memref<4096xi32, #tpu.memory_space<vmem>>, vector<16xi32>,
          %bitcast3A_549 = vector.bitcast %get3A_548 : vector<16xi32> to vector<32xbf16>
          %get3A_550 = arith.index_cast %add3A_502 : i32 to index
          %get3A_551 = arith.constant 48 : index
          %get3A_552 = tpu.vector_load %arg11[%get3A_550, %get3A_551] {strides = array<i32>} : memref<80x128xi32, #tpu.memory_space<vmem>>, vector<16xi32>,
          %bitcast3A_553 = vector.bitcast %get3A_552 : vector<16xi32> to vector<32xbf16>
          %get3A_554 = arith.index_cast %add3A_502 : i32 to index
          %get3A_555 = arith.constant 48 : index
          %get3A_556 = tpu.vector_load %arg12[%get3A_554, %get3A_555] {strides = array<i32>} : memref<80x128xi32, #tpu.memory_space<vmem>>, vector<16xi32>,
          %bitcast3A_557 = vector.bitcast %get3A_556 : vector<16xi32> to vector<32xbf16>
          %mul3A_558 = arith.constant 64 : i32
          %mul3A_559 = arith.muli %squeeze3A_504, %mul3A_558 : i32
          %add3A_560 = arith.constant 48 : i32
          %add3A_561 = arith.addi %mul3A_559, %add3A_560 : i32
          %get3A_562 = arith.index_cast %add3A_561 : i32 to index
          %get3A_563 = tpu.vector_load %arg17[%get3A_562] {strides = array<i32>} : memref<4096xi32, #tpu.memory_space<vmem>>, vector<16xi32>,
          %bitcast3A_564 = vector.bitcast %get3A_563 : vector<16xi32> to vector<32xbf16>
          %mul3A_565 = arith.mulf %bitcast3A_326, %bitcast3A_330 : vector<32xbf16>
          %mul3A_566 = arith.mulf %mul3A_565, %bitcast3A_337 : vector<32xbf16>
          %unpack3A_567 = tpu.unpack_subelements %mul3A_566, 0 {pack_format = #tpu.pack_format<interleaved>} : vector<32xbf16> -> vector<16xf32>
          %unpack3A_568 = tpu.unpack_subelements %mul3A_566, 1 {pack_format = #tpu.pack_format<interleaved>} : vector<32xbf16> -> vector<16xf32>
          %mul3A_569 = arith.mulf %bitcast3A_341, %bitcast3A_345 : vector<32xbf16>
          %mul3A_570 = arith.mulf %mul3A_569, %bitcast3A_352 : vector<32xbf16>
          %unpack3A_571 = tpu.unpack_subelements %mul3A_570, 0 {pack_format = #tpu.pack_format<interleaved>} : vector<32xbf16> -> vector<16xf32>
          %unpack3A_572 = tpu.unpack_subelements %mul3A_570, 1 {pack_format = #tpu.pack_format<interleaved>} : vector<32xbf16> -> vector<16xf32>
          %add3A_573 = arith.addf %unpack3A_567, %unpack3A_571 : vector<16xf32>
          %add3A_574 = arith.addf %unpack3A_568, %unpack3A_572 : vector<16xf32>
          %mul3A_575 = arith.mulf %bitcast3A_356, %bitcast3A_360 : vector<32xbf16>
          %mul3A_576 = arith.mulf %mul3A_575, %bitcast3A_367 : vector<32xbf16>
          %unpack3A_577 = tpu.unpack_subelements %mul3A_576, 0 {pack_format = #tpu.pack_format<interleaved>} : vector<32xbf16> -> vector<16xf32>
          %unpack3A_578 = tpu.unpack_subelements %mul3A_576, 1 {pack_format = #tpu.pack_format<interleaved>} : vector<32xbf16> -> vector<16xf32>
          %add3A_579 = arith.addf %add3A_573, %unpack3A_577 : vector<16xf32>
          %add3A_580 = arith.addf %add3A_574, %unpack3A_578 : vector<16xf32>
          %mul3A_581 = arith.mulf %bitcast3A_371, %bitcast3A_375 : vector<32xbf16>
          %mul3A_582 = arith.mulf %mul3A_581, %bitcast3A_382 : vector<32xbf16>
          %unpack3A_583 = tpu.unpack_subelements %mul3A_582, 0 {pack_format = #tpu.pack_format<interleaved>} : vector<32xbf16> -> vector<16xf32>
          %unpack3A_584 = tpu.unpack_subelements %mul3A_582, 1 {pack_format = #tpu.pack_format<interleaved>} : vector<32xbf16> -> vector<16xf32>
          %add3A_585 = arith.addf %add3A_579, %unpack3A_583 : vector<16xf32>
          %add3A_586 = arith.addf %add3A_580, %unpack3A_584 : vector<16xf32>
          %add3A_587 = arith.addf %add3A_585, %add3A_586 : vector<16xf32>
          %swap3A_588 = arith.constant 51 : index
          %swap3A_589 = tpu.vector_load %arg19[%swap3A_588] {strides = array<i32>} : memref<272xf32, #tpu.memory_space<vmem>>, vector<16xf32>,
          tpu.vector_store %arg19[%swap3A_588], %add3A_587 {strides = array<i32>} : memref<272xf32, #tpu.memory_space<vmem>>, vector<16xf32>,
          %mul3A_590 = arith.constant 16 : i32
          %mul3A_591 = arith.muli %add3A_94, %mul3A_590 : i32
          %add3A_592 = arith.constant 6 : i32
          %add3A_593 = arith.addi %mul3A_591, %add3A_592 : i32
          %slice3A_594 = vector.extract_strided_slice %get3A_98 {offsets = [6], sizes = [1], strides = [1]} : vector<16xi32> to vector<1xi32>
          %squeeze3A_595 = vector.extract %slice3A_594[0] : i32 from vector<1xi32>
          %get3A_596 = arith.index_cast %add3A_593 : i32 to index
          %get3A_597 = arith.constant 0 : index
          %get3A_598 = tpu.vector_load %arg11[%get3A_596, %get3A_597] {strides = array<i32>} : memref<80x128xi32, #tpu.memory_space<vmem>>, vector<16xi32>,
          %bitcast3A_599 = vector.bitcast %get3A_598 : vector<16xi32> to vector<32xbf16>
          %get3A_600 = arith.index_cast %add3A_593 : i32 to index
          %get3A_601 = arith.constant 0 : index
          %get3A_602 = tpu.vector_load %arg12[%get3A_600, %get3A_601] {strides = array<i32>} : memref<80x128xi32, #tpu.memory_space<vmem>>, vector<16xi32>,
          %bitcast3A_603 = vector.bitcast %get3A_602 : vector<16xi32> to vector<32xbf16>
          %mul3A_604 = arith.constant 64 : i32
          %mul3A_605 = arith.muli %squeeze3A_595, %mul3A_604 : i32
          %add3A_606 = arith.constant 0 : i32
          %add3A_607 = arith.addi %mul3A_605, %add3A_606 : i32
          %get3A_608 = arith.index_cast %add3A_607 : i32 to index
          %get3A_609 = tpu.vector_load %arg17[%get3A_608] {strides = array<i32>} : memref<4096xi32, #tpu.memory_space<vmem>>, vector<16xi32>,
          %bitcast3A_610 = vector.bitcast %get3A_609 : vector<16xi32> to vector<32xbf16>
          %get3A_611 = arith.index_cast %add3A_593 : i32 to index
          %get3A_612 = arith.constant 16 : index
          %get3A_613 = tpu.vector_load %arg11[%get3A_611, %get3A_612] {strides = array<i32>} : memref<80x128xi32, #tpu.memory_space<vmem>>, vector<16xi32>,
          %bitcast3A_614 = vector.bitcast %get3A_613 : vector<16xi32> to vector<32xbf16>
          %get3A_615 = arith.index_cast %add3A_593 : i32 to index
          %get3A_616 = arith.constant 16 : index
          %get3A_617 = tpu.vector_load %arg12[%get3A_615, %get3A_616] {strides = array<i32>} : memref<80x128xi32, #tpu.memory_space<vmem>>, vector<16xi32>,
          %bitcast3A_618 = vector.bitcast %get3A_617 : vector<16xi32> to vector<32xbf16>
          %mul3A_619 = arith.constant 64 : i32
          %mul3A_620 = arith.muli %squeeze3A_595, %mul3A_619 : i32
          %add3A_621 = arith.constant 16 : i32
          %add3A_622 = arith.addi %mul3A_620, %add3A_621 : i32
          %get3A_623 = arith.index_cast %add3A_622 : i32 to index
          %get3A_624 = tpu.vector_load %arg17[%get3A_623] {strides = array<i32>} : memref<4096xi32, #tpu.memory_space<vmem>>, vector<16xi32>,
          %bitcast3A_625 = vector.bitcast %get3A_624 : vector<16xi32> to vector<32xbf16>
          %get3A_626 = arith.index_cast %add3A_593 : i32 to index
          %get3A_627 = arith.constant 32 : index
          %get3A_628 = tpu.vector_load %arg11[%get3A_626, %get3A_627] {strides = array<i32>} : memref<80x128xi32, #tpu.memory_space<vmem>>, vector<16xi32>,
          %bitcast3A_629 = vector.bitcast %get3A_628 : vector<16xi32> to vector<32xbf16>
          %get3A_630 = arith.index_cast %add3A_593 : i32 to index
          %get3A_631 = arith.constant 32 : index
          %get3A_632 = tpu.vector_load %arg12[%get3A_630, %get3A_631] {strides = array<i32>} : memref<80x128xi32, #tpu.memory_space<vmem>>, vector<16xi32>,
          %bitcast3A_633 = vector.bitcast %get3A_632 : vector<16xi32> to vector<32xbf16>
          %mul3A_634 = arith.constant 64 : i32
          %mul3A_635 = arith.muli %squeeze3A_595, %mul3A_634 : i32
          %add3A_636 = arith.constant 32 : i32
          %add3A_637 = arith.addi %mul3A_635, %add3A_636 : i32
          %get3A_638 = arith.index_cast %add3A_637 : i32 to index
          %get3A_639 = tpu.vector_load %arg17[%get3A_638] {strides = array<i32>} : memref<4096xi32, #tpu.memory_space<vmem>>, vector<16xi32>,
          %bitcast3A_640 = vector.bitcast %get3A_639 : vector<16xi32> to vector<32xbf16>
          %get3A_641 = arith.index_cast %add3A_593 : i32 to index
          %get3A_642 = arith.constant 48 : index
          %get3A_643 = tpu.vector_load %arg11[%get3A_641, %get3A_642] {strides = array<i32>} : memref<80x128xi32, #tpu.memory_space<vmem>>, vector<16xi32>,
          %bitcast3A_644 = vector.bitcast %get3A_643 : vector<16xi32> to vector<32xbf16>
          %get3A_645 = arith.index_cast %add3A_593 : i32 to index
          %get3A_646 = arith.constant 48 : index
          %get3A_647 = tpu.vector_load %arg12[%get3A_645, %get3A_646] {strides = array<i32>} : memref<80x128xi32, #tpu.memory_space<vmem>>, vector<16xi32>,
          %bitcast3A_648 = vector.bitcast %get3A_647 : vector<16xi32> to vector<32xbf16>
          %mul3A_649 = arith.constant 64 : i32
          %mul3A_650 = arith.muli %squeeze3A_595, %mul3A_649 : i32
          %add3A_651 = arith.constant 48 : i32
          %add3A_652 = arith.addi %mul3A_650, %add3A_651 : i32
          %get3A_653 = arith.index_cast %add3A_652 : i32 to index
          %get3A_654 = tpu.vector_load %arg17[%get3A_653] {strides = array<i32>} : memref<4096xi32, #tpu.memory_space<vmem>>, vector<16xi32>,
          %bitcast3A_655 = vector.bitcast %get3A_654 : vector<16xi32> to vector<32xbf16>
          %mul3A_656 = arith.mulf %bitcast3A_417, %bitcast3A_421 : vector<32xbf16>
          %mul3A_657 = arith.mulf %mul3A_656, %bitcast3A_428 : vector<32xbf16>
          %unpack3A_658 = tpu.unpack_subelements %mul3A_657, 0 {pack_format = #tpu.pack_format<interleaved>} : vector<32xbf16> -> vector<16xf32>
          %unpack3A_659 = tpu.unpack_subelements %mul3A_657, 1 {pack_format = #tpu.pack_format<interleaved>} : vector<32xbf16> -> vector<16xf32>
          %mul3A_660 = arith.mulf %bitcast3A_432, %bitcast3A_436 : vector<32xbf16>
          %mul3A_661 = arith.mulf %mul3A_660, %bitcast3A_443 : vector<32xbf16>
          %unpack3A_662 = tpu.unpack_subelements %mul3A_661, 0 {pack_format = #tpu.pack_format<interleaved>} : vector<32xbf16> -> vector<16xf32>
          %unpack3A_663 = tpu.unpack_subelements %mul3A_661, 1 {pack_format = #tpu.pack_format<interleaved>} : vector<32xbf16> -> vector<16xf32>
          %add3A_664 = arith.addf %unpack3A_658, %unpack3A_662 : vector<16xf32>
          %add3A_665 = arith.addf %unpack3A_659, %unpack3A_663 : vector<16xf32>
          %mul3A_666 = arith.mulf %bitcast3A_447, %bitcast3A_451 : vector<32xbf16>
          %mul3A_667 = arith.mulf %mul3A_666, %bitcast3A_458 : vector<32xbf16>
          %unpack3A_668 = tpu.unpack_subelements %mul3A_667, 0 {pack_format = #tpu.pack_format<interleaved>} : vector<32xbf16> -> vector<16xf32>
          %unpack3A_669 = tpu.unpack_subelements %mul3A_667, 1 {pack_format = #tpu.pack_format<interleaved>} : vector<32xbf16> -> vector<16xf32>
          %add3A_670 = arith.addf %add3A_664, %unpack3A_668 : vector<16xf32>
          %add3A_671 = arith.addf %add3A_665, %unpack3A_669 : vector<16xf32>
          %mul3A_672 = arith.mulf %bitcast3A_462, %bitcast3A_466 : vector<32xbf16>
          %mul3A_673 = arith.mulf %mul3A_672, %bitcast3A_473 : vector<32xbf16>
          %unpack3A_674 = tpu.unpack_subelements %mul3A_673, 0 {pack_format = #tpu.pack_format<interleaved>} : vector<32xbf16> -> vector<16xf32>
          %unpack3A_675 = tpu.unpack_subelements %mul3A_673, 1 {pack_format = #tpu.pack_format<interleaved>} : vector<32xbf16> -> vector<16xf32>
          %add3A_676 = arith.addf %add3A_670, %unpack3A_674 : vector<16xf32>
          %add3A_677 = arith.addf %add3A_671, %unpack3A_675 : vector<16xf32>
          %add3A_678 = arith.addf %add3A_676, %add3A_677 : vector<16xf32>
          %swap3A_679 = arith.constant 68 : index
          %swap3A_680 = tpu.vector_load %arg19[%swap3A_679] {strides = array<i32>} : memref<272xf32, #tpu.memory_space<vmem>>, vector<16xf32>,
          tpu.vector_store %arg19[%swap3A_679], %add3A_678 {strides = array<i32>} : memref<272xf32, #tpu.memory_space<vmem>>, vector<16xf32>,
          %mul3A_681 = arith.constant 16 : i32
          %mul3A_682 = arith.muli %add3A_94, %mul3A_681 : i32
          %add3A_683 = arith.constant 7 : i32
          %add3A_684 = arith.addi %mul3A_682, %add3A_683 : i32
          %slice3A_685 = vector.extract_strided_slice %get3A_98 {offsets = [7], sizes = [1], strides = [1]} : vector<16xi32> to vector<1xi32>
          %squeeze3A_686 = vector.extract %slice3A_685[0] : i32 from vector<1xi32>
          %get3A_687 = arith.index_cast %add3A_684 : i32 to index
          %get3A_688 = arith.constant 0 : index
          %get3A_689 = tpu.vector_load %arg11[%get3A_687, %get3A_688] {strides = array<i32>} : memref<80x128xi32, #tpu.memory_space<vmem>>, vector<16xi32>,
          %bitcast3A_690 = vector.bitcast %get3A_689 : vector<16xi32> to vector<32xbf16>
          %get3A_691 = arith.index_cast %add3A_684 : i32 to index
          %get3A_692 = arith.constant 0 : index
          %get3A_693 = tpu.vector_load %arg12[%get3A_691, %get3A_692] {strides = array<i32>} : memref<80x128xi32, #tpu.memory_space<vmem>>, vector<16xi32>,
          %bitcast3A_694 = vector.bitcast %get3A_693 : vector<16xi32> to vector<32xbf16>
          %mul3A_695 = arith.constant 64 : i32
          %mul3A_696 = arith.muli %squeeze3A_686, %mul3A_695 : i32
          %add3A_697 = arith.constant 0 : i32
          %add3A_698 = arith.addi %mul3A_696, %add3A_697 : i32
          %get3A_699 = arith.index_cast %add3A_698 : i32 to index
          %get3A_700 = tpu.vector_load %arg17[%get3A_699] {strides = array<i32>} : memref<4096xi32, #tpu.memory_space<vmem>>, vector<16xi32>,
          %bitcast3A_701 = vector.bitcast %get3A_700 : vector<16xi32> to vector<32xbf16>
          %get3A_702 = arith.index_cast %add3A_684 : i32 to index
          %get3A_703 = arith.constant 16 : index
          %get3A_704 = tpu.vector_load %arg11[%get3A_702, %get3A_703] {strides = array<i32>} : memref<80x128xi32, #tpu.memory_space<vmem>>, vector<16xi32>,
          %bitcast3A_705 = vector.bitcast %get3A_704 : vector<16xi32> to vector<32xbf16>
          %get3A_706 = arith.index_cast %add3A_684 : i32 to index
          %get3A_707 = arith.constant 16 : index
          %get3A_708 = tpu.vector_load %arg12[%get3A_706, %get3A_707] {strides = array<i32>} : memref<80x128xi32, #tpu.memory_space<vmem>>, vector<16xi32>,
          %bitcast3A_709 = vector.bitcast %get3A_708 : vector<16xi32> to vector<32xbf16>
          %mul3A_710 = arith.constant 64 : i32
          %mul3A_711 = arith.muli %squeeze3A_686, %mul3A_710 : i32
          %add3A_712 = arith.constant 16 : i32
          %add3A_713 = arith.addi %mul3A_711, %add3A_712 : i32
          %get3A_714 = arith.index_cast %add3A_713 : i32 to index
          %get3A_715 = tpu.vector_load %arg17[%get3A_714] {strides = array<i32>} : memref<4096xi32, #tpu.memory_space<vmem>>, vector<16xi32>,
          %bitcast3A_716 = vector.bitcast %get3A_715 : vector<16xi32> to vector<32xbf16>
          %get3A_717 = arith.index_cast %add3A_684 : i32 to index
          %get3A_718 = arith.constant 32 : index
          %get3A_719 = tpu.vector_load %arg11[%get3A_717, %get3A_718] {strides = array<i32>} : memref<80x128xi32, #tpu.memory_space<vmem>>, vector<16xi32>,
          %bitcast3A_720 = vector.bitcast %get3A_719 : vector<16xi32> to vector<32xbf16>
          %get3A_721 = arith.index_cast %add3A_684 : i32 to index
          %get3A_722 = arith.constant 32 : index
          %get3A_723 = tpu.vector_load %arg12[%get3A_721, %get3A_722] {strides = array<i32>} : memref<80x128xi32, #tpu.memory_space<vmem>>, vector<16xi32>,
          %bitcast3A_724 = vector.bitcast %get3A_723 : vector<16xi32> to vector<32xbf16>
          %mul3A_725 = arith.constant 64 : i32
          %mul3A_726 = arith.muli %squeeze3A_686, %mul3A_725 : i32
          %add3A_727 = arith.constant 32 : i32
          %add3A_728 = arith.addi %mul3A_726, %add3A_727 : i32
          %get3A_729 = arith.index_cast %add3A_728 : i32 to index
          %get3A_730 = tpu.vector_load %arg17[%get3A_729] {strides = array<i32>} : memref<4096xi32, #tpu.memory_space<vmem>>, vector<16xi32>,
          %bitcast3A_731 = vector.bitcast %get3A_730 : vector<16xi32> to vector<32xbf16>
          %get3A_732 = arith.index_cast %add3A_684 : i32 to index
          %get3A_733 = arith.constant 48 : index
          %get3A_734 = tpu.vector_load %arg11[%get3A_732, %get3A_733] {strides = array<i32>} : memref<80x128xi32, #tpu.memory_space<vmem>>, vector<16xi32>,
          %bitcast3A_735 = vector.bitcast %get3A_734 : vector<16xi32> to vector<32xbf16>
          %get3A_736 = arith.index_cast %add3A_684 : i32 to index
          %get3A_737 = arith.constant 48 : index
          %get3A_738 = tpu.vector_load %arg12[%get3A_736, %get3A_737] {strides = array<i32>} : memref<80x128xi32, #tpu.memory_space<vmem>>, vector<16xi32>,
          %bitcast3A_739 = vector.bitcast %get3A_738 : vector<16xi32> to vector<32xbf16>
          %mul3A_740 = arith.constant 64 : i32
          %mul3A_741 = arith.muli %squeeze3A_686, %mul3A_740 : i32
          %add3A_742 = arith.constant 48 : i32
          %add3A_743 = arith.addi %mul3A_741, %add3A_742 : i32
          %get3A_744 = arith.index_cast %add3A_743 : i32 to index
          %get3A_745 = tpu.vector_load %arg17[%get3A_744] {strides = array<i32>} : memref<4096xi32, #tpu.memory_space<vmem>>, vector<16xi32>,
          %bitcast3A_746 = vector.bitcast %get3A_745 : vector<16xi32> to vector<32xbf16>
          %mul3A_747 = arith.mulf %bitcast3A_508, %bitcast3A_512 : vector<32xbf16>
          %mul3A_748 = arith.mulf %mul3A_747, %bitcast3A_519 : vector<32xbf16>
          %unpack3A_749 = tpu.unpack_subelements %mul3A_748, 0 {pack_format = #tpu.pack_format<interleaved>} : vector<32xbf16> -> vector<16xf32>
          %unpack3A_750 = tpu.unpack_subelements %mul3A_748, 1 {pack_format = #tpu.pack_format<interleaved>} : vector<32xbf16> -> vector<16xf32>
          %mul3A_751 = arith.mulf %bitcast3A_523, %bitcast3A_527 : vector<32xbf16>
          %mul3A_752 = arith.mulf %mul3A_751, %bitcast3A_534 : vector<32xbf16>
          %unpack3A_753 = tpu.unpack_subelements %mul3A_752, 0 {pack_format = #tpu.pack_format<interleaved>} : vector<32xbf16> -> vector<16xf32>
          %unpack3A_754 = tpu.unpack_subelements %mul3A_752, 1 {pack_format = #tpu.pack_format<interleaved>} : vector<32xbf16> -> vector<16xf32>
          %add3A_755 = arith.addf %unpack3A_749, %unpack3A_753 : vector<16xf32>
          %add3A_756 = arith.addf %unpack3A_750, %unpack3A_754 : vector<16xf32>
          %mul3A_757 = arith.mulf %bitcast3A_538, %bitcast3A_542 : vector<32xbf16>
          %mul3A_758 = arith.mulf %mul3A_757, %bitcast3A_549 : vector<32xbf16>
          %unpack3A_759 = tpu.unpack_subelements %mul3A_758, 0 {pack_format = #tpu.pack_format<interleaved>} : vector<32xbf16> -> vector<16xf32>
          %unpack3A_760 = tpu.unpack_subelements %mul3A_758, 1 {pack_format = #tpu.pack_format<interleaved>} : vector<32xbf16> -> vector<16xf32>
          %add3A_761 = arith.addf %add3A_755, %unpack3A_759 : vector<16xf32>
          %add3A_762 = arith.addf %add3A_756, %unpack3A_760 : vector<16xf32>
          %mul3A_763 = arith.mulf %bitcast3A_553, %bitcast3A_557 : vector<32xbf16>
          %mul3A_764 = arith.mulf %mul3A_763, %bitcast3A_564 : vector<32xbf16>
          %unpack3A_765 = tpu.unpack_subelements %mul3A_764, 0 {pack_format = #tpu.pack_format<interleaved>} : vector<32xbf16> -> vector<16xf32>
          %unpack3A_766 = tpu.unpack_subelements %mul3A_764, 1 {pack_format = #tpu.pack_format<interleaved>} : vector<32xbf16> -> vector<16xf32>
          %add3A_767 = arith.addf %add3A_761, %unpack3A_765 : vector<16xf32>
          %add3A_768 = arith.addf %add3A_762, %unpack3A_766 : vector<16xf32>
          %add3A_769 = arith.addf %add3A_767, %add3A_768 : vector<16xf32>
          %swap3A_770 = arith.constant 85 : index
          %swap3A_771 = tpu.vector_load %arg19[%swap3A_770] {strides = array<i32>} : memref<272xf32, #tpu.memory_space<vmem>>, vector<16xf32>,
          tpu.vector_store %arg19[%swap3A_770], %add3A_769 {strides = array<i32>} : memref<272xf32, #tpu.memory_space<vmem>>, vector<16xf32>,
          %mul3A_772 = arith.constant 16 : i32
          %mul3A_773 = arith.muli %add3A_94, %mul3A_772 : i32
          %add3A_774 = arith.constant 8 : i32
          %add3A_775 = arith.addi %mul3A_773, %add3A_774 : i32
          %slice3A_776 = vector.extract_strided_slice %get3A_98 {offsets = [8], sizes = [1], strides = [1]} : vector<16xi32> to vector<1xi32>
          %squeeze3A_777 = vector.extract %slice3A_776[0] : i32 from vector<1xi32>
          %get3A_778 = arith.index_cast %add3A_775 : i32 to index
          %get3A_779 = arith.constant 0 : index
          %get3A_780 = tpu.vector_load %arg11[%get3A_778, %get3A_779] {strides = array<i32>} : memref<80x128xi32, #tpu.memory_space<vmem>>, vector<16xi32>,
          %bitcast3A_781 = vector.bitcast %get3A_780 : vector<16xi32> to vector<32xbf16>
          %get3A_782 = arith.index_cast %add3A_775 : i32 to index
          %get3A_783 = arith.constant 0 : index
          %get3A_784 = tpu.vector_load %arg12[%get3A_782, %get3A_783] {strides = array<i32>} : memref<80x128xi32, #tpu.memory_space<vmem>>, vector<16xi32>,
          %bitcast3A_785 = vector.bitcast %get3A_784 : vector<16xi32> to vector<32xbf16>
          %mul3A_786 = arith.constant 64 : i32
          %mul3A_787 = arith.muli %squeeze3A_777, %mul3A_786 : i32
          %add3A_788 = arith.constant 0 : i32
          %add3A_789 = arith.addi %mul3A_787, %add3A_788 : i32
          %get3A_790 = arith.index_cast %add3A_789 : i32 to index
          %get3A_791 = tpu.vector_load %arg17[%get3A_790] {strides = array<i32>} : memref<4096xi32, #tpu.memory_space<vmem>>, vector<16xi32>,
          %bitcast3A_792 = vector.bitcast %get3A_791 : vector<16xi32> to vector<32xbf16>
          %get3A_793 = arith.index_cast %add3A_775 : i32 to index
          %get3A_794 = arith.constant 16 : index
          %get3A_795 = tpu.vector_load %arg11[%get3A_793, %get3A_794] {strides = array<i32>} : memref<80x128xi32, #tpu.memory_space<vmem>>, vector<16xi32>,
          %bitcast3A_796 = vector.bitcast %get3A_795 : vector<16xi32> to vector<32xbf16>
          %get3A_797 = arith.index_cast %add3A_775 : i32 to index
          %get3A_798 = arith.constant 16 : index
          %get3A_799 = tpu.vector_load %arg12[%get3A_797, %get3A_798] {strides = array<i32>} : memref<80x128xi32, #tpu.memory_space<vmem>>, vector<16xi32>,
          %bitcast3A_800 = vector.bitcast %get3A_799 : vector<16xi32> to vector<32xbf16>
          %mul3A_801 = arith.constant 64 : i32
          %mul3A_802 = arith.muli %squeeze3A_777, %mul3A_801 : i32
          %add3A_803 = arith.constant 16 : i32
          %add3A_804 = arith.addi %mul3A_802, %add3A_803 : i32
          %get3A_805 = arith.index_cast %add3A_804 : i32 to index
          %get3A_806 = tpu.vector_load %arg17[%get3A_805] {strides = array<i32>} : memref<4096xi32, #tpu.memory_space<vmem>>, vector<16xi32>,
          %bitcast3A_807 = vector.bitcast %get3A_806 : vector<16xi32> to vector<32xbf16>
          %get3A_808 = arith.index_cast %add3A_775 : i32 to index
          %get3A_809 = arith.constant 32 : index
          %get3A_810 = tpu.vector_load %arg11[%get3A_808, %get3A_809] {strides = array<i32>} : memref<80x128xi32, #tpu.memory_space<vmem>>, vector<16xi32>,
          %bitcast3A_811 = vector.bitcast %get3A_810 : vector<16xi32> to vector<32xbf16>
          %get3A_812 = arith.index_cast %add3A_775 : i32 to index
          %get3A_813 = arith.constant 32 : index
          %get3A_814 = tpu.vector_load %arg12[%get3A_812, %get3A_813] {strides = array<i32>} : memref<80x128xi32, #tpu.memory_space<vmem>>, vector<16xi32>,
          %bitcast3A_815 = vector.bitcast %get3A_814 : vector<16xi32> to vector<32xbf16>
          %mul3A_816 = arith.constant 64 : i32
          %mul3A_817 = arith.muli %squeeze3A_777, %mul3A_816 : i32
          %add3A_818 = arith.constant 32 : i32
          %add3A_819 = arith.addi %mul3A_817, %add3A_818 : i32
          %get3A_820 = arith.index_cast %add3A_819 : i32 to index
          %get3A_821 = tpu.vector_load %arg17[%get3A_820] {strides = array<i32>} : memref<4096xi32, #tpu.memory_space<vmem>>, vector<16xi32>,
          %bitcast3A_822 = vector.bitcast %get3A_821 : vector<16xi32> to vector<32xbf16>
          %get3A_823 = arith.index_cast %add3A_775 : i32 to index
          %get3A_824 = arith.constant 48 : index
          %get3A_825 = tpu.vector_load %arg11[%get3A_823, %get3A_824] {strides = array<i32>} : memref<80x128xi32, #tpu.memory_space<vmem>>, vector<16xi32>,
          %bitcast3A_826 = vector.bitcast %get3A_825 : vector<16xi32> to vector<32xbf16>
          %get3A_827 = arith.index_cast %add3A_775 : i32 to index
          %get3A_828 = arith.constant 48 : index
          %get3A_829 = tpu.vector_load %arg12[%get3A_827, %get3A_828] {strides = array<i32>} : memref<80x128xi32, #tpu.memory_space<vmem>>, vector<16xi32>,
          %bitcast3A_830 = vector.bitcast %get3A_829 : vector<16xi32> to vector<32xbf16>
          %mul3A_831 = arith.constant 64 : i32
          %mul3A_832 = arith.muli %squeeze3A_777, %mul3A_831 : i32
          %add3A_833 = arith.constant 48 : i32
          %add3A_834 = arith.addi %mul3A_832, %add3A_833 : i32
          %get3A_835 = arith.index_cast %add3A_834 : i32 to index
          %get3A_836 = tpu.vector_load %arg17[%get3A_835] {strides = array<i32>} : memref<4096xi32, #tpu.memory_space<vmem>>, vector<16xi32>,
          %bitcast3A_837 = vector.bitcast %get3A_836 : vector<16xi32> to vector<32xbf16>
          %mul3A_838 = arith.mulf %bitcast3A_599, %bitcast3A_603 : vector<32xbf16>
          %mul3A_839 = arith.mulf %mul3A_838, %bitcast3A_610 : vector<32xbf16>
          %unpack3A_840 = tpu.unpack_subelements %mul3A_839, 0 {pack_format = #tpu.pack_format<interleaved>} : vector<32xbf16> -> vector<16xf32>
          %unpack3A_841 = tpu.unpack_subelements %mul3A_839, 1 {pack_format = #tpu.pack_format<interleaved>} : vector<32xbf16> -> vector<16xf32>
          %mul3A_842 = arith.mulf %bitcast3A_614, %bitcast3A_618 : vector<32xbf16>
          %mul3A_843 = arith.mulf %mul3A_842, %bitcast3A_625 : vector<32xbf16>
          %unpack3A_844 = tpu.unpack_subelements %mul3A_843, 0 {pack_format = #tpu.pack_format<interleaved>} : vector<32xbf16> -> vector<16xf32>
          %unpack3A_845 = tpu.unpack_subelements %mul3A_843, 1 {pack_format = #tpu.pack_format<interleaved>} : vector<32xbf16> -> vector<16xf32>
          %add3A_846 = arith.addf %unpack3A_840, %unpack3A_844 : vector<16xf32>
          %add3A_847 = arith.addf %unpack3A_841, %unpack3A_845 : vector<16xf32>
          %mul3A_848 = arith.mulf %bitcast3A_629, %bitcast3A_633 : vector<32xbf16>
          %mul3A_849 = arith.mulf %mul3A_848, %bitcast3A_640 : vector<32xbf16>
          %unpack3A_850 = tpu.unpack_subelements %mul3A_849, 0 {pack_format = #tpu.pack_format<interleaved>} : vector<32xbf16> -> vector<16xf32>
          %unpack3A_851 = tpu.unpack_subelements %mul3A_849, 1 {pack_format = #tpu.pack_format<interleaved>} : vector<32xbf16> -> vector<16xf32>
          %add3A_852 = arith.addf %add3A_846, %unpack3A_850 : vector<16xf32>
          %add3A_853 = arith.addf %add3A_847, %unpack3A_851 : vector<16xf32>
          %mul3A_854 = arith.mulf %bitcast3A_644, %bitcast3A_648 : vector<32xbf16>
          %mul3A_855 = arith.mulf %mul3A_854, %bitcast3A_655 : vector<32xbf16>
          %unpack3A_856 = tpu.unpack_subelements %mul3A_855, 0 {pack_format = #tpu.pack_format<interleaved>} : vector<32xbf16> -> vector<16xf32>
          %unpack3A_857 = tpu.unpack_subelements %mul3A_855, 1 {pack_format = #tpu.pack_format<interleaved>} : vector<32xbf16> -> vector<16xf32>
          %add3A_858 = arith.addf %add3A_852, %unpack3A_856 : vector<16xf32>
          %add3A_859 = arith.addf %add3A_853, %unpack3A_857 : vector<16xf32>
          %add3A_860 = arith.addf %add3A_858, %add3A_859 : vector<16xf32>
          %swap3A_861 = arith.constant 102 : index
          %swap3A_862 = tpu.vector_load %arg19[%swap3A_861] {strides = array<i32>} : memref<272xf32, #tpu.memory_space<vmem>>, vector<16xf32>,
          tpu.vector_store %arg19[%swap3A_861], %add3A_860 {strides = array<i32>} : memref<272xf32, #tpu.memory_space<vmem>>, vector<16xf32>,
          %mul3A_863 = arith.constant 16 : i32
          %mul3A_864 = arith.muli %add3A_94, %mul3A_863 : i32
          %add3A_865 = arith.constant 9 : i32
          %add3A_866 = arith.addi %mul3A_864, %add3A_865 : i32
          %slice3A_867 = vector.extract_strided_slice %get3A_98 {offsets = [9], sizes = [1], strides = [1]} : vector<16xi32> to vector<1xi32>
          %squeeze3A_868 = vector.extract %slice3A_867[0] : i32 from vector<1xi32>
          %get3A_869 = arith.index_cast %add3A_866 : i32 to index
          %get3A_870 = arith.constant 0 : index
          %get3A_871 = tpu.vector_load %arg11[%get3A_869, %get3A_870] {strides = array<i32>} : memref<80x128xi32, #tpu.memory_space<vmem>>, vector<16xi32>,
          %bitcast3A_872 = vector.bitcast %get3A_871 : vector<16xi32> to vector<32xbf16>
          %get3A_873 = arith.index_cast %add3A_866 : i32 to index
          %get3A_874 = arith.constant 0 : index
          %get3A_875 = tpu.vector_load %arg12[%get3A_873, %get3A_874] {strides = array<i32>} : memref<80x128xi32, #tpu.memory_space<vmem>>, vector<16xi32>,
          %bitcast3A_876 = vector.bitcast %get3A_875 : vector<16xi32> to vector<32xbf16>
          %mul3A_877 = arith.constant 64 : i32
          %mul3A_878 = arith.muli %squeeze3A_868, %mul3A_877 : i32
          %add3A_879 = arith.constant 0 : i32
          %add3A_880 = arith.addi %mul3A_878, %add3A_879 : i32
          %get3A_881 = arith.index_cast %add3A_880 : i32 to index
          %get3A_882 = tpu.vector_load %arg17[%get3A_881] {strides = array<i32>} : memref<4096xi32, #tpu.memory_space<vmem>>, vector<16xi32>,
          %bitcast3A_883 = vector.bitcast %get3A_882 : vector<16xi32> to vector<32xbf16>
          %get3A_884 = arith.index_cast %add3A_866 : i32 to index
          %get3A_885 = arith.constant 16 : index
          %get3A_886 = tpu.vector_load %arg11[%get3A_884, %get3A_885] {strides = array<i32>} : memref<80x128xi32, #tpu.memory_space<vmem>>, vector<16xi32>,
          %bitcast3A_887 = vector.bitcast %get3A_886 : vector<16xi32> to vector<32xbf16>
          %get3A_888 = arith.index_cast %add3A_866 : i32 to index
          %get3A_889 = arith.constant 16 : index
          %get3A_890 = tpu.vector_load %arg12[%get3A_888, %get3A_889] {strides = array<i32>} : memref<80x128xi32, #tpu.memory_space<vmem>>, vector<16xi32>,
          %bitcast3A_891 = vector.bitcast %get3A_890 : vector<16xi32> to vector<32xbf16>
          %mul3A_892 = arith.constant 64 : i32
          %mul3A_893 = arith.muli %squeeze3A_868, %mul3A_892 : i32
          %add3A_894 = arith.constant 16 : i32
          %add3A_895 = arith.addi %mul3A_893, %add3A_894 : i32
          %get3A_896 = arith.index_cast %add3A_895 : i32 to index
          %get3A_897 = tpu.vector_load %arg17[%get3A_896] {strides = array<i32>} : memref<4096xi32, #tpu.memory_space<vmem>>, vector<16xi32>,
          %bitcast3A_898 = vector.bitcast %get3A_897 : vector<16xi32> to vector<32xbf16>
          %get3A_899 = arith.index_cast %add3A_866 : i32 to index
          %get3A_900 = arith.constant 32 : index
          %get3A_901 = tpu.vector_load %arg11[%get3A_899, %get3A_900] {strides = array<i32>} : memref<80x128xi32, #tpu.memory_space<vmem>>, vector<16xi32>,
          %bitcast3A_902 = vector.bitcast %get3A_901 : vector<16xi32> to vector<32xbf16>
          %get3A_903 = arith.index_cast %add3A_866 : i32 to index
          %get3A_904 = arith.constant 32 : index
          %get3A_905 = tpu.vector_load %arg12[%get3A_903, %get3A_904] {strides = array<i32>} : memref<80x128xi32, #tpu.memory_space<vmem>>, vector<16xi32>,
          %bitcast3A_906 = vector.bitcast %get3A_905 : vector<16xi32> to vector<32xbf16>
          %mul3A_907 = arith.constant 64 : i32
          %mul3A_908 = arith.muli %squeeze3A_868, %mul3A_907 : i32
          %add3A_909 = arith.constant 32 : i32
          %add3A_910 = arith.addi %mul3A_908, %add3A_909 : i32
          %get3A_911 = arith.index_cast %add3A_910 : i32 to index
          %get3A_912 = tpu.vector_load %arg17[%get3A_911] {strides = array<i32>} : memref<4096xi32, #tpu.memory_space<vmem>>, vector<16xi32>,
          %bitcast3A_913 = vector.bitcast %get3A_912 : vector<16xi32> to vector<32xbf16>
          %get3A_914 = arith.index_cast %add3A_866 : i32 to index
          %get3A_915 = arith.constant 48 : index
          %get3A_916 = tpu.vector_load %arg11[%get3A_914, %get3A_915] {strides = array<i32>} : memref<80x128xi32, #tpu.memory_space<vmem>>, vector<16xi32>,
          %bitcast3A_917 = vector.bitcast %get3A_916 : vector<16xi32> to vector<32xbf16>
          %get3A_918 = arith.index_cast %add3A_866 : i32 to index
          %get3A_919 = arith.constant 48 : index
          %get3A_920 = tpu.vector_load %arg12[%get3A_918, %get3A_919] {strides = array<i32>} : memref<80x128xi32, #tpu.memory_space<vmem>>, vector<16xi32>,
          %bitcast3A_921 = vector.bitcast %get3A_920 : vector<16xi32> to vector<32xbf16>
          %mul3A_922 = arith.constant 64 : i32
          %mul3A_923 = arith.muli %squeeze3A_868, %mul3A_922 : i32
          %add3A_924 = arith.constant 48 : i32
          %add3A_925 = arith.addi %mul3A_923, %add3A_924 : i32
          %get3A_926 = arith.index_cast %add3A_925 : i32 to index
          %get3A_927 = tpu.vector_load %arg17[%get3A_926] {strides = array<i32>} : memref<4096xi32, #tpu.memory_space<vmem>>, vector<16xi32>,
          %bitcast3A_928 = vector.bitcast %get3A_927 : vector<16xi32> to vector<32xbf16>
          %mul3A_929 = arith.mulf %bitcast3A_690, %bitcast3A_694 : vector<32xbf16>
          %mul3A_930 = arith.mulf %mul3A_929, %bitcast3A_701 : vector<32xbf16>
          %unpack3A_931 = tpu.unpack_subelements %mul3A_930, 0 {pack_format = #tpu.pack_format<interleaved>} : vector<32xbf16> -> vector<16xf32>
          %unpack3A_932 = tpu.unpack_subelements %mul3A_930, 1 {pack_format = #tpu.pack_format<interleaved>} : vector<32xbf16> -> vector<16xf32>
          %mul3A_933 = arith.mulf %bitcast3A_705, %bitcast3A_709 : vector<32xbf16>
          %mul3A_934 = arith.mulf %mul3A_933, %bitcast3A_716 : vector<32xbf16>
          %unpack3A_935 = tpu.unpack_subelements %mul3A_934, 0 {pack_format = #tpu.pack_format<interleaved>} : vector<32xbf16> -> vector<16xf32>
          %unpack3A_936 = tpu.unpack_subelements %mul3A_934, 1 {pack_format = #tpu.pack_format<interleaved>} : vector<32xbf16> -> vector<16xf32>
          %add3A_937 = arith.addf %unpack3A_931, %unpack3A_935 : vector<16xf32>
          %add3A_938 = arith.addf %unpack3A_932, %unpack3A_936 : vector<16xf32>
          %mul3A_939 = arith.mulf %bitcast3A_720, %bitcast3A_724 : vector<32xbf16>
          %mul3A_940 = arith.mulf %mul3A_939, %bitcast3A_731 : vector<32xbf16>
          %unpack3A_941 = tpu.unpack_subelements %mul3A_940, 0 {pack_format = #tpu.pack_format<interleaved>} : vector<32xbf16> -> vector<16xf32>
          %unpack3A_942 = tpu.unpack_subelements %mul3A_940, 1 {pack_format = #tpu.pack_format<interleaved>} : vector<32xbf16> -> vector<16xf32>
          %add3A_943 = arith.addf %add3A_937, %unpack3A_941 : vector<16xf32>
          %add3A_944 = arith.addf %add3A_938, %unpack3A_942 : vector<16xf32>
          %mul3A_945 = arith.mulf %bitcast3A_735, %bitcast3A_739 : vector<32xbf16>
          %mul3A_946 = arith.mulf %mul3A_945, %bitcast3A_746 : vector<32xbf16>
          %unpack3A_947 = tpu.unpack_subelements %mul3A_946, 0 {pack_format = #tpu.pack_format<interleaved>} : vector<32xbf16> -> vector<16xf32>
          %unpack3A_948 = tpu.unpack_subelements %mul3A_946, 1 {pack_format = #tpu.pack_format<interleaved>} : vector<32xbf16> -> vector<16xf32>
          %add3A_949 = arith.addf %add3A_943, %unpack3A_947 : vector<16xf32>
          %add3A_950 = arith.addf %add3A_944, %unpack3A_948 : vector<16xf32>
          %add3A_951 = arith.addf %add3A_949, %add3A_950 : vector<16xf32>
          %swap3A_952 = arith.constant 119 : index
          %swap3A_953 = tpu.vector_load %arg19[%swap3A_952] {strides = array<i32>} : memref<272xf32, #tpu.memory_space<vmem>>, vector<16xf32>,
          tpu.vector_store %arg19[%swap3A_952], %add3A_951 {strides = array<i32>} : memref<272xf32, #tpu.memory_space<vmem>>, vector<16xf32>,
          %mul3A_954 = arith.constant 16 : i32
          %mul3A_955 = arith.muli %add3A_94, %mul3A_954 : i32
          %add3A_956 = arith.constant 10 : i32
          %add3A_957 = arith.addi %mul3A_955, %add3A_956 : i32
          %slice3A_958 = vector.extract_strided_slice %get3A_98 {offsets = [10], sizes = [1], strides = [1]} : vector<16xi32> to vector<1xi32>
          %squeeze3A_959 = vector.extract %slice3A_958[0] : i32 from vector<1xi32>
          %get3A_960 = arith.index_cast %add3A_957 : i32 to index
          %get3A_961 = arith.constant 0 : index
          %get3A_962 = tpu.vector_load %arg11[%get3A_960, %get3A_961] {strides = array<i32>} : memref<80x128xi32, #tpu.memory_space<vmem>>, vector<16xi32>,
          %bitcast3A_963 = vector.bitcast %get3A_962 : vector<16xi32> to vector<32xbf16>
          %get3A_964 = arith.index_cast %add3A_957 : i32 to index
          %get3A_965 = arith.constant 0 : index
          %get3A_966 = tpu.vector_load %arg12[%get3A_964, %get3A_965] {strides = array<i32>} : memref<80x128xi32, #tpu.memory_space<vmem>>, vector<16xi32>,
          %bitcast3A_967 = vector.bitcast %get3A_966 : vector<16xi32> to vector<32xbf16>
          %mul3A_968 = arith.constant 64 : i32
          %mul3A_969 = arith.muli %squeeze3A_959, %mul3A_968 : i32
          %add3A_970 = arith.constant 0 : i32
          %add3A_971 = arith.addi %mul3A_969, %add3A_970 : i32
          %get3A_972 = arith.index_cast %add3A_971 : i32 to index
          %get3A_973 = tpu.vector_load %arg17[%get3A_972] {strides = array<i32>} : memref<4096xi32, #tpu.memory_space<vmem>>, vector<16xi32>,
          %bitcast3A_974 = vector.bitcast %get3A_973 : vector<16xi32> to vector<32xbf16>
          %get3A_975 = arith.index_cast %add3A_957 : i32 to index
          %get3A_976 = arith.constant 16 : index
          %get3A_977 = tpu.vector_load %arg11[%get3A_975, %get3A_976] {strides = array<i32>} : memref<80x128xi32, #tpu.memory_space<vmem>>, vector<16xi32>,
          %bitcast3A_978 = vector.bitcast %get3A_977 : vector<16xi32> to vector<32xbf16>
          %get3A_979 = arith.index_cast %add3A_957 : i32 to index
          %get3A_980 = arith.constant 16 : index
          %get3A_981 = tpu.vector_load %arg12[%get3A_979, %get3A_980] {strides = array<i32>} : memref<80x128xi32, #tpu.memory_space<vmem>>, vector<16xi32>,
          %bitcast3A_982 = vector.bitcast %get3A_981 : vector<16xi32> to vector<32xbf16>
          %mul3A_983 = arith.constant 64 : i32
          %mul3A_984 = arith.muli %squeeze3A_959, %mul3A_983 : i32
          %add3A_985 = arith.constant 16 : i32
          %add3A_986 = arith.addi %mul3A_984, %add3A_985 : i32
          %get3A_987 = arith.index_cast %add3A_986 : i32 to index
          %get3A_988 = tpu.vector_load %arg17[%get3A_987] {strides = array<i32>} : memref<4096xi32, #tpu.memory_space<vmem>>, vector<16xi32>,
          %bitcast3A_989 = vector.bitcast %get3A_988 : vector<16xi32> to vector<32xbf16>
          %get3A_990 = arith.index_cast %add3A_957 : i32 to index
          %get3A_991 = arith.constant 32 : index
          %get3A_992 = tpu.vector_load %arg11[%get3A_990, %get3A_991] {strides = array<i32>} : memref<80x128xi32, #tpu.memory_space<vmem>>, vector<16xi32>,
          %bitcast3A_993 = vector.bitcast %get3A_992 : vector<16xi32> to vector<32xbf16>
          %get3A_994 = arith.index_cast %add3A_957 : i32 to index
          %get3A_995 = arith.constant 32 : index
          %get3A_996 = tpu.vector_load %arg12[%get3A_994, %get3A_995] {strides = array<i32>} : memref<80x128xi32, #tpu.memory_space<vmem>>, vector<16xi32>,
          %bitcast3A_997 = vector.bitcast %get3A_996 : vector<16xi32> to vector<32xbf16>
          %mul3A_998 = arith.constant 64 : i32
          %mul3A_999 = arith.muli %squeeze3A_959, %mul3A_998 : i32
          %add3A_1000 = arith.constant 32 : i32
          %add3A_1001 = arith.addi %mul3A_999, %add3A_1000 : i32
          %get3A_1002 = arith.index_cast %add3A_1001 : i32 to index
          %get3A_1003 = tpu.vector_load %arg17[%get3A_1002] {strides = array<i32>} : memref<4096xi32, #tpu.memory_space<vmem>>, vector<16xi32>,
          %bitcast3A_1004 = vector.bitcast %get3A_1003 : vector<16xi32> to vector<32xbf16>
          %get3A_1005 = arith.index_cast %add3A_957 : i32 to index
          %get3A_1006 = arith.constant 48 : index
          %get3A_1007 = tpu.vector_load %arg11[%get3A_1005, %get3A_1006] {strides = array<i32>} : memref<80x128xi32, #tpu.memory_space<vmem>>, vector<16xi32>,
          %bitcast3A_1008 = vector.bitcast %get3A_1007 : vector<16xi32> to vector<32xbf16>
          %get3A_1009 = arith.index_cast %add3A_957 : i32 to index
          %get3A_1010 = arith.constant 48 : index
          %get3A_1011 = tpu.vector_load %arg12[%get3A_1009, %get3A_1010] {strides = array<i32>} : memref<80x128xi32, #tpu.memory_space<vmem>>, vector<16xi32>,
          %bitcast3A_1012 = vector.bitcast %get3A_1011 : vector<16xi32> to vector<32xbf16>
          %mul3A_1013 = arith.constant 64 : i32
          %mul3A_1014 = arith.muli %squeeze3A_959, %mul3A_1013 : i32
          %add3A_1015 = arith.constant 48 : i32
          %add3A_1016 = arith.addi %mul3A_1014, %add3A_1015 : i32
          %get3A_1017 = arith.index_cast %add3A_1016 : i32 to index
          %get3A_1018 = tpu.vector_load %arg17[%get3A_1017] {strides = array<i32>} : memref<4096xi32, #tpu.memory_space<vmem>>, vector<16xi32>,
          %bitcast3A_1019 = vector.bitcast %get3A_1018 : vector<16xi32> to vector<32xbf16>
          %mul3A_1020 = arith.mulf %bitcast3A_781, %bitcast3A_785 : vector<32xbf16>
          %mul3A_1021 = arith.mulf %mul3A_1020, %bitcast3A_792 : vector<32xbf16>
          %unpack3A_1022 = tpu.unpack_subelements %mul3A_1021, 0 {pack_format = #tpu.pack_format<interleaved>} : vector<32xbf16> -> vector<16xf32>
          %unpack3A_1023 = tpu.unpack_subelements %mul3A_1021, 1 {pack_format = #tpu.pack_format<interleaved>} : vector<32xbf16> -> vector<16xf32>
          %mul3A_1024 = arith.mulf %bitcast3A_796, %bitcast3A_800 : vector<32xbf16>
          %mul3A_1025 = arith.mulf %mul3A_1024, %bitcast3A_807 : vector<32xbf16>
          %unpack3A_1026 = tpu.unpack_subelements %mul3A_1025, 0 {pack_format = #tpu.pack_format<interleaved>} : vector<32xbf16> -> vector<16xf32>
          %unpack3A_1027 = tpu.unpack_subelements %mul3A_1025, 1 {pack_format = #tpu.pack_format<interleaved>} : vector<32xbf16> -> vector<16xf32>
          %add3A_1028 = arith.addf %unpack3A_1022, %unpack3A_1026 : vector<16xf32>
          %add3A_1029 = arith.addf %unpack3A_1023, %unpack3A_1027 : vector<16xf32>
          %mul3A_1030 = arith.mulf %bitcast3A_811, %bitcast3A_815 : vector<32xbf16>
          %mul3A_1031 = arith.mulf %mul3A_1030, %bitcast3A_822 : vector<32xbf16>
          %unpack3A_1032 = tpu.unpack_subelements %mul3A_1031, 0 {pack_format = #tpu.pack_format<interleaved>} : vector<32xbf16> -> vector<16xf32>
          %unpack3A_1033 = tpu.unpack_subelements %mul3A_1031, 1 {pack_format = #tpu.pack_format<interleaved>} : vector<32xbf16> -> vector<16xf32>
          %add3A_1034 = arith.addf %add3A_1028, %unpack3A_1032 : vector<16xf32>
          %add3A_1035 = arith.addf %add3A_1029, %unpack3A_1033 : vector<16xf32>
          %mul3A_1036 = arith.mulf %bitcast3A_826, %bitcast3A_830 : vector<32xbf16>
          %mul3A_1037 = arith.mulf %mul3A_1036, %bitcast3A_837 : vector<32xbf16>
          %unpack3A_1038 = tpu.unpack_subelements %mul3A_1037, 0 {pack_format = #tpu.pack_format<interleaved>} : vector<32xbf16> -> vector<16xf32>
          %unpack3A_1039 = tpu.unpack_subelements %mul3A_1037, 1 {pack_format = #tpu.pack_format<interleaved>} : vector<32xbf16> -> vector<16xf32>
          %add3A_1040 = arith.addf %add3A_1034, %unpack3A_1038 : vector<16xf32>
          %add3A_1041 = arith.addf %add3A_1035, %unpack3A_1039 : vector<16xf32>
          %add3A_1042 = arith.addf %add3A_1040, %add3A_1041 : vector<16xf32>
          %swap3A_1043 = arith.constant 136 : index
          %swap3A_1044 = tpu.vector_load %arg19[%swap3A_1043] {strides = array<i32>} : memref<272xf32, #tpu.memory_space<vmem>>, vector<16xf32>,
          tpu.vector_store %arg19[%swap3A_1043], %add3A_1042 {strides = array<i32>} : memref<272xf32, #tpu.memory_space<vmem>>, vector<16xf32>,
          %mul3A_1045 = arith.constant 16 : i32
          %mul3A_1046 = arith.muli %add3A_94, %mul3A_1045 : i32
          %add3A_1047 = arith.constant 11 : i32
          %add3A_1048 = arith.addi %mul3A_1046, %add3A_1047 : i32
          %slice3A_1049 = vector.extract_strided_slice %get3A_98 {offsets = [11], sizes = [1], strides = [1]} : vector<16xi32> to vector<1xi32>
          %squeeze3A_1050 = vector.extract %slice3A_1049[0] : i32 from vector<1xi32>
          %get3A_1051 = arith.index_cast %add3A_1048 : i32 to index
          %get3A_1052 = arith.constant 0 : index
          %get3A_1053 = tpu.vector_load %arg11[%get3A_1051, %get3A_1052] {strides = array<i32>} : memref<80x128xi32, #tpu.memory_space<vmem>>, vector<16xi32>,
          %bitcast3A_1054 = vector.bitcast %get3A_1053 : vector<16xi32> to vector<32xbf16>
          %get3A_1055 = arith.index_cast %add3A_1048 : i32 to index
          %get3A_1056 = arith.constant 0 : index
          %get3A_1057 = tpu.vector_load %arg12[%get3A_1055, %get3A_1056] {strides = array<i32>} : memref<80x128xi32, #tpu.memory_space<vmem>>, vector<16xi32>,
          %bitcast3A_1058 = vector.bitcast %get3A_1057 : vector<16xi32> to vector<32xbf16>
          %mul3A_1059 = arith.constant 64 : i32
          %mul3A_1060 = arith.muli %squeeze3A_1050, %mul3A_1059 : i32
          %add3A_1061 = arith.constant 0 : i32
          %add3A_1062 = arith.addi %mul3A_1060, %add3A_1061 : i32
          %get3A_1063 = arith.index_cast %add3A_1062 : i32 to index
          %get3A_1064 = tpu.vector_load %arg17[%get3A_1063] {strides = array<i32>} : memref<4096xi32, #tpu.memory_space<vmem>>, vector<16xi32>,
          %bitcast3A_1065 = vector.bitcast %get3A_1064 : vector<16xi32> to vector<32xbf16>
          %get3A_1066 = arith.index_cast %add3A_1048 : i32 to index
          %get3A_1067 = arith.constant 16 : index
          %get3A_1068 = tpu.vector_load %arg11[%get3A_1066, %get3A_1067] {strides = array<i32>} : memref<80x128xi32, #tpu.memory_space<vmem>>, vector<16xi32>,
          %bitcast3A_1069 = vector.bitcast %get3A_1068 : vector<16xi32> to vector<32xbf16>
          %get3A_1070 = arith.index_cast %add3A_1048 : i32 to index
          %get3A_1071 = arith.constant 16 : index
          %get3A_1072 = tpu.vector_load %arg12[%get3A_1070, %get3A_1071] {strides = array<i32>} : memref<80x128xi32, #tpu.memory_space<vmem>>, vector<16xi32>,
          %bitcast3A_1073 = vector.bitcast %get3A_1072 : vector<16xi32> to vector<32xbf16>
          %mul3A_1074 = arith.constant 64 : i32
          %mul3A_1075 = arith.muli %squeeze3A_1050, %mul3A_1074 : i32
          %add3A_1076 = arith.constant 16 : i32
          %add3A_1077 = arith.addi %mul3A_1075, %add3A_1076 : i32
          %get3A_1078 = arith.index_cast %add3A_1077 : i32 to index
          %get3A_1079 = tpu.vector_load %arg17[%get3A_1078] {strides = array<i32>} : memref<4096xi32, #tpu.memory_space<vmem>>, vector<16xi32>,
          %bitcast3A_1080 = vector.bitcast %get3A_1079 : vector<16xi32> to vector<32xbf16>
          %get3A_1081 = arith.index_cast %add3A_1048 : i32 to index
          %get3A_1082 = arith.constant 32 : index
          %get3A_1083 = tpu.vector_load %arg11[%get3A_1081, %get3A_1082] {strides = array<i32>} : memref<80x128xi32, #tpu.memory_space<vmem>>, vector<16xi32>,
          %bitcast3A_1084 = vector.bitcast %get3A_1083 : vector<16xi32> to vector<32xbf16>
          %get3A_1085 = arith.index_cast %add3A_1048 : i32 to index
          %get3A_1086 = arith.constant 32 : index
          %get3A_1087 = tpu.vector_load %arg12[%get3A_1085, %get3A_1086] {strides = array<i32>} : memref<80x128xi32, #tpu.memory_space<vmem>>, vector<16xi32>,
          %bitcast3A_1088 = vector.bitcast %get3A_1087 : vector<16xi32> to vector<32xbf16>
          %mul3A_1089 = arith.constant 64 : i32
          %mul3A_1090 = arith.muli %squeeze3A_1050, %mul3A_1089 : i32
          %add3A_1091 = arith.constant 32 : i32
          %add3A_1092 = arith.addi %mul3A_1090, %add3A_1091 : i32
          %get3A_1093 = arith.index_cast %add3A_1092 : i32 to index
          %get3A_1094 = tpu.vector_load %arg17[%get3A_1093] {strides = array<i32>} : memref<4096xi32, #tpu.memory_space<vmem>>, vector<16xi32>,
          %bitcast3A_1095 = vector.bitcast %get3A_1094 : vector<16xi32> to vector<32xbf16>
          %get3A_1096 = arith.index_cast %add3A_1048 : i32 to index
          %get3A_1097 = arith.constant 48 : index
          %get3A_1098 = tpu.vector_load %arg11[%get3A_1096, %get3A_1097] {strides = array<i32>} : memref<80x128xi32, #tpu.memory_space<vmem>>, vector<16xi32>,
          %bitcast3A_1099 = vector.bitcast %get3A_1098 : vector<16xi32> to vector<32xbf16>
          %get3A_1100 = arith.index_cast %add3A_1048 : i32 to index
          %get3A_1101 = arith.constant 48 : index
          %get3A_1102 = tpu.vector_load %arg12[%get3A_1100, %get3A_1101] {strides = array<i32>} : memref<80x128xi32, #tpu.memory_space<vmem>>, vector<16xi32>,
          %bitcast3A_1103 = vector.bitcast %get3A_1102 : vector<16xi32> to vector<32xbf16>
          %mul3A_1104 = arith.constant 64 : i32
          %mul3A_1105 = arith.muli %squeeze3A_1050, %mul3A_1104 : i32
          %add3A_1106 = arith.constant 48 : i32
          %add3A_1107 = arith.addi %mul3A_1105, %add3A_1106 : i32
          %get3A_1108 = arith.index_cast %add3A_1107 : i32 to index
          %get3A_1109 = tpu.vector_load %arg17[%get3A_1108] {strides = array<i32>} : memref<4096xi32, #tpu.memory_space<vmem>>, vector<16xi32>,
          %bitcast3A_1110 = vector.bitcast %get3A_1109 : vector<16xi32> to vector<32xbf16>
          %mul3A_1111 = arith.mulf %bitcast3A_872, %bitcast3A_876 : vector<32xbf16>
          %mul3A_1112 = arith.mulf %mul3A_1111, %bitcast3A_883 : vector<32xbf16>
          %unpack3A_1113 = tpu.unpack_subelements %mul3A_1112, 0 {pack_format = #tpu.pack_format<interleaved>} : vector<32xbf16> -> vector<16xf32>
          %unpack3A_1114 = tpu.unpack_subelements %mul3A_1112, 1 {pack_format = #tpu.pack_format<interleaved>} : vector<32xbf16> -> vector<16xf32>
          %mul3A_1115 = arith.mulf %bitcast3A_887, %bitcast3A_891 : vector<32xbf16>
          %mul3A_1116 = arith.mulf %mul3A_1115, %bitcast3A_898 : vector<32xbf16>
          %unpack3A_1117 = tpu.unpack_subelements %mul3A_1116, 0 {pack_format = #tpu.pack_format<interleaved>} : vector<32xbf16> -> vector<16xf32>
          %unpack3A_1118 = tpu.unpack_subelements %mul3A_1116, 1 {pack_format = #tpu.pack_format<interleaved>} : vector<32xbf16> -> vector<16xf32>
          %add3A_1119 = arith.addf %unpack3A_1113, %unpack3A_1117 : vector<16xf32>
          %add3A_1120 = arith.addf %unpack3A_1114, %unpack3A_1118 : vector<16xf32>
          %mul3A_1121 = arith.mulf %bitcast3A_902, %bitcast3A_906 : vector<32xbf16>
          %mul3A_1122 = arith.mulf %mul3A_1121, %bitcast3A_913 : vector<32xbf16>
          %unpack3A_1123 = tpu.unpack_subelements %mul3A_1122, 0 {pack_format = #tpu.pack_format<interleaved>} : vector<32xbf16> -> vector<16xf32>
          %unpack3A_1124 = tpu.unpack_subelements %mul3A_1122, 1 {pack_format = #tpu.pack_format<interleaved>} : vector<32xbf16> -> vector<16xf32>
          %add3A_1125 = arith.addf %add3A_1119, %unpack3A_1123 : vector<16xf32>
          %add3A_1126 = arith.addf %add3A_1120, %unpack3A_1124 : vector<16xf32>
          %mul3A_1127 = arith.mulf %bitcast3A_917, %bitcast3A_921 : vector<32xbf16>
          %mul3A_1128 = arith.mulf %mul3A_1127, %bitcast3A_928 : vector<32xbf16>
          %unpack3A_1129 = tpu.unpack_subelements %mul3A_1128, 0 {pack_format = #tpu.pack_format<interleaved>} : vector<32xbf16> -> vector<16xf32>
          %unpack3A_1130 = tpu.unpack_subelements %mul3A_1128, 1 {pack_format = #tpu.pack_format<interleaved>} : vector<32xbf16> -> vector<16xf32>
          %add3A_1131 = arith.addf %add3A_1125, %unpack3A_1129 : vector<16xf32>
          %add3A_1132 = arith.addf %add3A_1126, %unpack3A_1130 : vector<16xf32>
          %add3A_1133 = arith.addf %add3A_1131, %add3A_1132 : vector<16xf32>
          %swap3A_1134 = arith.constant 153 : index
          %swap3A_1135 = tpu.vector_load %arg19[%swap3A_1134] {strides = array<i32>} : memref<272xf32, #tpu.memory_space<vmem>>, vector<16xf32>,
          tpu.vector_store %arg19[%swap3A_1134], %add3A_1133 {strides = array<i32>} : memref<272xf32, #tpu.memory_space<vmem>>, vector<16xf32>,
          %mul3A_1136 = arith.constant 16 : i32
          %mul3A_1137 = arith.muli %add3A_94, %mul3A_1136 : i32
          %add3A_1138 = arith.constant 12 : i32
          %add3A_1139 = arith.addi %mul3A_1137, %add3A_1138 : i32
          %slice3A_1140 = vector.extract_strided_slice %get3A_98 {offsets = [12], sizes = [1], strides = [1]} : vector<16xi32> to vector<1xi32>
          %squeeze3A_1141 = vector.extract %slice3A_1140[0] : i32 from vector<1xi32>
          %get3A_1142 = arith.index_cast %add3A_1139 : i32 to index
          %get3A_1143 = arith.constant 0 : index
          %get3A_1144 = tpu.vector_load %arg11[%get3A_1142, %get3A_1143] {strides = array<i32>} : memref<80x128xi32, #tpu.memory_space<vmem>>, vector<16xi32>,
          %bitcast3A_1145 = vector.bitcast %get3A_1144 : vector<16xi32> to vector<32xbf16>
          %get3A_1146 = arith.index_cast %add3A_1139 : i32 to index
          %get3A_1147 = arith.constant 0 : index
          %get3A_1148 = tpu.vector_load %arg12[%get3A_1146, %get3A_1147] {strides = array<i32>} : memref<80x128xi32, #tpu.memory_space<vmem>>, vector<16xi32>,
          %bitcast3A_1149 = vector.bitcast %get3A_1148 : vector<16xi32> to vector<32xbf16>
          %mul3A_1150 = arith.constant 64 : i32
          %mul3A_1151 = arith.muli %squeeze3A_1141, %mul3A_1150 : i32
          %add3A_1152 = arith.constant 0 : i32
          %add3A_1153 = arith.addi %mul3A_1151, %add3A_1152 : i32
          %get3A_1154 = arith.index_cast %add3A_1153 : i32 to index
          %get3A_1155 = tpu.vector_load %arg17[%get3A_1154] {strides = array<i32>} : memref<4096xi32, #tpu.memory_space<vmem>>, vector<16xi32>,
          %bitcast3A_1156 = vector.bitcast %get3A_1155 : vector<16xi32> to vector<32xbf16>
          %get3A_1157 = arith.index_cast %add3A_1139 : i32 to index
          %get3A_1158 = arith.constant 16 : index
          %get3A_1159 = tpu.vector_load %arg11[%get3A_1157, %get3A_1158] {strides = array<i32>} : memref<80x128xi32, #tpu.memory_space<vmem>>, vector<16xi32>,
          %bitcast3A_1160 = vector.bitcast %get3A_1159 : vector<16xi32> to vector<32xbf16>
          %get3A_1161 = arith.index_cast %add3A_1139 : i32 to index
          %get3A_1162 = arith.constant 16 : index
          %get3A_1163 = tpu.vector_load %arg12[%get3A_1161, %get3A_1162] {strides = array<i32>} : memref<80x128xi32, #tpu.memory_space<vmem>>, vector<16xi32>,
          %bitcast3A_1164 = vector.bitcast %get3A_1163 : vector<16xi32> to vector<32xbf16>
          %mul3A_1165 = arith.constant 64 : i32
          %mul3A_1166 = arith.muli %squeeze3A_1141, %mul3A_1165 : i32
          %add3A_1167 = arith.constant 16 : i32
          %add3A_1168 = arith.addi %mul3A_1166, %add3A_1167 : i32
          %get3A_1169 = arith.index_cast %add3A_1168 : i32 to index
          %get3A_1170 = tpu.vector_load %arg17[%get3A_1169] {strides = array<i32>} : memref<4096xi32, #tpu.memory_space<vmem>>, vector<16xi32>,
          %bitcast3A_1171 = vector.bitcast %get3A_1170 : vector<16xi32> to vector<32xbf16>
          %get3A_1172 = arith.index_cast %add3A_1139 : i32 to index
          %get3A_1173 = arith.constant 32 : index
          %get3A_1174 = tpu.vector_load %arg11[%get3A_1172, %get3A_1173] {strides = array<i32>} : memref<80x128xi32, #tpu.memory_space<vmem>>, vector<16xi32>,
          %bitcast3A_1175 = vector.bitcast %get3A_1174 : vector<16xi32> to vector<32xbf16>
          %get3A_1176 = arith.index_cast %add3A_1139 : i32 to index
          %get3A_1177 = arith.constant 32 : index
          %get3A_1178 = tpu.vector_load %arg12[%get3A_1176, %get3A_1177] {strides = array<i32>} : memref<80x128xi32, #tpu.memory_space<vmem>>, vector<16xi32>,
          %bitcast3A_1179 = vector.bitcast %get3A_1178 : vector<16xi32> to vector<32xbf16>
          %mul3A_1180 = arith.constant 64 : i32
          %mul3A_1181 = arith.muli %squeeze3A_1141, %mul3A_1180 : i32
          %add3A_1182 = arith.constant 32 : i32
          %add3A_1183 = arith.addi %mul3A_1181, %add3A_1182 : i32
          %get3A_1184 = arith.index_cast %add3A_1183 : i32 to index
          %get3A_1185 = tpu.vector_load %arg17[%get3A_1184] {strides = array<i32>} : memref<4096xi32, #tpu.memory_space<vmem>>, vector<16xi32>,
          %bitcast3A_1186 = vector.bitcast %get3A_1185 : vector<16xi32> to vector<32xbf16>
          %get3A_1187 = arith.index_cast %add3A_1139 : i32 to index
          %get3A_1188 = arith.constant 48 : index
          %get3A_1189 = tpu.vector_load %arg11[%get3A_1187, %get3A_1188] {strides = array<i32>} : memref<80x128xi32, #tpu.memory_space<vmem>>, vector<16xi32>,
          %bitcast3A_1190 = vector.bitcast %get3A_1189 : vector<16xi32> to vector<32xbf16>
          %get3A_1191 = arith.index_cast %add3A_1139 : i32 to index
          %get3A_1192 = arith.constant 48 : index
          %get3A_1193 = tpu.vector_load %arg12[%get3A_1191, %get3A_1192] {strides = array<i32>} : memref<80x128xi32, #tpu.memory_space<vmem>>, vector<16xi32>,
          %bitcast3A_1194 = vector.bitcast %get3A_1193 : vector<16xi32> to vector<32xbf16>
          %mul3A_1195 = arith.constant 64 : i32
          %mul3A_1196 = arith.muli %squeeze3A_1141, %mul3A_1195 : i32
          %add3A_1197 = arith.constant 48 : i32
          %add3A_1198 = arith.addi %mul3A_1196, %add3A_1197 : i32
          %get3A_1199 = arith.index_cast %add3A_1198 : i32 to index
          %get3A_1200 = tpu.vector_load %arg17[%get3A_1199] {strides = array<i32>} : memref<4096xi32, #tpu.memory_space<vmem>>, vector<16xi32>,
          %bitcast3A_1201 = vector.bitcast %get3A_1200 : vector<16xi32> to vector<32xbf16>
          %mul3A_1202 = arith.mulf %bitcast3A_963, %bitcast3A_967 : vector<32xbf16>
          %mul3A_1203 = arith.mulf %mul3A_1202, %bitcast3A_974 : vector<32xbf16>
          %unpack3A_1204 = tpu.unpack_subelements %mul3A_1203, 0 {pack_format = #tpu.pack_format<interleaved>} : vector<32xbf16> -> vector<16xf32>
          %unpack3A_1205 = tpu.unpack_subelements %mul3A_1203, 1 {pack_format = #tpu.pack_format<interleaved>} : vector<32xbf16> -> vector<16xf32>
          %mul3A_1206 = arith.mulf %bitcast3A_978, %bitcast3A_982 : vector<32xbf16>
          %mul3A_1207 = arith.mulf %mul3A_1206, %bitcast3A_989 : vector<32xbf16>
          %unpack3A_1208 = tpu.unpack_subelements %mul3A_1207, 0 {pack_format = #tpu.pack_format<interleaved>} : vector<32xbf16> -> vector<16xf32>
          %unpack3A_1209 = tpu.unpack_subelements %mul3A_1207, 1 {pack_format = #tpu.pack_format<interleaved>} : vector<32xbf16> -> vector<16xf32>
          %add3A_1210 = arith.addf %unpack3A_1204, %unpack3A_1208 : vector<16xf32>
          %add3A_1211 = arith.addf %unpack3A_1205, %unpack3A_1209 : vector<16xf32>
          %mul3A_1212 = arith.mulf %bitcast3A_993, %bitcast3A_997 : vector<32xbf16>
          %mul3A_1213 = arith.mulf %mul3A_1212, %bitcast3A_1004 : vector<32xbf16>
          %unpack3A_1214 = tpu.unpack_subelements %mul3A_1213, 0 {pack_format = #tpu.pack_format<interleaved>} : vector<32xbf16> -> vector<16xf32>
          %unpack3A_1215 = tpu.unpack_subelements %mul3A_1213, 1 {pack_format = #tpu.pack_format<interleaved>} : vector<32xbf16> -> vector<16xf32>
          %add3A_1216 = arith.addf %add3A_1210, %unpack3A_1214 : vector<16xf32>
          %add3A_1217 = arith.addf %add3A_1211, %unpack3A_1215 : vector<16xf32>
          %mul3A_1218 = arith.mulf %bitcast3A_1008, %bitcast3A_1012 : vector<32xbf16>
          %mul3A_1219 = arith.mulf %mul3A_1218, %bitcast3A_1019 : vector<32xbf16>
          %unpack3A_1220 = tpu.unpack_subelements %mul3A_1219, 0 {pack_format = #tpu.pack_format<interleaved>} : vector<32xbf16> -> vector<16xf32>
          %unpack3A_1221 = tpu.unpack_subelements %mul3A_1219, 1 {pack_format = #tpu.pack_format<interleaved>} : vector<32xbf16> -> vector<16xf32>
          %add3A_1222 = arith.addf %add3A_1216, %unpack3A_1220 : vector<16xf32>
          %add3A_1223 = arith.addf %add3A_1217, %unpack3A_1221 : vector<16xf32>
          %add3A_1224 = arith.addf %add3A_1222, %add3A_1223 : vector<16xf32>
          %swap3A_1225 = arith.constant 170 : index
          %swap3A_1226 = tpu.vector_load %arg19[%swap3A_1225] {strides = array<i32>} : memref<272xf32, #tpu.memory_space<vmem>>, vector<16xf32>,
          tpu.vector_store %arg19[%swap3A_1225], %add3A_1224 {strides = array<i32>} : memref<272xf32, #tpu.memory_space<vmem>>, vector<16xf32>,
          %mul3A_1227 = arith.constant 16 : i32
          %mul3A_1228 = arith.muli %add3A_94, %mul3A_1227 : i32
          %add3A_1229 = arith.constant 13 : i32
          %add3A_1230 = arith.addi %mul3A_1228, %add3A_1229 : i32
          %slice3A_1231 = vector.extract_strided_slice %get3A_98 {offsets = [13], sizes = [1], strides = [1]} : vector<16xi32> to vector<1xi32>
          %squeeze3A_1232 = vector.extract %slice3A_1231[0] : i32 from vector<1xi32>
          %get3A_1233 = arith.index_cast %add3A_1230 : i32 to index
          %get3A_1234 = arith.constant 0 : index
          %get3A_1235 = tpu.vector_load %arg11[%get3A_1233, %get3A_1234] {strides = array<i32>} : memref<80x128xi32, #tpu.memory_space<vmem>>, vector<16xi32>,
          %bitcast3A_1236 = vector.bitcast %get3A_1235 : vector<16xi32> to vector<32xbf16>
          %get3A_1237 = arith.index_cast %add3A_1230 : i32 to index
          %get3A_1238 = arith.constant 0 : index
          %get3A_1239 = tpu.vector_load %arg12[%get3A_1237, %get3A_1238] {strides = array<i32>} : memref<80x128xi32, #tpu.memory_space<vmem>>, vector<16xi32>,
          %bitcast3A_1240 = vector.bitcast %get3A_1239 : vector<16xi32> to vector<32xbf16>
          %mul3A_1241 = arith.constant 64 : i32
          %mul3A_1242 = arith.muli %squeeze3A_1232, %mul3A_1241 : i32
          %add3A_1243 = arith.constant 0 : i32
          %add3A_1244 = arith.addi %mul3A_1242, %add3A_1243 : i32
          %get3A_1245 = arith.index_cast %add3A_1244 : i32 to index
          %get3A_1246 = tpu.vector_load %arg17[%get3A_1245] {strides = array<i32>} : memref<4096xi32, #tpu.memory_space<vmem>>, vector<16xi32>,
          %bitcast3A_1247 = vector.bitcast %get3A_1246 : vector<16xi32> to vector<32xbf16>
          %get3A_1248 = arith.index_cast %add3A_1230 : i32 to index
          %get3A_1249 = arith.constant 16 : index
          %get3A_1250 = tpu.vector_load %arg11[%get3A_1248, %get3A_1249] {strides = array<i32>} : memref<80x128xi32, #tpu.memory_space<vmem>>, vector<16xi32>,
          %bitcast3A_1251 = vector.bitcast %get3A_1250 : vector<16xi32> to vector<32xbf16>
          %get3A_1252 = arith.index_cast %add3A_1230 : i32 to index
          %get3A_1253 = arith.constant 16 : index
          %get3A_1254 = tpu.vector_load %arg12[%get3A_1252, %get3A_1253] {strides = array<i32>} : memref<80x128xi32, #tpu.memory_space<vmem>>, vector<16xi32>,
          %bitcast3A_1255 = vector.bitcast %get3A_1254 : vector<16xi32> to vector<32xbf16>
          %mul3A_1256 = arith.constant 64 : i32
          %mul3A_1257 = arith.muli %squeeze3A_1232, %mul3A_1256 : i32
          %add3A_1258 = arith.constant 16 : i32
          %add3A_1259 = arith.addi %mul3A_1257, %add3A_1258 : i32
          %get3A_1260 = arith.index_cast %add3A_1259 : i32 to index
          %get3A_1261 = tpu.vector_load %arg17[%get3A_1260] {strides = array<i32>} : memref<4096xi32, #tpu.memory_space<vmem>>, vector<16xi32>,
          %bitcast3A_1262 = vector.bitcast %get3A_1261 : vector<16xi32> to vector<32xbf16>
          %get3A_1263 = arith.index_cast %add3A_1230 : i32 to index
          %get3A_1264 = arith.constant 32 : index
          %get3A_1265 = tpu.vector_load %arg11[%get3A_1263, %get3A_1264] {strides = array<i32>} : memref<80x128xi32, #tpu.memory_space<vmem>>, vector<16xi32>,
          %bitcast3A_1266 = vector.bitcast %get3A_1265 : vector<16xi32> to vector<32xbf16>
          %get3A_1267 = arith.index_cast %add3A_1230 : i32 to index
          %get3A_1268 = arith.constant 32 : index
          %get3A_1269 = tpu.vector_load %arg12[%get3A_1267, %get3A_1268] {strides = array<i32>} : memref<80x128xi32, #tpu.memory_space<vmem>>, vector<16xi32>,
          %bitcast3A_1270 = vector.bitcast %get3A_1269 : vector<16xi32> to vector<32xbf16>
          %mul3A_1271 = arith.constant 64 : i32
          %mul3A_1272 = arith.muli %squeeze3A_1232, %mul3A_1271 : i32
          %add3A_1273 = arith.constant 32 : i32
          %add3A_1274 = arith.addi %mul3A_1272, %add3A_1273 : i32
          %get3A_1275 = arith.index_cast %add3A_1274 : i32 to index
          %get3A_1276 = tpu.vector_load %arg17[%get3A_1275] {strides = array<i32>} : memref<4096xi32, #tpu.memory_space<vmem>>, vector<16xi32>,
          %bitcast3A_1277 = vector.bitcast %get3A_1276 : vector<16xi32> to vector<32xbf16>
          %get3A_1278 = arith.index_cast %add3A_1230 : i32 to index
          %get3A_1279 = arith.constant 48 : index
          %get3A_1280 = tpu.vector_load %arg11[%get3A_1278, %get3A_1279] {strides = array<i32>} : memref<80x128xi32, #tpu.memory_space<vmem>>, vector<16xi32>,
          %bitcast3A_1281 = vector.bitcast %get3A_1280 : vector<16xi32> to vector<32xbf16>
          %get3A_1282 = arith.index_cast %add3A_1230 : i32 to index
          %get3A_1283 = arith.constant 48 : index
          %get3A_1284 = tpu.vector_load %arg12[%get3A_1282, %get3A_1283] {strides = array<i32>} : memref<80x128xi32, #tpu.memory_space<vmem>>, vector<16xi32>,
          %bitcast3A_1285 = vector.bitcast %get3A_1284 : vector<16xi32> to vector<32xbf16>
          %mul3A_1286 = arith.constant 64 : i32
          %mul3A_1287 = arith.muli %squeeze3A_1232, %mul3A_1286 : i32
          %add3A_1288 = arith.constant 48 : i32
          %add3A_1289 = arith.addi %mul3A_1287, %add3A_1288 : i32
          %get3A_1290 = arith.index_cast %add3A_1289 : i32 to index
          %get3A_1291 = tpu.vector_load %arg17[%get3A_1290] {strides = array<i32>} : memref<4096xi32, #tpu.memory_space<vmem>>, vector<16xi32>,
          %bitcast3A_1292 = vector.bitcast %get3A_1291 : vector<16xi32> to vector<32xbf16>
          %mul3A_1293 = arith.mulf %bitcast3A_1054, %bitcast3A_1058 : vector<32xbf16>
          %mul3A_1294 = arith.mulf %mul3A_1293, %bitcast3A_1065 : vector<32xbf16>
          %unpack3A_1295 = tpu.unpack_subelements %mul3A_1294, 0 {pack_format = #tpu.pack_format<interleaved>} : vector<32xbf16> -> vector<16xf32>
          %unpack3A_1296 = tpu.unpack_subelements %mul3A_1294, 1 {pack_format = #tpu.pack_format<interleaved>} : vector<32xbf16> -> vector<16xf32>
          %mul3A_1297 = arith.mulf %bitcast3A_1069, %bitcast3A_1073 : vector<32xbf16>
          %mul3A_1298 = arith.mulf %mul3A_1297, %bitcast3A_1080 : vector<32xbf16>
          %unpack3A_1299 = tpu.unpack_subelements %mul3A_1298, 0 {pack_format = #tpu.pack_format<interleaved>} : vector<32xbf16> -> vector<16xf32>
          %unpack3A_1300 = tpu.unpack_subelements %mul3A_1298, 1 {pack_format = #tpu.pack_format<interleaved>} : vector<32xbf16> -> vector<16xf32>
          %add3A_1301 = arith.addf %unpack3A_1295, %unpack3A_1299 : vector<16xf32>
          %add3A_1302 = arith.addf %unpack3A_1296, %unpack3A_1300 : vector<16xf32>
          %mul3A_1303 = arith.mulf %bitcast3A_1084, %bitcast3A_1088 : vector<32xbf16>
          %mul3A_1304 = arith.mulf %mul3A_1303, %bitcast3A_1095 : vector<32xbf16>
          %unpack3A_1305 = tpu.unpack_subelements %mul3A_1304, 0 {pack_format = #tpu.pack_format<interleaved>} : vector<32xbf16> -> vector<16xf32>
          %unpack3A_1306 = tpu.unpack_subelements %mul3A_1304, 1 {pack_format = #tpu.pack_format<interleaved>} : vector<32xbf16> -> vector<16xf32>
          %add3A_1307 = arith.addf %add3A_1301, %unpack3A_1305 : vector<16xf32>
          %add3A_1308 = arith.addf %add3A_1302, %unpack3A_1306 : vector<16xf32>
          %mul3A_1309 = arith.mulf %bitcast3A_1099, %bitcast3A_1103 : vector<32xbf16>
          %mul3A_1310 = arith.mulf %mul3A_1309, %bitcast3A_1110 : vector<32xbf16>
          %unpack3A_1311 = tpu.unpack_subelements %mul3A_1310, 0 {pack_format = #tpu.pack_format<interleaved>} : vector<32xbf16> -> vector<16xf32>
          %unpack3A_1312 = tpu.unpack_subelements %mul3A_1310, 1 {pack_format = #tpu.pack_format<interleaved>} : vector<32xbf16> -> vector<16xf32>
          %add3A_1313 = arith.addf %add3A_1307, %unpack3A_1311 : vector<16xf32>
          %add3A_1314 = arith.addf %add3A_1308, %unpack3A_1312 : vector<16xf32>
          %add3A_1315 = arith.addf %add3A_1313, %add3A_1314 : vector<16xf32>
          %swap3A_1316 = arith.constant 187 : index
          %swap3A_1317 = tpu.vector_load %arg19[%swap3A_1316] {strides = array<i32>} : memref<272xf32, #tpu.memory_space<vmem>>, vector<16xf32>,
          tpu.vector_store %arg19[%swap3A_1316], %add3A_1315 {strides = array<i32>} : memref<272xf32, #tpu.memory_space<vmem>>, vector<16xf32>,
          %mul3A_1318 = arith.constant 16 : i32
          %mul3A_1319 = arith.muli %add3A_94, %mul3A_1318 : i32
          %add3A_1320 = arith.constant 14 : i32
          %add3A_1321 = arith.addi %mul3A_1319, %add3A_1320 : i32
          %slice3A_1322 = vector.extract_strided_slice %get3A_98 {offsets = [14], sizes = [1], strides = [1]} : vector<16xi32> to vector<1xi32>
          %squeeze3A_1323 = vector.extract %slice3A_1322[0] : i32 from vector<1xi32>
          %get3A_1324 = arith.index_cast %add3A_1321 : i32 to index
          %get3A_1325 = arith.constant 0 : index
          %get3A_1326 = tpu.vector_load %arg11[%get3A_1324, %get3A_1325] {strides = array<i32>} : memref<80x128xi32, #tpu.memory_space<vmem>>, vector<16xi32>,
          %bitcast3A_1327 = vector.bitcast %get3A_1326 : vector<16xi32> to vector<32xbf16>
          %get3A_1328 = arith.index_cast %add3A_1321 : i32 to index
          %get3A_1329 = arith.constant 0 : index
          %get3A_1330 = tpu.vector_load %arg12[%get3A_1328, %get3A_1329] {strides = array<i32>} : memref<80x128xi32, #tpu.memory_space<vmem>>, vector<16xi32>,
          %bitcast3A_1331 = vector.bitcast %get3A_1330 : vector<16xi32> to vector<32xbf16>
          %mul3A_1332 = arith.constant 64 : i32
          %mul3A_1333 = arith.muli %squeeze3A_1323, %mul3A_1332 : i32
          %add3A_1334 = arith.constant 0 : i32
          %add3A_1335 = arith.addi %mul3A_1333, %add3A_1334 : i32
          %get3A_1336 = arith.index_cast %add3A_1335 : i32 to index
          %get3A_1337 = tpu.vector_load %arg17[%get3A_1336] {strides = array<i32>} : memref<4096xi32, #tpu.memory_space<vmem>>, vector<16xi32>,
          %bitcast3A_1338 = vector.bitcast %get3A_1337 : vector<16xi32> to vector<32xbf16>
          %get3A_1339 = arith.index_cast %add3A_1321 : i32 to index
          %get3A_1340 = arith.constant 16 : index
          %get3A_1341 = tpu.vector_load %arg11[%get3A_1339, %get3A_1340] {strides = array<i32>} : memref<80x128xi32, #tpu.memory_space<vmem>>, vector<16xi32>,
          %bitcast3A_1342 = vector.bitcast %get3A_1341 : vector<16xi32> to vector<32xbf16>
          %get3A_1343 = arith.index_cast %add3A_1321 : i32 to index
          %get3A_1344 = arith.constant 16 : index
          %get3A_1345 = tpu.vector_load %arg12[%get3A_1343, %get3A_1344] {strides = array<i32>} : memref<80x128xi32, #tpu.memory_space<vmem>>, vector<16xi32>,
          %bitcast3A_1346 = vector.bitcast %get3A_1345 : vector<16xi32> to vector<32xbf16>
          %mul3A_1347 = arith.constant 64 : i32
          %mul3A_1348 = arith.muli %squeeze3A_1323, %mul3A_1347 : i32
          %add3A_1349 = arith.constant 16 : i32
          %add3A_1350 = arith.addi %mul3A_1348, %add3A_1349 : i32
          %get3A_1351 = arith.index_cast %add3A_1350 : i32 to index
          %get3A_1352 = tpu.vector_load %arg17[%get3A_1351] {strides = array<i32>} : memref<4096xi32, #tpu.memory_space<vmem>>, vector<16xi32>,
          %bitcast3A_1353 = vector.bitcast %get3A_1352 : vector<16xi32> to vector<32xbf16>
          %get3A_1354 = arith.index_cast %add3A_1321 : i32 to index
          %get3A_1355 = arith.constant 32 : index
          %get3A_1356 = tpu.vector_load %arg11[%get3A_1354, %get3A_1355] {strides = array<i32>} : memref<80x128xi32, #tpu.memory_space<vmem>>, vector<16xi32>,
          %bitcast3A_1357 = vector.bitcast %get3A_1356 : vector<16xi32> to vector<32xbf16>
          %get3A_1358 = arith.index_cast %add3A_1321 : i32 to index
          %get3A_1359 = arith.constant 32 : index
          %get3A_1360 = tpu.vector_load %arg12[%get3A_1358, %get3A_1359] {strides = array<i32>} : memref<80x128xi32, #tpu.memory_space<vmem>>, vector<16xi32>,
          %bitcast3A_1361 = vector.bitcast %get3A_1360 : vector<16xi32> to vector<32xbf16>
          %mul3A_1362 = arith.constant 64 : i32
          %mul3A_1363 = arith.muli %squeeze3A_1323, %mul3A_1362 : i32
          %add3A_1364 = arith.constant 32 : i32
          %add3A_1365 = arith.addi %mul3A_1363, %add3A_1364 : i32
          %get3A_1366 = arith.index_cast %add3A_1365 : i32 to index
          %get3A_1367 = tpu.vector_load %arg17[%get3A_1366] {strides = array<i32>} : memref<4096xi32, #tpu.memory_space<vmem>>, vector<16xi32>,
          %bitcast3A_1368 = vector.bitcast %get3A_1367 : vector<16xi32> to vector<32xbf16>
          %get3A_1369 = arith.index_cast %add3A_1321 : i32 to index
          %get3A_1370 = arith.constant 48 : index
          %get3A_1371 = tpu.vector_load %arg11[%get3A_1369, %get3A_1370] {strides = array<i32>} : memref<80x128xi32, #tpu.memory_space<vmem>>, vector<16xi32>,
          %bitcast3A_1372 = vector.bitcast %get3A_1371 : vector<16xi32> to vector<32xbf16>
          %get3A_1373 = arith.index_cast %add3A_1321 : i32 to index
          %get3A_1374 = arith.constant 48 : index
          %get3A_1375 = tpu.vector_load %arg12[%get3A_1373, %get3A_1374] {strides = array<i32>} : memref<80x128xi32, #tpu.memory_space<vmem>>, vector<16xi32>,
          %bitcast3A_1376 = vector.bitcast %get3A_1375 : vector<16xi32> to vector<32xbf16>
          %mul3A_1377 = arith.constant 64 : i32
          %mul3A_1378 = arith.muli %squeeze3A_1323, %mul3A_1377 : i32
          %add3A_1379 = arith.constant 48 : i32
          %add3A_1380 = arith.addi %mul3A_1378, %add3A_1379 : i32
          %get3A_1381 = arith.index_cast %add3A_1380 : i32 to index
          %get3A_1382 = tpu.vector_load %arg17[%get3A_1381] {strides = array<i32>} : memref<4096xi32, #tpu.memory_space<vmem>>, vector<16xi32>,
          %bitcast3A_1383 = vector.bitcast %get3A_1382 : vector<16xi32> to vector<32xbf16>
          %mul3A_1384 = arith.mulf %bitcast3A_1145, %bitcast3A_1149 : vector<32xbf16>
          %mul3A_1385 = arith.mulf %mul3A_1384, %bitcast3A_1156 : vector<32xbf16>
          %unpack3A_1386 = tpu.unpack_subelements %mul3A_1385, 0 {pack_format = #tpu.pack_format<interleaved>} : vector<32xbf16> -> vector<16xf32>
          %unpack3A_1387 = tpu.unpack_subelements %mul3A_1385, 1 {pack_format = #tpu.pack_format<interleaved>} : vector<32xbf16> -> vector<16xf32>
          %mul3A_1388 = arith.mulf %bitcast3A_1160, %bitcast3A_1164 : vector<32xbf16>
          %mul3A_1389 = arith.mulf %mul3A_1388, %bitcast3A_1171 : vector<32xbf16>
          %unpack3A_1390 = tpu.unpack_subelements %mul3A_1389, 0 {pack_format = #tpu.pack_format<interleaved>} : vector<32xbf16> -> vector<16xf32>
          %unpack3A_1391 = tpu.unpack_subelements %mul3A_1389, 1 {pack_format = #tpu.pack_format<interleaved>} : vector<32xbf16> -> vector<16xf32>
          %add3A_1392 = arith.addf %unpack3A_1386, %unpack3A_1390 : vector<16xf32>
          %add3A_1393 = arith.addf %unpack3A_1387, %unpack3A_1391 : vector<16xf32>
          %mul3A_1394 = arith.mulf %bitcast3A_1175, %bitcast3A_1179 : vector<32xbf16>
          %mul3A_1395 = arith.mulf %mul3A_1394, %bitcast3A_1186 : vector<32xbf16>
          %unpack3A_1396 = tpu.unpack_subelements %mul3A_1395, 0 {pack_format = #tpu.pack_format<interleaved>} : vector<32xbf16> -> vector<16xf32>
          %unpack3A_1397 = tpu.unpack_subelements %mul3A_1395, 1 {pack_format = #tpu.pack_format<interleaved>} : vector<32xbf16> -> vector<16xf32>
          %add3A_1398 = arith.addf %add3A_1392, %unpack3A_1396 : vector<16xf32>
          %add3A_1399 = arith.addf %add3A_1393, %unpack3A_1397 : vector<16xf32>
          %mul3A_1400 = arith.mulf %bitcast3A_1190, %bitcast3A_1194 : vector<32xbf16>
          %mul3A_1401 = arith.mulf %mul3A_1400, %bitcast3A_1201 : vector<32xbf16>
          %unpack3A_1402 = tpu.unpack_subelements %mul3A_1401, 0 {pack_format = #tpu.pack_format<interleaved>} : vector<32xbf16> -> vector<16xf32>
          %unpack3A_1403 = tpu.unpack_subelements %mul3A_1401, 1 {pack_format = #tpu.pack_format<interleaved>} : vector<32xbf16> -> vector<16xf32>
          %add3A_1404 = arith.addf %add3A_1398, %unpack3A_1402 : vector<16xf32>
          %add3A_1405 = arith.addf %add3A_1399, %unpack3A_1403 : vector<16xf32>
          %add3A_1406 = arith.addf %add3A_1404, %add3A_1405 : vector<16xf32>
          %swap3A_1407 = arith.constant 204 : index
          %swap3A_1408 = tpu.vector_load %arg19[%swap3A_1407] {strides = array<i32>} : memref<272xf32, #tpu.memory_space<vmem>>, vector<16xf32>,
          tpu.vector_store %arg19[%swap3A_1407], %add3A_1406 {strides = array<i32>} : memref<272xf32, #tpu.memory_space<vmem>>, vector<16xf32>,
          %mul3A_1409 = arith.constant 16 : i32
          %mul3A_1410 = arith.muli %add3A_94, %mul3A_1409 : i32
          %add3A_1411 = arith.constant 15 : i32
          %add3A_1412 = arith.addi %mul3A_1410, %add3A_1411 : i32
          %slice3A_1413 = vector.extract_strided_slice %get3A_98 {offsets = [15], sizes = [1], strides = [1]} : vector<16xi32> to vector<1xi32>
          %squeeze3A_1414 = vector.extract %slice3A_1413[0] : i32 from vector<1xi32>
          %get3A_1415 = arith.index_cast %add3A_1412 : i32 to index
          %get3A_1416 = arith.constant 0 : index
          %get3A_1417 = tpu.vector_load %arg11[%get3A_1415, %get3A_1416] {strides = array<i32>} : memref<80x128xi32, #tpu.memory_space<vmem>>, vector<16xi32>,
          %bitcast3A_1418 = vector.bitcast %get3A_1417 : vector<16xi32> to vector<32xbf16>
          %get3A_1419 = arith.index_cast %add3A_1412 : i32 to index
          %get3A_1420 = arith.constant 0 : index
          %get3A_1421 = tpu.vector_load %arg12[%get3A_1419, %get3A_1420] {strides = array<i32>} : memref<80x128xi32, #tpu.memory_space<vmem>>, vector<16xi32>,
          %bitcast3A_1422 = vector.bitcast %get3A_1421 : vector<16xi32> to vector<32xbf16>
          %mul3A_1423 = arith.constant 64 : i32
          %mul3A_1424 = arith.muli %squeeze3A_1414, %mul3A_1423 : i32
          %add3A_1425 = arith.constant 0 : i32
          %add3A_1426 = arith.addi %mul3A_1424, %add3A_1425 : i32
          %get3A_1427 = arith.index_cast %add3A_1426 : i32 to index
          %get3A_1428 = tpu.vector_load %arg17[%get3A_1427] {strides = array<i32>} : memref<4096xi32, #tpu.memory_space<vmem>>, vector<16xi32>,
          %bitcast3A_1429 = vector.bitcast %get3A_1428 : vector<16xi32> to vector<32xbf16>
          %get3A_1430 = arith.index_cast %add3A_1412 : i32 to index
          %get3A_1431 = arith.constant 16 : index
          %get3A_1432 = tpu.vector_load %arg11[%get3A_1430, %get3A_1431] {strides = array<i32>} : memref<80x128xi32, #tpu.memory_space<vmem>>, vector<16xi32>,
          %bitcast3A_1433 = vector.bitcast %get3A_1432 : vector<16xi32> to vector<32xbf16>
          %get3A_1434 = arith.index_cast %add3A_1412 : i32 to index
          %get3A_1435 = arith.constant 16 : index
          %get3A_1436 = tpu.vector_load %arg12[%get3A_1434, %get3A_1435] {strides = array<i32>} : memref<80x128xi32, #tpu.memory_space<vmem>>, vector<16xi32>,
          %bitcast3A_1437 = vector.bitcast %get3A_1436 : vector<16xi32> to vector<32xbf16>
          %mul3A_1438 = arith.constant 64 : i32
          %mul3A_1439 = arith.muli %squeeze3A_1414, %mul3A_1438 : i32
          %add3A_1440 = arith.constant 16 : i32
          %add3A_1441 = arith.addi %mul3A_1439, %add3A_1440 : i32
          %get3A_1442 = arith.index_cast %add3A_1441 : i32 to index
          %get3A_1443 = tpu.vector_load %arg17[%get3A_1442] {strides = array<i32>} : memref<4096xi32, #tpu.memory_space<vmem>>, vector<16xi32>,
          %bitcast3A_1444 = vector.bitcast %get3A_1443 : vector<16xi32> to vector<32xbf16>
          %get3A_1445 = arith.index_cast %add3A_1412 : i32 to index
          %get3A_1446 = arith.constant 32 : index
          %get3A_1447 = tpu.vector_load %arg11[%get3A_1445, %get3A_1446] {strides = array<i32>} : memref<80x128xi32, #tpu.memory_space<vmem>>, vector<16xi32>,
          %bitcast3A_1448 = vector.bitcast %get3A_1447 : vector<16xi32> to vector<32xbf16>
          %get3A_1449 = arith.index_cast %add3A_1412 : i32 to index
          %get3A_1450 = arith.constant 32 : index
          %get3A_1451 = tpu.vector_load %arg12[%get3A_1449, %get3A_1450] {strides = array<i32>} : memref<80x128xi32, #tpu.memory_space<vmem>>, vector<16xi32>,
          %bitcast3A_1452 = vector.bitcast %get3A_1451 : vector<16xi32> to vector<32xbf16>
          %mul3A_1453 = arith.constant 64 : i32
          %mul3A_1454 = arith.muli %squeeze3A_1414, %mul3A_1453 : i32
          %add3A_1455 = arith.constant 32 : i32
          %add3A_1456 = arith.addi %mul3A_1454, %add3A_1455 : i32
          %get3A_1457 = arith.index_cast %add3A_1456 : i32 to index
          %get3A_1458 = tpu.vector_load %arg17[%get3A_1457] {strides = array<i32>} : memref<4096xi32, #tpu.memory_space<vmem>>, vector<16xi32>,
          %bitcast3A_1459 = vector.bitcast %get3A_1458 : vector<16xi32> to vector<32xbf16>
          %get3A_1460 = arith.index_cast %add3A_1412 : i32 to index
          %get3A_1461 = arith.constant 48 : index
          %get3A_1462 = tpu.vector_load %arg11[%get3A_1460, %get3A_1461] {strides = array<i32>} : memref<80x128xi32, #tpu.memory_space<vmem>>, vector<16xi32>,
          %bitcast3A_1463 = vector.bitcast %get3A_1462 : vector<16xi32> to vector<32xbf16>
          %get3A_1464 = arith.index_cast %add3A_1412 : i32 to index
          %get3A_1465 = arith.constant 48 : index
          %get3A_1466 = tpu.vector_load %arg12[%get3A_1464, %get3A_1465] {strides = array<i32>} : memref<80x128xi32, #tpu.memory_space<vmem>>, vector<16xi32>,
          %bitcast3A_1467 = vector.bitcast %get3A_1466 : vector<16xi32> to vector<32xbf16>
          %mul3A_1468 = arith.constant 64 : i32
          %mul3A_1469 = arith.muli %squeeze3A_1414, %mul3A_1468 : i32
          %add3A_1470 = arith.constant 48 : i32
          %add3A_1471 = arith.addi %mul3A_1469, %add3A_1470 : i32
          %get3A_1472 = arith.index_cast %add3A_1471 : i32 to index
          %get3A_1473 = tpu.vector_load %arg17[%get3A_1472] {strides = array<i32>} : memref<4096xi32, #tpu.memory_space<vmem>>, vector<16xi32>,
          %bitcast3A_1474 = vector.bitcast %get3A_1473 : vector<16xi32> to vector<32xbf16>
          %mul3A_1475 = arith.mulf %bitcast3A_1236, %bitcast3A_1240 : vector<32xbf16>
          %mul3A_1476 = arith.mulf %mul3A_1475, %bitcast3A_1247 : vector<32xbf16>
          %unpack3A_1477 = tpu.unpack_subelements %mul3A_1476, 0 {pack_format = #tpu.pack_format<interleaved>} : vector<32xbf16> -> vector<16xf32>
          %unpack3A_1478 = tpu.unpack_subelements %mul3A_1476, 1 {pack_format = #tpu.pack_format<interleaved>} : vector<32xbf16> -> vector<16xf32>
          %mul3A_1479 = arith.mulf %bitcast3A_1251, %bitcast3A_1255 : vector<32xbf16>
          %mul3A_1480 = arith.mulf %mul3A_1479, %bitcast3A_1262 : vector<32xbf16>
          %unpack3A_1481 = tpu.unpack_subelements %mul3A_1480, 0 {pack_format = #tpu.pack_format<interleaved>} : vector<32xbf16> -> vector<16xf32>
          %unpack3A_1482 = tpu.unpack_subelements %mul3A_1480, 1 {pack_format = #tpu.pack_format<interleaved>} : vector<32xbf16> -> vector<16xf32>
          %add3A_1483 = arith.addf %unpack3A_1477, %unpack3A_1481 : vector<16xf32>
          %add3A_1484 = arith.addf %unpack3A_1478, %unpack3A_1482 : vector<16xf32>
          %mul3A_1485 = arith.mulf %bitcast3A_1266, %bitcast3A_1270 : vector<32xbf16>
          %mul3A_1486 = arith.mulf %mul3A_1485, %bitcast3A_1277 : vector<32xbf16>
          %unpack3A_1487 = tpu.unpack_subelements %mul3A_1486, 0 {pack_format = #tpu.pack_format<interleaved>} : vector<32xbf16> -> vector<16xf32>
          %unpack3A_1488 = tpu.unpack_subelements %mul3A_1486, 1 {pack_format = #tpu.pack_format<interleaved>} : vector<32xbf16> -> vector<16xf32>
          %add3A_1489 = arith.addf %add3A_1483, %unpack3A_1487 : vector<16xf32>
          %add3A_1490 = arith.addf %add3A_1484, %unpack3A_1488 : vector<16xf32>
          %mul3A_1491 = arith.mulf %bitcast3A_1281, %bitcast3A_1285 : vector<32xbf16>
          %mul3A_1492 = arith.mulf %mul3A_1491, %bitcast3A_1292 : vector<32xbf16>
          %unpack3A_1493 = tpu.unpack_subelements %mul3A_1492, 0 {pack_format = #tpu.pack_format<interleaved>} : vector<32xbf16> -> vector<16xf32>
          %unpack3A_1494 = tpu.unpack_subelements %mul3A_1492, 1 {pack_format = #tpu.pack_format<interleaved>} : vector<32xbf16> -> vector<16xf32>
          %add3A_1495 = arith.addf %add3A_1489, %unpack3A_1493 : vector<16xf32>
          %add3A_1496 = arith.addf %add3A_1490, %unpack3A_1494 : vector<16xf32>
          %add3A_1497 = arith.addf %add3A_1495, %add3A_1496 : vector<16xf32>
          %swap3A_1498 = arith.constant 221 : index
          %swap3A_1499 = tpu.vector_load %arg19[%swap3A_1498] {strides = array<i32>} : memref<272xf32, #tpu.memory_space<vmem>>, vector<16xf32>,
          tpu.vector_store %arg19[%swap3A_1498], %add3A_1497 {strides = array<i32>} : memref<272xf32, #tpu.memory_space<vmem>>, vector<16xf32>,
          %mul3A_1500 = arith.mulf %bitcast3A_1327, %bitcast3A_1331 : vector<32xbf16>
          %mul3A_1501 = arith.mulf %mul3A_1500, %bitcast3A_1338 : vector<32xbf16>
          %unpack3A_1502 = tpu.unpack_subelements %mul3A_1501, 0 {pack_format = #tpu.pack_format<interleaved>} : vector<32xbf16> -> vector<16xf32>
          %unpack3A_1503 = tpu.unpack_subelements %mul3A_1501, 1 {pack_format = #tpu.pack_format<interleaved>} : vector<32xbf16> -> vector<16xf32>
          %mul3A_1504 = arith.mulf %bitcast3A_1342, %bitcast3A_1346 : vector<32xbf16>
          %mul3A_1505 = arith.mulf %mul3A_1504, %bitcast3A_1353 : vector<32xbf16>
          %unpack3A_1506 = tpu.unpack_subelements %mul3A_1505, 0 {pack_format = #tpu.pack_format<interleaved>} : vector<32xbf16> -> vector<16xf32>
          %unpack3A_1507 = tpu.unpack_subelements %mul3A_1505, 1 {pack_format = #tpu.pack_format<interleaved>} : vector<32xbf16> -> vector<16xf32>
          %add3A_1508 = arith.addf %unpack3A_1502, %unpack3A_1506 : vector<16xf32>
          %add3A_1509 = arith.addf %unpack3A_1503, %unpack3A_1507 : vector<16xf32>
          %mul3A_1510 = arith.mulf %bitcast3A_1357, %bitcast3A_1361 : vector<32xbf16>
          %mul3A_1511 = arith.mulf %mul3A_1510, %bitcast3A_1368 : vector<32xbf16>
          %unpack3A_1512 = tpu.unpack_subelements %mul3A_1511, 0 {pack_format = #tpu.pack_format<interleaved>} : vector<32xbf16> -> vector<16xf32>
          %unpack3A_1513 = tpu.unpack_subelements %mul3A_1511, 1 {pack_format = #tpu.pack_format<interleaved>} : vector<32xbf16> -> vector<16xf32>
          %add3A_1514 = arith.addf %add3A_1508, %unpack3A_1512 : vector<16xf32>
          %add3A_1515 = arith.addf %add3A_1509, %unpack3A_1513 : vector<16xf32>
          %mul3A_1516 = arith.mulf %bitcast3A_1372, %bitcast3A_1376 : vector<32xbf16>
          %mul3A_1517 = arith.mulf %mul3A_1516, %bitcast3A_1383 : vector<32xbf16>
          %unpack3A_1518 = tpu.unpack_subelements %mul3A_1517, 0 {pack_format = #tpu.pack_format<interleaved>} : vector<32xbf16> -> vector<16xf32>
          %unpack3A_1519 = tpu.unpack_subelements %mul3A_1517, 1 {pack_format = #tpu.pack_format<interleaved>} : vector<32xbf16> -> vector<16xf32>
          %add3A_1520 = arith.addf %add3A_1514, %unpack3A_1518 : vector<16xf32>
          %add3A_1521 = arith.addf %add3A_1515, %unpack3A_1519 : vector<16xf32>
          %add3A_1522 = arith.addf %add3A_1520, %add3A_1521 : vector<16xf32>
          %swap3A_1523 = arith.constant 238 : index
          %swap3A_1524 = tpu.vector_load %arg19[%swap3A_1523] {strides = array<i32>} : memref<272xf32, #tpu.memory_space<vmem>>, vector<16xf32>,
          tpu.vector_store %arg19[%swap3A_1523], %add3A_1522 {strides = array<i32>} : memref<272xf32, #tpu.memory_space<vmem>>, vector<16xf32>,
          %mul3A_1525 = arith.mulf %bitcast3A_1418, %bitcast3A_1422 : vector<32xbf16>
          %mul3A_1526 = arith.mulf %mul3A_1525, %bitcast3A_1429 : vector<32xbf16>
          %unpack3A_1527 = tpu.unpack_subelements %mul3A_1526, 0 {pack_format = #tpu.pack_format<interleaved>} : vector<32xbf16> -> vector<16xf32>
          %unpack3A_1528 = tpu.unpack_subelements %mul3A_1526, 1 {pack_format = #tpu.pack_format<interleaved>} : vector<32xbf16> -> vector<16xf32>
          %mul3A_1529 = arith.mulf %bitcast3A_1433, %bitcast3A_1437 : vector<32xbf16>
          %mul3A_1530 = arith.mulf %mul3A_1529, %bitcast3A_1444 : vector<32xbf16>
          %unpack3A_1531 = tpu.unpack_subelements %mul3A_1530, 0 {pack_format = #tpu.pack_format<interleaved>} : vector<32xbf16> -> vector<16xf32>
          %unpack3A_1532 = tpu.unpack_subelements %mul3A_1530, 1 {pack_format = #tpu.pack_format<interleaved>} : vector<32xbf16> -> vector<16xf32>
          %add3A_1533 = arith.addf %unpack3A_1527, %unpack3A_1531 : vector<16xf32>
          %add3A_1534 = arith.addf %unpack3A_1528, %unpack3A_1532 : vector<16xf32>
          %mul3A_1535 = arith.mulf %bitcast3A_1448, %bitcast3A_1452 : vector<32xbf16>
          %mul3A_1536 = arith.mulf %mul3A_1535, %bitcast3A_1459 : vector<32xbf16>
          %unpack3A_1537 = tpu.unpack_subelements %mul3A_1536, 0 {pack_format = #tpu.pack_format<interleaved>} : vector<32xbf16> -> vector<16xf32>
          %unpack3A_1538 = tpu.unpack_subelements %mul3A_1536, 1 {pack_format = #tpu.pack_format<interleaved>} : vector<32xbf16> -> vector<16xf32>
          %add3A_1539 = arith.addf %add3A_1533, %unpack3A_1537 : vector<16xf32>
          %add3A_1540 = arith.addf %add3A_1534, %unpack3A_1538 : vector<16xf32>
          %mul3A_1541 = arith.mulf %bitcast3A_1463, %bitcast3A_1467 : vector<32xbf16>
          %mul3A_1542 = arith.mulf %mul3A_1541, %bitcast3A_1474 : vector<32xbf16>
          %unpack3A_1543 = tpu.unpack_subelements %mul3A_1542, 0 {pack_format = #tpu.pack_format<interleaved>} : vector<32xbf16> -> vector<16xf32>
          %unpack3A_1544 = tpu.unpack_subelements %mul3A_1542, 1 {pack_format = #tpu.pack_format<interleaved>} : vector<32xbf16> -> vector<16xf32>
          %add3A_1545 = arith.addf %add3A_1539, %unpack3A_1543 : vector<16xf32>
          %add3A_1546 = arith.addf %add3A_1540, %unpack3A_1544 : vector<16xf32>
          %add3A_1547 = arith.addf %add3A_1545, %add3A_1546 : vector<16xf32>
          %swap3A_1548 = arith.constant 255 : index
          %swap3A_1549 = tpu.vector_load %arg19[%swap3A_1548] {strides = array<i32>} : memref<272xf32, #tpu.memory_space<vmem>>, vector<16xf32>,
          tpu.vector_store %arg19[%swap3A_1548], %add3A_1547 {strides = array<i32>} : memref<272xf32, #tpu.memory_space<vmem>>, vector<16xf32>,
          %add3A_1550 = arith.constant 0 : i32
          %add3A_1551 = vector.broadcast %add3A_1550 : i32 to vector<16xi32>
          %add3A_1552 = arith.addi %mul3A_5, %add3A_1551 : vector<16xi32>
          %gather3A = tpu.vector_load_idx %arg19[%add3A_1552] : memref<272xf32, #tpu.memory_space<vmem>>[vector<16xi32>], vector<16xf32>,
          %add3A_1553 = arith.constant 1 : i32
          %add3A_1554 = vector.broadcast %add3A_1553 : i32 to vector<16xi32>
          %add3A_1555 = arith.addi %mul3A_5, %add3A_1554 : vector<16xi32>
          %gather3A_1556 = tpu.vector_load_idx %arg19[%add3A_1555] : memref<272xf32, #tpu.memory_space<vmem>>[vector<16xi32>], vector<16xf32>,
          %add3A_1557 = arith.constant 2 : i32
          %add3A_1558 = vector.broadcast %add3A_1557 : i32 to vector<16xi32>
          %add3A_1559 = arith.addi %mul3A_5, %add3A_1558 : vector<16xi32>
          %gather3A_1560 = tpu.vector_load_idx %arg19[%add3A_1559] : memref<272xf32, #tpu.memory_space<vmem>>[vector<16xi32>], vector<16xf32>,
          %add3A_1561 = arith.addf %gather3A, %gather3A_1560 : vector<16xf32>
          %add3A_1562 = arith.constant 3 : i32
          %add3A_1563 = vector.broadcast %add3A_1562 : i32 to vector<16xi32>
          %add3A_1564 = arith.addi %mul3A_5, %add3A_1563 : vector<16xi32>
          %gather3A_1565 = tpu.vector_load_idx %arg19[%add3A_1564] : memref<272xf32, #tpu.memory_space<vmem>>[vector<16xi32>], vector<16xf32>,
          %add3A_1566 = arith.addf %gather3A_1556, %gather3A_1565 : vector<16xf32>
          %add3A_1567 = arith.constant 4 : i32
          %add3A_1568 = vector.broadcast %add3A_1567 : i32 to vector<16xi32>
          %add3A_1569 = arith.addi %mul3A_5, %add3A_1568 : vector<16xi32>
          %gather3A_1570 = tpu.vector_load_idx %arg19[%add3A_1569] : memref<272xf32, #tpu.memory_space<vmem>>[vector<16xi32>], vector<16xf32>,
          %add3A_1571 = arith.addf %add3A_1561, %gather3A_1570 : vector<16xf32>
          %add3A_1572 = arith.constant 5 : i32
          %add3A_1573 = vector.broadcast %add3A_1572 : i32 to vector<16xi32>
          %add3A_1574 = arith.addi %mul3A_5, %add3A_1573 : vector<16xi32>
          %gather3A_1575 = tpu.vector_load_idx %arg19[%add3A_1574] : memref<272xf32, #tpu.memory_space<vmem>>[vector<16xi32>], vector<16xf32>,
          %add3A_1576 = arith.addf %add3A_1566, %gather3A_1575 : vector<16xf32>
          %add3A_1577 = arith.constant 6 : i32
          %add3A_1578 = vector.broadcast %add3A_1577 : i32 to vector<16xi32>
          %add3A_1579 = arith.addi %mul3A_5, %add3A_1578 : vector<16xi32>
          %gather3A_1580 = tpu.vector_load_idx %arg19[%add3A_1579] : memref<272xf32, #tpu.memory_space<vmem>>[vector<16xi32>], vector<16xf32>,
          %add3A_1581 = arith.addf %add3A_1571, %gather3A_1580 : vector<16xf32>
          %add3A_1582 = arith.constant 7 : i32
          %add3A_1583 = vector.broadcast %add3A_1582 : i32 to vector<16xi32>
          %add3A_1584 = arith.addi %mul3A_5, %add3A_1583 : vector<16xi32>
          %gather3A_1585 = tpu.vector_load_idx %arg19[%add3A_1584] : memref<272xf32, #tpu.memory_space<vmem>>[vector<16xi32>], vector<16xf32>,
          %add3A_1586 = arith.addf %add3A_1576, %gather3A_1585 : vector<16xf32>
          %add3A_1587 = arith.constant 8 : i32
          %add3A_1588 = vector.broadcast %add3A_1587 : i32 to vector<16xi32>
          %add3A_1589 = arith.addi %mul3A_5, %add3A_1588 : vector<16xi32>
          %gather3A_1590 = tpu.vector_load_idx %arg19[%add3A_1589] : memref<272xf32, #tpu.memory_space<vmem>>[vector<16xi32>], vector<16xf32>,
          %add3A_1591 = arith.addf %add3A_1581, %gather3A_1590 : vector<16xf32>
          %add3A_1592 = arith.constant 9 : i32
          %add3A_1593 = vector.broadcast %add3A_1592 : i32 to vector<16xi32>
          %add3A_1594 = arith.addi %mul3A_5, %add3A_1593 : vector<16xi32>
          %gather3A_1595 = tpu.vector_load_idx %arg19[%add3A_1594] : memref<272xf32, #tpu.memory_space<vmem>>[vector<16xi32>], vector<16xf32>,
          %add3A_1596 = arith.addf %add3A_1586, %gather3A_1595 : vector<16xf32>
          %add3A_1597 = arith.constant 10 : i32
          %add3A_1598 = vector.broadcast %add3A_1597 : i32 to vector<16xi32>
          %add3A_1599 = arith.addi %mul3A_5, %add3A_1598 : vector<16xi32>
          %gather3A_1600 = tpu.vector_load_idx %arg19[%add3A_1599] : memref<272xf32, #tpu.memory_space<vmem>>[vector<16xi32>], vector<16xf32>,
          %add3A_1601 = arith.addf %add3A_1591, %gather3A_1600 : vector<16xf32>
          %add3A_1602 = arith.constant 11 : i32
          %add3A_1603 = vector.broadcast %add3A_1602 : i32 to vector<16xi32>
          %add3A_1604 = arith.addi %mul3A_5, %add3A_1603 : vector<16xi32>
          %gather3A_1605 = tpu.vector_load_idx %arg19[%add3A_1604] : memref<272xf32, #tpu.memory_space<vmem>>[vector<16xi32>], vector<16xf32>,
          %add3A_1606 = arith.addf %add3A_1596, %gather3A_1605 : vector<16xf32>
          %add3A_1607 = arith.constant 12 : i32
          %add3A_1608 = vector.broadcast %add3A_1607 : i32 to vector<16xi32>
          %add3A_1609 = arith.addi %mul3A_5, %add3A_1608 : vector<16xi32>
          %gather3A_1610 = tpu.vector_load_idx %arg19[%add3A_1609] : memref<272xf32, #tpu.memory_space<vmem>>[vector<16xi32>], vector<16xf32>,
          %add3A_1611 = arith.addf %add3A_1601, %gather3A_1610 : vector<16xf32>
          %add3A_1612 = arith.constant 13 : i32
          %add3A_1613 = vector.broadcast %add3A_1612 : i32 to vector<16xi32>
          %add3A_1614 = arith.addi %mul3A_5, %add3A_1613 : vector<16xi32>
          %gather3A_1615 = tpu.vector_load_idx %arg19[%add3A_1614] : memref<272xf32, #tpu.memory_space<vmem>>[vector<16xi32>], vector<16xf32>,
          %add3A_1616 = arith.addf %add3A_1606, %gather3A_1615 : vector<16xf32>
          %add3A_1617 = arith.constant 14 : i32
          %add3A_1618 = vector.broadcast %add3A_1617 : i32 to vector<16xi32>
          %add3A_1619 = arith.addi %mul3A_5, %add3A_1618 : vector<16xi32>
          %gather3A_1620 = tpu.vector_load_idx %arg19[%add3A_1619] : memref<272xf32, #tpu.memory_space<vmem>>[vector<16xi32>], vector<16xf32>,
          %add3A_1621 = arith.addf %add3A_1611, %gather3A_1620 : vector<16xf32>
          %add3A_1622 = arith.constant 15 : i32
          %add3A_1623 = vector.broadcast %add3A_1622 : i32 to vector<16xi32>
          %add3A_1624 = arith.addi %mul3A_5, %add3A_1623 : vector<16xi32>
          %gather3A_1625 = tpu.vector_load_idx %arg19[%add3A_1624] : memref<272xf32, #tpu.memory_space<vmem>>[vector<16xi32>], vector<16xf32>,
          %add3A_1626 = arith.addf %add3A_1616, %gather3A_1625 : vector<16xf32>
          %add3A_1627 = arith.addf %add3A_1621, %add3A_1626 : vector<16xf32>
          %mul3A_1628 = arith.constant 80 : i32
          %mul3A_1629 = arith.muli %add3A_41, %mul3A_1628 : i32
          %mul3A_1630 = arith.constant 16 : i32
          %mul3A_1631 = arith.muli %add3A_94, %mul3A_1630 : i32
          %add3A_1632 = arith.addi %mul3A_1629, %mul3A_1631 : i32
          %swap3A_1633 = arith.constant 0 : i32
          %swap3A_1634 = arith.index_cast %swap3A_1633 : i32 to index
          %swap3A_1635 = arith.index_cast %add3A_1632 : i32 to index
          %swap3A_1636 = tpu.vector_load %arg18[%swap3A_1634, %swap3A_1635] {strides = array<i32>} : memref<1x10000xf32, #tpu.memory_space<vmem>>, vector<16xf32>,
          tpu.vector_store %arg18[%swap3A_1634, %swap3A_1635], %add3A_1627 {strides = array<i32>} : memref<1x10000xf32, #tpu.memory_space<vmem>>, vector<16xf32>,
        }
        %scan3A_89 = arith.constant 5 : i32
      } else {
      }
      %eq3A_55 = arith.constant 1 : i32
      %eq3A_56 = arith.cmpi eq, %select_n3A_51, %eq3A_55 : i32
      %convert_element_type3A_57 = arith.extui %eq3A_56 : i1 to i32
      %cond3A_58 = arith.constant 0 : i32
      %cond3A_59 = arith.cmpi ne, %convert_element_type3A_57, %cond3A_58 : i32
      scf.if %cond3A_59 {
        %dma_wait3A = arith.constant 0 : i32
        %dma_wait3A_65 = arith.constant 0 : i32
        %dma_wait3A_66 = tpu.memref_slice %arg8[%dma_wait3A, %dma_wait3A_65] : memref<125x80xi32, #tpu.memory_space<vmem>> -> memref<1x80xi32, #tpu.memory_space<vmem>>
        %dma_wait3A_67 = tpu.memref_squeeze %dma_wait3A_66 : memref<1x80xi32, #tpu.memory_space<vmem>> -> memref<80xi32, #tpu.memory_space<vmem>>
        %dma_wait3A_68 = arith.constant 0 : i32
        %dma_wait3A_69 = arith.constant 0 : i32
        %dma_wait3A_70 = tpu.memref_slice %arg2[%dma_wait3A_68, %dma_wait3A_69] : memref<10000x128xi32, #tpu.memory_space<hbm>> -> memref<10000x128xi32, #tpu.memory_space<hbm>>
        tpu.wait_indirect_dma semaphore(%arg21 : memref<!tpu.dma_semaphore, #tpu.memory_space<semaphore_mem>>) src(%dma_wait3A_70 : memref<10000x128xi32, #tpu.memory_space<hbm>>) dst(%arg13 : memref<80x128xi32, #tpu.memory_space<vmem>>)
        %dma_wait3A_71 = arith.constant 0 : i32
        %dma_wait3A_72 = arith.constant 0 : i32
        %dma_wait3A_73 = tpu.memref_slice %arg9[%dma_wait3A_71, %dma_wait3A_72] : memref<125x80xi32, #tpu.memory_space<vmem>> -> memref<1x80xi32, #tpu.memory_space<vmem>>
        %dma_wait3A_74 = tpu.memref_squeeze %dma_wait3A_73 : memref<1x80xi32, #tpu.memory_space<vmem>> -> memref<80xi32, #tpu.memory_space<vmem>>
        %dma_wait3A_75 = arith.constant 0 : i32
        %dma_wait3A_76 = arith.constant 0 : i32
        %dma_wait3A_77 = tpu.memref_slice %arg2[%dma_wait3A_75, %dma_wait3A_76] : memref<10000x128xi32, #tpu.memory_space<hbm>> -> memref<10000x128xi32, #tpu.memory_space<hbm>>
        tpu.wait_indirect_dma semaphore(%arg21 : memref<!tpu.dma_semaphore, #tpu.memory_space<semaphore_mem>>) src(%dma_wait3A_77 : memref<10000x128xi32, #tpu.memory_space<hbm>>) dst(%arg14 : memref<80x128xi32, #tpu.memory_space<vmem>>)
        %add3A_78 = arith.constant 2 : i32
        %add3A_79 = arith.addi %add3A_41, %add3A_78 : i32
        %lt3A_80 = arith.constant 125 : i32
        %lt3A_81 = arith.cmpi slt, %add3A_79, %lt3A_80 : i32
        %convert_element_type3A_82 = arith.extui %lt3A_81 : i1 to i32
        %cond3A_83 = arith.constant 0 : i32
        %cond3A_84 = arith.cmpi ne, %convert_element_type3A_82, %cond3A_83 : i32
        scf.if %cond3A_84 {
          %add3A_90 = arith.constant 2 : i32
          %add3A_91 = arith.addi %add3A_41, %add3A_90 : i32
          %dma_start3A_92 = arith.constant 0 : i32
          %dma_start3A_93 = tpu.memref_slice %arg8[%add3A_91, %dma_start3A_92] : memref<125x80xi32, #tpu.memory_space<vmem>> -> memref<1x80xi32, #tpu.memory_space<vmem>>
          %dma_start3A_94 = tpu.memref_squeeze %dma_start3A_93 : memref<1x80xi32, #tpu.memory_space<vmem>> -> memref<80xi32, #tpu.memory_space<vmem>>
          %dma_start3A_95 = arith.constant 0 : i32
          %dma_start3A_96 = arith.constant 0 : i32
          %dma_start3A_97 = tpu.memref_slice %arg2[%dma_start3A_95, %dma_start3A_96] : memref<10000x128xi32, #tpu.memory_space<hbm>> -> memref<10000x128xi32, #tpu.memory_space<hbm>>
          tpu.enqueue_indirect_dma source(%dma_start3A_97 : memref<10000x128xi32, #tpu.memory_space<hbm>>) target(%arg11 : memref<80x128xi32, #tpu.memory_space<vmem>>) offsets(%dma_start3A_94 : memref<80xi32, #tpu.memory_space<vmem>>) semaphore(%arg20 : memref<!tpu.dma_semaphore, #tpu.memory_space<semaphore_mem>>)
          %dma_start3A_98 = arith.constant 0 : i32
          %dma_start3A_99 = tpu.memref_slice %arg9[%add3A_91, %dma_start3A_98] : memref<125x80xi32, #tpu.memory_space<vmem>> -> memref<1x80xi32, #tpu.memory_space<vmem>>
          %dma_start3A_100 = tpu.memref_squeeze %dma_start3A_99 : memref<1x80xi32, #tpu.memory_space<vmem>> -> memref<80xi32, #tpu.memory_space<vmem>>
          %dma_start3A_101 = arith.constant 0 : i32
          %dma_start3A_102 = arith.constant 0 : i32
          %dma_start3A_103 = tpu.memref_slice %arg2[%dma_start3A_101, %dma_start3A_102] : memref<10000x128xi32, #tpu.memory_space<hbm>> -> memref<10000x128xi32, #tpu.memory_space<hbm>>
          tpu.enqueue_indirect_dma source(%dma_start3A_103 : memref<10000x128xi32, #tpu.memory_space<hbm>>) target(%arg12 : memref<80x128xi32, #tpu.memory_space<vmem>>) offsets(%dma_start3A_100 : memref<80xi32, #tpu.memory_space<vmem>>) semaphore(%arg20 : memref<!tpu.dma_semaphore, #tpu.memory_space<semaphore_mem>>)
        } else {
        }
        %scan3A_85 = arith.constant 0 : i32
        %scan3A_86 = arith.constant 5 : i32
        %scan3A_87 = arith.addi %scan3A_85, %scan3A_86 : i32
        %scan3A_88 = arith.constant 1 : i32
        scf.for %scan3A_90 = %scan3A_85 to %scan3A_87 step %scan3A_88  : i32 {
          %mul3A_91 = arith.constant 1 : i32
          %mul3A_92 = arith.muli %scan3A_90, %mul3A_91 : i32
          %add3A_93 = arith.constant 0 : i32
          %add3A_94 = arith.addi %add3A_93, %mul3A_92 : i32
          %mul3A_95 = arith.constant 16 : i32
          %mul3A_96 = arith.muli %add3A_94, %mul3A_95 : i32
          %get3A = arith.index_cast %add3A_41 : i32 to index
          %get3A_97 = arith.index_cast %mul3A_96 : i32 to index
          %get3A_98 = tpu.vector_load %arg10[%get3A, %get3A_97] {strides = array<i32>} : memref<125x80xi32, #tpu.memory_space<vmem>>, vector<16xi32>,
          %mul3A_99 = arith.constant 16 : i32
          %mul3A_100 = arith.muli %add3A_94, %mul3A_99 : i32
          %add3A_101 = arith.constant 0 : i32
          %add3A_102 = arith.addi %mul3A_100, %add3A_101 : i32
          %slice3A = vector.extract_strided_slice %get3A_98 {offsets = [0], sizes = [1], strides = [1]} : vector<16xi32> to vector<1xi32>
          %squeeze3A = vector.extract %slice3A[0] : i32 from vector<1xi32>
          %get3A_103 = arith.index_cast %add3A_102 : i32 to index
          %get3A_104 = arith.constant 0 : index
          %get3A_105 = tpu.vector_load %arg13[%get3A_103, %get3A_104] {strides = array<i32>} : memref<80x128xi32, #tpu.memory_space<vmem>>, vector<16xi32>,
          %bitcast3A = vector.bitcast %get3A_105 : vector<16xi32> to vector<32xbf16>
          %get3A_106 = arith.index_cast %add3A_102 : i32 to index
          %get3A_107 = arith.constant 0 : index
          %get3A_108 = tpu.vector_load %arg14[%get3A_106, %get3A_107] {strides = array<i32>} : memref<80x128xi32, #tpu.memory_space<vmem>>, vector<16xi32>,
          %bitcast3A_109 = vector.bitcast %get3A_108 : vector<16xi32> to vector<32xbf16>
          %mul3A_110 = arith.constant 64 : i32
          %mul3A_111 = arith.muli %squeeze3A, %mul3A_110 : i32
          %add3A_112 = arith.constant 0 : i32
          %add3A_113 = arith.addi %mul3A_111, %add3A_112 : i32
          %get3A_114 = arith.index_cast %add3A_113 : i32 to index
          %get3A_115 = tpu.vector_load %arg17[%get3A_114] {strides = array<i32>} : memref<4096xi32, #tpu.memory_space<vmem>>, vector<16xi32>,
          %bitcast3A_116 = vector.bitcast %get3A_115 : vector<16xi32> to vector<32xbf16>
          %get3A_117 = arith.index_cast %add3A_102 : i32 to index
          %get3A_118 = arith.constant 16 : index
          %get3A_119 = tpu.vector_load %arg13[%get3A_117, %get3A_118] {strides = array<i32>} : memref<80x128xi32, #tpu.memory_space<vmem>>, vector<16xi32>,
          %bitcast3A_120 = vector.bitcast %get3A_119 : vector<16xi32> to vector<32xbf16>
          %get3A_121 = arith.index_cast %add3A_102 : i32 to index
          %get3A_122 = arith.constant 16 : index
          %get3A_123 = tpu.vector_load %arg14[%get3A_121, %get3A_122] {strides = array<i32>} : memref<80x128xi32, #tpu.memory_space<vmem>>, vector<16xi32>,
          %bitcast3A_124 = vector.bitcast %get3A_123 : vector<16xi32> to vector<32xbf16>
          %mul3A_125 = arith.constant 64 : i32
          %mul3A_126 = arith.muli %squeeze3A, %mul3A_125 : i32
          %add3A_127 = arith.constant 16 : i32
          %add3A_128 = arith.addi %mul3A_126, %add3A_127 : i32
          %get3A_129 = arith.index_cast %add3A_128 : i32 to index
          %get3A_130 = tpu.vector_load %arg17[%get3A_129] {strides = array<i32>} : memref<4096xi32, #tpu.memory_space<vmem>>, vector<16xi32>,
          %bitcast3A_131 = vector.bitcast %get3A_130 : vector<16xi32> to vector<32xbf16>
          %get3A_132 = arith.index_cast %add3A_102 : i32 to index
          %get3A_133 = arith.constant 32 : index
          %get3A_134 = tpu.vector_load %arg13[%get3A_132, %get3A_133] {strides = array<i32>} : memref<80x128xi32, #tpu.memory_space<vmem>>, vector<16xi32>,
          %bitcast3A_135 = vector.bitcast %get3A_134 : vector<16xi32> to vector<32xbf16>
          %get3A_136 = arith.index_cast %add3A_102 : i32 to index
          %get3A_137 = arith.constant 32 : index
          %get3A_138 = tpu.vector_load %arg14[%get3A_136, %get3A_137] {strides = array<i32>} : memref<80x128xi32, #tpu.memory_space<vmem>>, vector<16xi32>,
          %bitcast3A_139 = vector.bitcast %get3A_138 : vector<16xi32> to vector<32xbf16>
          %mul3A_140 = arith.constant 64 : i32
          %mul3A_141 = arith.muli %squeeze3A, %mul3A_140 : i32
          %add3A_142 = arith.constant 32 : i32
          %add3A_143 = arith.addi %mul3A_141, %add3A_142 : i32
          %get3A_144 = arith.index_cast %add3A_143 : i32 to index
          %get3A_145 = tpu.vector_load %arg17[%get3A_144] {strides = array<i32>} : memref<4096xi32, #tpu.memory_space<vmem>>, vector<16xi32>,
          %bitcast3A_146 = vector.bitcast %get3A_145 : vector<16xi32> to vector<32xbf16>
          %get3A_147 = arith.index_cast %add3A_102 : i32 to index
          %get3A_148 = arith.constant 48 : index
          %get3A_149 = tpu.vector_load %arg13[%get3A_147, %get3A_148] {strides = array<i32>} : memref<80x128xi32, #tpu.memory_space<vmem>>, vector<16xi32>,
          %bitcast3A_150 = vector.bitcast %get3A_149 : vector<16xi32> to vector<32xbf16>
          %get3A_151 = arith.index_cast %add3A_102 : i32 to index
          %get3A_152 = arith.constant 48 : index
          %get3A_153 = tpu.vector_load %arg14[%get3A_151, %get3A_152] {strides = array<i32>} : memref<80x128xi32, #tpu.memory_space<vmem>>, vector<16xi32>,
          %bitcast3A_154 = vector.bitcast %get3A_153 : vector<16xi32> to vector<32xbf16>
          %mul3A_155 = arith.constant 64 : i32
          %mul3A_156 = arith.muli %squeeze3A, %mul3A_155 : i32
          %add3A_157 = arith.constant 48 : i32
          %add3A_158 = arith.addi %mul3A_156, %add3A_157 : i32
          %get3A_159 = arith.index_cast %add3A_158 : i32 to index
          %get3A_160 = tpu.vector_load %arg17[%get3A_159] {strides = array<i32>} : memref<4096xi32, #tpu.memory_space<vmem>>, vector<16xi32>,
          %bitcast3A_161 = vector.bitcast %get3A_160 : vector<16xi32> to vector<32xbf16>
          %mul3A_162 = arith.constant 16 : i32
          %mul3A_163 = arith.muli %add3A_94, %mul3A_162 : i32
          %add3A_164 = arith.constant 1 : i32
          %add3A_165 = arith.addi %mul3A_163, %add3A_164 : i32
          %slice3A_166 = vector.extract_strided_slice %get3A_98 {offsets = [1], sizes = [1], strides = [1]} : vector<16xi32> to vector<1xi32>
          %squeeze3A_167 = vector.extract %slice3A_166[0] : i32 from vector<1xi32>
          %get3A_168 = arith.index_cast %add3A_165 : i32 to index
          %get3A_169 = arith.constant 0 : index
          %get3A_170 = tpu.vector_load %arg13[%get3A_168, %get3A_169] {strides = array<i32>} : memref<80x128xi32, #tpu.memory_space<vmem>>, vector<16xi32>,
          %bitcast3A_171 = vector.bitcast %get3A_170 : vector<16xi32> to vector<32xbf16>
          %get3A_172 = arith.index_cast %add3A_165 : i32 to index
          %get3A_173 = arith.constant 0 : index
          %get3A_174 = tpu.vector_load %arg14[%get3A_172, %get3A_173] {strides = array<i32>} : memref<80x128xi32, #tpu.memory_space<vmem>>, vector<16xi32>,
          %bitcast3A_175 = vector.bitcast %get3A_174 : vector<16xi32> to vector<32xbf16>
          %mul3A_176 = arith.constant 64 : i32
          %mul3A_177 = arith.muli %squeeze3A_167, %mul3A_176 : i32
          %add3A_178 = arith.constant 0 : i32
          %add3A_179 = arith.addi %mul3A_177, %add3A_178 : i32
          %get3A_180 = arith.index_cast %add3A_179 : i32 to index
          %get3A_181 = tpu.vector_load %arg17[%get3A_180] {strides = array<i32>} : memref<4096xi32, #tpu.memory_space<vmem>>, vector<16xi32>,
          %bitcast3A_182 = vector.bitcast %get3A_181 : vector<16xi32> to vector<32xbf16>
          %get3A_183 = arith.index_cast %add3A_165 : i32 to index
          %get3A_184 = arith.constant 16 : index
          %get3A_185 = tpu.vector_load %arg13[%get3A_183, %get3A_184] {strides = array<i32>} : memref<80x128xi32, #tpu.memory_space<vmem>>, vector<16xi32>,
          %bitcast3A_186 = vector.bitcast %get3A_185 : vector<16xi32> to vector<32xbf16>
          %get3A_187 = arith.index_cast %add3A_165 : i32 to index
          %get3A_188 = arith.constant 16 : index
          %get3A_189 = tpu.vector_load %arg14[%get3A_187, %get3A_188] {strides = array<i32>} : memref<80x128xi32, #tpu.memory_space<vmem>>, vector<16xi32>,
          %bitcast3A_190 = vector.bitcast %get3A_189 : vector<16xi32> to vector<32xbf16>
          %mul3A_191 = arith.constant 64 : i32
          %mul3A_192 = arith.muli %squeeze3A_167, %mul3A_191 : i32
          %add3A_193 = arith.constant 16 : i32
          %add3A_194 = arith.addi %mul3A_192, %add3A_193 : i32
          %get3A_195 = arith.index_cast %add3A_194 : i32 to index
          %get3A_196 = tpu.vector_load %arg17[%get3A_195] {strides = array<i32>} : memref<4096xi32, #tpu.memory_space<vmem>>, vector<16xi32>,
          %bitcast3A_197 = vector.bitcast %get3A_196 : vector<16xi32> to vector<32xbf16>
          %get3A_198 = arith.index_cast %add3A_165 : i32 to index
          %get3A_199 = arith.constant 32 : index
          %get3A_200 = tpu.vector_load %arg13[%get3A_198, %get3A_199] {strides = array<i32>} : memref<80x128xi32, #tpu.memory_space<vmem>>, vector<16xi32>,
          %bitcast3A_201 = vector.bitcast %get3A_200 : vector<16xi32> to vector<32xbf16>
          %get3A_202 = arith.index_cast %add3A_165 : i32 to index
          %get3A_203 = arith.constant 32 : index
          %get3A_204 = tpu.vector_load %arg14[%get3A_202, %get3A_203] {strides = array<i32>} : memref<80x128xi32, #tpu.memory_space<vmem>>, vector<16xi32>,
          %bitcast3A_205 = vector.bitcast %get3A_204 : vector<16xi32> to vector<32xbf16>
          %mul3A_206 = arith.constant 64 : i32
          %mul3A_207 = arith.muli %squeeze3A_167, %mul3A_206 : i32
          %add3A_208 = arith.constant 32 : i32
          %add3A_209 = arith.addi %mul3A_207, %add3A_208 : i32
          %get3A_210 = arith.index_cast %add3A_209 : i32 to index
          %get3A_211 = tpu.vector_load %arg17[%get3A_210] {strides = array<i32>} : memref<4096xi32, #tpu.memory_space<vmem>>, vector<16xi32>,
          %bitcast3A_212 = vector.bitcast %get3A_211 : vector<16xi32> to vector<32xbf16>
          %get3A_213 = arith.index_cast %add3A_165 : i32 to index
          %get3A_214 = arith.constant 48 : index
          %get3A_215 = tpu.vector_load %arg13[%get3A_213, %get3A_214] {strides = array<i32>} : memref<80x128xi32, #tpu.memory_space<vmem>>, vector<16xi32>,
          %bitcast3A_216 = vector.bitcast %get3A_215 : vector<16xi32> to vector<32xbf16>
          %get3A_217 = arith.index_cast %add3A_165 : i32 to index
          %get3A_218 = arith.constant 48 : index
          %get3A_219 = tpu.vector_load %arg14[%get3A_217, %get3A_218] {strides = array<i32>} : memref<80x128xi32, #tpu.memory_space<vmem>>, vector<16xi32>,
          %bitcast3A_220 = vector.bitcast %get3A_219 : vector<16xi32> to vector<32xbf16>
          %mul3A_221 = arith.constant 64 : i32
          %mul3A_222 = arith.muli %squeeze3A_167, %mul3A_221 : i32
          %add3A_223 = arith.constant 48 : i32
          %add3A_224 = arith.addi %mul3A_222, %add3A_223 : i32
          %get3A_225 = arith.index_cast %add3A_224 : i32 to index
          %get3A_226 = tpu.vector_load %arg17[%get3A_225] {strides = array<i32>} : memref<4096xi32, #tpu.memory_space<vmem>>, vector<16xi32>,
          %bitcast3A_227 = vector.bitcast %get3A_226 : vector<16xi32> to vector<32xbf16>
          %mul3A_228 = arith.constant 16 : i32
          %mul3A_229 = arith.muli %add3A_94, %mul3A_228 : i32
          %add3A_230 = arith.constant 2 : i32
          %add3A_231 = arith.addi %mul3A_229, %add3A_230 : i32
          %slice3A_232 = vector.extract_strided_slice %get3A_98 {offsets = [2], sizes = [1], strides = [1]} : vector<16xi32> to vector<1xi32>
          %squeeze3A_233 = vector.extract %slice3A_232[0] : i32 from vector<1xi32>
          %get3A_234 = arith.index_cast %add3A_231 : i32 to index
          %get3A_235 = arith.constant 0 : index
          %get3A_236 = tpu.vector_load %arg13[%get3A_234, %get3A_235] {strides = array<i32>} : memref<80x128xi32, #tpu.memory_space<vmem>>, vector<16xi32>,
          %bitcast3A_237 = vector.bitcast %get3A_236 : vector<16xi32> to vector<32xbf16>
          %get3A_238 = arith.index_cast %add3A_231 : i32 to index
          %get3A_239 = arith.constant 0 : index
          %get3A_240 = tpu.vector_load %arg14[%get3A_238, %get3A_239] {strides = array<i32>} : memref<80x128xi32, #tpu.memory_space<vmem>>, vector<16xi32>,
          %bitcast3A_241 = vector.bitcast %get3A_240 : vector<16xi32> to vector<32xbf16>
          %mul3A_242 = arith.constant 64 : i32
          %mul3A_243 = arith.muli %squeeze3A_233, %mul3A_242 : i32
          %add3A_244 = arith.constant 0 : i32
          %add3A_245 = arith.addi %mul3A_243, %add3A_244 : i32
          %get3A_246 = arith.index_cast %add3A_245 : i32 to index
          %get3A_247 = tpu.vector_load %arg17[%get3A_246] {strides = array<i32>} : memref<4096xi32, #tpu.memory_space<vmem>>, vector<16xi32>,
          %bitcast3A_248 = vector.bitcast %get3A_247 : vector<16xi32> to vector<32xbf16>
          %get3A_249 = arith.index_cast %add3A_231 : i32 to index
          %get3A_250 = arith.constant 16 : index
          %get3A_251 = tpu.vector_load %arg13[%get3A_249, %get3A_250] {strides = array<i32>} : memref<80x128xi32, #tpu.memory_space<vmem>>, vector<16xi32>,
          %bitcast3A_252 = vector.bitcast %get3A_251 : vector<16xi32> to vector<32xbf16>
          %get3A_253 = arith.index_cast %add3A_231 : i32 to index
          %get3A_254 = arith.constant 16 : index
          %get3A_255 = tpu.vector_load %arg14[%get3A_253, %get3A_254] {strides = array<i32>} : memref<80x128xi32, #tpu.memory_space<vmem>>, vector<16xi32>,
          %bitcast3A_256 = vector.bitcast %get3A_255 : vector<16xi32> to vector<32xbf16>
          %mul3A_257 = arith.constant 64 : i32
          %mul3A_258 = arith.muli %squeeze3A_233, %mul3A_257 : i32
          %add3A_259 = arith.constant 16 : i32
          %add3A_260 = arith.addi %mul3A_258, %add3A_259 : i32
          %get3A_261 = arith.index_cast %add3A_260 : i32 to index
          %get3A_262 = tpu.vector_load %arg17[%get3A_261] {strides = array<i32>} : memref<4096xi32, #tpu.memory_space<vmem>>, vector<16xi32>,
          %bitcast3A_263 = vector.bitcast %get3A_262 : vector<16xi32> to vector<32xbf16>
          %get3A_264 = arith.index_cast %add3A_231 : i32 to index
          %get3A_265 = arith.constant 32 : index
          %get3A_266 = tpu.vector_load %arg13[%get3A_264, %get3A_265] {strides = array<i32>} : memref<80x128xi32, #tpu.memory_space<vmem>>, vector<16xi32>,
          %bitcast3A_267 = vector.bitcast %get3A_266 : vector<16xi32> to vector<32xbf16>
          %get3A_268 = arith.index_cast %add3A_231 : i32 to index
          %get3A_269 = arith.constant 32 : index
          %get3A_270 = tpu.vector_load %arg14[%get3A_268, %get3A_269] {strides = array<i32>} : memref<80x128xi32, #tpu.memory_space<vmem>>, vector<16xi32>,
          %bitcast3A_271 = vector.bitcast %get3A_270 : vector<16xi32> to vector<32xbf16>
          %mul3A_272 = arith.constant 64 : i32
          %mul3A_273 = arith.muli %squeeze3A_233, %mul3A_272 : i32
          %add3A_274 = arith.constant 32 : i32
          %add3A_275 = arith.addi %mul3A_273, %add3A_274 : i32
          %get3A_276 = arith.index_cast %add3A_275 : i32 to index
          %get3A_277 = tpu.vector_load %arg17[%get3A_276] {strides = array<i32>} : memref<4096xi32, #tpu.memory_space<vmem>>, vector<16xi32>,
          %bitcast3A_278 = vector.bitcast %get3A_277 : vector<16xi32> to vector<32xbf16>
          %get3A_279 = arith.index_cast %add3A_231 : i32 to index
          %get3A_280 = arith.constant 48 : index
          %get3A_281 = tpu.vector_load %arg13[%get3A_279, %get3A_280] {strides = array<i32>} : memref<80x128xi32, #tpu.memory_space<vmem>>, vector<16xi32>,
          %bitcast3A_282 = vector.bitcast %get3A_281 : vector<16xi32> to vector<32xbf16>
          %get3A_283 = arith.index_cast %add3A_231 : i32 to index
          %get3A_284 = arith.constant 48 : index
          %get3A_285 = tpu.vector_load %arg14[%get3A_283, %get3A_284] {strides = array<i32>} : memref<80x128xi32, #tpu.memory_space<vmem>>, vector<16xi32>,
          %bitcast3A_286 = vector.bitcast %get3A_285 : vector<16xi32> to vector<32xbf16>
          %mul3A_287 = arith.constant 64 : i32
          %mul3A_288 = arith.muli %squeeze3A_233, %mul3A_287 : i32
          %add3A_289 = arith.constant 48 : i32
          %add3A_290 = arith.addi %mul3A_288, %add3A_289 : i32
          %get3A_291 = arith.index_cast %add3A_290 : i32 to index
          %get3A_292 = tpu.vector_load %arg17[%get3A_291] {strides = array<i32>} : memref<4096xi32, #tpu.memory_space<vmem>>, vector<16xi32>,
          %bitcast3A_293 = vector.bitcast %get3A_292 : vector<16xi32> to vector<32xbf16>
          %mul3A_294 = arith.mulf %bitcast3A, %bitcast3A_109 : vector<32xbf16>
          %mul3A_295 = arith.mulf %mul3A_294, %bitcast3A_116 : vector<32xbf16>
          %unpack3A = tpu.unpack_subelements %mul3A_295, 0 {pack_format = #tpu.pack_format<interleaved>} : vector<32xbf16> -> vector<16xf32>
          %unpack3A_296 = tpu.unpack_subelements %mul3A_295, 1 {pack_format = #tpu.pack_format<interleaved>} : vector<32xbf16> -> vector<16xf32>
          %mul3A_297 = arith.mulf %bitcast3A_120, %bitcast3A_124 : vector<32xbf16>
          %mul3A_298 = arith.mulf %mul3A_297, %bitcast3A_131 : vector<32xbf16>
          %unpack3A_299 = tpu.unpack_subelements %mul3A_298, 0 {pack_format = #tpu.pack_format<interleaved>} : vector<32xbf16> -> vector<16xf32>
          %unpack3A_300 = tpu.unpack_subelements %mul3A_298, 1 {pack_format = #tpu.pack_format<interleaved>} : vector<32xbf16> -> vector<16xf32>
          %add3A_301 = arith.addf %unpack3A, %unpack3A_299 : vector<16xf32>
          %add3A_302 = arith.addf %unpack3A_296, %unpack3A_300 : vector<16xf32>
          %mul3A_303 = arith.mulf %bitcast3A_135, %bitcast3A_139 : vector<32xbf16>
          %mul3A_304 = arith.mulf %mul3A_303, %bitcast3A_146 : vector<32xbf16>
          %unpack3A_305 = tpu.unpack_subelements %mul3A_304, 0 {pack_format = #tpu.pack_format<interleaved>} : vector<32xbf16> -> vector<16xf32>
          %unpack3A_306 = tpu.unpack_subelements %mul3A_304, 1 {pack_format = #tpu.pack_format<interleaved>} : vector<32xbf16> -> vector<16xf32>
          %add3A_307 = arith.addf %add3A_301, %unpack3A_305 : vector<16xf32>
          %add3A_308 = arith.addf %add3A_302, %unpack3A_306 : vector<16xf32>
          %mul3A_309 = arith.mulf %bitcast3A_150, %bitcast3A_154 : vector<32xbf16>
          %mul3A_310 = arith.mulf %mul3A_309, %bitcast3A_161 : vector<32xbf16>
          %unpack3A_311 = tpu.unpack_subelements %mul3A_310, 0 {pack_format = #tpu.pack_format<interleaved>} : vector<32xbf16> -> vector<16xf32>
          %unpack3A_312 = tpu.unpack_subelements %mul3A_310, 1 {pack_format = #tpu.pack_format<interleaved>} : vector<32xbf16> -> vector<16xf32>
          %add3A_313 = arith.addf %add3A_307, %unpack3A_311 : vector<16xf32>
          %add3A_314 = arith.addf %add3A_308, %unpack3A_312 : vector<16xf32>
          %add3A_315 = arith.addf %add3A_313, %add3A_314 : vector<16xf32>
          %swap3A = arith.constant 0 : index
          %swap3A_316 = tpu.vector_load %arg19[%swap3A] {strides = array<i32>} : memref<272xf32, #tpu.memory_space<vmem>>, vector<16xf32>,
          tpu.vector_store %arg19[%swap3A], %add3A_315 {strides = array<i32>} : memref<272xf32, #tpu.memory_space<vmem>>, vector<16xf32>,
          %mul3A_317 = arith.constant 16 : i32
          %mul3A_318 = arith.muli %add3A_94, %mul3A_317 : i32
          %add3A_319 = arith.constant 3 : i32
          %add3A_320 = arith.addi %mul3A_318, %add3A_319 : i32
          %slice3A_321 = vector.extract_strided_slice %get3A_98 {offsets = [3], sizes = [1], strides = [1]} : vector<16xi32> to vector<1xi32>
          %squeeze3A_322 = vector.extract %slice3A_321[0] : i32 from vector<1xi32>
          %get3A_323 = arith.index_cast %add3A_320 : i32 to index
          %get3A_324 = arith.constant 0 : index
          %get3A_325 = tpu.vector_load %arg13[%get3A_323, %get3A_324] {strides = array<i32>} : memref<80x128xi32, #tpu.memory_space<vmem>>, vector<16xi32>,
          %bitcast3A_326 = vector.bitcast %get3A_325 : vector<16xi32> to vector<32xbf16>
          %get3A_327 = arith.index_cast %add3A_320 : i32 to index
          %get3A_328 = arith.constant 0 : index
          %get3A_329 = tpu.vector_load %arg14[%get3A_327, %get3A_328] {strides = array<i32>} : memref<80x128xi32, #tpu.memory_space<vmem>>, vector<16xi32>,
          %bitcast3A_330 = vector.bitcast %get3A_329 : vector<16xi32> to vector<32xbf16>
          %mul3A_331 = arith.constant 64 : i32
          %mul3A_332 = arith.muli %squeeze3A_322, %mul3A_331 : i32
          %add3A_333 = arith.constant 0 : i32
          %add3A_334 = arith.addi %mul3A_332, %add3A_333 : i32
          %get3A_335 = arith.index_cast %add3A_334 : i32 to index
          %get3A_336 = tpu.vector_load %arg17[%get3A_335] {strides = array<i32>} : memref<4096xi32, #tpu.memory_space<vmem>>, vector<16xi32>,
          %bitcast3A_337 = vector.bitcast %get3A_336 : vector<16xi32> to vector<32xbf16>
          %get3A_338 = arith.index_cast %add3A_320 : i32 to index
          %get3A_339 = arith.constant 16 : index
          %get3A_340 = tpu.vector_load %arg13[%get3A_338, %get3A_339] {strides = array<i32>} : memref<80x128xi32, #tpu.memory_space<vmem>>, vector<16xi32>,
          %bitcast3A_341 = vector.bitcast %get3A_340 : vector<16xi32> to vector<32xbf16>
          %get3A_342 = arith.index_cast %add3A_320 : i32 to index
          %get3A_343 = arith.constant 16 : index
          %get3A_344 = tpu.vector_load %arg14[%get3A_342, %get3A_343] {strides = array<i32>} : memref<80x128xi32, #tpu.memory_space<vmem>>, vector<16xi32>,
          %bitcast3A_345 = vector.bitcast %get3A_344 : vector<16xi32> to vector<32xbf16>
          %mul3A_346 = arith.constant 64 : i32
          %mul3A_347 = arith.muli %squeeze3A_322, %mul3A_346 : i32
          %add3A_348 = arith.constant 16 : i32
          %add3A_349 = arith.addi %mul3A_347, %add3A_348 : i32
          %get3A_350 = arith.index_cast %add3A_349 : i32 to index
          %get3A_351 = tpu.vector_load %arg17[%get3A_350] {strides = array<i32>} : memref<4096xi32, #tpu.memory_space<vmem>>, vector<16xi32>,
          %bitcast3A_352 = vector.bitcast %get3A_351 : vector<16xi32> to vector<32xbf16>
          %get3A_353 = arith.index_cast %add3A_320 : i32 to index
          %get3A_354 = arith.constant 32 : index
          %get3A_355 = tpu.vector_load %arg13[%get3A_353, %get3A_354] {strides = array<i32>} : memref<80x128xi32, #tpu.memory_space<vmem>>, vector<16xi32>,
          %bitcast3A_356 = vector.bitcast %get3A_355 : vector<16xi32> to vector<32xbf16>
          %get3A_357 = arith.index_cast %add3A_320 : i32 to index
          %get3A_358 = arith.constant 32 : index
          %get3A_359 = tpu.vector_load %arg14[%get3A_357, %get3A_358] {strides = array<i32>} : memref<80x128xi32, #tpu.memory_space<vmem>>, vector<16xi32>,
          %bitcast3A_360 = vector.bitcast %get3A_359 : vector<16xi32> to vector<32xbf16>
          %mul3A_361 = arith.constant 64 : i32
          %mul3A_362 = arith.muli %squeeze3A_322, %mul3A_361 : i32
          %add3A_363 = arith.constant 32 : i32
          %add3A_364 = arith.addi %mul3A_362, %add3A_363 : i32
          %get3A_365 = arith.index_cast %add3A_364 : i32 to index
          %get3A_366 = tpu.vector_load %arg17[%get3A_365] {strides = array<i32>} : memref<4096xi32, #tpu.memory_space<vmem>>, vector<16xi32>,
          %bitcast3A_367 = vector.bitcast %get3A_366 : vector<16xi32> to vector<32xbf16>
          %get3A_368 = arith.index_cast %add3A_320 : i32 to index
          %get3A_369 = arith.constant 48 : index
          %get3A_370 = tpu.vector_load %arg13[%get3A_368, %get3A_369] {strides = array<i32>} : memref<80x128xi32, #tpu.memory_space<vmem>>, vector<16xi32>,
          %bitcast3A_371 = vector.bitcast %get3A_370 : vector<16xi32> to vector<32xbf16>
          %get3A_372 = arith.index_cast %add3A_320 : i32 to index
          %get3A_373 = arith.constant 48 : index
          %get3A_374 = tpu.vector_load %arg14[%get3A_372, %get3A_373] {strides = array<i32>} : memref<80x128xi32, #tpu.memory_space<vmem>>, vector<16xi32>,
          %bitcast3A_375 = vector.bitcast %get3A_374 : vector<16xi32> to vector<32xbf16>
          %mul3A_376 = arith.constant 64 : i32
          %mul3A_377 = arith.muli %squeeze3A_322, %mul3A_376 : i32
          %add3A_378 = arith.constant 48 : i32
          %add3A_379 = arith.addi %mul3A_377, %add3A_378 : i32
          %get3A_380 = arith.index_cast %add3A_379 : i32 to index
          %get3A_381 = tpu.vector_load %arg17[%get3A_380] {strides = array<i32>} : memref<4096xi32, #tpu.memory_space<vmem>>, vector<16xi32>,
          %bitcast3A_382 = vector.bitcast %get3A_381 : vector<16xi32> to vector<32xbf16>
          %mul3A_383 = arith.mulf %bitcast3A_171, %bitcast3A_175 : vector<32xbf16>
          %mul3A_384 = arith.mulf %mul3A_383, %bitcast3A_182 : vector<32xbf16>
          %unpack3A_385 = tpu.unpack_subelements %mul3A_384, 0 {pack_format = #tpu.pack_format<interleaved>} : vector<32xbf16> -> vector<16xf32>
          %unpack3A_386 = tpu.unpack_subelements %mul3A_384, 1 {pack_format = #tpu.pack_format<interleaved>} : vector<32xbf16> -> vector<16xf32>
          %mul3A_387 = arith.mulf %bitcast3A_186, %bitcast3A_190 : vector<32xbf16>
          %mul3A_388 = arith.mulf %mul3A_387, %bitcast3A_197 : vector<32xbf16>
          %unpack3A_389 = tpu.unpack_subelements %mul3A_388, 0 {pack_format = #tpu.pack_format<interleaved>} : vector<32xbf16> -> vector<16xf32>
          %unpack3A_390 = tpu.unpack_subelements %mul3A_388, 1 {pack_format = #tpu.pack_format<interleaved>} : vector<32xbf16> -> vector<16xf32>
          %add3A_391 = arith.addf %unpack3A_385, %unpack3A_389 : vector<16xf32>
          %add3A_392 = arith.addf %unpack3A_386, %unpack3A_390 : vector<16xf32>
          %mul3A_393 = arith.mulf %bitcast3A_201, %bitcast3A_205 : vector<32xbf16>
          %mul3A_394 = arith.mulf %mul3A_393, %bitcast3A_212 : vector<32xbf16>
          %unpack3A_395 = tpu.unpack_subelements %mul3A_394, 0 {pack_format = #tpu.pack_format<interleaved>} : vector<32xbf16> -> vector<16xf32>
          %unpack3A_396 = tpu.unpack_subelements %mul3A_394, 1 {pack_format = #tpu.pack_format<interleaved>} : vector<32xbf16> -> vector<16xf32>
          %add3A_397 = arith.addf %add3A_391, %unpack3A_395 : vector<16xf32>
          %add3A_398 = arith.addf %add3A_392, %unpack3A_396 : vector<16xf32>
          %mul3A_399 = arith.mulf %bitcast3A_216, %bitcast3A_220 : vector<32xbf16>
          %mul3A_400 = arith.mulf %mul3A_399, %bitcast3A_227 : vector<32xbf16>
          %unpack3A_401 = tpu.unpack_subelements %mul3A_400, 0 {pack_format = #tpu.pack_format<interleaved>} : vector<32xbf16> -> vector<16xf32>
          %unpack3A_402 = tpu.unpack_subelements %mul3A_400, 1 {pack_format = #tpu.pack_format<interleaved>} : vector<32xbf16> -> vector<16xf32>
          %add3A_403 = arith.addf %add3A_397, %unpack3A_401 : vector<16xf32>
          %add3A_404 = arith.addf %add3A_398, %unpack3A_402 : vector<16xf32>
          %add3A_405 = arith.addf %add3A_403, %add3A_404 : vector<16xf32>
          %swap3A_406 = arith.constant 17 : index
          %swap3A_407 = tpu.vector_load %arg19[%swap3A_406] {strides = array<i32>} : memref<272xf32, #tpu.memory_space<vmem>>, vector<16xf32>,
          tpu.vector_store %arg19[%swap3A_406], %add3A_405 {strides = array<i32>} : memref<272xf32, #tpu.memory_space<vmem>>, vector<16xf32>,
          %mul3A_408 = arith.constant 16 : i32
          %mul3A_409 = arith.muli %add3A_94, %mul3A_408 : i32
          %add3A_410 = arith.constant 4 : i32
          %add3A_411 = arith.addi %mul3A_409, %add3A_410 : i32
          %slice3A_412 = vector.extract_strided_slice %get3A_98 {offsets = [4], sizes = [1], strides = [1]} : vector<16xi32> to vector<1xi32>
          %squeeze3A_413 = vector.extract %slice3A_412[0] : i32 from vector<1xi32>
          %get3A_414 = arith.index_cast %add3A_411 : i32 to index
          %get3A_415 = arith.constant 0 : index
          %get3A_416 = tpu.vector_load %arg13[%get3A_414, %get3A_415] {strides = array<i32>} : memref<80x128xi32, #tpu.memory_space<vmem>>, vector<16xi32>,
          %bitcast3A_417 = vector.bitcast %get3A_416 : vector<16xi32> to vector<32xbf16>
          %get3A_418 = arith.index_cast %add3A_411 : i32 to index
          %get3A_419 = arith.constant 0 : index
          %get3A_420 = tpu.vector_load %arg14[%get3A_418, %get3A_419] {strides = array<i32>} : memref<80x128xi32, #tpu.memory_space<vmem>>, vector<16xi32>,
          %bitcast3A_421 = vector.bitcast %get3A_420 : vector<16xi32> to vector<32xbf16>
          %mul3A_422 = arith.constant 64 : i32
          %mul3A_423 = arith.muli %squeeze3A_413, %mul3A_422 : i32
          %add3A_424 = arith.constant 0 : i32
          %add3A_425 = arith.addi %mul3A_423, %add3A_424 : i32
          %get3A_426 = arith.index_cast %add3A_425 : i32 to index
          %get3A_427 = tpu.vector_load %arg17[%get3A_426] {strides = array<i32>} : memref<4096xi32, #tpu.memory_space<vmem>>, vector<16xi32>,
          %bitcast3A_428 = vector.bitcast %get3A_427 : vector<16xi32> to vector<32xbf16>
          %get3A_429 = arith.index_cast %add3A_411 : i32 to index
          %get3A_430 = arith.constant 16 : index
          %get3A_431 = tpu.vector_load %arg13[%get3A_429, %get3A_430] {strides = array<i32>} : memref<80x128xi32, #tpu.memory_space<vmem>>, vector<16xi32>,
          %bitcast3A_432 = vector.bitcast %get3A_431 : vector<16xi32> to vector<32xbf16>
          %get3A_433 = arith.index_cast %add3A_411 : i32 to index
          %get3A_434 = arith.constant 16 : index
          %get3A_435 = tpu.vector_load %arg14[%get3A_433, %get3A_434] {strides = array<i32>} : memref<80x128xi32, #tpu.memory_space<vmem>>, vector<16xi32>,
          %bitcast3A_436 = vector.bitcast %get3A_435 : vector<16xi32> to vector<32xbf16>
          %mul3A_437 = arith.constant 64 : i32
          %mul3A_438 = arith.muli %squeeze3A_413, %mul3A_437 : i32
          %add3A_439 = arith.constant 16 : i32
          %add3A_440 = arith.addi %mul3A_438, %add3A_439 : i32
          %get3A_441 = arith.index_cast %add3A_440 : i32 to index
          %get3A_442 = tpu.vector_load %arg17[%get3A_441] {strides = array<i32>} : memref<4096xi32, #tpu.memory_space<vmem>>, vector<16xi32>,
          %bitcast3A_443 = vector.bitcast %get3A_442 : vector<16xi32> to vector<32xbf16>
          %get3A_444 = arith.index_cast %add3A_411 : i32 to index
          %get3A_445 = arith.constant 32 : index
          %get3A_446 = tpu.vector_load %arg13[%get3A_444, %get3A_445] {strides = array<i32>} : memref<80x128xi32, #tpu.memory_space<vmem>>, vector<16xi32>,
          %bitcast3A_447 = vector.bitcast %get3A_446 : vector<16xi32> to vector<32xbf16>
          %get3A_448 = arith.index_cast %add3A_411 : i32 to index
          %get3A_449 = arith.constant 32 : index
          %get3A_450 = tpu.vector_load %arg14[%get3A_448, %get3A_449] {strides = array<i32>} : memref<80x128xi32, #tpu.memory_space<vmem>>, vector<16xi32>,
          %bitcast3A_451 = vector.bitcast %get3A_450 : vector<16xi32> to vector<32xbf16>
          %mul3A_452 = arith.constant 64 : i32
          %mul3A_453 = arith.muli %squeeze3A_413, %mul3A_452 : i32
          %add3A_454 = arith.constant 32 : i32
          %add3A_455 = arith.addi %mul3A_453, %add3A_454 : i32
          %get3A_456 = arith.index_cast %add3A_455 : i32 to index
          %get3A_457 = tpu.vector_load %arg17[%get3A_456] {strides = array<i32>} : memref<4096xi32, #tpu.memory_space<vmem>>, vector<16xi32>,
          %bitcast3A_458 = vector.bitcast %get3A_457 : vector<16xi32> to vector<32xbf16>
          %get3A_459 = arith.index_cast %add3A_411 : i32 to index
          %get3A_460 = arith.constant 48 : index
          %get3A_461 = tpu.vector_load %arg13[%get3A_459, %get3A_460] {strides = array<i32>} : memref<80x128xi32, #tpu.memory_space<vmem>>, vector<16xi32>,
          %bitcast3A_462 = vector.bitcast %get3A_461 : vector<16xi32> to vector<32xbf16>
          %get3A_463 = arith.index_cast %add3A_411 : i32 to index
          %get3A_464 = arith.constant 48 : index
          %get3A_465 = tpu.vector_load %arg14[%get3A_463, %get3A_464] {strides = array<i32>} : memref<80x128xi32, #tpu.memory_space<vmem>>, vector<16xi32>,
          %bitcast3A_466 = vector.bitcast %get3A_465 : vector<16xi32> to vector<32xbf16>
          %mul3A_467 = arith.constant 64 : i32
          %mul3A_468 = arith.muli %squeeze3A_413, %mul3A_467 : i32
          %add3A_469 = arith.constant 48 : i32
          %add3A_470 = arith.addi %mul3A_468, %add3A_469 : i32
          %get3A_471 = arith.index_cast %add3A_470 : i32 to index
          %get3A_472 = tpu.vector_load %arg17[%get3A_471] {strides = array<i32>} : memref<4096xi32, #tpu.memory_space<vmem>>, vector<16xi32>,
          %bitcast3A_473 = vector.bitcast %get3A_472 : vector<16xi32> to vector<32xbf16>
          %mul3A_474 = arith.mulf %bitcast3A_237, %bitcast3A_241 : vector<32xbf16>
          %mul3A_475 = arith.mulf %mul3A_474, %bitcast3A_248 : vector<32xbf16>
          %unpack3A_476 = tpu.unpack_subelements %mul3A_475, 0 {pack_format = #tpu.pack_format<interleaved>} : vector<32xbf16> -> vector<16xf32>
          %unpack3A_477 = tpu.unpack_subelements %mul3A_475, 1 {pack_format = #tpu.pack_format<interleaved>} : vector<32xbf16> -> vector<16xf32>
          %mul3A_478 = arith.mulf %bitcast3A_252, %bitcast3A_256 : vector<32xbf16>
          %mul3A_479 = arith.mulf %mul3A_478, %bitcast3A_263 : vector<32xbf16>
          %unpack3A_480 = tpu.unpack_subelements %mul3A_479, 0 {pack_format = #tpu.pack_format<interleaved>} : vector<32xbf16> -> vector<16xf32>
          %unpack3A_481 = tpu.unpack_subelements %mul3A_479, 1 {pack_format = #tpu.pack_format<interleaved>} : vector<32xbf16> -> vector<16xf32>
          %add3A_482 = arith.addf %unpack3A_476, %unpack3A_480 : vector<16xf32>
          %add3A_483 = arith.addf %unpack3A_477, %unpack3A_481 : vector<16xf32>
          %mul3A_484 = arith.mulf %bitcast3A_267, %bitcast3A_271 : vector<32xbf16>
          %mul3A_485 = arith.mulf %mul3A_484, %bitcast3A_278 : vector<32xbf16>
          %unpack3A_486 = tpu.unpack_subelements %mul3A_485, 0 {pack_format = #tpu.pack_format<interleaved>} : vector<32xbf16> -> vector<16xf32>
          %unpack3A_487 = tpu.unpack_subelements %mul3A_485, 1 {pack_format = #tpu.pack_format<interleaved>} : vector<32xbf16> -> vector<16xf32>
          %add3A_488 = arith.addf %add3A_482, %unpack3A_486 : vector<16xf32>
          %add3A_489 = arith.addf %add3A_483, %unpack3A_487 : vector<16xf32>
          %mul3A_490 = arith.mulf %bitcast3A_282, %bitcast3A_286 : vector<32xbf16>
          %mul3A_491 = arith.mulf %mul3A_490, %bitcast3A_293 : vector<32xbf16>
          %unpack3A_492 = tpu.unpack_subelements %mul3A_491, 0 {pack_format = #tpu.pack_format<interleaved>} : vector<32xbf16> -> vector<16xf32>
          %unpack3A_493 = tpu.unpack_subelements %mul3A_491, 1 {pack_format = #tpu.pack_format<interleaved>} : vector<32xbf16> -> vector<16xf32>
          %add3A_494 = arith.addf %add3A_488, %unpack3A_492 : vector<16xf32>
          %add3A_495 = arith.addf %add3A_489, %unpack3A_493 : vector<16xf32>
          %add3A_496 = arith.addf %add3A_494, %add3A_495 : vector<16xf32>
          %swap3A_497 = arith.constant 34 : index
          %swap3A_498 = tpu.vector_load %arg19[%swap3A_497] {strides = array<i32>} : memref<272xf32, #tpu.memory_space<vmem>>, vector<16xf32>,
          tpu.vector_store %arg19[%swap3A_497], %add3A_496 {strides = array<i32>} : memref<272xf32, #tpu.memory_space<vmem>>, vector<16xf32>,
          %mul3A_499 = arith.constant 16 : i32
          %mul3A_500 = arith.muli %add3A_94, %mul3A_499 : i32
          %add3A_501 = arith.constant 5 : i32
          %add3A_502 = arith.addi %mul3A_500, %add3A_501 : i32
          %slice3A_503 = vector.extract_strided_slice %get3A_98 {offsets = [5], sizes = [1], strides = [1]} : vector<16xi32> to vector<1xi32>
          %squeeze3A_504 = vector.extract %slice3A_503[0] : i32 from vector<1xi32>
          %get3A_505 = arith.index_cast %add3A_502 : i32 to index
          %get3A_506 = arith.constant 0 : index
          %get3A_507 = tpu.vector_load %arg13[%get3A_505, %get3A_506] {strides = array<i32>} : memref<80x128xi32, #tpu.memory_space<vmem>>, vector<16xi32>,
          %bitcast3A_508 = vector.bitcast %get3A_507 : vector<16xi32> to vector<32xbf16>
          %get3A_509 = arith.index_cast %add3A_502 : i32 to index
          %get3A_510 = arith.constant 0 : index
          %get3A_511 = tpu.vector_load %arg14[%get3A_509, %get3A_510] {strides = array<i32>} : memref<80x128xi32, #tpu.memory_space<vmem>>, vector<16xi32>,
          %bitcast3A_512 = vector.bitcast %get3A_511 : vector<16xi32> to vector<32xbf16>
          %mul3A_513 = arith.constant 64 : i32
          %mul3A_514 = arith.muli %squeeze3A_504, %mul3A_513 : i32
          %add3A_515 = arith.constant 0 : i32
          %add3A_516 = arith.addi %mul3A_514, %add3A_515 : i32
          %get3A_517 = arith.index_cast %add3A_516 : i32 to index
          %get3A_518 = tpu.vector_load %arg17[%get3A_517] {strides = array<i32>} : memref<4096xi32, #tpu.memory_space<vmem>>, vector<16xi32>,
          %bitcast3A_519 = vector.bitcast %get3A_518 : vector<16xi32> to vector<32xbf16>
          %get3A_520 = arith.index_cast %add3A_502 : i32 to index
          %get3A_521 = arith.constant 16 : index
          %get3A_522 = tpu.vector_load %arg13[%get3A_520, %get3A_521] {strides = array<i32>} : memref<80x128xi32, #tpu.memory_space<vmem>>, vector<16xi32>,
          %bitcast3A_523 = vector.bitcast %get3A_522 : vector<16xi32> to vector<32xbf16>
          %get3A_524 = arith.index_cast %add3A_502 : i32 to index
          %get3A_525 = arith.constant 16 : index
          %get3A_526 = tpu.vector_load %arg14[%get3A_524, %get3A_525] {strides = array<i32>} : memref<80x128xi32, #tpu.memory_space<vmem>>, vector<16xi32>,
          %bitcast3A_527 = vector.bitcast %get3A_526 : vector<16xi32> to vector<32xbf16>
          %mul3A_528 = arith.constant 64 : i32
          %mul3A_529 = arith.muli %squeeze3A_504, %mul3A_528 : i32
          %add3A_530 = arith.constant 16 : i32
          %add3A_531 = arith.addi %mul3A_529, %add3A_530 : i32
          %get3A_532 = arith.index_cast %add3A_531 : i32 to index
          %get3A_533 = tpu.vector_load %arg17[%get3A_532] {strides = array<i32>} : memref<4096xi32, #tpu.memory_space<vmem>>, vector<16xi32>,
          %bitcast3A_534 = vector.bitcast %get3A_533 : vector<16xi32> to vector<32xbf16>
          %get3A_535 = arith.index_cast %add3A_502 : i32 to index
          %get3A_536 = arith.constant 32 : index
          %get3A_537 = tpu.vector_load %arg13[%get3A_535, %get3A_536] {strides = array<i32>} : memref<80x128xi32, #tpu.memory_space<vmem>>, vector<16xi32>,
          %bitcast3A_538 = vector.bitcast %get3A_537 : vector<16xi32> to vector<32xbf16>
          %get3A_539 = arith.index_cast %add3A_502 : i32 to index
          %get3A_540 = arith.constant 32 : index
          %get3A_541 = tpu.vector_load %arg14[%get3A_539, %get3A_540] {strides = array<i32>} : memref<80x128xi32, #tpu.memory_space<vmem>>, vector<16xi32>,
          %bitcast3A_542 = vector.bitcast %get3A_541 : vector<16xi32> to vector<32xbf16>
          %mul3A_543 = arith.constant 64 : i32
          %mul3A_544 = arith.muli %squeeze3A_504, %mul3A_543 : i32
          %add3A_545 = arith.constant 32 : i32
          %add3A_546 = arith.addi %mul3A_544, %add3A_545 : i32
          %get3A_547 = arith.index_cast %add3A_546 : i32 to index
          %get3A_548 = tpu.vector_load %arg17[%get3A_547] {strides = array<i32>} : memref<4096xi32, #tpu.memory_space<vmem>>, vector<16xi32>,
          %bitcast3A_549 = vector.bitcast %get3A_548 : vector<16xi32> to vector<32xbf16>
          %get3A_550 = arith.index_cast %add3A_502 : i32 to index
          %get3A_551 = arith.constant 48 : index
          %get3A_552 = tpu.vector_load %arg13[%get3A_550, %get3A_551] {strides = array<i32>} : memref<80x128xi32, #tpu.memory_space<vmem>>, vector<16xi32>,
          %bitcast3A_553 = vector.bitcast %get3A_552 : vector<16xi32> to vector<32xbf16>
          %get3A_554 = arith.index_cast %add3A_502 : i32 to index
          %get3A_555 = arith.constant 48 : index
          %get3A_556 = tpu.vector_load %arg14[%get3A_554, %get3A_555] {strides = array<i32>} : memref<80x128xi32, #tpu.memory_space<vmem>>, vector<16xi32>,
          %bitcast3A_557 = vector.bitcast %get3A_556 : vector<16xi32> to vector<32xbf16>
          %mul3A_558 = arith.constant 64 : i32
          %mul3A_559 = arith.muli %squeeze3A_504, %mul3A_558 : i32
          %add3A_560 = arith.constant 48 : i32
          %add3A_561 = arith.addi %mul3A_559, %add3A_560 : i32
          %get3A_562 = arith.index_cast %add3A_561 : i32 to index
          %get3A_563 = tpu.vector_load %arg17[%get3A_562] {strides = array<i32>} : memref<4096xi32, #tpu.memory_space<vmem>>, vector<16xi32>,
          %bitcast3A_564 = vector.bitcast %get3A_563 : vector<16xi32> to vector<32xbf16>
          %mul3A_565 = arith.mulf %bitcast3A_326, %bitcast3A_330 : vector<32xbf16>
          %mul3A_566 = arith.mulf %mul3A_565, %bitcast3A_337 : vector<32xbf16>
          %unpack3A_567 = tpu.unpack_subelements %mul3A_566, 0 {pack_format = #tpu.pack_format<interleaved>} : vector<32xbf16> -> vector<16xf32>
          %unpack3A_568 = tpu.unpack_subelements %mul3A_566, 1 {pack_format = #tpu.pack_format<interleaved>} : vector<32xbf16> -> vector<16xf32>
          %mul3A_569 = arith.mulf %bitcast3A_341, %bitcast3A_345 : vector<32xbf16>
          %mul3A_570 = arith.mulf %mul3A_569, %bitcast3A_352 : vector<32xbf16>
          %unpack3A_571 = tpu.unpack_subelements %mul3A_570, 0 {pack_format = #tpu.pack_format<interleaved>} : vector<32xbf16> -> vector<16xf32>
          %unpack3A_572 = tpu.unpack_subelements %mul3A_570, 1 {pack_format = #tpu.pack_format<interleaved>} : vector<32xbf16> -> vector<16xf32>
          %add3A_573 = arith.addf %unpack3A_567, %unpack3A_571 : vector<16xf32>
          %add3A_574 = arith.addf %unpack3A_568, %unpack3A_572 : vector<16xf32>
          %mul3A_575 = arith.mulf %bitcast3A_356, %bitcast3A_360 : vector<32xbf16>
          %mul3A_576 = arith.mulf %mul3A_575, %bitcast3A_367 : vector<32xbf16>
          %unpack3A_577 = tpu.unpack_subelements %mul3A_576, 0 {pack_format = #tpu.pack_format<interleaved>} : vector<32xbf16> -> vector<16xf32>
          %unpack3A_578 = tpu.unpack_subelements %mul3A_576, 1 {pack_format = #tpu.pack_format<interleaved>} : vector<32xbf16> -> vector<16xf32>
          %add3A_579 = arith.addf %add3A_573, %unpack3A_577 : vector<16xf32>
          %add3A_580 = arith.addf %add3A_574, %unpack3A_578 : vector<16xf32>
          %mul3A_581 = arith.mulf %bitcast3A_371, %bitcast3A_375 : vector<32xbf16>
          %mul3A_582 = arith.mulf %mul3A_581, %bitcast3A_382 : vector<32xbf16>
          %unpack3A_583 = tpu.unpack_subelements %mul3A_582, 0 {pack_format = #tpu.pack_format<interleaved>} : vector<32xbf16> -> vector<16xf32>
          %unpack3A_584 = tpu.unpack_subelements %mul3A_582, 1 {pack_format = #tpu.pack_format<interleaved>} : vector<32xbf16> -> vector<16xf32>
          %add3A_585 = arith.addf %add3A_579, %unpack3A_583 : vector<16xf32>
          %add3A_586 = arith.addf %add3A_580, %unpack3A_584 : vector<16xf32>
          %add3A_587 = arith.addf %add3A_585, %add3A_586 : vector<16xf32>
          %swap3A_588 = arith.constant 51 : index
          %swap3A_589 = tpu.vector_load %arg19[%swap3A_588] {strides = array<i32>} : memref<272xf32, #tpu.memory_space<vmem>>, vector<16xf32>,
          tpu.vector_store %arg19[%swap3A_588], %add3A_587 {strides = array<i32>} : memref<272xf32, #tpu.memory_space<vmem>>, vector<16xf32>,
          %mul3A_590 = arith.constant 16 : i32
          %mul3A_591 = arith.muli %add3A_94, %mul3A_590 : i32
          %add3A_592 = arith.constant 6 : i32
          %add3A_593 = arith.addi %mul3A_591, %add3A_592 : i32
          %slice3A_594 = vector.extract_strided_slice %get3A_98 {offsets = [6], sizes = [1], strides = [1]} : vector<16xi32> to vector<1xi32>
          %squeeze3A_595 = vector.extract %slice3A_594[0] : i32 from vector<1xi32>
          %get3A_596 = arith.index_cast %add3A_593 : i32 to index
          %get3A_597 = arith.constant 0 : index
          %get3A_598 = tpu.vector_load %arg13[%get3A_596, %get3A_597] {strides = array<i32>} : memref<80x128xi32, #tpu.memory_space<vmem>>, vector<16xi32>,
          %bitcast3A_599 = vector.bitcast %get3A_598 : vector<16xi32> to vector<32xbf16>
          %get3A_600 = arith.index_cast %add3A_593 : i32 to index
          %get3A_601 = arith.constant 0 : index
          %get3A_602 = tpu.vector_load %arg14[%get3A_600, %get3A_601] {strides = array<i32>} : memref<80x128xi32, #tpu.memory_space<vmem>>, vector<16xi32>,
          %bitcast3A_603 = vector.bitcast %get3A_602 : vector<16xi32> to vector<32xbf16>
          %mul3A_604 = arith.constant 64 : i32
          %mul3A_605 = arith.muli %squeeze3A_595, %mul3A_604 : i32
          %add3A_606 = arith.constant 0 : i32
          %add3A_607 = arith.addi %mul3A_605, %add3A_606 : i32
          %get3A_608 = arith.index_cast %add3A_607 : i32 to index
          %get3A_609 = tpu.vector_load %arg17[%get3A_608] {strides = array<i32>} : memref<4096xi32, #tpu.memory_space<vmem>>, vector<16xi32>,
          %bitcast3A_610 = vector.bitcast %get3A_609 : vector<16xi32> to vector<32xbf16>
          %get3A_611 = arith.index_cast %add3A_593 : i32 to index
          %get3A_612 = arith.constant 16 : index
          %get3A_613 = tpu.vector_load %arg13[%get3A_611, %get3A_612] {strides = array<i32>} : memref<80x128xi32, #tpu.memory_space<vmem>>, vector<16xi32>,
          %bitcast3A_614 = vector.bitcast %get3A_613 : vector<16xi32> to vector<32xbf16>
          %get3A_615 = arith.index_cast %add3A_593 : i32 to index
          %get3A_616 = arith.constant 16 : index
          %get3A_617 = tpu.vector_load %arg14[%get3A_615, %get3A_616] {strides = array<i32>} : memref<80x128xi32, #tpu.memory_space<vmem>>, vector<16xi32>,
          %bitcast3A_618 = vector.bitcast %get3A_617 : vector<16xi32> to vector<32xbf16>
          %mul3A_619 = arith.constant 64 : i32
          %mul3A_620 = arith.muli %squeeze3A_595, %mul3A_619 : i32
          %add3A_621 = arith.constant 16 : i32
          %add3A_622 = arith.addi %mul3A_620, %add3A_621 : i32
          %get3A_623 = arith.index_cast %add3A_622 : i32 to index
          %get3A_624 = tpu.vector_load %arg17[%get3A_623] {strides = array<i32>} : memref<4096xi32, #tpu.memory_space<vmem>>, vector<16xi32>,
          %bitcast3A_625 = vector.bitcast %get3A_624 : vector<16xi32> to vector<32xbf16>
          %get3A_626 = arith.index_cast %add3A_593 : i32 to index
          %get3A_627 = arith.constant 32 : index
          %get3A_628 = tpu.vector_load %arg13[%get3A_626, %get3A_627] {strides = array<i32>} : memref<80x128xi32, #tpu.memory_space<vmem>>, vector<16xi32>,
          %bitcast3A_629 = vector.bitcast %get3A_628 : vector<16xi32> to vector<32xbf16>
          %get3A_630 = arith.index_cast %add3A_593 : i32 to index
          %get3A_631 = arith.constant 32 : index
          %get3A_632 = tpu.vector_load %arg14[%get3A_630, %get3A_631] {strides = array<i32>} : memref<80x128xi32, #tpu.memory_space<vmem>>, vector<16xi32>,
          %bitcast3A_633 = vector.bitcast %get3A_632 : vector<16xi32> to vector<32xbf16>
          %mul3A_634 = arith.constant 64 : i32
          %mul3A_635 = arith.muli %squeeze3A_595, %mul3A_634 : i32
          %add3A_636 = arith.constant 32 : i32
          %add3A_637 = arith.addi %mul3A_635, %add3A_636 : i32
          %get3A_638 = arith.index_cast %add3A_637 : i32 to index
          %get3A_639 = tpu.vector_load %arg17[%get3A_638] {strides = array<i32>} : memref<4096xi32, #tpu.memory_space<vmem>>, vector<16xi32>,
          %bitcast3A_640 = vector.bitcast %get3A_639 : vector<16xi32> to vector<32xbf16>
          %get3A_641 = arith.index_cast %add3A_593 : i32 to index
          %get3A_642 = arith.constant 48 : index
          %get3A_643 = tpu.vector_load %arg13[%get3A_641, %get3A_642] {strides = array<i32>} : memref<80x128xi32, #tpu.memory_space<vmem>>, vector<16xi32>,
          %bitcast3A_644 = vector.bitcast %get3A_643 : vector<16xi32> to vector<32xbf16>
          %get3A_645 = arith.index_cast %add3A_593 : i32 to index
          %get3A_646 = arith.constant 48 : index
          %get3A_647 = tpu.vector_load %arg14[%get3A_645, %get3A_646] {strides = array<i32>} : memref<80x128xi32, #tpu.memory_space<vmem>>, vector<16xi32>,
          %bitcast3A_648 = vector.bitcast %get3A_647 : vector<16xi32> to vector<32xbf16>
          %mul3A_649 = arith.constant 64 : i32
          %mul3A_650 = arith.muli %squeeze3A_595, %mul3A_649 : i32
          %add3A_651 = arith.constant 48 : i32
          %add3A_652 = arith.addi %mul3A_650, %add3A_651 : i32
          %get3A_653 = arith.index_cast %add3A_652 : i32 to index
          %get3A_654 = tpu.vector_load %arg17[%get3A_653] {strides = array<i32>} : memref<4096xi32, #tpu.memory_space<vmem>>, vector<16xi32>,
          %bitcast3A_655 = vector.bitcast %get3A_654 : vector<16xi32> to vector<32xbf16>
          %mul3A_656 = arith.mulf %bitcast3A_417, %bitcast3A_421 : vector<32xbf16>
          %mul3A_657 = arith.mulf %mul3A_656, %bitcast3A_428 : vector<32xbf16>
          %unpack3A_658 = tpu.unpack_subelements %mul3A_657, 0 {pack_format = #tpu.pack_format<interleaved>} : vector<32xbf16> -> vector<16xf32>
          %unpack3A_659 = tpu.unpack_subelements %mul3A_657, 1 {pack_format = #tpu.pack_format<interleaved>} : vector<32xbf16> -> vector<16xf32>
          %mul3A_660 = arith.mulf %bitcast3A_432, %bitcast3A_436 : vector<32xbf16>
          %mul3A_661 = arith.mulf %mul3A_660, %bitcast3A_443 : vector<32xbf16>
          %unpack3A_662 = tpu.unpack_subelements %mul3A_661, 0 {pack_format = #tpu.pack_format<interleaved>} : vector<32xbf16> -> vector<16xf32>
          %unpack3A_663 = tpu.unpack_subelements %mul3A_661, 1 {pack_format = #tpu.pack_format<interleaved>} : vector<32xbf16> -> vector<16xf32>
          %add3A_664 = arith.addf %unpack3A_658, %unpack3A_662 : vector<16xf32>
          %add3A_665 = arith.addf %unpack3A_659, %unpack3A_663 : vector<16xf32>
          %mul3A_666 = arith.mulf %bitcast3A_447, %bitcast3A_451 : vector<32xbf16>
          %mul3A_667 = arith.mulf %mul3A_666, %bitcast3A_458 : vector<32xbf16>
          %unpack3A_668 = tpu.unpack_subelements %mul3A_667, 0 {pack_format = #tpu.pack_format<interleaved>} : vector<32xbf16> -> vector<16xf32>
          %unpack3A_669 = tpu.unpack_subelements %mul3A_667, 1 {pack_format = #tpu.pack_format<interleaved>} : vector<32xbf16> -> vector<16xf32>
          %add3A_670 = arith.addf %add3A_664, %unpack3A_668 : vector<16xf32>
          %add3A_671 = arith.addf %add3A_665, %unpack3A_669 : vector<16xf32>
          %mul3A_672 = arith.mulf %bitcast3A_462, %bitcast3A_466 : vector<32xbf16>
          %mul3A_673 = arith.mulf %mul3A_672, %bitcast3A_473 : vector<32xbf16>
          %unpack3A_674 = tpu.unpack_subelements %mul3A_673, 0 {pack_format = #tpu.pack_format<interleaved>} : vector<32xbf16> -> vector<16xf32>
          %unpack3A_675 = tpu.unpack_subelements %mul3A_673, 1 {pack_format = #tpu.pack_format<interleaved>} : vector<32xbf16> -> vector<16xf32>
          %add3A_676 = arith.addf %add3A_670, %unpack3A_674 : vector<16xf32>
          %add3A_677 = arith.addf %add3A_671, %unpack3A_675 : vector<16xf32>
          %add3A_678 = arith.addf %add3A_676, %add3A_677 : vector<16xf32>
          %swap3A_679 = arith.constant 68 : index
          %swap3A_680 = tpu.vector_load %arg19[%swap3A_679] {strides = array<i32>} : memref<272xf32, #tpu.memory_space<vmem>>, vector<16xf32>,
          tpu.vector_store %arg19[%swap3A_679], %add3A_678 {strides = array<i32>} : memref<272xf32, #tpu.memory_space<vmem>>, vector<16xf32>,
          %mul3A_681 = arith.constant 16 : i32
          %mul3A_682 = arith.muli %add3A_94, %mul3A_681 : i32
          %add3A_683 = arith.constant 7 : i32
          %add3A_684 = arith.addi %mul3A_682, %add3A_683 : i32
          %slice3A_685 = vector.extract_strided_slice %get3A_98 {offsets = [7], sizes = [1], strides = [1]} : vector<16xi32> to vector<1xi32>
          %squeeze3A_686 = vector.extract %slice3A_685[0] : i32 from vector<1xi32>
          %get3A_687 = arith.index_cast %add3A_684 : i32 to index
          %get3A_688 = arith.constant 0 : index
          %get3A_689 = tpu.vector_load %arg13[%get3A_687, %get3A_688] {strides = array<i32>} : memref<80x128xi32, #tpu.memory_space<vmem>>, vector<16xi32>,
          %bitcast3A_690 = vector.bitcast %get3A_689 : vector<16xi32> to vector<32xbf16>
          %get3A_691 = arith.index_cast %add3A_684 : i32 to index
          %get3A_692 = arith.constant 0 : index
          %get3A_693 = tpu.vector_load %arg14[%get3A_691, %get3A_692] {strides = array<i32>} : memref<80x128xi32, #tpu.memory_space<vmem>>, vector<16xi32>,
          %bitcast3A_694 = vector.bitcast %get3A_693 : vector<16xi32> to vector<32xbf16>
          %mul3A_695 = arith.constant 64 : i32
          %mul3A_696 = arith.muli %squeeze3A_686, %mul3A_695 : i32
          %add3A_697 = arith.constant 0 : i32
          %add3A_698 = arith.addi %mul3A_696, %add3A_697 : i32
          %get3A_699 = arith.index_cast %add3A_698 : i32 to index
          %get3A_700 = tpu.vector_load %arg17[%get3A_699] {strides = array<i32>} : memref<4096xi32, #tpu.memory_space<vmem>>, vector<16xi32>,
          %bitcast3A_701 = vector.bitcast %get3A_700 : vector<16xi32> to vector<32xbf16>
          %get3A_702 = arith.index_cast %add3A_684 : i32 to index
          %get3A_703 = arith.constant 16 : index
          %get3A_704 = tpu.vector_load %arg13[%get3A_702, %get3A_703] {strides = array<i32>} : memref<80x128xi32, #tpu.memory_space<vmem>>, vector<16xi32>,
          %bitcast3A_705 = vector.bitcast %get3A_704 : vector<16xi32> to vector<32xbf16>
          %get3A_706 = arith.index_cast %add3A_684 : i32 to index
          %get3A_707 = arith.constant 16 : index
          %get3A_708 = tpu.vector_load %arg14[%get3A_706, %get3A_707] {strides = array<i32>} : memref<80x128xi32, #tpu.memory_space<vmem>>, vector<16xi32>,
          %bitcast3A_709 = vector.bitcast %get3A_708 : vector<16xi32> to vector<32xbf16>
          %mul3A_710 = arith.constant 64 : i32
          %mul3A_711 = arith.muli %squeeze3A_686, %mul3A_710 : i32
          %add3A_712 = arith.constant 16 : i32
          %add3A_713 = arith.addi %mul3A_711, %add3A_712 : i32
          %get3A_714 = arith.index_cast %add3A_713 : i32 to index
          %get3A_715 = tpu.vector_load %arg17[%get3A_714] {strides = array<i32>} : memref<4096xi32, #tpu.memory_space<vmem>>, vector<16xi32>,
          %bitcast3A_716 = vector.bitcast %get3A_715 : vector<16xi32> to vector<32xbf16>
          %get3A_717 = arith.index_cast %add3A_684 : i32 to index
          %get3A_718 = arith.constant 32 : index
          %get3A_719 = tpu.vector_load %arg13[%get3A_717, %get3A_718] {strides = array<i32>} : memref<80x128xi32, #tpu.memory_space<vmem>>, vector<16xi32>,
          %bitcast3A_720 = vector.bitcast %get3A_719 : vector<16xi32> to vector<32xbf16>
          %get3A_721 = arith.index_cast %add3A_684 : i32 to index
          %get3A_722 = arith.constant 32 : index
          %get3A_723 = tpu.vector_load %arg14[%get3A_721, %get3A_722] {strides = array<i32>} : memref<80x128xi32, #tpu.memory_space<vmem>>, vector<16xi32>,
          %bitcast3A_724 = vector.bitcast %get3A_723 : vector<16xi32> to vector<32xbf16>
          %mul3A_725 = arith.constant 64 : i32
          %mul3A_726 = arith.muli %squeeze3A_686, %mul3A_725 : i32
          %add3A_727 = arith.constant 32 : i32
          %add3A_728 = arith.addi %mul3A_726, %add3A_727 : i32
          %get3A_729 = arith.index_cast %add3A_728 : i32 to index
          %get3A_730 = tpu.vector_load %arg17[%get3A_729] {strides = array<i32>} : memref<4096xi32, #tpu.memory_space<vmem>>, vector<16xi32>,
          %bitcast3A_731 = vector.bitcast %get3A_730 : vector<16xi32> to vector<32xbf16>
          %get3A_732 = arith.index_cast %add3A_684 : i32 to index
          %get3A_733 = arith.constant 48 : index
          %get3A_734 = tpu.vector_load %arg13[%get3A_732, %get3A_733] {strides = array<i32>} : memref<80x128xi32, #tpu.memory_space<vmem>>, vector<16xi32>,
          %bitcast3A_735 = vector.bitcast %get3A_734 : vector<16xi32> to vector<32xbf16>
          %get3A_736 = arith.index_cast %add3A_684 : i32 to index
          %get3A_737 = arith.constant 48 : index
          %get3A_738 = tpu.vector_load %arg14[%get3A_736, %get3A_737] {strides = array<i32>} : memref<80x128xi32, #tpu.memory_space<vmem>>, vector<16xi32>,
          %bitcast3A_739 = vector.bitcast %get3A_738 : vector<16xi32> to vector<32xbf16>
          %mul3A_740 = arith.constant 64 : i32
          %mul3A_741 = arith.muli %squeeze3A_686, %mul3A_740 : i32
          %add3A_742 = arith.constant 48 : i32
          %add3A_743 = arith.addi %mul3A_741, %add3A_742 : i32
          %get3A_744 = arith.index_cast %add3A_743 : i32 to index
          %get3A_745 = tpu.vector_load %arg17[%get3A_744] {strides = array<i32>} : memref<4096xi32, #tpu.memory_space<vmem>>, vector<16xi32>,
          %bitcast3A_746 = vector.bitcast %get3A_745 : vector<16xi32> to vector<32xbf16>
          %mul3A_747 = arith.mulf %bitcast3A_508, %bitcast3A_512 : vector<32xbf16>
          %mul3A_748 = arith.mulf %mul3A_747, %bitcast3A_519 : vector<32xbf16>
          %unpack3A_749 = tpu.unpack_subelements %mul3A_748, 0 {pack_format = #tpu.pack_format<interleaved>} : vector<32xbf16> -> vector<16xf32>
          %unpack3A_750 = tpu.unpack_subelements %mul3A_748, 1 {pack_format = #tpu.pack_format<interleaved>} : vector<32xbf16> -> vector<16xf32>
          %mul3A_751 = arith.mulf %bitcast3A_523, %bitcast3A_527 : vector<32xbf16>
          %mul3A_752 = arith.mulf %mul3A_751, %bitcast3A_534 : vector<32xbf16>
          %unpack3A_753 = tpu.unpack_subelements %mul3A_752, 0 {pack_format = #tpu.pack_format<interleaved>} : vector<32xbf16> -> vector<16xf32>
          %unpack3A_754 = tpu.unpack_subelements %mul3A_752, 1 {pack_format = #tpu.pack_format<interleaved>} : vector<32xbf16> -> vector<16xf32>
          %add3A_755 = arith.addf %unpack3A_749, %unpack3A_753 : vector<16xf32>
          %add3A_756 = arith.addf %unpack3A_750, %unpack3A_754 : vector<16xf32>
          %mul3A_757 = arith.mulf %bitcast3A_538, %bitcast3A_542 : vector<32xbf16>
          %mul3A_758 = arith.mulf %mul3A_757, %bitcast3A_549 : vector<32xbf16>
          %unpack3A_759 = tpu.unpack_subelements %mul3A_758, 0 {pack_format = #tpu.pack_format<interleaved>} : vector<32xbf16> -> vector<16xf32>
          %unpack3A_760 = tpu.unpack_subelements %mul3A_758, 1 {pack_format = #tpu.pack_format<interleaved>} : vector<32xbf16> -> vector<16xf32>
          %add3A_761 = arith.addf %add3A_755, %unpack3A_759 : vector<16xf32>
          %add3A_762 = arith.addf %add3A_756, %unpack3A_760 : vector<16xf32>
          %mul3A_763 = arith.mulf %bitcast3A_553, %bitcast3A_557 : vector<32xbf16>
          %mul3A_764 = arith.mulf %mul3A_763, %bitcast3A_564 : vector<32xbf16>
          %unpack3A_765 = tpu.unpack_subelements %mul3A_764, 0 {pack_format = #tpu.pack_format<interleaved>} : vector<32xbf16> -> vector<16xf32>
          %unpack3A_766 = tpu.unpack_subelements %mul3A_764, 1 {pack_format = #tpu.pack_format<interleaved>} : vector<32xbf16> -> vector<16xf32>
          %add3A_767 = arith.addf %add3A_761, %unpack3A_765 : vector<16xf32>
          %add3A_768 = arith.addf %add3A_762, %unpack3A_766 : vector<16xf32>
          %add3A_769 = arith.addf %add3A_767, %add3A_768 : vector<16xf32>
          %swap3A_770 = arith.constant 85 : index
          %swap3A_771 = tpu.vector_load %arg19[%swap3A_770] {strides = array<i32>} : memref<272xf32, #tpu.memory_space<vmem>>, vector<16xf32>,
          tpu.vector_store %arg19[%swap3A_770], %add3A_769 {strides = array<i32>} : memref<272xf32, #tpu.memory_space<vmem>>, vector<16xf32>,
          %mul3A_772 = arith.constant 16 : i32
          %mul3A_773 = arith.muli %add3A_94, %mul3A_772 : i32
          %add3A_774 = arith.constant 8 : i32
          %add3A_775 = arith.addi %mul3A_773, %add3A_774 : i32
          %slice3A_776 = vector.extract_strided_slice %get3A_98 {offsets = [8], sizes = [1], strides = [1]} : vector<16xi32> to vector<1xi32>
          %squeeze3A_777 = vector.extract %slice3A_776[0] : i32 from vector<1xi32>
          %get3A_778 = arith.index_cast %add3A_775 : i32 to index
          %get3A_779 = arith.constant 0 : index
          %get3A_780 = tpu.vector_load %arg13[%get3A_778, %get3A_779] {strides = array<i32>} : memref<80x128xi32, #tpu.memory_space<vmem>>, vector<16xi32>,
          %bitcast3A_781 = vector.bitcast %get3A_780 : vector<16xi32> to vector<32xbf16>
          %get3A_782 = arith.index_cast %add3A_775 : i32 to index
          %get3A_783 = arith.constant 0 : index
          %get3A_784 = tpu.vector_load %arg14[%get3A_782, %get3A_783] {strides = array<i32>} : memref<80x128xi32, #tpu.memory_space<vmem>>, vector<16xi32>,
          %bitcast3A_785 = vector.bitcast %get3A_784 : vector<16xi32> to vector<32xbf16>
          %mul3A_786 = arith.constant 64 : i32
          %mul3A_787 = arith.muli %squeeze3A_777, %mul3A_786 : i32
          %add3A_788 = arith.constant 0 : i32
          %add3A_789 = arith.addi %mul3A_787, %add3A_788 : i32
          %get3A_790 = arith.index_cast %add3A_789 : i32 to index
          %get3A_791 = tpu.vector_load %arg17[%get3A_790] {strides = array<i32>} : memref<4096xi32, #tpu.memory_space<vmem>>, vector<16xi32>,
          %bitcast3A_792 = vector.bitcast %get3A_791 : vector<16xi32> to vector<32xbf16>
          %get3A_793 = arith.index_cast %add3A_775 : i32 to index
          %get3A_794 = arith.constant 16 : index
          %get3A_795 = tpu.vector_load %arg13[%get3A_793, %get3A_794] {strides = array<i32>} : memref<80x128xi32, #tpu.memory_space<vmem>>, vector<16xi32>,
          %bitcast3A_796 = vector.bitcast %get3A_795 : vector<16xi32> to vector<32xbf16>
          %get3A_797 = arith.index_cast %add3A_775 : i32 to index
          %get3A_798 = arith.constant 16 : index
          %get3A_799 = tpu.vector_load %arg14[%get3A_797, %get3A_798] {strides = array<i32>} : memref<80x128xi32, #tpu.memory_space<vmem>>, vector<16xi32>,
          %bitcast3A_800 = vector.bitcast %get3A_799 : vector<16xi32> to vector<32xbf16>
          %mul3A_801 = arith.constant 64 : i32
          %mul3A_802 = arith.muli %squeeze3A_777, %mul3A_801 : i32
          %add3A_803 = arith.constant 16 : i32
          %add3A_804 = arith.addi %mul3A_802, %add3A_803 : i32
          %get3A_805 = arith.index_cast %add3A_804 : i32 to index
          %get3A_806 = tpu.vector_load %arg17[%get3A_805] {strides = array<i32>} : memref<4096xi32, #tpu.memory_space<vmem>>, vector<16xi32>,
          %bitcast3A_807 = vector.bitcast %get3A_806 : vector<16xi32> to vector<32xbf16>
          %get3A_808 = arith.index_cast %add3A_775 : i32 to index
          %get3A_809 = arith.constant 32 : index
          %get3A_810 = tpu.vector_load %arg13[%get3A_808, %get3A_809] {strides = array<i32>} : memref<80x128xi32, #tpu.memory_space<vmem>>, vector<16xi32>,
          %bitcast3A_811 = vector.bitcast %get3A_810 : vector<16xi32> to vector<32xbf16>
          %get3A_812 = arith.index_cast %add3A_775 : i32 to index
          %get3A_813 = arith.constant 32 : index
          %get3A_814 = tpu.vector_load %arg14[%get3A_812, %get3A_813] {strides = array<i32>} : memref<80x128xi32, #tpu.memory_space<vmem>>, vector<16xi32>,
          %bitcast3A_815 = vector.bitcast %get3A_814 : vector<16xi32> to vector<32xbf16>
          %mul3A_816 = arith.constant 64 : i32
          %mul3A_817 = arith.muli %squeeze3A_777, %mul3A_816 : i32
          %add3A_818 = arith.constant 32 : i32
          %add3A_819 = arith.addi %mul3A_817, %add3A_818 : i32
          %get3A_820 = arith.index_cast %add3A_819 : i32 to index
          %get3A_821 = tpu.vector_load %arg17[%get3A_820] {strides = array<i32>} : memref<4096xi32, #tpu.memory_space<vmem>>, vector<16xi32>,
          %bitcast3A_822 = vector.bitcast %get3A_821 : vector<16xi32> to vector<32xbf16>
          %get3A_823 = arith.index_cast %add3A_775 : i32 to index
          %get3A_824 = arith.constant 48 : index
          %get3A_825 = tpu.vector_load %arg13[%get3A_823, %get3A_824] {strides = array<i32>} : memref<80x128xi32, #tpu.memory_space<vmem>>, vector<16xi32>,
          %bitcast3A_826 = vector.bitcast %get3A_825 : vector<16xi32> to vector<32xbf16>
          %get3A_827 = arith.index_cast %add3A_775 : i32 to index
          %get3A_828 = arith.constant 48 : index
          %get3A_829 = tpu.vector_load %arg14[%get3A_827, %get3A_828] {strides = array<i32>} : memref<80x128xi32, #tpu.memory_space<vmem>>, vector<16xi32>,
          %bitcast3A_830 = vector.bitcast %get3A_829 : vector<16xi32> to vector<32xbf16>
          %mul3A_831 = arith.constant 64 : i32
          %mul3A_832 = arith.muli %squeeze3A_777, %mul3A_831 : i32
          %add3A_833 = arith.constant 48 : i32
          %add3A_834 = arith.addi %mul3A_832, %add3A_833 : i32
          %get3A_835 = arith.index_cast %add3A_834 : i32 to index
          %get3A_836 = tpu.vector_load %arg17[%get3A_835] {strides = array<i32>} : memref<4096xi32, #tpu.memory_space<vmem>>, vector<16xi32>,
          %bitcast3A_837 = vector.bitcast %get3A_836 : vector<16xi32> to vector<32xbf16>
          %mul3A_838 = arith.mulf %bitcast3A_599, %bitcast3A_603 : vector<32xbf16>
          %mul3A_839 = arith.mulf %mul3A_838, %bitcast3A_610 : vector<32xbf16>
          %unpack3A_840 = tpu.unpack_subelements %mul3A_839, 0 {pack_format = #tpu.pack_format<interleaved>} : vector<32xbf16> -> vector<16xf32>
          %unpack3A_841 = tpu.unpack_subelements %mul3A_839, 1 {pack_format = #tpu.pack_format<interleaved>} : vector<32xbf16> -> vector<16xf32>
          %mul3A_842 = arith.mulf %bitcast3A_614, %bitcast3A_618 : vector<32xbf16>
          %mul3A_843 = arith.mulf %mul3A_842, %bitcast3A_625 : vector<32xbf16>
          %unpack3A_844 = tpu.unpack_subelements %mul3A_843, 0 {pack_format = #tpu.pack_format<interleaved>} : vector<32xbf16> -> vector<16xf32>
          %unpack3A_845 = tpu.unpack_subelements %mul3A_843, 1 {pack_format = #tpu.pack_format<interleaved>} : vector<32xbf16> -> vector<16xf32>
          %add3A_846 = arith.addf %unpack3A_840, %unpack3A_844 : vector<16xf32>
          %add3A_847 = arith.addf %unpack3A_841, %unpack3A_845 : vector<16xf32>
          %mul3A_848 = arith.mulf %bitcast3A_629, %bitcast3A_633 : vector<32xbf16>
          %mul3A_849 = arith.mulf %mul3A_848, %bitcast3A_640 : vector<32xbf16>
          %unpack3A_850 = tpu.unpack_subelements %mul3A_849, 0 {pack_format = #tpu.pack_format<interleaved>} : vector<32xbf16> -> vector<16xf32>
          %unpack3A_851 = tpu.unpack_subelements %mul3A_849, 1 {pack_format = #tpu.pack_format<interleaved>} : vector<32xbf16> -> vector<16xf32>
          %add3A_852 = arith.addf %add3A_846, %unpack3A_850 : vector<16xf32>
          %add3A_853 = arith.addf %add3A_847, %unpack3A_851 : vector<16xf32>
          %mul3A_854 = arith.mulf %bitcast3A_644, %bitcast3A_648 : vector<32xbf16>
          %mul3A_855 = arith.mulf %mul3A_854, %bitcast3A_655 : vector<32xbf16>
          %unpack3A_856 = tpu.unpack_subelements %mul3A_855, 0 {pack_format = #tpu.pack_format<interleaved>} : vector<32xbf16> -> vector<16xf32>
          %unpack3A_857 = tpu.unpack_subelements %mul3A_855, 1 {pack_format = #tpu.pack_format<interleaved>} : vector<32xbf16> -> vector<16xf32>
          %add3A_858 = arith.addf %add3A_852, %unpack3A_856 : vector<16xf32>
          %add3A_859 = arith.addf %add3A_853, %unpack3A_857 : vector<16xf32>
          %add3A_860 = arith.addf %add3A_858, %add3A_859 : vector<16xf32>
          %swap3A_861 = arith.constant 102 : index
          %swap3A_862 = tpu.vector_load %arg19[%swap3A_861] {strides = array<i32>} : memref<272xf32, #tpu.memory_space<vmem>>, vector<16xf32>,
          tpu.vector_store %arg19[%swap3A_861], %add3A_860 {strides = array<i32>} : memref<272xf32, #tpu.memory_space<vmem>>, vector<16xf32>,
          %mul3A_863 = arith.constant 16 : i32
          %mul3A_864 = arith.muli %add3A_94, %mul3A_863 : i32
          %add3A_865 = arith.constant 9 : i32
          %add3A_866 = arith.addi %mul3A_864, %add3A_865 : i32
          %slice3A_867 = vector.extract_strided_slice %get3A_98 {offsets = [9], sizes = [1], strides = [1]} : vector<16xi32> to vector<1xi32>
          %squeeze3A_868 = vector.extract %slice3A_867[0] : i32 from vector<1xi32>
          %get3A_869 = arith.index_cast %add3A_866 : i32 to index
          %get3A_870 = arith.constant 0 : index
          %get3A_871 = tpu.vector_load %arg13[%get3A_869, %get3A_870] {strides = array<i32>} : memref<80x128xi32, #tpu.memory_space<vmem>>, vector<16xi32>,
          %bitcast3A_872 = vector.bitcast %get3A_871 : vector<16xi32> to vector<32xbf16>
          %get3A_873 = arith.index_cast %add3A_866 : i32 to index
          %get3A_874 = arith.constant 0 : index
          %get3A_875 = tpu.vector_load %arg14[%get3A_873, %get3A_874] {strides = array<i32>} : memref<80x128xi32, #tpu.memory_space<vmem>>, vector<16xi32>,
          %bitcast3A_876 = vector.bitcast %get3A_875 : vector<16xi32> to vector<32xbf16>
          %mul3A_877 = arith.constant 64 : i32
          %mul3A_878 = arith.muli %squeeze3A_868, %mul3A_877 : i32
          %add3A_879 = arith.constant 0 : i32
          %add3A_880 = arith.addi %mul3A_878, %add3A_879 : i32
          %get3A_881 = arith.index_cast %add3A_880 : i32 to index
          %get3A_882 = tpu.vector_load %arg17[%get3A_881] {strides = array<i32>} : memref<4096xi32, #tpu.memory_space<vmem>>, vector<16xi32>,
          %bitcast3A_883 = vector.bitcast %get3A_882 : vector<16xi32> to vector<32xbf16>
          %get3A_884 = arith.index_cast %add3A_866 : i32 to index
          %get3A_885 = arith.constant 16 : index
          %get3A_886 = tpu.vector_load %arg13[%get3A_884, %get3A_885] {strides = array<i32>} : memref<80x128xi32, #tpu.memory_space<vmem>>, vector<16xi32>,
          %bitcast3A_887 = vector.bitcast %get3A_886 : vector<16xi32> to vector<32xbf16>
          %get3A_888 = arith.index_cast %add3A_866 : i32 to index
          %get3A_889 = arith.constant 16 : index
          %get3A_890 = tpu.vector_load %arg14[%get3A_888, %get3A_889] {strides = array<i32>} : memref<80x128xi32, #tpu.memory_space<vmem>>, vector<16xi32>,
          %bitcast3A_891 = vector.bitcast %get3A_890 : vector<16xi32> to vector<32xbf16>
          %mul3A_892 = arith.constant 64 : i32
          %mul3A_893 = arith.muli %squeeze3A_868, %mul3A_892 : i32
          %add3A_894 = arith.constant 16 : i32
          %add3A_895 = arith.addi %mul3A_893, %add3A_894 : i32
          %get3A_896 = arith.index_cast %add3A_895 : i32 to index
          %get3A_897 = tpu.vector_load %arg17[%get3A_896] {strides = array<i32>} : memref<4096xi32, #tpu.memory_space<vmem>>, vector<16xi32>,
          %bitcast3A_898 = vector.bitcast %get3A_897 : vector<16xi32> to vector<32xbf16>
          %get3A_899 = arith.index_cast %add3A_866 : i32 to index
          %get3A_900 = arith.constant 32 : index
          %get3A_901 = tpu.vector_load %arg13[%get3A_899, %get3A_900] {strides = array<i32>} : memref<80x128xi32, #tpu.memory_space<vmem>>, vector<16xi32>,
          %bitcast3A_902 = vector.bitcast %get3A_901 : vector<16xi32> to vector<32xbf16>
          %get3A_903 = arith.index_cast %add3A_866 : i32 to index
          %get3A_904 = arith.constant 32 : index
          %get3A_905 = tpu.vector_load %arg14[%get3A_903, %get3A_904] {strides = array<i32>} : memref<80x128xi32, #tpu.memory_space<vmem>>, vector<16xi32>,
          %bitcast3A_906 = vector.bitcast %get3A_905 : vector<16xi32> to vector<32xbf16>
          %mul3A_907 = arith.constant 64 : i32
          %mul3A_908 = arith.muli %squeeze3A_868, %mul3A_907 : i32
          %add3A_909 = arith.constant 32 : i32
          %add3A_910 = arith.addi %mul3A_908, %add3A_909 : i32
          %get3A_911 = arith.index_cast %add3A_910 : i32 to index
          %get3A_912 = tpu.vector_load %arg17[%get3A_911] {strides = array<i32>} : memref<4096xi32, #tpu.memory_space<vmem>>, vector<16xi32>,
          %bitcast3A_913 = vector.bitcast %get3A_912 : vector<16xi32> to vector<32xbf16>
          %get3A_914 = arith.index_cast %add3A_866 : i32 to index
          %get3A_915 = arith.constant 48 : index
          %get3A_916 = tpu.vector_load %arg13[%get3A_914, %get3A_915] {strides = array<i32>} : memref<80x128xi32, #tpu.memory_space<vmem>>, vector<16xi32>,
          %bitcast3A_917 = vector.bitcast %get3A_916 : vector<16xi32> to vector<32xbf16>
          %get3A_918 = arith.index_cast %add3A_866 : i32 to index
          %get3A_919 = arith.constant 48 : index
          %get3A_920 = tpu.vector_load %arg14[%get3A_918, %get3A_919] {strides = array<i32>} : memref<80x128xi32, #tpu.memory_space<vmem>>, vector<16xi32>,
          %bitcast3A_921 = vector.bitcast %get3A_920 : vector<16xi32> to vector<32xbf16>
          %mul3A_922 = arith.constant 64 : i32
          %mul3A_923 = arith.muli %squeeze3A_868, %mul3A_922 : i32
          %add3A_924 = arith.constant 48 : i32
          %add3A_925 = arith.addi %mul3A_923, %add3A_924 : i32
          %get3A_926 = arith.index_cast %add3A_925 : i32 to index
          %get3A_927 = tpu.vector_load %arg17[%get3A_926] {strides = array<i32>} : memref<4096xi32, #tpu.memory_space<vmem>>, vector<16xi32>,
          %bitcast3A_928 = vector.bitcast %get3A_927 : vector<16xi32> to vector<32xbf16>
          %mul3A_929 = arith.mulf %bitcast3A_690, %bitcast3A_694 : vector<32xbf16>
          %mul3A_930 = arith.mulf %mul3A_929, %bitcast3A_701 : vector<32xbf16>
          %unpack3A_931 = tpu.unpack_subelements %mul3A_930, 0 {pack_format = #tpu.pack_format<interleaved>} : vector<32xbf16> -> vector<16xf32>
          %unpack3A_932 = tpu.unpack_subelements %mul3A_930, 1 {pack_format = #tpu.pack_format<interleaved>} : vector<32xbf16> -> vector<16xf32>
          %mul3A_933 = arith.mulf %bitcast3A_705, %bitcast3A_709 : vector<32xbf16>
          %mul3A_934 = arith.mulf %mul3A_933, %bitcast3A_716 : vector<32xbf16>
          %unpack3A_935 = tpu.unpack_subelements %mul3A_934, 0 {pack_format = #tpu.pack_format<interleaved>} : vector<32xbf16> -> vector<16xf32>
          %unpack3A_936 = tpu.unpack_subelements %mul3A_934, 1 {pack_format = #tpu.pack_format<interleaved>} : vector<32xbf16> -> vector<16xf32>
          %add3A_937 = arith.addf %unpack3A_931, %unpack3A_935 : vector<16xf32>
          %add3A_938 = arith.addf %unpack3A_932, %unpack3A_936 : vector<16xf32>
          %mul3A_939 = arith.mulf %bitcast3A_720, %bitcast3A_724 : vector<32xbf16>
          %mul3A_940 = arith.mulf %mul3A_939, %bitcast3A_731 : vector<32xbf16>
          %unpack3A_941 = tpu.unpack_subelements %mul3A_940, 0 {pack_format = #tpu.pack_format<interleaved>} : vector<32xbf16> -> vector<16xf32>
          %unpack3A_942 = tpu.unpack_subelements %mul3A_940, 1 {pack_format = #tpu.pack_format<interleaved>} : vector<32xbf16> -> vector<16xf32>
          %add3A_943 = arith.addf %add3A_937, %unpack3A_941 : vector<16xf32>
          %add3A_944 = arith.addf %add3A_938, %unpack3A_942 : vector<16xf32>
          %mul3A_945 = arith.mulf %bitcast3A_735, %bitcast3A_739 : vector<32xbf16>
          %mul3A_946 = arith.mulf %mul3A_945, %bitcast3A_746 : vector<32xbf16>
          %unpack3A_947 = tpu.unpack_subelements %mul3A_946, 0 {pack_format = #tpu.pack_format<interleaved>} : vector<32xbf16> -> vector<16xf32>
          %unpack3A_948 = tpu.unpack_subelements %mul3A_946, 1 {pack_format = #tpu.pack_format<interleaved>} : vector<32xbf16> -> vector<16xf32>
          %add3A_949 = arith.addf %add3A_943, %unpack3A_947 : vector<16xf32>
          %add3A_950 = arith.addf %add3A_944, %unpack3A_948 : vector<16xf32>
          %add3A_951 = arith.addf %add3A_949, %add3A_950 : vector<16xf32>
          %swap3A_952 = arith.constant 119 : index
          %swap3A_953 = tpu.vector_load %arg19[%swap3A_952] {strides = array<i32>} : memref<272xf32, #tpu.memory_space<vmem>>, vector<16xf32>,
          tpu.vector_store %arg19[%swap3A_952], %add3A_951 {strides = array<i32>} : memref<272xf32, #tpu.memory_space<vmem>>, vector<16xf32>,
          %mul3A_954 = arith.constant 16 : i32
          %mul3A_955 = arith.muli %add3A_94, %mul3A_954 : i32
          %add3A_956 = arith.constant 10 : i32
          %add3A_957 = arith.addi %mul3A_955, %add3A_956 : i32
          %slice3A_958 = vector.extract_strided_slice %get3A_98 {offsets = [10], sizes = [1], strides = [1]} : vector<16xi32> to vector<1xi32>
          %squeeze3A_959 = vector.extract %slice3A_958[0] : i32 from vector<1xi32>
          %get3A_960 = arith.index_cast %add3A_957 : i32 to index
          %get3A_961 = arith.constant 0 : index
          %get3A_962 = tpu.vector_load %arg13[%get3A_960, %get3A_961] {strides = array<i32>} : memref<80x128xi32, #tpu.memory_space<vmem>>, vector<16xi32>,
          %bitcast3A_963 = vector.bitcast %get3A_962 : vector<16xi32> to vector<32xbf16>
          %get3A_964 = arith.index_cast %add3A_957 : i32 to index
          %get3A_965 = arith.constant 0 : index
          %get3A_966 = tpu.vector_load %arg14[%get3A_964, %get3A_965] {strides = array<i32>} : memref<80x128xi32, #tpu.memory_space<vmem>>, vector<16xi32>,
          %bitcast3A_967 = vector.bitcast %get3A_966 : vector<16xi32> to vector<32xbf16>
          %mul3A_968 = arith.constant 64 : i32
          %mul3A_969 = arith.muli %squeeze3A_959, %mul3A_968 : i32
          %add3A_970 = arith.constant 0 : i32
          %add3A_971 = arith.addi %mul3A_969, %add3A_970 : i32
          %get3A_972 = arith.index_cast %add3A_971 : i32 to index
          %get3A_973 = tpu.vector_load %arg17[%get3A_972] {strides = array<i32>} : memref<4096xi32, #tpu.memory_space<vmem>>, vector<16xi32>,
          %bitcast3A_974 = vector.bitcast %get3A_973 : vector<16xi32> to vector<32xbf16>
          %get3A_975 = arith.index_cast %add3A_957 : i32 to index
          %get3A_976 = arith.constant 16 : index
          %get3A_977 = tpu.vector_load %arg13[%get3A_975, %get3A_976] {strides = array<i32>} : memref<80x128xi32, #tpu.memory_space<vmem>>, vector<16xi32>,
          %bitcast3A_978 = vector.bitcast %get3A_977 : vector<16xi32> to vector<32xbf16>
          %get3A_979 = arith.index_cast %add3A_957 : i32 to index
          %get3A_980 = arith.constant 16 : index
          %get3A_981 = tpu.vector_load %arg14[%get3A_979, %get3A_980] {strides = array<i32>} : memref<80x128xi32, #tpu.memory_space<vmem>>, vector<16xi32>,
          %bitcast3A_982 = vector.bitcast %get3A_981 : vector<16xi32> to vector<32xbf16>
          %mul3A_983 = arith.constant 64 : i32
          %mul3A_984 = arith.muli %squeeze3A_959, %mul3A_983 : i32
          %add3A_985 = arith.constant 16 : i32
          %add3A_986 = arith.addi %mul3A_984, %add3A_985 : i32
          %get3A_987 = arith.index_cast %add3A_986 : i32 to index
          %get3A_988 = tpu.vector_load %arg17[%get3A_987] {strides = array<i32>} : memref<4096xi32, #tpu.memory_space<vmem>>, vector<16xi32>,
          %bitcast3A_989 = vector.bitcast %get3A_988 : vector<16xi32> to vector<32xbf16>
          %get3A_990 = arith.index_cast %add3A_957 : i32 to index
          %get3A_991 = arith.constant 32 : index
          %get3A_992 = tpu.vector_load %arg13[%get3A_990, %get3A_991] {strides = array<i32>} : memref<80x128xi32, #tpu.memory_space<vmem>>, vector<16xi32>,
          %bitcast3A_993 = vector.bitcast %get3A_992 : vector<16xi32> to vector<32xbf16>
          %get3A_994 = arith.index_cast %add3A_957 : i32 to index
          %get3A_995 = arith.constant 32 : index
          %get3A_996 = tpu.vector_load %arg14[%get3A_994, %get3A_995] {strides = array<i32>} : memref<80x128xi32, #tpu.memory_space<vmem>>, vector<16xi32>,
          %bitcast3A_997 = vector.bitcast %get3A_996 : vector<16xi32> to vector<32xbf16>
          %mul3A_998 = arith.constant 64 : i32
          %mul3A_999 = arith.muli %squeeze3A_959, %mul3A_998 : i32
          %add3A_1000 = arith.constant 32 : i32
          %add3A_1001 = arith.addi %mul3A_999, %add3A_1000 : i32
          %get3A_1002 = arith.index_cast %add3A_1001 : i32 to index
          %get3A_1003 = tpu.vector_load %arg17[%get3A_1002] {strides = array<i32>} : memref<4096xi32, #tpu.memory_space<vmem>>, vector<16xi32>,
          %bitcast3A_1004 = vector.bitcast %get3A_1003 : vector<16xi32> to vector<32xbf16>
          %get3A_1005 = arith.index_cast %add3A_957 : i32 to index
          %get3A_1006 = arith.constant 48 : index
          %get3A_1007 = tpu.vector_load %arg13[%get3A_1005, %get3A_1006] {strides = array<i32>} : memref<80x128xi32, #tpu.memory_space<vmem>>, vector<16xi32>,
          %bitcast3A_1008 = vector.bitcast %get3A_1007 : vector<16xi32> to vector<32xbf16>
          %get3A_1009 = arith.index_cast %add3A_957 : i32 to index
          %get3A_1010 = arith.constant 48 : index
          %get3A_1011 = tpu.vector_load %arg14[%get3A_1009, %get3A_1010] {strides = array<i32>} : memref<80x128xi32, #tpu.memory_space<vmem>>, vector<16xi32>,
          %bitcast3A_1012 = vector.bitcast %get3A_1011 : vector<16xi32> to vector<32xbf16>
          %mul3A_1013 = arith.constant 64 : i32
          %mul3A_1014 = arith.muli %squeeze3A_959, %mul3A_1013 : i32
          %add3A_1015 = arith.constant 48 : i32
          %add3A_1016 = arith.addi %mul3A_1014, %add3A_1015 : i32
          %get3A_1017 = arith.index_cast %add3A_1016 : i32 to index
          %get3A_1018 = tpu.vector_load %arg17[%get3A_1017] {strides = array<i32>} : memref<4096xi32, #tpu.memory_space<vmem>>, vector<16xi32>,
          %bitcast3A_1019 = vector.bitcast %get3A_1018 : vector<16xi32> to vector<32xbf16>
          %mul3A_1020 = arith.mulf %bitcast3A_781, %bitcast3A_785 : vector<32xbf16>
          %mul3A_1021 = arith.mulf %mul3A_1020, %bitcast3A_792 : vector<32xbf16>
          %unpack3A_1022 = tpu.unpack_subelements %mul3A_1021, 0 {pack_format = #tpu.pack_format<interleaved>} : vector<32xbf16> -> vector<16xf32>
          %unpack3A_1023 = tpu.unpack_subelements %mul3A_1021, 1 {pack_format = #tpu.pack_format<interleaved>} : vector<32xbf16> -> vector<16xf32>
          %mul3A_1024 = arith.mulf %bitcast3A_796, %bitcast3A_800 : vector<32xbf16>
          %mul3A_1025 = arith.mulf %mul3A_1024, %bitcast3A_807 : vector<32xbf16>
          %unpack3A_1026 = tpu.unpack_subelements %mul3A_1025, 0 {pack_format = #tpu.pack_format<interleaved>} : vector<32xbf16> -> vector<16xf32>
          %unpack3A_1027 = tpu.unpack_subelements %mul3A_1025, 1 {pack_format = #tpu.pack_format<interleaved>} : vector<32xbf16> -> vector<16xf32>
          %add3A_1028 = arith.addf %unpack3A_1022, %unpack3A_1026 : vector<16xf32>
          %add3A_1029 = arith.addf %unpack3A_1023, %unpack3A_1027 : vector<16xf32>
          %mul3A_1030 = arith.mulf %bitcast3A_811, %bitcast3A_815 : vector<32xbf16>
          %mul3A_1031 = arith.mulf %mul3A_1030, %bitcast3A_822 : vector<32xbf16>
          %unpack3A_1032 = tpu.unpack_subelements %mul3A_1031, 0 {pack_format = #tpu.pack_format<interleaved>} : vector<32xbf16> -> vector<16xf32>
          %unpack3A_1033 = tpu.unpack_subelements %mul3A_1031, 1 {pack_format = #tpu.pack_format<interleaved>} : vector<32xbf16> -> vector<16xf32>
          %add3A_1034 = arith.addf %add3A_1028, %unpack3A_1032 : vector<16xf32>
          %add3A_1035 = arith.addf %add3A_1029, %unpack3A_1033 : vector<16xf32>
          %mul3A_1036 = arith.mulf %bitcast3A_826, %bitcast3A_830 : vector<32xbf16>
          %mul3A_1037 = arith.mulf %mul3A_1036, %bitcast3A_837 : vector<32xbf16>
          %unpack3A_1038 = tpu.unpack_subelements %mul3A_1037, 0 {pack_format = #tpu.pack_format<interleaved>} : vector<32xbf16> -> vector<16xf32>
          %unpack3A_1039 = tpu.unpack_subelements %mul3A_1037, 1 {pack_format = #tpu.pack_format<interleaved>} : vector<32xbf16> -> vector<16xf32>
          %add3A_1040 = arith.addf %add3A_1034, %unpack3A_1038 : vector<16xf32>
          %add3A_1041 = arith.addf %add3A_1035, %unpack3A_1039 : vector<16xf32>
          %add3A_1042 = arith.addf %add3A_1040, %add3A_1041 : vector<16xf32>
          %swap3A_1043 = arith.constant 136 : index
          %swap3A_1044 = tpu.vector_load %arg19[%swap3A_1043] {strides = array<i32>} : memref<272xf32, #tpu.memory_space<vmem>>, vector<16xf32>,
          tpu.vector_store %arg19[%swap3A_1043], %add3A_1042 {strides = array<i32>} : memref<272xf32, #tpu.memory_space<vmem>>, vector<16xf32>,
          %mul3A_1045 = arith.constant 16 : i32
          %mul3A_1046 = arith.muli %add3A_94, %mul3A_1045 : i32
          %add3A_1047 = arith.constant 11 : i32
          %add3A_1048 = arith.addi %mul3A_1046, %add3A_1047 : i32
          %slice3A_1049 = vector.extract_strided_slice %get3A_98 {offsets = [11], sizes = [1], strides = [1]} : vector<16xi32> to vector<1xi32>
          %squeeze3A_1050 = vector.extract %slice3A_1049[0] : i32 from vector<1xi32>
          %get3A_1051 = arith.index_cast %add3A_1048 : i32 to index
          %get3A_1052 = arith.constant 0 : index
          %get3A_1053 = tpu.vector_load %arg13[%get3A_1051, %get3A_1052] {strides = array<i32>} : memref<80x128xi32, #tpu.memory_space<vmem>>, vector<16xi32>,
          %bitcast3A_1054 = vector.bitcast %get3A_1053 : vector<16xi32> to vector<32xbf16>
          %get3A_1055 = arith.index_cast %add3A_1048 : i32 to index
          %get3A_1056 = arith.constant 0 : index
          %get3A_1057 = tpu.vector_load %arg14[%get3A_1055, %get3A_1056] {strides = array<i32>} : memref<80x128xi32, #tpu.memory_space<vmem>>, vector<16xi32>,
          %bitcast3A_1058 = vector.bitcast %get3A_1057 : vector<16xi32> to vector<32xbf16>
          %mul3A_1059 = arith.constant 64 : i32
          %mul3A_1060 = arith.muli %squeeze3A_1050, %mul3A_1059 : i32
          %add3A_1061 = arith.constant 0 : i32
          %add3A_1062 = arith.addi %mul3A_1060, %add3A_1061 : i32
          %get3A_1063 = arith.index_cast %add3A_1062 : i32 to index
          %get3A_1064 = tpu.vector_load %arg17[%get3A_1063] {strides = array<i32>} : memref<4096xi32, #tpu.memory_space<vmem>>, vector<16xi32>,
          %bitcast3A_1065 = vector.bitcast %get3A_1064 : vector<16xi32> to vector<32xbf16>
          %get3A_1066 = arith.index_cast %add3A_1048 : i32 to index
          %get3A_1067 = arith.constant 16 : index
          %get3A_1068 = tpu.vector_load %arg13[%get3A_1066, %get3A_1067] {strides = array<i32>} : memref<80x128xi32, #tpu.memory_space<vmem>>, vector<16xi32>,
          %bitcast3A_1069 = vector.bitcast %get3A_1068 : vector<16xi32> to vector<32xbf16>
          %get3A_1070 = arith.index_cast %add3A_1048 : i32 to index
          %get3A_1071 = arith.constant 16 : index
          %get3A_1072 = tpu.vector_load %arg14[%get3A_1070, %get3A_1071] {strides = array<i32>} : memref<80x128xi32, #tpu.memory_space<vmem>>, vector<16xi32>,
          %bitcast3A_1073 = vector.bitcast %get3A_1072 : vector<16xi32> to vector<32xbf16>
          %mul3A_1074 = arith.constant 64 : i32
          %mul3A_1075 = arith.muli %squeeze3A_1050, %mul3A_1074 : i32
          %add3A_1076 = arith.constant 16 : i32
          %add3A_1077 = arith.addi %mul3A_1075, %add3A_1076 : i32
          %get3A_1078 = arith.index_cast %add3A_1077 : i32 to index
          %get3A_1079 = tpu.vector_load %arg17[%get3A_1078] {strides = array<i32>} : memref<4096xi32, #tpu.memory_space<vmem>>, vector<16xi32>,
          %bitcast3A_1080 = vector.bitcast %get3A_1079 : vector<16xi32> to vector<32xbf16>
          %get3A_1081 = arith.index_cast %add3A_1048 : i32 to index
          %get3A_1082 = arith.constant 32 : index
          %get3A_1083 = tpu.vector_load %arg13[%get3A_1081, %get3A_1082] {strides = array<i32>} : memref<80x128xi32, #tpu.memory_space<vmem>>, vector<16xi32>,
          %bitcast3A_1084 = vector.bitcast %get3A_1083 : vector<16xi32> to vector<32xbf16>
          %get3A_1085 = arith.index_cast %add3A_1048 : i32 to index
          %get3A_1086 = arith.constant 32 : index
          %get3A_1087 = tpu.vector_load %arg14[%get3A_1085, %get3A_1086] {strides = array<i32>} : memref<80x128xi32, #tpu.memory_space<vmem>>, vector<16xi32>,
          %bitcast3A_1088 = vector.bitcast %get3A_1087 : vector<16xi32> to vector<32xbf16>
          %mul3A_1089 = arith.constant 64 : i32
          %mul3A_1090 = arith.muli %squeeze3A_1050, %mul3A_1089 : i32
          %add3A_1091 = arith.constant 32 : i32
          %add3A_1092 = arith.addi %mul3A_1090, %add3A_1091 : i32
          %get3A_1093 = arith.index_cast %add3A_1092 : i32 to index
          %get3A_1094 = tpu.vector_load %arg17[%get3A_1093] {strides = array<i32>} : memref<4096xi32, #tpu.memory_space<vmem>>, vector<16xi32>,
          %bitcast3A_1095 = vector.bitcast %get3A_1094 : vector<16xi32> to vector<32xbf16>
          %get3A_1096 = arith.index_cast %add3A_1048 : i32 to index
          %get3A_1097 = arith.constant 48 : index
          %get3A_1098 = tpu.vector_load %arg13[%get3A_1096, %get3A_1097] {strides = array<i32>} : memref<80x128xi32, #tpu.memory_space<vmem>>, vector<16xi32>,
          %bitcast3A_1099 = vector.bitcast %get3A_1098 : vector<16xi32> to vector<32xbf16>
          %get3A_1100 = arith.index_cast %add3A_1048 : i32 to index
          %get3A_1101 = arith.constant 48 : index
          %get3A_1102 = tpu.vector_load %arg14[%get3A_1100, %get3A_1101] {strides = array<i32>} : memref<80x128xi32, #tpu.memory_space<vmem>>, vector<16xi32>,
          %bitcast3A_1103 = vector.bitcast %get3A_1102 : vector<16xi32> to vector<32xbf16>
          %mul3A_1104 = arith.constant 64 : i32
          %mul3A_1105 = arith.muli %squeeze3A_1050, %mul3A_1104 : i32
          %add3A_1106 = arith.constant 48 : i32
          %add3A_1107 = arith.addi %mul3A_1105, %add3A_1106 : i32
          %get3A_1108 = arith.index_cast %add3A_1107 : i32 to index
          %get3A_1109 = tpu.vector_load %arg17[%get3A_1108] {strides = array<i32>} : memref<4096xi32, #tpu.memory_space<vmem>>, vector<16xi32>,
          %bitcast3A_1110 = vector.bitcast %get3A_1109 : vector<16xi32> to vector<32xbf16>
          %mul3A_1111 = arith.mulf %bitcast3A_872, %bitcast3A_876 : vector<32xbf16>
          %mul3A_1112 = arith.mulf %mul3A_1111, %bitcast3A_883 : vector<32xbf16>
          %unpack3A_1113 = tpu.unpack_subelements %mul3A_1112, 0 {pack_format = #tpu.pack_format<interleaved>} : vector<32xbf16> -> vector<16xf32>
          %unpack3A_1114 = tpu.unpack_subelements %mul3A_1112, 1 {pack_format = #tpu.pack_format<interleaved>} : vector<32xbf16> -> vector<16xf32>
          %mul3A_1115 = arith.mulf %bitcast3A_887, %bitcast3A_891 : vector<32xbf16>
          %mul3A_1116 = arith.mulf %mul3A_1115, %bitcast3A_898 : vector<32xbf16>
          %unpack3A_1117 = tpu.unpack_subelements %mul3A_1116, 0 {pack_format = #tpu.pack_format<interleaved>} : vector<32xbf16> -> vector<16xf32>
          %unpack3A_1118 = tpu.unpack_subelements %mul3A_1116, 1 {pack_format = #tpu.pack_format<interleaved>} : vector<32xbf16> -> vector<16xf32>
          %add3A_1119 = arith.addf %unpack3A_1113, %unpack3A_1117 : vector<16xf32>
          %add3A_1120 = arith.addf %unpack3A_1114, %unpack3A_1118 : vector<16xf32>
          %mul3A_1121 = arith.mulf %bitcast3A_902, %bitcast3A_906 : vector<32xbf16>
          %mul3A_1122 = arith.mulf %mul3A_1121, %bitcast3A_913 : vector<32xbf16>
          %unpack3A_1123 = tpu.unpack_subelements %mul3A_1122, 0 {pack_format = #tpu.pack_format<interleaved>} : vector<32xbf16> -> vector<16xf32>
          %unpack3A_1124 = tpu.unpack_subelements %mul3A_1122, 1 {pack_format = #tpu.pack_format<interleaved>} : vector<32xbf16> -> vector<16xf32>
          %add3A_1125 = arith.addf %add3A_1119, %unpack3A_1123 : vector<16xf32>
          %add3A_1126 = arith.addf %add3A_1120, %unpack3A_1124 : vector<16xf32>
          %mul3A_1127 = arith.mulf %bitcast3A_917, %bitcast3A_921 : vector<32xbf16>
          %mul3A_1128 = arith.mulf %mul3A_1127, %bitcast3A_928 : vector<32xbf16>
          %unpack3A_1129 = tpu.unpack_subelements %mul3A_1128, 0 {pack_format = #tpu.pack_format<interleaved>} : vector<32xbf16> -> vector<16xf32>
          %unpack3A_1130 = tpu.unpack_subelements %mul3A_1128, 1 {pack_format = #tpu.pack_format<interleaved>} : vector<32xbf16> -> vector<16xf32>
          %add3A_1131 = arith.addf %add3A_1125, %unpack3A_1129 : vector<16xf32>
          %add3A_1132 = arith.addf %add3A_1126, %unpack3A_1130 : vector<16xf32>
          %add3A_1133 = arith.addf %add3A_1131, %add3A_1132 : vector<16xf32>
          %swap3A_1134 = arith.constant 153 : index
          %swap3A_1135 = tpu.vector_load %arg19[%swap3A_1134] {strides = array<i32>} : memref<272xf32, #tpu.memory_space<vmem>>, vector<16xf32>,
          tpu.vector_store %arg19[%swap3A_1134], %add3A_1133 {strides = array<i32>} : memref<272xf32, #tpu.memory_space<vmem>>, vector<16xf32>,
          %mul3A_1136 = arith.constant 16 : i32
          %mul3A_1137 = arith.muli %add3A_94, %mul3A_1136 : i32
          %add3A_1138 = arith.constant 12 : i32
          %add3A_1139 = arith.addi %mul3A_1137, %add3A_1138 : i32
          %slice3A_1140 = vector.extract_strided_slice %get3A_98 {offsets = [12], sizes = [1], strides = [1]} : vector<16xi32> to vector<1xi32>
          %squeeze3A_1141 = vector.extract %slice3A_1140[0] : i32 from vector<1xi32>
          %get3A_1142 = arith.index_cast %add3A_1139 : i32 to index
          %get3A_1143 = arith.constant 0 : index
          %get3A_1144 = tpu.vector_load %arg13[%get3A_1142, %get3A_1143] {strides = array<i32>} : memref<80x128xi32, #tpu.memory_space<vmem>>, vector<16xi32>,
          %bitcast3A_1145 = vector.bitcast %get3A_1144 : vector<16xi32> to vector<32xbf16>
          %get3A_1146 = arith.index_cast %add3A_1139 : i32 to index
          %get3A_1147 = arith.constant 0 : index
          %get3A_1148 = tpu.vector_load %arg14[%get3A_1146, %get3A_1147] {strides = array<i32>} : memref<80x128xi32, #tpu.memory_space<vmem>>, vector<16xi32>,
          %bitcast3A_1149 = vector.bitcast %get3A_1148 : vector<16xi32> to vector<32xbf16>
          %mul3A_1150 = arith.constant 64 : i32
          %mul3A_1151 = arith.muli %squeeze3A_1141, %mul3A_1150 : i32
          %add3A_1152 = arith.constant 0 : i32
          %add3A_1153 = arith.addi %mul3A_1151, %add3A_1152 : i32
          %get3A_1154 = arith.index_cast %add3A_1153 : i32 to index
          %get3A_1155 = tpu.vector_load %arg17[%get3A_1154] {strides = array<i32>} : memref<4096xi32, #tpu.memory_space<vmem>>, vector<16xi32>,
          %bitcast3A_1156 = vector.bitcast %get3A_1155 : vector<16xi32> to vector<32xbf16>
          %get3A_1157 = arith.index_cast %add3A_1139 : i32 to index
          %get3A_1158 = arith.constant 16 : index
          %get3A_1159 = tpu.vector_load %arg13[%get3A_1157, %get3A_1158] {strides = array<i32>} : memref<80x128xi32, #tpu.memory_space<vmem>>, vector<16xi32>,
          %bitcast3A_1160 = vector.bitcast %get3A_1159 : vector<16xi32> to vector<32xbf16>
          %get3A_1161 = arith.index_cast %add3A_1139 : i32 to index
          %get3A_1162 = arith.constant 16 : index
          %get3A_1163 = tpu.vector_load %arg14[%get3A_1161, %get3A_1162] {strides = array<i32>} : memref<80x128xi32, #tpu.memory_space<vmem>>, vector<16xi32>,
          %bitcast3A_1164 = vector.bitcast %get3A_1163 : vector<16xi32> to vector<32xbf16>
          %mul3A_1165 = arith.constant 64 : i32
          %mul3A_1166 = arith.muli %squeeze3A_1141, %mul3A_1165 : i32
          %add3A_1167 = arith.constant 16 : i32
          %add3A_1168 = arith.addi %mul3A_1166, %add3A_1167 : i32
          %get3A_1169 = arith.index_cast %add3A_1168 : i32 to index
          %get3A_1170 = tpu.vector_load %arg17[%get3A_1169] {strides = array<i32>} : memref<4096xi32, #tpu.memory_space<vmem>>, vector<16xi32>,
          %bitcast3A_1171 = vector.bitcast %get3A_1170 : vector<16xi32> to vector<32xbf16>
          %get3A_1172 = arith.index_cast %add3A_1139 : i32 to index
          %get3A_1173 = arith.constant 32 : index
          %get3A_1174 = tpu.vector_load %arg13[%get3A_1172, %get3A_1173] {strides = array<i32>} : memref<80x128xi32, #tpu.memory_space<vmem>>, vector<16xi32>,
          %bitcast3A_1175 = vector.bitcast %get3A_1174 : vector<16xi32> to vector<32xbf16>
          %get3A_1176 = arith.index_cast %add3A_1139 : i32 to index
          %get3A_1177 = arith.constant 32 : index
          %get3A_1178 = tpu.vector_load %arg14[%get3A_1176, %get3A_1177] {strides = array<i32>} : memref<80x128xi32, #tpu.memory_space<vmem>>, vector<16xi32>,
          %bitcast3A_1179 = vector.bitcast %get3A_1178 : vector<16xi32> to vector<32xbf16>
          %mul3A_1180 = arith.constant 64 : i32
          %mul3A_1181 = arith.muli %squeeze3A_1141, %mul3A_1180 : i32
          %add3A_1182 = arith.constant 32 : i32
          %add3A_1183 = arith.addi %mul3A_1181, %add3A_1182 : i32
          %get3A_1184 = arith.index_cast %add3A_1183 : i32 to index
          %get3A_1185 = tpu.vector_load %arg17[%get3A_1184] {strides = array<i32>} : memref<4096xi32, #tpu.memory_space<vmem>>, vector<16xi32>,
          %bitcast3A_1186 = vector.bitcast %get3A_1185 : vector<16xi32> to vector<32xbf16>
          %get3A_1187 = arith.index_cast %add3A_1139 : i32 to index
          %get3A_1188 = arith.constant 48 : index
          %get3A_1189 = tpu.vector_load %arg13[%get3A_1187, %get3A_1188] {strides = array<i32>} : memref<80x128xi32, #tpu.memory_space<vmem>>, vector<16xi32>,
          %bitcast3A_1190 = vector.bitcast %get3A_1189 : vector<16xi32> to vector<32xbf16>
          %get3A_1191 = arith.index_cast %add3A_1139 : i32 to index
          %get3A_1192 = arith.constant 48 : index
          %get3A_1193 = tpu.vector_load %arg14[%get3A_1191, %get3A_1192] {strides = array<i32>} : memref<80x128xi32, #tpu.memory_space<vmem>>, vector<16xi32>,
          %bitcast3A_1194 = vector.bitcast %get3A_1193 : vector<16xi32> to vector<32xbf16>
          %mul3A_1195 = arith.constant 64 : i32
          %mul3A_1196 = arith.muli %squeeze3A_1141, %mul3A_1195 : i32
          %add3A_1197 = arith.constant 48 : i32
          %add3A_1198 = arith.addi %mul3A_1196, %add3A_1197 : i32
          %get3A_1199 = arith.index_cast %add3A_1198 : i32 to index
          %get3A_1200 = tpu.vector_load %arg17[%get3A_1199] {strides = array<i32>} : memref<4096xi32, #tpu.memory_space<vmem>>, vector<16xi32>,
          %bitcast3A_1201 = vector.bitcast %get3A_1200 : vector<16xi32> to vector<32xbf16>
          %mul3A_1202 = arith.mulf %bitcast3A_963, %bitcast3A_967 : vector<32xbf16>
          %mul3A_1203 = arith.mulf %mul3A_1202, %bitcast3A_974 : vector<32xbf16>
          %unpack3A_1204 = tpu.unpack_subelements %mul3A_1203, 0 {pack_format = #tpu.pack_format<interleaved>} : vector<32xbf16> -> vector<16xf32>
          %unpack3A_1205 = tpu.unpack_subelements %mul3A_1203, 1 {pack_format = #tpu.pack_format<interleaved>} : vector<32xbf16> -> vector<16xf32>
          %mul3A_1206 = arith.mulf %bitcast3A_978, %bitcast3A_982 : vector<32xbf16>
          %mul3A_1207 = arith.mulf %mul3A_1206, %bitcast3A_989 : vector<32xbf16>
          %unpack3A_1208 = tpu.unpack_subelements %mul3A_1207, 0 {pack_format = #tpu.pack_format<interleaved>} : vector<32xbf16> -> vector<16xf32>
          %unpack3A_1209 = tpu.unpack_subelements %mul3A_1207, 1 {pack_format = #tpu.pack_format<interleaved>} : vector<32xbf16> -> vector<16xf32>
          %add3A_1210 = arith.addf %unpack3A_1204, %unpack3A_1208 : vector<16xf32>
          %add3A_1211 = arith.addf %unpack3A_1205, %unpack3A_1209 : vector<16xf32>
          %mul3A_1212 = arith.mulf %bitcast3A_993, %bitcast3A_997 : vector<32xbf16>
          %mul3A_1213 = arith.mulf %mul3A_1212, %bitcast3A_1004 : vector<32xbf16>
          %unpack3A_1214 = tpu.unpack_subelements %mul3A_1213, 0 {pack_format = #tpu.pack_format<interleaved>} : vector<32xbf16> -> vector<16xf32>
          %unpack3A_1215 = tpu.unpack_subelements %mul3A_1213, 1 {pack_format = #tpu.pack_format<interleaved>} : vector<32xbf16> -> vector<16xf32>
          %add3A_1216 = arith.addf %add3A_1210, %unpack3A_1214 : vector<16xf32>
          %add3A_1217 = arith.addf %add3A_1211, %unpack3A_1215 : vector<16xf32>
          %mul3A_1218 = arith.mulf %bitcast3A_1008, %bitcast3A_1012 : vector<32xbf16>
          %mul3A_1219 = arith.mulf %mul3A_1218, %bitcast3A_1019 : vector<32xbf16>
          %unpack3A_1220 = tpu.unpack_subelements %mul3A_1219, 0 {pack_format = #tpu.pack_format<interleaved>} : vector<32xbf16> -> vector<16xf32>
          %unpack3A_1221 = tpu.unpack_subelements %mul3A_1219, 1 {pack_format = #tpu.pack_format<interleaved>} : vector<32xbf16> -> vector<16xf32>
          %add3A_1222 = arith.addf %add3A_1216, %unpack3A_1220 : vector<16xf32>
          %add3A_1223 = arith.addf %add3A_1217, %unpack3A_1221 : vector<16xf32>
          %add3A_1224 = arith.addf %add3A_1222, %add3A_1223 : vector<16xf32>
          %swap3A_1225 = arith.constant 170 : index
          %swap3A_1226 = tpu.vector_load %arg19[%swap3A_1225] {strides = array<i32>} : memref<272xf32, #tpu.memory_space<vmem>>, vector<16xf32>,
          tpu.vector_store %arg19[%swap3A_1225], %add3A_1224 {strides = array<i32>} : memref<272xf32, #tpu.memory_space<vmem>>, vector<16xf32>,
          %mul3A_1227 = arith.constant 16 : i32
          %mul3A_1228 = arith.muli %add3A_94, %mul3A_1227 : i32
          %add3A_1229 = arith.constant 13 : i32
          %add3A_1230 = arith.addi %mul3A_1228, %add3A_1229 : i32
          %slice3A_1231 = vector.extract_strided_slice %get3A_98 {offsets = [13], sizes = [1], strides = [1]} : vector<16xi32> to vector<1xi32>
          %squeeze3A_1232 = vector.extract %slice3A_1231[0] : i32 from vector<1xi32>
          %get3A_1233 = arith.index_cast %add3A_1230 : i32 to index
          %get3A_1234 = arith.constant 0 : index
          %get3A_1235 = tpu.vector_load %arg13[%get3A_1233, %get3A_1234] {strides = array<i32>} : memref<80x128xi32, #tpu.memory_space<vmem>>, vector<16xi32>,
          %bitcast3A_1236 = vector.bitcast %get3A_1235 : vector<16xi32> to vector<32xbf16>
          %get3A_1237 = arith.index_cast %add3A_1230 : i32 to index
          %get3A_1238 = arith.constant 0 : index
          %get3A_1239 = tpu.vector_load %arg14[%get3A_1237, %get3A_1238] {strides = array<i32>} : memref<80x128xi32, #tpu.memory_space<vmem>>, vector<16xi32>,
          %bitcast3A_1240 = vector.bitcast %get3A_1239 : vector<16xi32> to vector<32xbf16>
          %mul3A_1241 = arith.constant 64 : i32
          %mul3A_1242 = arith.muli %squeeze3A_1232, %mul3A_1241 : i32
          %add3A_1243 = arith.constant 0 : i32
          %add3A_1244 = arith.addi %mul3A_1242, %add3A_1243 : i32
          %get3A_1245 = arith.index_cast %add3A_1244 : i32 to index
          %get3A_1246 = tpu.vector_load %arg17[%get3A_1245] {strides = array<i32>} : memref<4096xi32, #tpu.memory_space<vmem>>, vector<16xi32>,
          %bitcast3A_1247 = vector.bitcast %get3A_1246 : vector<16xi32> to vector<32xbf16>
          %get3A_1248 = arith.index_cast %add3A_1230 : i32 to index
          %get3A_1249 = arith.constant 16 : index
          %get3A_1250 = tpu.vector_load %arg13[%get3A_1248, %get3A_1249] {strides = array<i32>} : memref<80x128xi32, #tpu.memory_space<vmem>>, vector<16xi32>,
          %bitcast3A_1251 = vector.bitcast %get3A_1250 : vector<16xi32> to vector<32xbf16>
          %get3A_1252 = arith.index_cast %add3A_1230 : i32 to index
          %get3A_1253 = arith.constant 16 : index
          %get3A_1254 = tpu.vector_load %arg14[%get3A_1252, %get3A_1253] {strides = array<i32>} : memref<80x128xi32, #tpu.memory_space<vmem>>, vector<16xi32>,
          %bitcast3A_1255 = vector.bitcast %get3A_1254 : vector<16xi32> to vector<32xbf16>
          %mul3A_1256 = arith.constant 64 : i32
          %mul3A_1257 = arith.muli %squeeze3A_1232, %mul3A_1256 : i32
          %add3A_1258 = arith.constant 16 : i32
          %add3A_1259 = arith.addi %mul3A_1257, %add3A_1258 : i32
          %get3A_1260 = arith.index_cast %add3A_1259 : i32 to index
          %get3A_1261 = tpu.vector_load %arg17[%get3A_1260] {strides = array<i32>} : memref<4096xi32, #tpu.memory_space<vmem>>, vector<16xi32>,
          %bitcast3A_1262 = vector.bitcast %get3A_1261 : vector<16xi32> to vector<32xbf16>
          %get3A_1263 = arith.index_cast %add3A_1230 : i32 to index
          %get3A_1264 = arith.constant 32 : index
          %get3A_1265 = tpu.vector_load %arg13[%get3A_1263, %get3A_1264] {strides = array<i32>} : memref<80x128xi32, #tpu.memory_space<vmem>>, vector<16xi32>,
          %bitcast3A_1266 = vector.bitcast %get3A_1265 : vector<16xi32> to vector<32xbf16>
          %get3A_1267 = arith.index_cast %add3A_1230 : i32 to index
          %get3A_1268 = arith.constant 32 : index
          %get3A_1269 = tpu.vector_load %arg14[%get3A_1267, %get3A_1268] {strides = array<i32>} : memref<80x128xi32, #tpu.memory_space<vmem>>, vector<16xi32>,
          %bitcast3A_1270 = vector.bitcast %get3A_1269 : vector<16xi32> to vector<32xbf16>
          %mul3A_1271 = arith.constant 64 : i32
          %mul3A_1272 = arith.muli %squeeze3A_1232, %mul3A_1271 : i32
          %add3A_1273 = arith.constant 32 : i32
          %add3A_1274 = arith.addi %mul3A_1272, %add3A_1273 : i32
          %get3A_1275 = arith.index_cast %add3A_1274 : i32 to index
          %get3A_1276 = tpu.vector_load %arg17[%get3A_1275] {strides = array<i32>} : memref<4096xi32, #tpu.memory_space<vmem>>, vector<16xi32>,
          %bitcast3A_1277 = vector.bitcast %get3A_1276 : vector<16xi32> to vector<32xbf16>
          %get3A_1278 = arith.index_cast %add3A_1230 : i32 to index
          %get3A_1279 = arith.constant 48 : index
          %get3A_1280 = tpu.vector_load %arg13[%get3A_1278, %get3A_1279] {strides = array<i32>} : memref<80x128xi32, #tpu.memory_space<vmem>>, vector<16xi32>,
          %bitcast3A_1281 = vector.bitcast %get3A_1280 : vector<16xi32> to vector<32xbf16>
          %get3A_1282 = arith.index_cast %add3A_1230 : i32 to index
          %get3A_1283 = arith.constant 48 : index
          %get3A_1284 = tpu.vector_load %arg14[%get3A_1282, %get3A_1283] {strides = array<i32>} : memref<80x128xi32, #tpu.memory_space<vmem>>, vector<16xi32>,
          %bitcast3A_1285 = vector.bitcast %get3A_1284 : vector<16xi32> to vector<32xbf16>
          %mul3A_1286 = arith.constant 64 : i32
          %mul3A_1287 = arith.muli %squeeze3A_1232, %mul3A_1286 : i32
          %add3A_1288 = arith.constant 48 : i32
          %add3A_1289 = arith.addi %mul3A_1287, %add3A_1288 : i32
          %get3A_1290 = arith.index_cast %add3A_1289 : i32 to index
          %get3A_1291 = tpu.vector_load %arg17[%get3A_1290] {strides = array<i32>} : memref<4096xi32, #tpu.memory_space<vmem>>, vector<16xi32>,
          %bitcast3A_1292 = vector.bitcast %get3A_1291 : vector<16xi32> to vector<32xbf16>
          %mul3A_1293 = arith.mulf %bitcast3A_1054, %bitcast3A_1058 : vector<32xbf16>
          %mul3A_1294 = arith.mulf %mul3A_1293, %bitcast3A_1065 : vector<32xbf16>
          %unpack3A_1295 = tpu.unpack_subelements %mul3A_1294, 0 {pack_format = #tpu.pack_format<interleaved>} : vector<32xbf16> -> vector<16xf32>
          %unpack3A_1296 = tpu.unpack_subelements %mul3A_1294, 1 {pack_format = #tpu.pack_format<interleaved>} : vector<32xbf16> -> vector<16xf32>
          %mul3A_1297 = arith.mulf %bitcast3A_1069, %bitcast3A_1073 : vector<32xbf16>
          %mul3A_1298 = arith.mulf %mul3A_1297, %bitcast3A_1080 : vector<32xbf16>
          %unpack3A_1299 = tpu.unpack_subelements %mul3A_1298, 0 {pack_format = #tpu.pack_format<interleaved>} : vector<32xbf16> -> vector<16xf32>
          %unpack3A_1300 = tpu.unpack_subelements %mul3A_1298, 1 {pack_format = #tpu.pack_format<interleaved>} : vector<32xbf16> -> vector<16xf32>
          %add3A_1301 = arith.addf %unpack3A_1295, %unpack3A_1299 : vector<16xf32>
          %add3A_1302 = arith.addf %unpack3A_1296, %unpack3A_1300 : vector<16xf32>
          %mul3A_1303 = arith.mulf %bitcast3A_1084, %bitcast3A_1088 : vector<32xbf16>
          %mul3A_1304 = arith.mulf %mul3A_1303, %bitcast3A_1095 : vector<32xbf16>
          %unpack3A_1305 = tpu.unpack_subelements %mul3A_1304, 0 {pack_format = #tpu.pack_format<interleaved>} : vector<32xbf16> -> vector<16xf32>
          %unpack3A_1306 = tpu.unpack_subelements %mul3A_1304, 1 {pack_format = #tpu.pack_format<interleaved>} : vector<32xbf16> -> vector<16xf32>
          %add3A_1307 = arith.addf %add3A_1301, %unpack3A_1305 : vector<16xf32>
          %add3A_1308 = arith.addf %add3A_1302, %unpack3A_1306 : vector<16xf32>
          %mul3A_1309 = arith.mulf %bitcast3A_1099, %bitcast3A_1103 : vector<32xbf16>
          %mul3A_1310 = arith.mulf %mul3A_1309, %bitcast3A_1110 : vector<32xbf16>
          %unpack3A_1311 = tpu.unpack_subelements %mul3A_1310, 0 {pack_format = #tpu.pack_format<interleaved>} : vector<32xbf16> -> vector<16xf32>
          %unpack3A_1312 = tpu.unpack_subelements %mul3A_1310, 1 {pack_format = #tpu.pack_format<interleaved>} : vector<32xbf16> -> vector<16xf32>
          %add3A_1313 = arith.addf %add3A_1307, %unpack3A_1311 : vector<16xf32>
          %add3A_1314 = arith.addf %add3A_1308, %unpack3A_1312 : vector<16xf32>
          %add3A_1315 = arith.addf %add3A_1313, %add3A_1314 : vector<16xf32>
          %swap3A_1316 = arith.constant 187 : index
          %swap3A_1317 = tpu.vector_load %arg19[%swap3A_1316] {strides = array<i32>} : memref<272xf32, #tpu.memory_space<vmem>>, vector<16xf32>,
          tpu.vector_store %arg19[%swap3A_1316], %add3A_1315 {strides = array<i32>} : memref<272xf32, #tpu.memory_space<vmem>>, vector<16xf32>,
          %mul3A_1318 = arith.constant 16 : i32
          %mul3A_1319 = arith.muli %add3A_94, %mul3A_1318 : i32
          %add3A_1320 = arith.constant 14 : i32
          %add3A_1321 = arith.addi %mul3A_1319, %add3A_1320 : i32
          %slice3A_1322 = vector.extract_strided_slice %get3A_98 {offsets = [14], sizes = [1], strides = [1]} : vector<16xi32> to vector<1xi32>
          %squeeze3A_1323 = vector.extract %slice3A_1322[0] : i32 from vector<1xi32>
          %get3A_1324 = arith.index_cast %add3A_1321 : i32 to index
          %get3A_1325 = arith.constant 0 : index
          %get3A_1326 = tpu.vector_load %arg13[%get3A_1324, %get3A_1325] {strides = array<i32>} : memref<80x128xi32, #tpu.memory_space<vmem>>, vector<16xi32>,
          %bitcast3A_1327 = vector.bitcast %get3A_1326 : vector<16xi32> to vector<32xbf16>
          %get3A_1328 = arith.index_cast %add3A_1321 : i32 to index
          %get3A_1329 = arith.constant 0 : index
          %get3A_1330 = tpu.vector_load %arg14[%get3A_1328, %get3A_1329] {strides = array<i32>} : memref<80x128xi32, #tpu.memory_space<vmem>>, vector<16xi32>,
          %bitcast3A_1331 = vector.bitcast %get3A_1330 : vector<16xi32> to vector<32xbf16>
          %mul3A_1332 = arith.constant 64 : i32
          %mul3A_1333 = arith.muli %squeeze3A_1323, %mul3A_1332 : i32
          %add3A_1334 = arith.constant 0 : i32
          %add3A_1335 = arith.addi %mul3A_1333, %add3A_1334 : i32
          %get3A_1336 = arith.index_cast %add3A_1335 : i32 to index
          %get3A_1337 = tpu.vector_load %arg17[%get3A_1336] {strides = array<i32>} : memref<4096xi32, #tpu.memory_space<vmem>>, vector<16xi32>,
          %bitcast3A_1338 = vector.bitcast %get3A_1337 : vector<16xi32> to vector<32xbf16>
          %get3A_1339 = arith.index_cast %add3A_1321 : i32 to index
          %get3A_1340 = arith.constant 16 : index
          %get3A_1341 = tpu.vector_load %arg13[%get3A_1339, %get3A_1340] {strides = array<i32>} : memref<80x128xi32, #tpu.memory_space<vmem>>, vector<16xi32>,
          %bitcast3A_1342 = vector.bitcast %get3A_1341 : vector<16xi32> to vector<32xbf16>
          %get3A_1343 = arith.index_cast %add3A_1321 : i32 to index
          %get3A_1344 = arith.constant 16 : index
          %get3A_1345 = tpu.vector_load %arg14[%get3A_1343, %get3A_1344] {strides = array<i32>} : memref<80x128xi32, #tpu.memory_space<vmem>>, vector<16xi32>,
          %bitcast3A_1346 = vector.bitcast %get3A_1345 : vector<16xi32> to vector<32xbf16>
          %mul3A_1347 = arith.constant 64 : i32
          %mul3A_1348 = arith.muli %squeeze3A_1323, %mul3A_1347 : i32
          %add3A_1349 = arith.constant 16 : i32
          %add3A_1350 = arith.addi %mul3A_1348, %add3A_1349 : i32
          %get3A_1351 = arith.index_cast %add3A_1350 : i32 to index
          %get3A_1352 = tpu.vector_load %arg17[%get3A_1351] {strides = array<i32>} : memref<4096xi32, #tpu.memory_space<vmem>>, vector<16xi32>,
          %bitcast3A_1353 = vector.bitcast %get3A_1352 : vector<16xi32> to vector<32xbf16>
          %get3A_1354 = arith.index_cast %add3A_1321 : i32 to index
          %get3A_1355 = arith.constant 32 : index
          %get3A_1356 = tpu.vector_load %arg13[%get3A_1354, %get3A_1355] {strides = array<i32>} : memref<80x128xi32, #tpu.memory_space<vmem>>, vector<16xi32>,
          %bitcast3A_1357 = vector.bitcast %get3A_1356 : vector<16xi32> to vector<32xbf16>
          %get3A_1358 = arith.index_cast %add3A_1321 : i32 to index
          %get3A_1359 = arith.constant 32 : index
          %get3A_1360 = tpu.vector_load %arg14[%get3A_1358, %get3A_1359] {strides = array<i32>} : memref<80x128xi32, #tpu.memory_space<vmem>>, vector<16xi32>,
          %bitcast3A_1361 = vector.bitcast %get3A_1360 : vector<16xi32> to vector<32xbf16>
          %mul3A_1362 = arith.constant 64 : i32
          %mul3A_1363 = arith.muli %squeeze3A_1323, %mul3A_1362 : i32
          %add3A_1364 = arith.constant 32 : i32
          %add3A_1365 = arith.addi %mul3A_1363, %add3A_1364 : i32
          %get3A_1366 = arith.index_cast %add3A_1365 : i32 to index
          %get3A_1367 = tpu.vector_load %arg17[%get3A_1366] {strides = array<i32>} : memref<4096xi32, #tpu.memory_space<vmem>>, vector<16xi32>,
          %bitcast3A_1368 = vector.bitcast %get3A_1367 : vector<16xi32> to vector<32xbf16>
          %get3A_1369 = arith.index_cast %add3A_1321 : i32 to index
          %get3A_1370 = arith.constant 48 : index
          %get3A_1371 = tpu.vector_load %arg13[%get3A_1369, %get3A_1370] {strides = array<i32>} : memref<80x128xi32, #tpu.memory_space<vmem>>, vector<16xi32>,
          %bitcast3A_1372 = vector.bitcast %get3A_1371 : vector<16xi32> to vector<32xbf16>
          %get3A_1373 = arith.index_cast %add3A_1321 : i32 to index
          %get3A_1374 = arith.constant 48 : index
          %get3A_1375 = tpu.vector_load %arg14[%get3A_1373, %get3A_1374] {strides = array<i32>} : memref<80x128xi32, #tpu.memory_space<vmem>>, vector<16xi32>,
          %bitcast3A_1376 = vector.bitcast %get3A_1375 : vector<16xi32> to vector<32xbf16>
          %mul3A_1377 = arith.constant 64 : i32
          %mul3A_1378 = arith.muli %squeeze3A_1323, %mul3A_1377 : i32
          %add3A_1379 = arith.constant 48 : i32
          %add3A_1380 = arith.addi %mul3A_1378, %add3A_1379 : i32
          %get3A_1381 = arith.index_cast %add3A_1380 : i32 to index
          %get3A_1382 = tpu.vector_load %arg17[%get3A_1381] {strides = array<i32>} : memref<4096xi32, #tpu.memory_space<vmem>>, vector<16xi32>,
          %bitcast3A_1383 = vector.bitcast %get3A_1382 : vector<16xi32> to vector<32xbf16>
          %mul3A_1384 = arith.mulf %bitcast3A_1145, %bitcast3A_1149 : vector<32xbf16>
          %mul3A_1385 = arith.mulf %mul3A_1384, %bitcast3A_1156 : vector<32xbf16>
          %unpack3A_1386 = tpu.unpack_subelements %mul3A_1385, 0 {pack_format = #tpu.pack_format<interleaved>} : vector<32xbf16> -> vector<16xf32>
          %unpack3A_1387 = tpu.unpack_subelements %mul3A_1385, 1 {pack_format = #tpu.pack_format<interleaved>} : vector<32xbf16> -> vector<16xf32>
          %mul3A_1388 = arith.mulf %bitcast3A_1160, %bitcast3A_1164 : vector<32xbf16>
          %mul3A_1389 = arith.mulf %mul3A_1388, %bitcast3A_1171 : vector<32xbf16>
          %unpack3A_1390 = tpu.unpack_subelements %mul3A_1389, 0 {pack_format = #tpu.pack_format<interleaved>} : vector<32xbf16> -> vector<16xf32>
          %unpack3A_1391 = tpu.unpack_subelements %mul3A_1389, 1 {pack_format = #tpu.pack_format<interleaved>} : vector<32xbf16> -> vector<16xf32>
          %add3A_1392 = arith.addf %unpack3A_1386, %unpack3A_1390 : vector<16xf32>
          %add3A_1393 = arith.addf %unpack3A_1387, %unpack3A_1391 : vector<16xf32>
          %mul3A_1394 = arith.mulf %bitcast3A_1175, %bitcast3A_1179 : vector<32xbf16>
          %mul3A_1395 = arith.mulf %mul3A_1394, %bitcast3A_1186 : vector<32xbf16>
          %unpack3A_1396 = tpu.unpack_subelements %mul3A_1395, 0 {pack_format = #tpu.pack_format<interleaved>} : vector<32xbf16> -> vector<16xf32>
          %unpack3A_1397 = tpu.unpack_subelements %mul3A_1395, 1 {pack_format = #tpu.pack_format<interleaved>} : vector<32xbf16> -> vector<16xf32>
          %add3A_1398 = arith.addf %add3A_1392, %unpack3A_1396 : vector<16xf32>
          %add3A_1399 = arith.addf %add3A_1393, %unpack3A_1397 : vector<16xf32>
          %mul3A_1400 = arith.mulf %bitcast3A_1190, %bitcast3A_1194 : vector<32xbf16>
          %mul3A_1401 = arith.mulf %mul3A_1400, %bitcast3A_1201 : vector<32xbf16>
          %unpack3A_1402 = tpu.unpack_subelements %mul3A_1401, 0 {pack_format = #tpu.pack_format<interleaved>} : vector<32xbf16> -> vector<16xf32>
          %unpack3A_1403 = tpu.unpack_subelements %mul3A_1401, 1 {pack_format = #tpu.pack_format<interleaved>} : vector<32xbf16> -> vector<16xf32>
          %add3A_1404 = arith.addf %add3A_1398, %unpack3A_1402 : vector<16xf32>
          %add3A_1405 = arith.addf %add3A_1399, %unpack3A_1403 : vector<16xf32>
          %add3A_1406 = arith.addf %add3A_1404, %add3A_1405 : vector<16xf32>
          %swap3A_1407 = arith.constant 204 : index
          %swap3A_1408 = tpu.vector_load %arg19[%swap3A_1407] {strides = array<i32>} : memref<272xf32, #tpu.memory_space<vmem>>, vector<16xf32>,
          tpu.vector_store %arg19[%swap3A_1407], %add3A_1406 {strides = array<i32>} : memref<272xf32, #tpu.memory_space<vmem>>, vector<16xf32>,
          %mul3A_1409 = arith.constant 16 : i32
          %mul3A_1410 = arith.muli %add3A_94, %mul3A_1409 : i32
          %add3A_1411 = arith.constant 15 : i32
          %add3A_1412 = arith.addi %mul3A_1410, %add3A_1411 : i32
          %slice3A_1413 = vector.extract_strided_slice %get3A_98 {offsets = [15], sizes = [1], strides = [1]} : vector<16xi32> to vector<1xi32>
          %squeeze3A_1414 = vector.extract %slice3A_1413[0] : i32 from vector<1xi32>
          %get3A_1415 = arith.index_cast %add3A_1412 : i32 to index
          %get3A_1416 = arith.constant 0 : index
          %get3A_1417 = tpu.vector_load %arg13[%get3A_1415, %get3A_1416] {strides = array<i32>} : memref<80x128xi32, #tpu.memory_space<vmem>>, vector<16xi32>,
          %bitcast3A_1418 = vector.bitcast %get3A_1417 : vector<16xi32> to vector<32xbf16>
          %get3A_1419 = arith.index_cast %add3A_1412 : i32 to index
          %get3A_1420 = arith.constant 0 : index
          %get3A_1421 = tpu.vector_load %arg14[%get3A_1419, %get3A_1420] {strides = array<i32>} : memref<80x128xi32, #tpu.memory_space<vmem>>, vector<16xi32>,
          %bitcast3A_1422 = vector.bitcast %get3A_1421 : vector<16xi32> to vector<32xbf16>
          %mul3A_1423 = arith.constant 64 : i32
          %mul3A_1424 = arith.muli %squeeze3A_1414, %mul3A_1423 : i32
          %add3A_1425 = arith.constant 0 : i32
          %add3A_1426 = arith.addi %mul3A_1424, %add3A_1425 : i32
          %get3A_1427 = arith.index_cast %add3A_1426 : i32 to index
          %get3A_1428 = tpu.vector_load %arg17[%get3A_1427] {strides = array<i32>} : memref<4096xi32, #tpu.memory_space<vmem>>, vector<16xi32>,
          %bitcast3A_1429 = vector.bitcast %get3A_1428 : vector<16xi32> to vector<32xbf16>
          %get3A_1430 = arith.index_cast %add3A_1412 : i32 to index
          %get3A_1431 = arith.constant 16 : index
          %get3A_1432 = tpu.vector_load %arg13[%get3A_1430, %get3A_1431] {strides = array<i32>} : memref<80x128xi32, #tpu.memory_space<vmem>>, vector<16xi32>,
          %bitcast3A_1433 = vector.bitcast %get3A_1432 : vector<16xi32> to vector<32xbf16>
          %get3A_1434 = arith.index_cast %add3A_1412 : i32 to index
          %get3A_1435 = arith.constant 16 : index
          %get3A_1436 = tpu.vector_load %arg14[%get3A_1434, %get3A_1435] {strides = array<i32>} : memref<80x128xi32, #tpu.memory_space<vmem>>, vector<16xi32>,
          %bitcast3A_1437 = vector.bitcast %get3A_1436 : vector<16xi32> to vector<32xbf16>
          %mul3A_1438 = arith.constant 64 : i32
          %mul3A_1439 = arith.muli %squeeze3A_1414, %mul3A_1438 : i32
          %add3A_1440 = arith.constant 16 : i32
          %add3A_1441 = arith.addi %mul3A_1439, %add3A_1440 : i32
          %get3A_1442 = arith.index_cast %add3A_1441 : i32 to index
          %get3A_1443 = tpu.vector_load %arg17[%get3A_1442] {strides = array<i32>} : memref<4096xi32, #tpu.memory_space<vmem>>, vector<16xi32>,
          %bitcast3A_1444 = vector.bitcast %get3A_1443 : vector<16xi32> to vector<32xbf16>
          %get3A_1445 = arith.index_cast %add3A_1412 : i32 to index
          %get3A_1446 = arith.constant 32 : index
          %get3A_1447 = tpu.vector_load %arg13[%get3A_1445, %get3A_1446] {strides = array<i32>} : memref<80x128xi32, #tpu.memory_space<vmem>>, vector<16xi32>,
          %bitcast3A_1448 = vector.bitcast %get3A_1447 : vector<16xi32> to vector<32xbf16>
          %get3A_1449 = arith.index_cast %add3A_1412 : i32 to index
          %get3A_1450 = arith.constant 32 : index
          %get3A_1451 = tpu.vector_load %arg14[%get3A_1449, %get3A_1450] {strides = array<i32>} : memref<80x128xi32, #tpu.memory_space<vmem>>, vector<16xi32>,
          %bitcast3A_1452 = vector.bitcast %get3A_1451 : vector<16xi32> to vector<32xbf16>
          %mul3A_1453 = arith.constant 64 : i32
          %mul3A_1454 = arith.muli %squeeze3A_1414, %mul3A_1453 : i32
          %add3A_1455 = arith.constant 32 : i32
          %add3A_1456 = arith.addi %mul3A_1454, %add3A_1455 : i32
          %get3A_1457 = arith.index_cast %add3A_1456 : i32 to index
          %get3A_1458 = tpu.vector_load %arg17[%get3A_1457] {strides = array<i32>} : memref<4096xi32, #tpu.memory_space<vmem>>, vector<16xi32>,
          %bitcast3A_1459 = vector.bitcast %get3A_1458 : vector<16xi32> to vector<32xbf16>
          %get3A_1460 = arith.index_cast %add3A_1412 : i32 to index
          %get3A_1461 = arith.constant 48 : index
          %get3A_1462 = tpu.vector_load %arg13[%get3A_1460, %get3A_1461] {strides = array<i32>} : memref<80x128xi32, #tpu.memory_space<vmem>>, vector<16xi32>,
          %bitcast3A_1463 = vector.bitcast %get3A_1462 : vector<16xi32> to vector<32xbf16>
          %get3A_1464 = arith.index_cast %add3A_1412 : i32 to index
          %get3A_1465 = arith.constant 48 : index
          %get3A_1466 = tpu.vector_load %arg14[%get3A_1464, %get3A_1465] {strides = array<i32>} : memref<80x128xi32, #tpu.memory_space<vmem>>, vector<16xi32>,
          %bitcast3A_1467 = vector.bitcast %get3A_1466 : vector<16xi32> to vector<32xbf16>
          %mul3A_1468 = arith.constant 64 : i32
          %mul3A_1469 = arith.muli %squeeze3A_1414, %mul3A_1468 : i32
          %add3A_1470 = arith.constant 48 : i32
          %add3A_1471 = arith.addi %mul3A_1469, %add3A_1470 : i32
          %get3A_1472 = arith.index_cast %add3A_1471 : i32 to index
          %get3A_1473 = tpu.vector_load %arg17[%get3A_1472] {strides = array<i32>} : memref<4096xi32, #tpu.memory_space<vmem>>, vector<16xi32>,
          %bitcast3A_1474 = vector.bitcast %get3A_1473 : vector<16xi32> to vector<32xbf16>
          %mul3A_1475 = arith.mulf %bitcast3A_1236, %bitcast3A_1240 : vector<32xbf16>
          %mul3A_1476 = arith.mulf %mul3A_1475, %bitcast3A_1247 : vector<32xbf16>
          %unpack3A_1477 = tpu.unpack_subelements %mul3A_1476, 0 {pack_format = #tpu.pack_format<interleaved>} : vector<32xbf16> -> vector<16xf32>
          %unpack3A_1478 = tpu.unpack_subelements %mul3A_1476, 1 {pack_format = #tpu.pack_format<interleaved>} : vector<32xbf16> -> vector<16xf32>
          %mul3A_1479 = arith.mulf %bitcast3A_1251, %bitcast3A_1255 : vector<32xbf16>
          %mul3A_1480 = arith.mulf %mul3A_1479, %bitcast3A_1262 : vector<32xbf16>
          %unpack3A_1481 = tpu.unpack_subelements %mul3A_1480, 0 {pack_format = #tpu.pack_format<interleaved>} : vector<32xbf16> -> vector<16xf32>
          %unpack3A_1482 = tpu.unpack_subelements %mul3A_1480, 1 {pack_format = #tpu.pack_format<interleaved>} : vector<32xbf16> -> vector<16xf32>
          %add3A_1483 = arith.addf %unpack3A_1477, %unpack3A_1481 : vector<16xf32>
          %add3A_1484 = arith.addf %unpack3A_1478, %unpack3A_1482 : vector<16xf32>
          %mul3A_1485 = arith.mulf %bitcast3A_1266, %bitcast3A_1270 : vector<32xbf16>
          %mul3A_1486 = arith.mulf %mul3A_1485, %bitcast3A_1277 : vector<32xbf16>
          %unpack3A_1487 = tpu.unpack_subelements %mul3A_1486, 0 {pack_format = #tpu.pack_format<interleaved>} : vector<32xbf16> -> vector<16xf32>
          %unpack3A_1488 = tpu.unpack_subelements %mul3A_1486, 1 {pack_format = #tpu.pack_format<interleaved>} : vector<32xbf16> -> vector<16xf32>
          %add3A_1489 = arith.addf %add3A_1483, %unpack3A_1487 : vector<16xf32>
          %add3A_1490 = arith.addf %add3A_1484, %unpack3A_1488 : vector<16xf32>
          %mul3A_1491 = arith.mulf %bitcast3A_1281, %bitcast3A_1285 : vector<32xbf16>
          %mul3A_1492 = arith.mulf %mul3A_1491, %bitcast3A_1292 : vector<32xbf16>
          %unpack3A_1493 = tpu.unpack_subelements %mul3A_1492, 0 {pack_format = #tpu.pack_format<interleaved>} : vector<32xbf16> -> vector<16xf32>
          %unpack3A_1494 = tpu.unpack_subelements %mul3A_1492, 1 {pack_format = #tpu.pack_format<interleaved>} : vector<32xbf16> -> vector<16xf32>
          %add3A_1495 = arith.addf %add3A_1489, %unpack3A_1493 : vector<16xf32>
          %add3A_1496 = arith.addf %add3A_1490, %unpack3A_1494 : vector<16xf32>
          %add3A_1497 = arith.addf %add3A_1495, %add3A_1496 : vector<16xf32>
          %swap3A_1498 = arith.constant 221 : index
          %swap3A_1499 = tpu.vector_load %arg19[%swap3A_1498] {strides = array<i32>} : memref<272xf32, #tpu.memory_space<vmem>>, vector<16xf32>,
          tpu.vector_store %arg19[%swap3A_1498], %add3A_1497 {strides = array<i32>} : memref<272xf32, #tpu.memory_space<vmem>>, vector<16xf32>,
          %mul3A_1500 = arith.mulf %bitcast3A_1327, %bitcast3A_1331 : vector<32xbf16>
          %mul3A_1501 = arith.mulf %mul3A_1500, %bitcast3A_1338 : vector<32xbf16>
          %unpack3A_1502 = tpu.unpack_subelements %mul3A_1501, 0 {pack_format = #tpu.pack_format<interleaved>} : vector<32xbf16> -> vector<16xf32>
          %unpack3A_1503 = tpu.unpack_subelements %mul3A_1501, 1 {pack_format = #tpu.pack_format<interleaved>} : vector<32xbf16> -> vector<16xf32>
          %mul3A_1504 = arith.mulf %bitcast3A_1342, %bitcast3A_1346 : vector<32xbf16>
          %mul3A_1505 = arith.mulf %mul3A_1504, %bitcast3A_1353 : vector<32xbf16>
          %unpack3A_1506 = tpu.unpack_subelements %mul3A_1505, 0 {pack_format = #tpu.pack_format<interleaved>} : vector<32xbf16> -> vector<16xf32>
          %unpack3A_1507 = tpu.unpack_subelements %mul3A_1505, 1 {pack_format = #tpu.pack_format<interleaved>} : vector<32xbf16> -> vector<16xf32>
          %add3A_1508 = arith.addf %unpack3A_1502, %unpack3A_1506 : vector<16xf32>
          %add3A_1509 = arith.addf %unpack3A_1503, %unpack3A_1507 : vector<16xf32>
          %mul3A_1510 = arith.mulf %bitcast3A_1357, %bitcast3A_1361 : vector<32xbf16>
          %mul3A_1511 = arith.mulf %mul3A_1510, %bitcast3A_1368 : vector<32xbf16>
          %unpack3A_1512 = tpu.unpack_subelements %mul3A_1511, 0 {pack_format = #tpu.pack_format<interleaved>} : vector<32xbf16> -> vector<16xf32>
          %unpack3A_1513 = tpu.unpack_subelements %mul3A_1511, 1 {pack_format = #tpu.pack_format<interleaved>} : vector<32xbf16> -> vector<16xf32>
          %add3A_1514 = arith.addf %add3A_1508, %unpack3A_1512 : vector<16xf32>
          %add3A_1515 = arith.addf %add3A_1509, %unpack3A_1513 : vector<16xf32>
          %mul3A_1516 = arith.mulf %bitcast3A_1372, %bitcast3A_1376 : vector<32xbf16>
          %mul3A_1517 = arith.mulf %mul3A_1516, %bitcast3A_1383 : vector<32xbf16>
          %unpack3A_1518 = tpu.unpack_subelements %mul3A_1517, 0 {pack_format = #tpu.pack_format<interleaved>} : vector<32xbf16> -> vector<16xf32>
          %unpack3A_1519 = tpu.unpack_subelements %mul3A_1517, 1 {pack_format = #tpu.pack_format<interleaved>} : vector<32xbf16> -> vector<16xf32>
          %add3A_1520 = arith.addf %add3A_1514, %unpack3A_1518 : vector<16xf32>
          %add3A_1521 = arith.addf %add3A_1515, %unpack3A_1519 : vector<16xf32>
          %add3A_1522 = arith.addf %add3A_1520, %add3A_1521 : vector<16xf32>
          %swap3A_1523 = arith.constant 238 : index
          %swap3A_1524 = tpu.vector_load %arg19[%swap3A_1523] {strides = array<i32>} : memref<272xf32, #tpu.memory_space<vmem>>, vector<16xf32>,
          tpu.vector_store %arg19[%swap3A_1523], %add3A_1522 {strides = array<i32>} : memref<272xf32, #tpu.memory_space<vmem>>, vector<16xf32>,
          %mul3A_1525 = arith.mulf %bitcast3A_1418, %bitcast3A_1422 : vector<32xbf16>
          %mul3A_1526 = arith.mulf %mul3A_1525, %bitcast3A_1429 : vector<32xbf16>
          %unpack3A_1527 = tpu.unpack_subelements %mul3A_1526, 0 {pack_format = #tpu.pack_format<interleaved>} : vector<32xbf16> -> vector<16xf32>
          %unpack3A_1528 = tpu.unpack_subelements %mul3A_1526, 1 {pack_format = #tpu.pack_format<interleaved>} : vector<32xbf16> -> vector<16xf32>
          %mul3A_1529 = arith.mulf %bitcast3A_1433, %bitcast3A_1437 : vector<32xbf16>
          %mul3A_1530 = arith.mulf %mul3A_1529, %bitcast3A_1444 : vector<32xbf16>
          %unpack3A_1531 = tpu.unpack_subelements %mul3A_1530, 0 {pack_format = #tpu.pack_format<interleaved>} : vector<32xbf16> -> vector<16xf32>
          %unpack3A_1532 = tpu.unpack_subelements %mul3A_1530, 1 {pack_format = #tpu.pack_format<interleaved>} : vector<32xbf16> -> vector<16xf32>
          %add3A_1533 = arith.addf %unpack3A_1527, %unpack3A_1531 : vector<16xf32>
          %add3A_1534 = arith.addf %unpack3A_1528, %unpack3A_1532 : vector<16xf32>
          %mul3A_1535 = arith.mulf %bitcast3A_1448, %bitcast3A_1452 : vector<32xbf16>
          %mul3A_1536 = arith.mulf %mul3A_1535, %bitcast3A_1459 : vector<32xbf16>
          %unpack3A_1537 = tpu.unpack_subelements %mul3A_1536, 0 {pack_format = #tpu.pack_format<interleaved>} : vector<32xbf16> -> vector<16xf32>
          %unpack3A_1538 = tpu.unpack_subelements %mul3A_1536, 1 {pack_format = #tpu.pack_format<interleaved>} : vector<32xbf16> -> vector<16xf32>
          %add3A_1539 = arith.addf %add3A_1533, %unpack3A_1537 : vector<16xf32>
          %add3A_1540 = arith.addf %add3A_1534, %unpack3A_1538 : vector<16xf32>
          %mul3A_1541 = arith.mulf %bitcast3A_1463, %bitcast3A_1467 : vector<32xbf16>
          %mul3A_1542 = arith.mulf %mul3A_1541, %bitcast3A_1474 : vector<32xbf16>
          %unpack3A_1543 = tpu.unpack_subelements %mul3A_1542, 0 {pack_format = #tpu.pack_format<interleaved>} : vector<32xbf16> -> vector<16xf32>
          %unpack3A_1544 = tpu.unpack_subelements %mul3A_1542, 1 {pack_format = #tpu.pack_format<interleaved>} : vector<32xbf16> -> vector<16xf32>
          %add3A_1545 = arith.addf %add3A_1539, %unpack3A_1543 : vector<16xf32>
          %add3A_1546 = arith.addf %add3A_1540, %unpack3A_1544 : vector<16xf32>
          %add3A_1547 = arith.addf %add3A_1545, %add3A_1546 : vector<16xf32>
          %swap3A_1548 = arith.constant 255 : index
          %swap3A_1549 = tpu.vector_load %arg19[%swap3A_1548] {strides = array<i32>} : memref<272xf32, #tpu.memory_space<vmem>>, vector<16xf32>,
          tpu.vector_store %arg19[%swap3A_1548], %add3A_1547 {strides = array<i32>} : memref<272xf32, #tpu.memory_space<vmem>>, vector<16xf32>,
          %add3A_1550 = arith.constant 0 : i32
          %add3A_1551 = vector.broadcast %add3A_1550 : i32 to vector<16xi32>
          %add3A_1552 = arith.addi %mul3A_5, %add3A_1551 : vector<16xi32>
          %gather3A = tpu.vector_load_idx %arg19[%add3A_1552] : memref<272xf32, #tpu.memory_space<vmem>>[vector<16xi32>], vector<16xf32>,
          %add3A_1553 = arith.constant 1 : i32
          %add3A_1554 = vector.broadcast %add3A_1553 : i32 to vector<16xi32>
          %add3A_1555 = arith.addi %mul3A_5, %add3A_1554 : vector<16xi32>
          %gather3A_1556 = tpu.vector_load_idx %arg19[%add3A_1555] : memref<272xf32, #tpu.memory_space<vmem>>[vector<16xi32>], vector<16xf32>,
          %add3A_1557 = arith.constant 2 : i32
          %add3A_1558 = vector.broadcast %add3A_1557 : i32 to vector<16xi32>
          %add3A_1559 = arith.addi %mul3A_5, %add3A_1558 : vector<16xi32>
          %gather3A_1560 = tpu.vector_load_idx %arg19[%add3A_1559] : memref<272xf32, #tpu.memory_space<vmem>>[vector<16xi32>], vector<16xf32>,
          %add3A_1561 = arith.addf %gather3A, %gather3A_1560 : vector<16xf32>
          %add3A_1562 = arith.constant 3 : i32
          %add3A_1563 = vector.broadcast %add3A_1562 : i32 to vector<16xi32>
          %add3A_1564 = arith.addi %mul3A_5, %add3A_1563 : vector<16xi32>
          %gather3A_1565 = tpu.vector_load_idx %arg19[%add3A_1564] : memref<272xf32, #tpu.memory_space<vmem>>[vector<16xi32>], vector<16xf32>,
          %add3A_1566 = arith.addf %gather3A_1556, %gather3A_1565 : vector<16xf32>
          %add3A_1567 = arith.constant 4 : i32
          %add3A_1568 = vector.broadcast %add3A_1567 : i32 to vector<16xi32>
          %add3A_1569 = arith.addi %mul3A_5, %add3A_1568 : vector<16xi32>
          %gather3A_1570 = tpu.vector_load_idx %arg19[%add3A_1569] : memref<272xf32, #tpu.memory_space<vmem>>[vector<16xi32>], vector<16xf32>,
          %add3A_1571 = arith.addf %add3A_1561, %gather3A_1570 : vector<16xf32>
          %add3A_1572 = arith.constant 5 : i32
          %add3A_1573 = vector.broadcast %add3A_1572 : i32 to vector<16xi32>
          %add3A_1574 = arith.addi %mul3A_5, %add3A_1573 : vector<16xi32>
          %gather3A_1575 = tpu.vector_load_idx %arg19[%add3A_1574] : memref<272xf32, #tpu.memory_space<vmem>>[vector<16xi32>], vector<16xf32>,
          %add3A_1576 = arith.addf %add3A_1566, %gather3A_1575 : vector<16xf32>
          %add3A_1577 = arith.constant 6 : i32
          %add3A_1578 = vector.broadcast %add3A_1577 : i32 to vector<16xi32>
          %add3A_1579 = arith.addi %mul3A_5, %add3A_1578 : vector<16xi32>
          %gather3A_1580 = tpu.vector_load_idx %arg19[%add3A_1579] : memref<272xf32, #tpu.memory_space<vmem>>[vector<16xi32>], vector<16xf32>,
          %add3A_1581 = arith.addf %add3A_1571, %gather3A_1580 : vector<16xf32>
          %add3A_1582 = arith.constant 7 : i32
          %add3A_1583 = vector.broadcast %add3A_1582 : i32 to vector<16xi32>
          %add3A_1584 = arith.addi %mul3A_5, %add3A_1583 : vector<16xi32>
          %gather3A_1585 = tpu.vector_load_idx %arg19[%add3A_1584] : memref<272xf32, #tpu.memory_space<vmem>>[vector<16xi32>], vector<16xf32>,
          %add3A_1586 = arith.addf %add3A_1576, %gather3A_1585 : vector<16xf32>
          %add3A_1587 = arith.constant 8 : i32
          %add3A_1588 = vector.broadcast %add3A_1587 : i32 to vector<16xi32>
          %add3A_1589 = arith.addi %mul3A_5, %add3A_1588 : vector<16xi32>
          %gather3A_1590 = tpu.vector_load_idx %arg19[%add3A_1589] : memref<272xf32, #tpu.memory_space<vmem>>[vector<16xi32>], vector<16xf32>,
          %add3A_1591 = arith.addf %add3A_1581, %gather3A_1590 : vector<16xf32>
          %add3A_1592 = arith.constant 9 : i32
          %add3A_1593 = vector.broadcast %add3A_1592 : i32 to vector<16xi32>
          %add3A_1594 = arith.addi %mul3A_5, %add3A_1593 : vector<16xi32>
          %gather3A_1595 = tpu.vector_load_idx %arg19[%add3A_1594] : memref<272xf32, #tpu.memory_space<vmem>>[vector<16xi32>], vector<16xf32>,
          %add3A_1596 = arith.addf %add3A_1586, %gather3A_1595 : vector<16xf32>
          %add3A_1597 = arith.constant 10 : i32
          %add3A_1598 = vector.broadcast %add3A_1597 : i32 to vector<16xi32>
          %add3A_1599 = arith.addi %mul3A_5, %add3A_1598 : vector<16xi32>
          %gather3A_1600 = tpu.vector_load_idx %arg19[%add3A_1599] : memref<272xf32, #tpu.memory_space<vmem>>[vector<16xi32>], vector<16xf32>,
          %add3A_1601 = arith.addf %add3A_1591, %gather3A_1600 : vector<16xf32>
          %add3A_1602 = arith.constant 11 : i32
          %add3A_1603 = vector.broadcast %add3A_1602 : i32 to vector<16xi32>
          %add3A_1604 = arith.addi %mul3A_5, %add3A_1603 : vector<16xi32>
          %gather3A_1605 = tpu.vector_load_idx %arg19[%add3A_1604] : memref<272xf32, #tpu.memory_space<vmem>>[vector<16xi32>], vector<16xf32>,
          %add3A_1606 = arith.addf %add3A_1596, %gather3A_1605 : vector<16xf32>
          %add3A_1607 = arith.constant 12 : i32
          %add3A_1608 = vector.broadcast %add3A_1607 : i32 to vector<16xi32>
          %add3A_1609 = arith.addi %mul3A_5, %add3A_1608 : vector<16xi32>
          %gather3A_1610 = tpu.vector_load_idx %arg19[%add3A_1609] : memref<272xf32, #tpu.memory_space<vmem>>[vector<16xi32>], vector<16xf32>,
          %add3A_1611 = arith.addf %add3A_1601, %gather3A_1610 : vector<16xf32>
          %add3A_1612 = arith.constant 13 : i32
          %add3A_1613 = vector.broadcast %add3A_1612 : i32 to vector<16xi32>
          %add3A_1614 = arith.addi %mul3A_5, %add3A_1613 : vector<16xi32>
          %gather3A_1615 = tpu.vector_load_idx %arg19[%add3A_1614] : memref<272xf32, #tpu.memory_space<vmem>>[vector<16xi32>], vector<16xf32>,
          %add3A_1616 = arith.addf %add3A_1606, %gather3A_1615 : vector<16xf32>
          %add3A_1617 = arith.constant 14 : i32
          %add3A_1618 = vector.broadcast %add3A_1617 : i32 to vector<16xi32>
          %add3A_1619 = arith.addi %mul3A_5, %add3A_1618 : vector<16xi32>
          %gather3A_1620 = tpu.vector_load_idx %arg19[%add3A_1619] : memref<272xf32, #tpu.memory_space<vmem>>[vector<16xi32>], vector<16xf32>,
          %add3A_1621 = arith.addf %add3A_1611, %gather3A_1620 : vector<16xf32>
          %add3A_1622 = arith.constant 15 : i32
          %add3A_1623 = vector.broadcast %add3A_1622 : i32 to vector<16xi32>
          %add3A_1624 = arith.addi %mul3A_5, %add3A_1623 : vector<16xi32>
          %gather3A_1625 = tpu.vector_load_idx %arg19[%add3A_1624] : memref<272xf32, #tpu.memory_space<vmem>>[vector<16xi32>], vector<16xf32>,
          %add3A_1626 = arith.addf %add3A_1616, %gather3A_1625 : vector<16xf32>
          %add3A_1627 = arith.addf %add3A_1621, %add3A_1626 : vector<16xf32>
          %mul3A_1628 = arith.constant 80 : i32
          %mul3A_1629 = arith.muli %add3A_41, %mul3A_1628 : i32
          %mul3A_1630 = arith.constant 16 : i32
          %mul3A_1631 = arith.muli %add3A_94, %mul3A_1630 : i32
          %add3A_1632 = arith.addi %mul3A_1629, %mul3A_1631 : i32
          %swap3A_1633 = arith.constant 0 : i32
          %swap3A_1634 = arith.index_cast %swap3A_1633 : i32 to index
          %swap3A_1635 = arith.index_cast %add3A_1632 : i32 to index
          %swap3A_1636 = tpu.vector_load %arg18[%swap3A_1634, %swap3A_1635] {strides = array<i32>} : memref<1x10000xf32, #tpu.memory_space<vmem>>, vector<16xf32>,
          tpu.vector_store %arg18[%swap3A_1634, %swap3A_1635], %add3A_1627 {strides = array<i32>} : memref<1x10000xf32, #tpu.memory_space<vmem>>, vector<16xf32>,
        }
        %scan3A_89 = arith.constant 5 : i32
      } else {
      }
      %eq3A_60 = arith.constant 2 : i32
      %eq3A_61 = arith.cmpi eq, %select_n3A_51, %eq3A_60 : i32
      %convert_element_type3A_62 = arith.extui %eq3A_61 : i1 to i32
      %cond3A_63 = arith.constant 0 : i32
      %cond3A_64 = arith.cmpi ne, %convert_element_type3A_62, %cond3A_63 : i32
      scf.if %cond3A_64 {
        %dma_wait3A = arith.constant 0 : i32
        %dma_wait3A_65 = arith.constant 0 : i32
        %dma_wait3A_66 = tpu.memref_slice %arg8[%dma_wait3A, %dma_wait3A_65] : memref<125x80xi32, #tpu.memory_space<vmem>> -> memref<1x80xi32, #tpu.memory_space<vmem>>
        %dma_wait3A_67 = tpu.memref_squeeze %dma_wait3A_66 : memref<1x80xi32, #tpu.memory_space<vmem>> -> memref<80xi32, #tpu.memory_space<vmem>>
        %dma_wait3A_68 = arith.constant 0 : i32
        %dma_wait3A_69 = arith.constant 0 : i32
        %dma_wait3A_70 = tpu.memref_slice %arg2[%dma_wait3A_68, %dma_wait3A_69] : memref<10000x128xi32, #tpu.memory_space<hbm>> -> memref<10000x128xi32, #tpu.memory_space<hbm>>
        tpu.wait_indirect_dma semaphore(%arg22 : memref<!tpu.dma_semaphore, #tpu.memory_space<semaphore_mem>>) src(%dma_wait3A_70 : memref<10000x128xi32, #tpu.memory_space<hbm>>) dst(%arg15 : memref<80x128xi32, #tpu.memory_space<vmem>>)
        %dma_wait3A_71 = arith.constant 0 : i32
        %dma_wait3A_72 = arith.constant 0 : i32
        %dma_wait3A_73 = tpu.memref_slice %arg9[%dma_wait3A_71, %dma_wait3A_72] : memref<125x80xi32, #tpu.memory_space<vmem>> -> memref<1x80xi32, #tpu.memory_space<vmem>>
        %dma_wait3A_74 = tpu.memref_squeeze %dma_wait3A_73 : memref<1x80xi32, #tpu.memory_space<vmem>> -> memref<80xi32, #tpu.memory_space<vmem>>
        %dma_wait3A_75 = arith.constant 0 : i32
        %dma_wait3A_76 = arith.constant 0 : i32
        %dma_wait3A_77 = tpu.memref_slice %arg2[%dma_wait3A_75, %dma_wait3A_76] : memref<10000x128xi32, #tpu.memory_space<hbm>> -> memref<10000x128xi32, #tpu.memory_space<hbm>>
        tpu.wait_indirect_dma semaphore(%arg22 : memref<!tpu.dma_semaphore, #tpu.memory_space<semaphore_mem>>) src(%dma_wait3A_77 : memref<10000x128xi32, #tpu.memory_space<hbm>>) dst(%arg16 : memref<80x128xi32, #tpu.memory_space<vmem>>)
        %add3A_78 = arith.constant 2 : i32
        %add3A_79 = arith.addi %add3A_41, %add3A_78 : i32
        %lt3A_80 = arith.constant 125 : i32
        %lt3A_81 = arith.cmpi slt, %add3A_79, %lt3A_80 : i32
        %convert_element_type3A_82 = arith.extui %lt3A_81 : i1 to i32
        %cond3A_83 = arith.constant 0 : i32
        %cond3A_84 = arith.cmpi ne, %convert_element_type3A_82, %cond3A_83 : i32
        scf.if %cond3A_84 {
          %add3A_90 = arith.constant 2 : i32
          %add3A_91 = arith.addi %add3A_41, %add3A_90 : i32
          %dma_start3A_92 = arith.constant 0 : i32
          %dma_start3A_93 = tpu.memref_slice %arg8[%add3A_91, %dma_start3A_92] : memref<125x80xi32, #tpu.memory_space<vmem>> -> memref<1x80xi32, #tpu.memory_space<vmem>>
          %dma_start3A_94 = tpu.memref_squeeze %dma_start3A_93 : memref<1x80xi32, #tpu.memory_space<vmem>> -> memref<80xi32, #tpu.memory_space<vmem>>
          %dma_start3A_95 = arith.constant 0 : i32
          %dma_start3A_96 = arith.constant 0 : i32
          %dma_start3A_97 = tpu.memref_slice %arg2[%dma_start3A_95, %dma_start3A_96] : memref<10000x128xi32, #tpu.memory_space<hbm>> -> memref<10000x128xi32, #tpu.memory_space<hbm>>
          tpu.enqueue_indirect_dma source(%dma_start3A_97 : memref<10000x128xi32, #tpu.memory_space<hbm>>) target(%arg13 : memref<80x128xi32, #tpu.memory_space<vmem>>) offsets(%dma_start3A_94 : memref<80xi32, #tpu.memory_space<vmem>>) semaphore(%arg21 : memref<!tpu.dma_semaphore, #tpu.memory_space<semaphore_mem>>)
          %dma_start3A_98 = arith.constant 0 : i32
          %dma_start3A_99 = tpu.memref_slice %arg9[%add3A_91, %dma_start3A_98] : memref<125x80xi32, #tpu.memory_space<vmem>> -> memref<1x80xi32, #tpu.memory_space<vmem>>
          %dma_start3A_100 = tpu.memref_squeeze %dma_start3A_99 : memref<1x80xi32, #tpu.memory_space<vmem>> -> memref<80xi32, #tpu.memory_space<vmem>>
          %dma_start3A_101 = arith.constant 0 : i32
          %dma_start3A_102 = arith.constant 0 : i32
          %dma_start3A_103 = tpu.memref_slice %arg2[%dma_start3A_101, %dma_start3A_102] : memref<10000x128xi32, #tpu.memory_space<hbm>> -> memref<10000x128xi32, #tpu.memory_space<hbm>>
          tpu.enqueue_indirect_dma source(%dma_start3A_103 : memref<10000x128xi32, #tpu.memory_space<hbm>>) target(%arg14 : memref<80x128xi32, #tpu.memory_space<vmem>>) offsets(%dma_start3A_100 : memref<80xi32, #tpu.memory_space<vmem>>) semaphore(%arg21 : memref<!tpu.dma_semaphore, #tpu.memory_space<semaphore_mem>>)
        } else {
        }
        %scan3A_85 = arith.constant 0 : i32
        %scan3A_86 = arith.constant 5 : i32
        %scan3A_87 = arith.addi %scan3A_85, %scan3A_86 : i32
        %scan3A_88 = arith.constant 1 : i32
        scf.for %scan3A_90 = %scan3A_85 to %scan3A_87 step %scan3A_88  : i32 {
          %mul3A_91 = arith.constant 1 : i32
          %mul3A_92 = arith.muli %scan3A_90, %mul3A_91 : i32
          %add3A_93 = arith.constant 0 : i32
          %add3A_94 = arith.addi %add3A_93, %mul3A_92 : i32
          %mul3A_95 = arith.constant 16 : i32
          %mul3A_96 = arith.muli %add3A_94, %mul3A_95 : i32
          %get3A = arith.index_cast %add3A_41 : i32 to index
          %get3A_97 = arith.index_cast %mul3A_96 : i32 to index
          %get3A_98 = tpu.vector_load %arg10[%get3A, %get3A_97] {strides = array<i32>} : memref<125x80xi32, #tpu.memory_space<vmem>>, vector<16xi32>,
          %mul3A_99 = arith.constant 16 : i32
          %mul3A_100 = arith.muli %add3A_94, %mul3A_99 : i32
          %add3A_101 = arith.constant 0 : i32
          %add3A_102 = arith.addi %mul3A_100, %add3A_101 : i32
          %slice3A = vector.extract_strided_slice %get3A_98 {offsets = [0], sizes = [1], strides = [1]} : vector<16xi32> to vector<1xi32>
          %squeeze3A = vector.extract %slice3A[0] : i32 from vector<1xi32>
          %get3A_103 = arith.index_cast %add3A_102 : i32 to index
          %get3A_104 = arith.constant 0 : index
          %get3A_105 = tpu.vector_load %arg15[%get3A_103, %get3A_104] {strides = array<i32>} : memref<80x128xi32, #tpu.memory_space<vmem>>, vector<16xi32>,
          %bitcast3A = vector.bitcast %get3A_105 : vector<16xi32> to vector<32xbf16>
          %get3A_106 = arith.index_cast %add3A_102 : i32 to index
          %get3A_107 = arith.constant 0 : index
          %get3A_108 = tpu.vector_load %arg16[%get3A_106, %get3A_107] {strides = array<i32>} : memref<80x128xi32, #tpu.memory_space<vmem>>, vector<16xi32>,
          %bitcast3A_109 = vector.bitcast %get3A_108 : vector<16xi32> to vector<32xbf16>
          %mul3A_110 = arith.constant 64 : i32
          %mul3A_111 = arith.muli %squeeze3A, %mul3A_110 : i32
          %add3A_112 = arith.constant 0 : i32
          %add3A_113 = arith.addi %mul3A_111, %add3A_112 : i32
          %get3A_114 = arith.index_cast %add3A_113 : i32 to index
          %get3A_115 = tpu.vector_load %arg17[%get3A_114] {strides = array<i32>} : memref<4096xi32, #tpu.memory_space<vmem>>, vector<16xi32>,
          %bitcast3A_116 = vector.bitcast %get3A_115 : vector<16xi32> to vector<32xbf16>
          %get3A_117 = arith.index_cast %add3A_102 : i32 to index
          %get3A_118 = arith.constant 16 : index
          %get3A_119 = tpu.vector_load %arg15[%get3A_117, %get3A_118] {strides = array<i32>} : memref<80x128xi32, #tpu.memory_space<vmem>>, vector<16xi32>,
          %bitcast3A_120 = vector.bitcast %get3A_119 : vector<16xi32> to vector<32xbf16>
          %get3A_121 = arith.index_cast %add3A_102 : i32 to index
          %get3A_122 = arith.constant 16 : index
          %get3A_123 = tpu.vector_load %arg16[%get3A_121, %get3A_122] {strides = array<i32>} : memref<80x128xi32, #tpu.memory_space<vmem>>, vector<16xi32>,
          %bitcast3A_124 = vector.bitcast %get3A_123 : vector<16xi32> to vector<32xbf16>
          %mul3A_125 = arith.constant 64 : i32
          %mul3A_126 = arith.muli %squeeze3A, %mul3A_125 : i32
          %add3A_127 = arith.constant 16 : i32
          %add3A_128 = arith.addi %mul3A_126, %add3A_127 : i32
          %get3A_129 = arith.index_cast %add3A_128 : i32 to index
          %get3A_130 = tpu.vector_load %arg17[%get3A_129] {strides = array<i32>} : memref<4096xi32, #tpu.memory_space<vmem>>, vector<16xi32>,
          %bitcast3A_131 = vector.bitcast %get3A_130 : vector<16xi32> to vector<32xbf16>
          %get3A_132 = arith.index_cast %add3A_102 : i32 to index
          %get3A_133 = arith.constant 32 : index
          %get3A_134 = tpu.vector_load %arg15[%get3A_132, %get3A_133] {strides = array<i32>} : memref<80x128xi32, #tpu.memory_space<vmem>>, vector<16xi32>,
          %bitcast3A_135 = vector.bitcast %get3A_134 : vector<16xi32> to vector<32xbf16>
          %get3A_136 = arith.index_cast %add3A_102 : i32 to index
          %get3A_137 = arith.constant 32 : index
          %get3A_138 = tpu.vector_load %arg16[%get3A_136, %get3A_137] {strides = array<i32>} : memref<80x128xi32, #tpu.memory_space<vmem>>, vector<16xi32>,
          %bitcast3A_139 = vector.bitcast %get3A_138 : vector<16xi32> to vector<32xbf16>
          %mul3A_140 = arith.constant 64 : i32
          %mul3A_141 = arith.muli %squeeze3A, %mul3A_140 : i32
          %add3A_142 = arith.constant 32 : i32
          %add3A_143 = arith.addi %mul3A_141, %add3A_142 : i32
          %get3A_144 = arith.index_cast %add3A_143 : i32 to index
          %get3A_145 = tpu.vector_load %arg17[%get3A_144] {strides = array<i32>} : memref<4096xi32, #tpu.memory_space<vmem>>, vector<16xi32>,
          %bitcast3A_146 = vector.bitcast %get3A_145 : vector<16xi32> to vector<32xbf16>
          %get3A_147 = arith.index_cast %add3A_102 : i32 to index
          %get3A_148 = arith.constant 48 : index
          %get3A_149 = tpu.vector_load %arg15[%get3A_147, %get3A_148] {strides = array<i32>} : memref<80x128xi32, #tpu.memory_space<vmem>>, vector<16xi32>,
          %bitcast3A_150 = vector.bitcast %get3A_149 : vector<16xi32> to vector<32xbf16>
          %get3A_151 = arith.index_cast %add3A_102 : i32 to index
          %get3A_152 = arith.constant 48 : index
          %get3A_153 = tpu.vector_load %arg16[%get3A_151, %get3A_152] {strides = array<i32>} : memref<80x128xi32, #tpu.memory_space<vmem>>, vector<16xi32>,
          %bitcast3A_154 = vector.bitcast %get3A_153 : vector<16xi32> to vector<32xbf16>
          %mul3A_155 = arith.constant 64 : i32
          %mul3A_156 = arith.muli %squeeze3A, %mul3A_155 : i32
          %add3A_157 = arith.constant 48 : i32
          %add3A_158 = arith.addi %mul3A_156, %add3A_157 : i32
          %get3A_159 = arith.index_cast %add3A_158 : i32 to index
          %get3A_160 = tpu.vector_load %arg17[%get3A_159] {strides = array<i32>} : memref<4096xi32, #tpu.memory_space<vmem>>, vector<16xi32>,
          %bitcast3A_161 = vector.bitcast %get3A_160 : vector<16xi32> to vector<32xbf16>
          %mul3A_162 = arith.constant 16 : i32
          %mul3A_163 = arith.muli %add3A_94, %mul3A_162 : i32
          %add3A_164 = arith.constant 1 : i32
          %add3A_165 = arith.addi %mul3A_163, %add3A_164 : i32
          %slice3A_166 = vector.extract_strided_slice %get3A_98 {offsets = [1], sizes = [1], strides = [1]} : vector<16xi32> to vector<1xi32>
          %squeeze3A_167 = vector.extract %slice3A_166[0] : i32 from vector<1xi32>
          %get3A_168 = arith.index_cast %add3A_165 : i32 to index
          %get3A_169 = arith.constant 0 : index
          %get3A_170 = tpu.vector_load %arg15[%get3A_168, %get3A_169] {strides = array<i32>} : memref<80x128xi32, #tpu.memory_space<vmem>>, vector<16xi32>,
          %bitcast3A_171 = vector.bitcast %get3A_170 : vector<16xi32> to vector<32xbf16>
          %get3A_172 = arith.index_cast %add3A_165 : i32 to index
          %get3A_173 = arith.constant 0 : index
          %get3A_174 = tpu.vector_load %arg16[%get3A_172, %get3A_173] {strides = array<i32>} : memref<80x128xi32, #tpu.memory_space<vmem>>, vector<16xi32>,
          %bitcast3A_175 = vector.bitcast %get3A_174 : vector<16xi32> to vector<32xbf16>
          %mul3A_176 = arith.constant 64 : i32
          %mul3A_177 = arith.muli %squeeze3A_167, %mul3A_176 : i32
          %add3A_178 = arith.constant 0 : i32
          %add3A_179 = arith.addi %mul3A_177, %add3A_178 : i32
          %get3A_180 = arith.index_cast %add3A_179 : i32 to index
          %get3A_181 = tpu.vector_load %arg17[%get3A_180] {strides = array<i32>} : memref<4096xi32, #tpu.memory_space<vmem>>, vector<16xi32>,
          %bitcast3A_182 = vector.bitcast %get3A_181 : vector<16xi32> to vector<32xbf16>
          %get3A_183 = arith.index_cast %add3A_165 : i32 to index
          %get3A_184 = arith.constant 16 : index
          %get3A_185 = tpu.vector_load %arg15[%get3A_183, %get3A_184] {strides = array<i32>} : memref<80x128xi32, #tpu.memory_space<vmem>>, vector<16xi32>,
          %bitcast3A_186 = vector.bitcast %get3A_185 : vector<16xi32> to vector<32xbf16>
          %get3A_187 = arith.index_cast %add3A_165 : i32 to index
          %get3A_188 = arith.constant 16 : index
          %get3A_189 = tpu.vector_load %arg16[%get3A_187, %get3A_188] {strides = array<i32>} : memref<80x128xi32, #tpu.memory_space<vmem>>, vector<16xi32>,
          %bitcast3A_190 = vector.bitcast %get3A_189 : vector<16xi32> to vector<32xbf16>
          %mul3A_191 = arith.constant 64 : i32
          %mul3A_192 = arith.muli %squeeze3A_167, %mul3A_191 : i32
          %add3A_193 = arith.constant 16 : i32
          %add3A_194 = arith.addi %mul3A_192, %add3A_193 : i32
          %get3A_195 = arith.index_cast %add3A_194 : i32 to index
          %get3A_196 = tpu.vector_load %arg17[%get3A_195] {strides = array<i32>} : memref<4096xi32, #tpu.memory_space<vmem>>, vector<16xi32>,
          %bitcast3A_197 = vector.bitcast %get3A_196 : vector<16xi32> to vector<32xbf16>
          %get3A_198 = arith.index_cast %add3A_165 : i32 to index
          %get3A_199 = arith.constant 32 : index
          %get3A_200 = tpu.vector_load %arg15[%get3A_198, %get3A_199] {strides = array<i32>} : memref<80x128xi32, #tpu.memory_space<vmem>>, vector<16xi32>,
          %bitcast3A_201 = vector.bitcast %get3A_200 : vector<16xi32> to vector<32xbf16>
          %get3A_202 = arith.index_cast %add3A_165 : i32 to index
          %get3A_203 = arith.constant 32 : index
          %get3A_204 = tpu.vector_load %arg16[%get3A_202, %get3A_203] {strides = array<i32>} : memref<80x128xi32, #tpu.memory_space<vmem>>, vector<16xi32>,
          %bitcast3A_205 = vector.bitcast %get3A_204 : vector<16xi32> to vector<32xbf16>
          %mul3A_206 = arith.constant 64 : i32
          %mul3A_207 = arith.muli %squeeze3A_167, %mul3A_206 : i32
          %add3A_208 = arith.constant 32 : i32
          %add3A_209 = arith.addi %mul3A_207, %add3A_208 : i32
          %get3A_210 = arith.index_cast %add3A_209 : i32 to index
          %get3A_211 = tpu.vector_load %arg17[%get3A_210] {strides = array<i32>} : memref<4096xi32, #tpu.memory_space<vmem>>, vector<16xi32>,
          %bitcast3A_212 = vector.bitcast %get3A_211 : vector<16xi32> to vector<32xbf16>
          %get3A_213 = arith.index_cast %add3A_165 : i32 to index
          %get3A_214 = arith.constant 48 : index
          %get3A_215 = tpu.vector_load %arg15[%get3A_213, %get3A_214] {strides = array<i32>} : memref<80x128xi32, #tpu.memory_space<vmem>>, vector<16xi32>,
          %bitcast3A_216 = vector.bitcast %get3A_215 : vector<16xi32> to vector<32xbf16>
          %get3A_217 = arith.index_cast %add3A_165 : i32 to index
          %get3A_218 = arith.constant 48 : index
          %get3A_219 = tpu.vector_load %arg16[%get3A_217, %get3A_218] {strides = array<i32>} : memref<80x128xi32, #tpu.memory_space<vmem>>, vector<16xi32>,
          %bitcast3A_220 = vector.bitcast %get3A_219 : vector<16xi32> to vector<32xbf16>
          %mul3A_221 = arith.constant 64 : i32
          %mul3A_222 = arith.muli %squeeze3A_167, %mul3A_221 : i32
          %add3A_223 = arith.constant 48 : i32
          %add3A_224 = arith.addi %mul3A_222, %add3A_223 : i32
          %get3A_225 = arith.index_cast %add3A_224 : i32 to index
          %get3A_226 = tpu.vector_load %arg17[%get3A_225] {strides = array<i32>} : memref<4096xi32, #tpu.memory_space<vmem>>, vector<16xi32>,
          %bitcast3A_227 = vector.bitcast %get3A_226 : vector<16xi32> to vector<32xbf16>
          %mul3A_228 = arith.constant 16 : i32
          %mul3A_229 = arith.muli %add3A_94, %mul3A_228 : i32
          %add3A_230 = arith.constant 2 : i32
          %add3A_231 = arith.addi %mul3A_229, %add3A_230 : i32
          %slice3A_232 = vector.extract_strided_slice %get3A_98 {offsets = [2], sizes = [1], strides = [1]} : vector<16xi32> to vector<1xi32>
          %squeeze3A_233 = vector.extract %slice3A_232[0] : i32 from vector<1xi32>
          %get3A_234 = arith.index_cast %add3A_231 : i32 to index
          %get3A_235 = arith.constant 0 : index
          %get3A_236 = tpu.vector_load %arg15[%get3A_234, %get3A_235] {strides = array<i32>} : memref<80x128xi32, #tpu.memory_space<vmem>>, vector<16xi32>,
          %bitcast3A_237 = vector.bitcast %get3A_236 : vector<16xi32> to vector<32xbf16>
          %get3A_238 = arith.index_cast %add3A_231 : i32 to index
          %get3A_239 = arith.constant 0 : index
          %get3A_240 = tpu.vector_load %arg16[%get3A_238, %get3A_239] {strides = array<i32>} : memref<80x128xi32, #tpu.memory_space<vmem>>, vector<16xi32>,
          %bitcast3A_241 = vector.bitcast %get3A_240 : vector<16xi32> to vector<32xbf16>
          %mul3A_242 = arith.constant 64 : i32
          %mul3A_243 = arith.muli %squeeze3A_233, %mul3A_242 : i32
          %add3A_244 = arith.constant 0 : i32
          %add3A_245 = arith.addi %mul3A_243, %add3A_244 : i32
          %get3A_246 = arith.index_cast %add3A_245 : i32 to index
          %get3A_247 = tpu.vector_load %arg17[%get3A_246] {strides = array<i32>} : memref<4096xi32, #tpu.memory_space<vmem>>, vector<16xi32>,
          %bitcast3A_248 = vector.bitcast %get3A_247 : vector<16xi32> to vector<32xbf16>
          %get3A_249 = arith.index_cast %add3A_231 : i32 to index
          %get3A_250 = arith.constant 16 : index
          %get3A_251 = tpu.vector_load %arg15[%get3A_249, %get3A_250] {strides = array<i32>} : memref<80x128xi32, #tpu.memory_space<vmem>>, vector<16xi32>,
          %bitcast3A_252 = vector.bitcast %get3A_251 : vector<16xi32> to vector<32xbf16>
          %get3A_253 = arith.index_cast %add3A_231 : i32 to index
          %get3A_254 = arith.constant 16 : index
          %get3A_255 = tpu.vector_load %arg16[%get3A_253, %get3A_254] {strides = array<i32>} : memref<80x128xi32, #tpu.memory_space<vmem>>, vector<16xi32>,
          %bitcast3A_256 = vector.bitcast %get3A_255 : vector<16xi32> to vector<32xbf16>
          %mul3A_257 = arith.constant 64 : i32
          %mul3A_258 = arith.muli %squeeze3A_233, %mul3A_257 : i32
          %add3A_259 = arith.constant 16 : i32
          %add3A_260 = arith.addi %mul3A_258, %add3A_259 : i32
          %get3A_261 = arith.index_cast %add3A_260 : i32 to index
          %get3A_262 = tpu.vector_load %arg17[%get3A_261] {strides = array<i32>} : memref<4096xi32, #tpu.memory_space<vmem>>, vector<16xi32>,
          %bitcast3A_263 = vector.bitcast %get3A_262 : vector<16xi32> to vector<32xbf16>
          %get3A_264 = arith.index_cast %add3A_231 : i32 to index
          %get3A_265 = arith.constant 32 : index
          %get3A_266 = tpu.vector_load %arg15[%get3A_264, %get3A_265] {strides = array<i32>} : memref<80x128xi32, #tpu.memory_space<vmem>>, vector<16xi32>,
          %bitcast3A_267 = vector.bitcast %get3A_266 : vector<16xi32> to vector<32xbf16>
          %get3A_268 = arith.index_cast %add3A_231 : i32 to index
          %get3A_269 = arith.constant 32 : index
          %get3A_270 = tpu.vector_load %arg16[%get3A_268, %get3A_269] {strides = array<i32>} : memref<80x128xi32, #tpu.memory_space<vmem>>, vector<16xi32>,
          %bitcast3A_271 = vector.bitcast %get3A_270 : vector<16xi32> to vector<32xbf16>
          %mul3A_272 = arith.constant 64 : i32
          %mul3A_273 = arith.muli %squeeze3A_233, %mul3A_272 : i32
          %add3A_274 = arith.constant 32 : i32
          %add3A_275 = arith.addi %mul3A_273, %add3A_274 : i32
          %get3A_276 = arith.index_cast %add3A_275 : i32 to index
          %get3A_277 = tpu.vector_load %arg17[%get3A_276] {strides = array<i32>} : memref<4096xi32, #tpu.memory_space<vmem>>, vector<16xi32>,
          %bitcast3A_278 = vector.bitcast %get3A_277 : vector<16xi32> to vector<32xbf16>
          %get3A_279 = arith.index_cast %add3A_231 : i32 to index
          %get3A_280 = arith.constant 48 : index
          %get3A_281 = tpu.vector_load %arg15[%get3A_279, %get3A_280] {strides = array<i32>} : memref<80x128xi32, #tpu.memory_space<vmem>>, vector<16xi32>,
          %bitcast3A_282 = vector.bitcast %get3A_281 : vector<16xi32> to vector<32xbf16>
          %get3A_283 = arith.index_cast %add3A_231 : i32 to index
          %get3A_284 = arith.constant 48 : index
          %get3A_285 = tpu.vector_load %arg16[%get3A_283, %get3A_284] {strides = array<i32>} : memref<80x128xi32, #tpu.memory_space<vmem>>, vector<16xi32>,
          %bitcast3A_286 = vector.bitcast %get3A_285 : vector<16xi32> to vector<32xbf16>
          %mul3A_287 = arith.constant 64 : i32
          %mul3A_288 = arith.muli %squeeze3A_233, %mul3A_287 : i32
          %add3A_289 = arith.constant 48 : i32
          %add3A_290 = arith.addi %mul3A_288, %add3A_289 : i32
          %get3A_291 = arith.index_cast %add3A_290 : i32 to index
          %get3A_292 = tpu.vector_load %arg17[%get3A_291] {strides = array<i32>} : memref<4096xi32, #tpu.memory_space<vmem>>, vector<16xi32>,
          %bitcast3A_293 = vector.bitcast %get3A_292 : vector<16xi32> to vector<32xbf16>
          %mul3A_294 = arith.mulf %bitcast3A, %bitcast3A_109 : vector<32xbf16>
          %mul3A_295 = arith.mulf %mul3A_294, %bitcast3A_116 : vector<32xbf16>
          %unpack3A = tpu.unpack_subelements %mul3A_295, 0 {pack_format = #tpu.pack_format<interleaved>} : vector<32xbf16> -> vector<16xf32>
          %unpack3A_296 = tpu.unpack_subelements %mul3A_295, 1 {pack_format = #tpu.pack_format<interleaved>} : vector<32xbf16> -> vector<16xf32>
          %mul3A_297 = arith.mulf %bitcast3A_120, %bitcast3A_124 : vector<32xbf16>
          %mul3A_298 = arith.mulf %mul3A_297, %bitcast3A_131 : vector<32xbf16>
          %unpack3A_299 = tpu.unpack_subelements %mul3A_298, 0 {pack_format = #tpu.pack_format<interleaved>} : vector<32xbf16> -> vector<16xf32>
          %unpack3A_300 = tpu.unpack_subelements %mul3A_298, 1 {pack_format = #tpu.pack_format<interleaved>} : vector<32xbf16> -> vector<16xf32>
          %add3A_301 = arith.addf %unpack3A, %unpack3A_299 : vector<16xf32>
          %add3A_302 = arith.addf %unpack3A_296, %unpack3A_300 : vector<16xf32>
          %mul3A_303 = arith.mulf %bitcast3A_135, %bitcast3A_139 : vector<32xbf16>
          %mul3A_304 = arith.mulf %mul3A_303, %bitcast3A_146 : vector<32xbf16>
          %unpack3A_305 = tpu.unpack_subelements %mul3A_304, 0 {pack_format = #tpu.pack_format<interleaved>} : vector<32xbf16> -> vector<16xf32>
          %unpack3A_306 = tpu.unpack_subelements %mul3A_304, 1 {pack_format = #tpu.pack_format<interleaved>} : vector<32xbf16> -> vector<16xf32>
          %add3A_307 = arith.addf %add3A_301, %unpack3A_305 : vector<16xf32>
          %add3A_308 = arith.addf %add3A_302, %unpack3A_306 : vector<16xf32>
          %mul3A_309 = arith.mulf %bitcast3A_150, %bitcast3A_154 : vector<32xbf16>
          %mul3A_310 = arith.mulf %mul3A_309, %bitcast3A_161 : vector<32xbf16>
          %unpack3A_311 = tpu.unpack_subelements %mul3A_310, 0 {pack_format = #tpu.pack_format<interleaved>} : vector<32xbf16> -> vector<16xf32>
          %unpack3A_312 = tpu.unpack_subelements %mul3A_310, 1 {pack_format = #tpu.pack_format<interleaved>} : vector<32xbf16> -> vector<16xf32>
          %add3A_313 = arith.addf %add3A_307, %unpack3A_311 : vector<16xf32>
          %add3A_314 = arith.addf %add3A_308, %unpack3A_312 : vector<16xf32>
          %add3A_315 = arith.addf %add3A_313, %add3A_314 : vector<16xf32>
          %swap3A = arith.constant 0 : index
          %swap3A_316 = tpu.vector_load %arg19[%swap3A] {strides = array<i32>} : memref<272xf32, #tpu.memory_space<vmem>>, vector<16xf32>,
          tpu.vector_store %arg19[%swap3A], %add3A_315 {strides = array<i32>} : memref<272xf32, #tpu.memory_space<vmem>>, vector<16xf32>,
          %mul3A_317 = arith.constant 16 : i32
          %mul3A_318 = arith.muli %add3A_94, %mul3A_317 : i32
          %add3A_319 = arith.constant 3 : i32
          %add3A_320 = arith.addi %mul3A_318, %add3A_319 : i32
          %slice3A_321 = vector.extract_strided_slice %get3A_98 {offsets = [3], sizes = [1], strides = [1]} : vector<16xi32> to vector<1xi32>
          %squeeze3A_322 = vector.extract %slice3A_321[0] : i32 from vector<1xi32>
          %get3A_323 = arith.index_cast %add3A_320 : i32 to index
          %get3A_324 = arith.constant 0 : index
          %get3A_325 = tpu.vector_load %arg15[%get3A_323, %get3A_324] {strides = array<i32>} : memref<80x128xi32, #tpu.memory_space<vmem>>, vector<16xi32>,
          %bitcast3A_326 = vector.bitcast %get3A_325 : vector<16xi32> to vector<32xbf16>
          %get3A_327 = arith.index_cast %add3A_320 : i32 to index
          %get3A_328 = arith.constant 0 : index
          %get3A_329 = tpu.vector_load %arg16[%get3A_327, %get3A_328] {strides = array<i32>} : memref<80x128xi32, #tpu.memory_space<vmem>>, vector<16xi32>,
          %bitcast3A_330 = vector.bitcast %get3A_329 : vector<16xi32> to vector<32xbf16>
          %mul3A_331 = arith.constant 64 : i32
          %mul3A_332 = arith.muli %squeeze3A_322, %mul3A_331 : i32
          %add3A_333 = arith.constant 0 : i32
          %add3A_334 = arith.addi %mul3A_332, %add3A_333 : i32
          %get3A_335 = arith.index_cast %add3A_334 : i32 to index
          %get3A_336 = tpu.vector_load %arg17[%get3A_335] {strides = array<i32>} : memref<4096xi32, #tpu.memory_space<vmem>>, vector<16xi32>,
          %bitcast3A_337 = vector.bitcast %get3A_336 : vector<16xi32> to vector<32xbf16>
          %get3A_338 = arith.index_cast %add3A_320 : i32 to index
          %get3A_339 = arith.constant 16 : index
          %get3A_340 = tpu.vector_load %arg15[%get3A_338, %get3A_339] {strides = array<i32>} : memref<80x128xi32, #tpu.memory_space<vmem>>, vector<16xi32>,
          %bitcast3A_341 = vector.bitcast %get3A_340 : vector<16xi32> to vector<32xbf16>
          %get3A_342 = arith.index_cast %add3A_320 : i32 to index
          %get3A_343 = arith.constant 16 : index
          %get3A_344 = tpu.vector_load %arg16[%get3A_342, %get3A_343] {strides = array<i32>} : memref<80x128xi32, #tpu.memory_space<vmem>>, vector<16xi32>,
          %bitcast3A_345 = vector.bitcast %get3A_344 : vector<16xi32> to vector<32xbf16>
          %mul3A_346 = arith.constant 64 : i32
          %mul3A_347 = arith.muli %squeeze3A_322, %mul3A_346 : i32
          %add3A_348 = arith.constant 16 : i32
          %add3A_349 = arith.addi %mul3A_347, %add3A_348 : i32
          %get3A_350 = arith.index_cast %add3A_349 : i32 to index
          %get3A_351 = tpu.vector_load %arg17[%get3A_350] {strides = array<i32>} : memref<4096xi32, #tpu.memory_space<vmem>>, vector<16xi32>,
          %bitcast3A_352 = vector.bitcast %get3A_351 : vector<16xi32> to vector<32xbf16>
          %get3A_353 = arith.index_cast %add3A_320 : i32 to index
          %get3A_354 = arith.constant 32 : index
          %get3A_355 = tpu.vector_load %arg15[%get3A_353, %get3A_354] {strides = array<i32>} : memref<80x128xi32, #tpu.memory_space<vmem>>, vector<16xi32>,
          %bitcast3A_356 = vector.bitcast %get3A_355 : vector<16xi32> to vector<32xbf16>
          %get3A_357 = arith.index_cast %add3A_320 : i32 to index
          %get3A_358 = arith.constant 32 : index
          %get3A_359 = tpu.vector_load %arg16[%get3A_357, %get3A_358] {strides = array<i32>} : memref<80x128xi32, #tpu.memory_space<vmem>>, vector<16xi32>,
          %bitcast3A_360 = vector.bitcast %get3A_359 : vector<16xi32> to vector<32xbf16>
          %mul3A_361 = arith.constant 64 : i32
          %mul3A_362 = arith.muli %squeeze3A_322, %mul3A_361 : i32
          %add3A_363 = arith.constant 32 : i32
          %add3A_364 = arith.addi %mul3A_362, %add3A_363 : i32
          %get3A_365 = arith.index_cast %add3A_364 : i32 to index
          %get3A_366 = tpu.vector_load %arg17[%get3A_365] {strides = array<i32>} : memref<4096xi32, #tpu.memory_space<vmem>>, vector<16xi32>,
          %bitcast3A_367 = vector.bitcast %get3A_366 : vector<16xi32> to vector<32xbf16>
          %get3A_368 = arith.index_cast %add3A_320 : i32 to index
          %get3A_369 = arith.constant 48 : index
          %get3A_370 = tpu.vector_load %arg15[%get3A_368, %get3A_369] {strides = array<i32>} : memref<80x128xi32, #tpu.memory_space<vmem>>, vector<16xi32>,
          %bitcast3A_371 = vector.bitcast %get3A_370 : vector<16xi32> to vector<32xbf16>
          %get3A_372 = arith.index_cast %add3A_320 : i32 to index
          %get3A_373 = arith.constant 48 : index
          %get3A_374 = tpu.vector_load %arg16[%get3A_372, %get3A_373] {strides = array<i32>} : memref<80x128xi32, #tpu.memory_space<vmem>>, vector<16xi32>,
          %bitcast3A_375 = vector.bitcast %get3A_374 : vector<16xi32> to vector<32xbf16>
          %mul3A_376 = arith.constant 64 : i32
          %mul3A_377 = arith.muli %squeeze3A_322, %mul3A_376 : i32
          %add3A_378 = arith.constant 48 : i32
          %add3A_379 = arith.addi %mul3A_377, %add3A_378 : i32
          %get3A_380 = arith.index_cast %add3A_379 : i32 to index
          %get3A_381 = tpu.vector_load %arg17[%get3A_380] {strides = array<i32>} : memref<4096xi32, #tpu.memory_space<vmem>>, vector<16xi32>,
          %bitcast3A_382 = vector.bitcast %get3A_381 : vector<16xi32> to vector<32xbf16>
          %mul3A_383 = arith.mulf %bitcast3A_171, %bitcast3A_175 : vector<32xbf16>
          %mul3A_384 = arith.mulf %mul3A_383, %bitcast3A_182 : vector<32xbf16>
          %unpack3A_385 = tpu.unpack_subelements %mul3A_384, 0 {pack_format = #tpu.pack_format<interleaved>} : vector<32xbf16> -> vector<16xf32>
          %unpack3A_386 = tpu.unpack_subelements %mul3A_384, 1 {pack_format = #tpu.pack_format<interleaved>} : vector<32xbf16> -> vector<16xf32>
          %mul3A_387 = arith.mulf %bitcast3A_186, %bitcast3A_190 : vector<32xbf16>
          %mul3A_388 = arith.mulf %mul3A_387, %bitcast3A_197 : vector<32xbf16>
          %unpack3A_389 = tpu.unpack_subelements %mul3A_388, 0 {pack_format = #tpu.pack_format<interleaved>} : vector<32xbf16> -> vector<16xf32>
          %unpack3A_390 = tpu.unpack_subelements %mul3A_388, 1 {pack_format = #tpu.pack_format<interleaved>} : vector<32xbf16> -> vector<16xf32>
          %add3A_391 = arith.addf %unpack3A_385, %unpack3A_389 : vector<16xf32>
          %add3A_392 = arith.addf %unpack3A_386, %unpack3A_390 : vector<16xf32>
          %mul3A_393 = arith.mulf %bitcast3A_201, %bitcast3A_205 : vector<32xbf16>
          %mul3A_394 = arith.mulf %mul3A_393, %bitcast3A_212 : vector<32xbf16>
          %unpack3A_395 = tpu.unpack_subelements %mul3A_394, 0 {pack_format = #tpu.pack_format<interleaved>} : vector<32xbf16> -> vector<16xf32>
          %unpack3A_396 = tpu.unpack_subelements %mul3A_394, 1 {pack_format = #tpu.pack_format<interleaved>} : vector<32xbf16> -> vector<16xf32>
          %add3A_397 = arith.addf %add3A_391, %unpack3A_395 : vector<16xf32>
          %add3A_398 = arith.addf %add3A_392, %unpack3A_396 : vector<16xf32>
          %mul3A_399 = arith.mulf %bitcast3A_216, %bitcast3A_220 : vector<32xbf16>
          %mul3A_400 = arith.mulf %mul3A_399, %bitcast3A_227 : vector<32xbf16>
          %unpack3A_401 = tpu.unpack_subelements %mul3A_400, 0 {pack_format = #tpu.pack_format<interleaved>} : vector<32xbf16> -> vector<16xf32>
          %unpack3A_402 = tpu.unpack_subelements %mul3A_400, 1 {pack_format = #tpu.pack_format<interleaved>} : vector<32xbf16> -> vector<16xf32>
          %add3A_403 = arith.addf %add3A_397, %unpack3A_401 : vector<16xf32>
          %add3A_404 = arith.addf %add3A_398, %unpack3A_402 : vector<16xf32>
          %add3A_405 = arith.addf %add3A_403, %add3A_404 : vector<16xf32>
          %swap3A_406 = arith.constant 17 : index
          %swap3A_407 = tpu.vector_load %arg19[%swap3A_406] {strides = array<i32>} : memref<272xf32, #tpu.memory_space<vmem>>, vector<16xf32>,
          tpu.vector_store %arg19[%swap3A_406], %add3A_405 {strides = array<i32>} : memref<272xf32, #tpu.memory_space<vmem>>, vector<16xf32>,
          %mul3A_408 = arith.constant 16 : i32
          %mul3A_409 = arith.muli %add3A_94, %mul3A_408 : i32
          %add3A_410 = arith.constant 4 : i32
          %add3A_411 = arith.addi %mul3A_409, %add3A_410 : i32
          %slice3A_412 = vector.extract_strided_slice %get3A_98 {offsets = [4], sizes = [1], strides = [1]} : vector<16xi32> to vector<1xi32>
          %squeeze3A_413 = vector.extract %slice3A_412[0] : i32 from vector<1xi32>
          %get3A_414 = arith.index_cast %add3A_411 : i32 to index
          %get3A_415 = arith.constant 0 : index
          %get3A_416 = tpu.vector_load %arg15[%get3A_414, %get3A_415] {strides = array<i32>} : memref<80x128xi32, #tpu.memory_space<vmem>>, vector<16xi32>,
          %bitcast3A_417 = vector.bitcast %get3A_416 : vector<16xi32> to vector<32xbf16>
          %get3A_418 = arith.index_cast %add3A_411 : i32 to index
          %get3A_419 = arith.constant 0 : index
          %get3A_420 = tpu.vector_load %arg16[%get3A_418, %get3A_419] {strides = array<i32>} : memref<80x128xi32, #tpu.memory_space<vmem>>, vector<16xi32>,
          %bitcast3A_421 = vector.bitcast %get3A_420 : vector<16xi32> to vector<32xbf16>
          %mul3A_422 = arith.constant 64 : i32
          %mul3A_423 = arith.muli %squeeze3A_413, %mul3A_422 : i32
          %add3A_424 = arith.constant 0 : i32
          %add3A_425 = arith.addi %mul3A_423, %add3A_424 : i32
          %get3A_426 = arith.index_cast %add3A_425 : i32 to index
          %get3A_427 = tpu.vector_load %arg17[%get3A_426] {strides = array<i32>} : memref<4096xi32, #tpu.memory_space<vmem>>, vector<16xi32>,
          %bitcast3A_428 = vector.bitcast %get3A_427 : vector<16xi32> to vector<32xbf16>
          %get3A_429 = arith.index_cast %add3A_411 : i32 to index
          %get3A_430 = arith.constant 16 : index
          %get3A_431 = tpu.vector_load %arg15[%get3A_429, %get3A_430] {strides = array<i32>} : memref<80x128xi32, #tpu.memory_space<vmem>>, vector<16xi32>,
          %bitcast3A_432 = vector.bitcast %get3A_431 : vector<16xi32> to vector<32xbf16>
          %get3A_433 = arith.index_cast %add3A_411 : i32 to index
          %get3A_434 = arith.constant 16 : index
          %get3A_435 = tpu.vector_load %arg16[%get3A_433, %get3A_434] {strides = array<i32>} : memref<80x128xi32, #tpu.memory_space<vmem>>, vector<16xi32>,
          %bitcast3A_436 = vector.bitcast %get3A_435 : vector<16xi32> to vector<32xbf16>
          %mul3A_437 = arith.constant 64 : i32
          %mul3A_438 = arith.muli %squeeze3A_413, %mul3A_437 : i32
          %add3A_439 = arith.constant 16 : i32
          %add3A_440 = arith.addi %mul3A_438, %add3A_439 : i32
          %get3A_441 = arith.index_cast %add3A_440 : i32 to index
          %get3A_442 = tpu.vector_load %arg17[%get3A_441] {strides = array<i32>} : memref<4096xi32, #tpu.memory_space<vmem>>, vector<16xi32>,
          %bitcast3A_443 = vector.bitcast %get3A_442 : vector<16xi32> to vector<32xbf16>
          %get3A_444 = arith.index_cast %add3A_411 : i32 to index
          %get3A_445 = arith.constant 32 : index
          %get3A_446 = tpu.vector_load %arg15[%get3A_444, %get3A_445] {strides = array<i32>} : memref<80x128xi32, #tpu.memory_space<vmem>>, vector<16xi32>,
          %bitcast3A_447 = vector.bitcast %get3A_446 : vector<16xi32> to vector<32xbf16>
          %get3A_448 = arith.index_cast %add3A_411 : i32 to index
          %get3A_449 = arith.constant 32 : index
          %get3A_450 = tpu.vector_load %arg16[%get3A_448, %get3A_449] {strides = array<i32>} : memref<80x128xi32, #tpu.memory_space<vmem>>, vector<16xi32>,
          %bitcast3A_451 = vector.bitcast %get3A_450 : vector<16xi32> to vector<32xbf16>
          %mul3A_452 = arith.constant 64 : i32
          %mul3A_453 = arith.muli %squeeze3A_413, %mul3A_452 : i32
          %add3A_454 = arith.constant 32 : i32
          %add3A_455 = arith.addi %mul3A_453, %add3A_454 : i32
          %get3A_456 = arith.index_cast %add3A_455 : i32 to index
          %get3A_457 = tpu.vector_load %arg17[%get3A_456] {strides = array<i32>} : memref<4096xi32, #tpu.memory_space<vmem>>, vector<16xi32>,
          %bitcast3A_458 = vector.bitcast %get3A_457 : vector<16xi32> to vector<32xbf16>
          %get3A_459 = arith.index_cast %add3A_411 : i32 to index
          %get3A_460 = arith.constant 48 : index
          %get3A_461 = tpu.vector_load %arg15[%get3A_459, %get3A_460] {strides = array<i32>} : memref<80x128xi32, #tpu.memory_space<vmem>>, vector<16xi32>,
          %bitcast3A_462 = vector.bitcast %get3A_461 : vector<16xi32> to vector<32xbf16>
          %get3A_463 = arith.index_cast %add3A_411 : i32 to index
          %get3A_464 = arith.constant 48 : index
          %get3A_465 = tpu.vector_load %arg16[%get3A_463, %get3A_464] {strides = array<i32>} : memref<80x128xi32, #tpu.memory_space<vmem>>, vector<16xi32>,
          %bitcast3A_466 = vector.bitcast %get3A_465 : vector<16xi32> to vector<32xbf16>
          %mul3A_467 = arith.constant 64 : i32
          %mul3A_468 = arith.muli %squeeze3A_413, %mul3A_467 : i32
          %add3A_469 = arith.constant 48 : i32
          %add3A_470 = arith.addi %mul3A_468, %add3A_469 : i32
          %get3A_471 = arith.index_cast %add3A_470 : i32 to index
          %get3A_472 = tpu.vector_load %arg17[%get3A_471] {strides = array<i32>} : memref<4096xi32, #tpu.memory_space<vmem>>, vector<16xi32>,
          %bitcast3A_473 = vector.bitcast %get3A_472 : vector<16xi32> to vector<32xbf16>
          %mul3A_474 = arith.mulf %bitcast3A_237, %bitcast3A_241 : vector<32xbf16>
          %mul3A_475 = arith.mulf %mul3A_474, %bitcast3A_248 : vector<32xbf16>
          %unpack3A_476 = tpu.unpack_subelements %mul3A_475, 0 {pack_format = #tpu.pack_format<interleaved>} : vector<32xbf16> -> vector<16xf32>
          %unpack3A_477 = tpu.unpack_subelements %mul3A_475, 1 {pack_format = #tpu.pack_format<interleaved>} : vector<32xbf16> -> vector<16xf32>
          %mul3A_478 = arith.mulf %bitcast3A_252, %bitcast3A_256 : vector<32xbf16>
          %mul3A_479 = arith.mulf %mul3A_478, %bitcast3A_263 : vector<32xbf16>
          %unpack3A_480 = tpu.unpack_subelements %mul3A_479, 0 {pack_format = #tpu.pack_format<interleaved>} : vector<32xbf16> -> vector<16xf32>
          %unpack3A_481 = tpu.unpack_subelements %mul3A_479, 1 {pack_format = #tpu.pack_format<interleaved>} : vector<32xbf16> -> vector<16xf32>
          %add3A_482 = arith.addf %unpack3A_476, %unpack3A_480 : vector<16xf32>
          %add3A_483 = arith.addf %unpack3A_477, %unpack3A_481 : vector<16xf32>
          %mul3A_484 = arith.mulf %bitcast3A_267, %bitcast3A_271 : vector<32xbf16>
          %mul3A_485 = arith.mulf %mul3A_484, %bitcast3A_278 : vector<32xbf16>
          %unpack3A_486 = tpu.unpack_subelements %mul3A_485, 0 {pack_format = #tpu.pack_format<interleaved>} : vector<32xbf16> -> vector<16xf32>
          %unpack3A_487 = tpu.unpack_subelements %mul3A_485, 1 {pack_format = #tpu.pack_format<interleaved>} : vector<32xbf16> -> vector<16xf32>
          %add3A_488 = arith.addf %add3A_482, %unpack3A_486 : vector<16xf32>
          %add3A_489 = arith.addf %add3A_483, %unpack3A_487 : vector<16xf32>
          %mul3A_490 = arith.mulf %bitcast3A_282, %bitcast3A_286 : vector<32xbf16>
          %mul3A_491 = arith.mulf %mul3A_490, %bitcast3A_293 : vector<32xbf16>
          %unpack3A_492 = tpu.unpack_subelements %mul3A_491, 0 {pack_format = #tpu.pack_format<interleaved>} : vector<32xbf16> -> vector<16xf32>
          %unpack3A_493 = tpu.unpack_subelements %mul3A_491, 1 {pack_format = #tpu.pack_format<interleaved>} : vector<32xbf16> -> vector<16xf32>
          %add3A_494 = arith.addf %add3A_488, %unpack3A_492 : vector<16xf32>
          %add3A_495 = arith.addf %add3A_489, %unpack3A_493 : vector<16xf32>
          %add3A_496 = arith.addf %add3A_494, %add3A_495 : vector<16xf32>
          %swap3A_497 = arith.constant 34 : index
          %swap3A_498 = tpu.vector_load %arg19[%swap3A_497] {strides = array<i32>} : memref<272xf32, #tpu.memory_space<vmem>>, vector<16xf32>,
          tpu.vector_store %arg19[%swap3A_497], %add3A_496 {strides = array<i32>} : memref<272xf32, #tpu.memory_space<vmem>>, vector<16xf32>,
          %mul3A_499 = arith.constant 16 : i32
          %mul3A_500 = arith.muli %add3A_94, %mul3A_499 : i32
          %add3A_501 = arith.constant 5 : i32
          %add3A_502 = arith.addi %mul3A_500, %add3A_501 : i32
          %slice3A_503 = vector.extract_strided_slice %get3A_98 {offsets = [5], sizes = [1], strides = [1]} : vector<16xi32> to vector<1xi32>
          %squeeze3A_504 = vector.extract %slice3A_503[0] : i32 from vector<1xi32>
          %get3A_505 = arith.index_cast %add3A_502 : i32 to index
          %get3A_506 = arith.constant 0 : index
          %get3A_507 = tpu.vector_load %arg15[%get3A_505, %get3A_506] {strides = array<i32>} : memref<80x128xi32, #tpu.memory_space<vmem>>, vector<16xi32>,
          %bitcast3A_508 = vector.bitcast %get3A_507 : vector<16xi32> to vector<32xbf16>
          %get3A_509 = arith.index_cast %add3A_502 : i32 to index
          %get3A_510 = arith.constant 0 : index
          %get3A_511 = tpu.vector_load %arg16[%get3A_509, %get3A_510] {strides = array<i32>} : memref<80x128xi32, #tpu.memory_space<vmem>>, vector<16xi32>,
          %bitcast3A_512 = vector.bitcast %get3A_511 : vector<16xi32> to vector<32xbf16>
          %mul3A_513 = arith.constant 64 : i32
          %mul3A_514 = arith.muli %squeeze3A_504, %mul3A_513 : i32
          %add3A_515 = arith.constant 0 : i32
          %add3A_516 = arith.addi %mul3A_514, %add3A_515 : i32
          %get3A_517 = arith.index_cast %add3A_516 : i32 to index
          %get3A_518 = tpu.vector_load %arg17[%get3A_517] {strides = array<i32>} : memref<4096xi32, #tpu.memory_space<vmem>>, vector<16xi32>,
          %bitcast3A_519 = vector.bitcast %get3A_518 : vector<16xi32> to vector<32xbf16>
          %get3A_520 = arith.index_cast %add3A_502 : i32 to index
          %get3A_521 = arith.constant 16 : index
          %get3A_522 = tpu.vector_load %arg15[%get3A_520, %get3A_521] {strides = array<i32>} : memref<80x128xi32, #tpu.memory_space<vmem>>, vector<16xi32>,
          %bitcast3A_523 = vector.bitcast %get3A_522 : vector<16xi32> to vector<32xbf16>
          %get3A_524 = arith.index_cast %add3A_502 : i32 to index
          %get3A_525 = arith.constant 16 : index
          %get3A_526 = tpu.vector_load %arg16[%get3A_524, %get3A_525] {strides = array<i32>} : memref<80x128xi32, #tpu.memory_space<vmem>>, vector<16xi32>,
          %bitcast3A_527 = vector.bitcast %get3A_526 : vector<16xi32> to vector<32xbf16>
          %mul3A_528 = arith.constant 64 : i32
          %mul3A_529 = arith.muli %squeeze3A_504, %mul3A_528 : i32
          %add3A_530 = arith.constant 16 : i32
          %add3A_531 = arith.addi %mul3A_529, %add3A_530 : i32
          %get3A_532 = arith.index_cast %add3A_531 : i32 to index
          %get3A_533 = tpu.vector_load %arg17[%get3A_532] {strides = array<i32>} : memref<4096xi32, #tpu.memory_space<vmem>>, vector<16xi32>,
          %bitcast3A_534 = vector.bitcast %get3A_533 : vector<16xi32> to vector<32xbf16>
          %get3A_535 = arith.index_cast %add3A_502 : i32 to index
          %get3A_536 = arith.constant 32 : index
          %get3A_537 = tpu.vector_load %arg15[%get3A_535, %get3A_536] {strides = array<i32>} : memref<80x128xi32, #tpu.memory_space<vmem>>, vector<16xi32>,
          %bitcast3A_538 = vector.bitcast %get3A_537 : vector<16xi32> to vector<32xbf16>
          %get3A_539 = arith.index_cast %add3A_502 : i32 to index
          %get3A_540 = arith.constant 32 : index
          %get3A_541 = tpu.vector_load %arg16[%get3A_539, %get3A_540] {strides = array<i32>} : memref<80x128xi32, #tpu.memory_space<vmem>>, vector<16xi32>,
          %bitcast3A_542 = vector.bitcast %get3A_541 : vector<16xi32> to vector<32xbf16>
          %mul3A_543 = arith.constant 64 : i32
          %mul3A_544 = arith.muli %squeeze3A_504, %mul3A_543 : i32
          %add3A_545 = arith.constant 32 : i32
          %add3A_546 = arith.addi %mul3A_544, %add3A_545 : i32
          %get3A_547 = arith.index_cast %add3A_546 : i32 to index
          %get3A_548 = tpu.vector_load %arg17[%get3A_547] {strides = array<i32>} : memref<4096xi32, #tpu.memory_space<vmem>>, vector<16xi32>,
          %bitcast3A_549 = vector.bitcast %get3A_548 : vector<16xi32> to vector<32xbf16>
          %get3A_550 = arith.index_cast %add3A_502 : i32 to index
          %get3A_551 = arith.constant 48 : index
          %get3A_552 = tpu.vector_load %arg15[%get3A_550, %get3A_551] {strides = array<i32>} : memref<80x128xi32, #tpu.memory_space<vmem>>, vector<16xi32>,
          %bitcast3A_553 = vector.bitcast %get3A_552 : vector<16xi32> to vector<32xbf16>
          %get3A_554 = arith.index_cast %add3A_502 : i32 to index
          %get3A_555 = arith.constant 48 : index
          %get3A_556 = tpu.vector_load %arg16[%get3A_554, %get3A_555] {strides = array<i32>} : memref<80x128xi32, #tpu.memory_space<vmem>>, vector<16xi32>,
          %bitcast3A_557 = vector.bitcast %get3A_556 : vector<16xi32> to vector<32xbf16>
          %mul3A_558 = arith.constant 64 : i32
          %mul3A_559 = arith.muli %squeeze3A_504, %mul3A_558 : i32
          %add3A_560 = arith.constant 48 : i32
          %add3A_561 = arith.addi %mul3A_559, %add3A_560 : i32
          %get3A_562 = arith.index_cast %add3A_561 : i32 to index
          %get3A_563 = tpu.vector_load %arg17[%get3A_562] {strides = array<i32>} : memref<4096xi32, #tpu.memory_space<vmem>>, vector<16xi32>,
          %bitcast3A_564 = vector.bitcast %get3A_563 : vector<16xi32> to vector<32xbf16>
          %mul3A_565 = arith.mulf %bitcast3A_326, %bitcast3A_330 : vector<32xbf16>
          %mul3A_566 = arith.mulf %mul3A_565, %bitcast3A_337 : vector<32xbf16>
          %unpack3A_567 = tpu.unpack_subelements %mul3A_566, 0 {pack_format = #tpu.pack_format<interleaved>} : vector<32xbf16> -> vector<16xf32>
          %unpack3A_568 = tpu.unpack_subelements %mul3A_566, 1 {pack_format = #tpu.pack_format<interleaved>} : vector<32xbf16> -> vector<16xf32>
          %mul3A_569 = arith.mulf %bitcast3A_341, %bitcast3A_345 : vector<32xbf16>
          %mul3A_570 = arith.mulf %mul3A_569, %bitcast3A_352 : vector<32xbf16>
          %unpack3A_571 = tpu.unpack_subelements %mul3A_570, 0 {pack_format = #tpu.pack_format<interleaved>} : vector<32xbf16> -> vector<16xf32>
          %unpack3A_572 = tpu.unpack_subelements %mul3A_570, 1 {pack_format = #tpu.pack_format<interleaved>} : vector<32xbf16> -> vector<16xf32>
          %add3A_573 = arith.addf %unpack3A_567, %unpack3A_571 : vector<16xf32>
          %add3A_574 = arith.addf %unpack3A_568, %unpack3A_572 : vector<16xf32>
          %mul3A_575 = arith.mulf %bitcast3A_356, %bitcast3A_360 : vector<32xbf16>
          %mul3A_576 = arith.mulf %mul3A_575, %bitcast3A_367 : vector<32xbf16>
          %unpack3A_577 = tpu.unpack_subelements %mul3A_576, 0 {pack_format = #tpu.pack_format<interleaved>} : vector<32xbf16> -> vector<16xf32>
          %unpack3A_578 = tpu.unpack_subelements %mul3A_576, 1 {pack_format = #tpu.pack_format<interleaved>} : vector<32xbf16> -> vector<16xf32>
          %add3A_579 = arith.addf %add3A_573, %unpack3A_577 : vector<16xf32>
          %add3A_580 = arith.addf %add3A_574, %unpack3A_578 : vector<16xf32>
          %mul3A_581 = arith.mulf %bitcast3A_371, %bitcast3A_375 : vector<32xbf16>
          %mul3A_582 = arith.mulf %mul3A_581, %bitcast3A_382 : vector<32xbf16>
          %unpack3A_583 = tpu.unpack_subelements %mul3A_582, 0 {pack_format = #tpu.pack_format<interleaved>} : vector<32xbf16> -> vector<16xf32>
          %unpack3A_584 = tpu.unpack_subelements %mul3A_582, 1 {pack_format = #tpu.pack_format<interleaved>} : vector<32xbf16> -> vector<16xf32>
          %add3A_585 = arith.addf %add3A_579, %unpack3A_583 : vector<16xf32>
          %add3A_586 = arith.addf %add3A_580, %unpack3A_584 : vector<16xf32>
          %add3A_587 = arith.addf %add3A_585, %add3A_586 : vector<16xf32>
          %swap3A_588 = arith.constant 51 : index
          %swap3A_589 = tpu.vector_load %arg19[%swap3A_588] {strides = array<i32>} : memref<272xf32, #tpu.memory_space<vmem>>, vector<16xf32>,
          tpu.vector_store %arg19[%swap3A_588], %add3A_587 {strides = array<i32>} : memref<272xf32, #tpu.memory_space<vmem>>, vector<16xf32>,
          %mul3A_590 = arith.constant 16 : i32
          %mul3A_591 = arith.muli %add3A_94, %mul3A_590 : i32
          %add3A_592 = arith.constant 6 : i32
          %add3A_593 = arith.addi %mul3A_591, %add3A_592 : i32
          %slice3A_594 = vector.extract_strided_slice %get3A_98 {offsets = [6], sizes = [1], strides = [1]} : vector<16xi32> to vector<1xi32>
          %squeeze3A_595 = vector.extract %slice3A_594[0] : i32 from vector<1xi32>
          %get3A_596 = arith.index_cast %add3A_593 : i32 to index
          %get3A_597 = arith.constant 0 : index
          %get3A_598 = tpu.vector_load %arg15[%get3A_596, %get3A_597] {strides = array<i32>} : memref<80x128xi32, #tpu.memory_space<vmem>>, vector<16xi32>,
          %bitcast3A_599 = vector.bitcast %get3A_598 : vector<16xi32> to vector<32xbf16>
          %get3A_600 = arith.index_cast %add3A_593 : i32 to index
          %get3A_601 = arith.constant 0 : index
          %get3A_602 = tpu.vector_load %arg16[%get3A_600, %get3A_601] {strides = array<i32>} : memref<80x128xi32, #tpu.memory_space<vmem>>, vector<16xi32>,
          %bitcast3A_603 = vector.bitcast %get3A_602 : vector<16xi32> to vector<32xbf16>
          %mul3A_604 = arith.constant 64 : i32
          %mul3A_605 = arith.muli %squeeze3A_595, %mul3A_604 : i32
          %add3A_606 = arith.constant 0 : i32
          %add3A_607 = arith.addi %mul3A_605, %add3A_606 : i32
          %get3A_608 = arith.index_cast %add3A_607 : i32 to index
          %get3A_609 = tpu.vector_load %arg17[%get3A_608] {strides = array<i32>} : memref<4096xi32, #tpu.memory_space<vmem>>, vector<16xi32>,
          %bitcast3A_610 = vector.bitcast %get3A_609 : vector<16xi32> to vector<32xbf16>
          %get3A_611 = arith.index_cast %add3A_593 : i32 to index
          %get3A_612 = arith.constant 16 : index
          %get3A_613 = tpu.vector_load %arg15[%get3A_611, %get3A_612] {strides = array<i32>} : memref<80x128xi32, #tpu.memory_space<vmem>>, vector<16xi32>,
          %bitcast3A_614 = vector.bitcast %get3A_613 : vector<16xi32> to vector<32xbf16>
          %get3A_615 = arith.index_cast %add3A_593 : i32 to index
          %get3A_616 = arith.constant 16 : index
          %get3A_617 = tpu.vector_load %arg16[%get3A_615, %get3A_616] {strides = array<i32>} : memref<80x128xi32, #tpu.memory_space<vmem>>, vector<16xi32>,
          %bitcast3A_618 = vector.bitcast %get3A_617 : vector<16xi32> to vector<32xbf16>
          %mul3A_619 = arith.constant 64 : i32
          %mul3A_620 = arith.muli %squeeze3A_595, %mul3A_619 : i32
          %add3A_621 = arith.constant 16 : i32
          %add3A_622 = arith.addi %mul3A_620, %add3A_621 : i32
          %get3A_623 = arith.index_cast %add3A_622 : i32 to index
          %get3A_624 = tpu.vector_load %arg17[%get3A_623] {strides = array<i32>} : memref<4096xi32, #tpu.memory_space<vmem>>, vector<16xi32>,
          %bitcast3A_625 = vector.bitcast %get3A_624 : vector<16xi32> to vector<32xbf16>
          %get3A_626 = arith.index_cast %add3A_593 : i32 to index
          %get3A_627 = arith.constant 32 : index
          %get3A_628 = tpu.vector_load %arg15[%get3A_626, %get3A_627] {strides = array<i32>} : memref<80x128xi32, #tpu.memory_space<vmem>>, vector<16xi32>,
          %bitcast3A_629 = vector.bitcast %get3A_628 : vector<16xi32> to vector<32xbf16>
          %get3A_630 = arith.index_cast %add3A_593 : i32 to index
          %get3A_631 = arith.constant 32 : index
          %get3A_632 = tpu.vector_load %arg16[%get3A_630, %get3A_631] {strides = array<i32>} : memref<80x128xi32, #tpu.memory_space<vmem>>, vector<16xi32>,
          %bitcast3A_633 = vector.bitcast %get3A_632 : vector<16xi32> to vector<32xbf16>
          %mul3A_634 = arith.constant 64 : i32
          %mul3A_635 = arith.muli %squeeze3A_595, %mul3A_634 : i32
          %add3A_636 = arith.constant 32 : i32
          %add3A_637 = arith.addi %mul3A_635, %add3A_636 : i32
          %get3A_638 = arith.index_cast %add3A_637 : i32 to index
          %get3A_639 = tpu.vector_load %arg17[%get3A_638] {strides = array<i32>} : memref<4096xi32, #tpu.memory_space<vmem>>, vector<16xi32>,
          %bitcast3A_640 = vector.bitcast %get3A_639 : vector<16xi32> to vector<32xbf16>
          %get3A_641 = arith.index_cast %add3A_593 : i32 to index
          %get3A_642 = arith.constant 48 : index
          %get3A_643 = tpu.vector_load %arg15[%get3A_641, %get3A_642] {strides = array<i32>} : memref<80x128xi32, #tpu.memory_space<vmem>>, vector<16xi32>,
          %bitcast3A_644 = vector.bitcast %get3A_643 : vector<16xi32> to vector<32xbf16>
          %get3A_645 = arith.index_cast %add3A_593 : i32 to index
          %get3A_646 = arith.constant 48 : index
          %get3A_647 = tpu.vector_load %arg16[%get3A_645, %get3A_646] {strides = array<i32>} : memref<80x128xi32, #tpu.memory_space<vmem>>, vector<16xi32>,
          %bitcast3A_648 = vector.bitcast %get3A_647 : vector<16xi32> to vector<32xbf16>
          %mul3A_649 = arith.constant 64 : i32
          %mul3A_650 = arith.muli %squeeze3A_595, %mul3A_649 : i32
          %add3A_651 = arith.constant 48 : i32
          %add3A_652 = arith.addi %mul3A_650, %add3A_651 : i32
          %get3A_653 = arith.index_cast %add3A_652 : i32 to index
          %get3A_654 = tpu.vector_load %arg17[%get3A_653] {strides = array<i32>} : memref<4096xi32, #tpu.memory_space<vmem>>, vector<16xi32>,
          %bitcast3A_655 = vector.bitcast %get3A_654 : vector<16xi32> to vector<32xbf16>
          %mul3A_656 = arith.mulf %bitcast3A_417, %bitcast3A_421 : vector<32xbf16>
          %mul3A_657 = arith.mulf %mul3A_656, %bitcast3A_428 : vector<32xbf16>
          %unpack3A_658 = tpu.unpack_subelements %mul3A_657, 0 {pack_format = #tpu.pack_format<interleaved>} : vector<32xbf16> -> vector<16xf32>
          %unpack3A_659 = tpu.unpack_subelements %mul3A_657, 1 {pack_format = #tpu.pack_format<interleaved>} : vector<32xbf16> -> vector<16xf32>
          %mul3A_660 = arith.mulf %bitcast3A_432, %bitcast3A_436 : vector<32xbf16>
          %mul3A_661 = arith.mulf %mul3A_660, %bitcast3A_443 : vector<32xbf16>
          %unpack3A_662 = tpu.unpack_subelements %mul3A_661, 0 {pack_format = #tpu.pack_format<interleaved>} : vector<32xbf16> -> vector<16xf32>
          %unpack3A_663 = tpu.unpack_subelements %mul3A_661, 1 {pack_format = #tpu.pack_format<interleaved>} : vector<32xbf16> -> vector<16xf32>
          %add3A_664 = arith.addf %unpack3A_658, %unpack3A_662 : vector<16xf32>
          %add3A_665 = arith.addf %unpack3A_659, %unpack3A_663 : vector<16xf32>
          %mul3A_666 = arith.mulf %bitcast3A_447, %bitcast3A_451 : vector<32xbf16>
          %mul3A_667 = arith.mulf %mul3A_666, %bitcast3A_458 : vector<32xbf16>
          %unpack3A_668 = tpu.unpack_subelements %mul3A_667, 0 {pack_format = #tpu.pack_format<interleaved>} : vector<32xbf16> -> vector<16xf32>
          %unpack3A_669 = tpu.unpack_subelements %mul3A_667, 1 {pack_format = #tpu.pack_format<interleaved>} : vector<32xbf16> -> vector<16xf32>
          %add3A_670 = arith.addf %add3A_664, %unpack3A_668 : vector<16xf32>
          %add3A_671 = arith.addf %add3A_665, %unpack3A_669 : vector<16xf32>
          %mul3A_672 = arith.mulf %bitcast3A_462, %bitcast3A_466 : vector<32xbf16>
          %mul3A_673 = arith.mulf %mul3A_672, %bitcast3A_473 : vector<32xbf16>
          %unpack3A_674 = tpu.unpack_subelements %mul3A_673, 0 {pack_format = #tpu.pack_format<interleaved>} : vector<32xbf16> -> vector<16xf32>
          %unpack3A_675 = tpu.unpack_subelements %mul3A_673, 1 {pack_format = #tpu.pack_format<interleaved>} : vector<32xbf16> -> vector<16xf32>
          %add3A_676 = arith.addf %add3A_670, %unpack3A_674 : vector<16xf32>
          %add3A_677 = arith.addf %add3A_671, %unpack3A_675 : vector<16xf32>
          %add3A_678 = arith.addf %add3A_676, %add3A_677 : vector<16xf32>
          %swap3A_679 = arith.constant 68 : index
          %swap3A_680 = tpu.vector_load %arg19[%swap3A_679] {strides = array<i32>} : memref<272xf32, #tpu.memory_space<vmem>>, vector<16xf32>,
          tpu.vector_store %arg19[%swap3A_679], %add3A_678 {strides = array<i32>} : memref<272xf32, #tpu.memory_space<vmem>>, vector<16xf32>,
          %mul3A_681 = arith.constant 16 : i32
          %mul3A_682 = arith.muli %add3A_94, %mul3A_681 : i32
          %add3A_683 = arith.constant 7 : i32
          %add3A_684 = arith.addi %mul3A_682, %add3A_683 : i32
          %slice3A_685 = vector.extract_strided_slice %get3A_98 {offsets = [7], sizes = [1], strides = [1]} : vector<16xi32> to vector<1xi32>
          %squeeze3A_686 = vector.extract %slice3A_685[0] : i32 from vector<1xi32>
          %get3A_687 = arith.index_cast %add3A_684 : i32 to index
          %get3A_688 = arith.constant 0 : index
          %get3A_689 = tpu.vector_load %arg15[%get3A_687, %get3A_688] {strides = array<i32>} : memref<80x128xi32, #tpu.memory_space<vmem>>, vector<16xi32>,
          %bitcast3A_690 = vector.bitcast %get3A_689 : vector<16xi32> to vector<32xbf16>
          %get3A_691 = arith.index_cast %add3A_684 : i32 to index
          %get3A_692 = arith.constant 0 : index
          %get3A_693 = tpu.vector_load %arg16[%get3A_691, %get3A_692] {strides = array<i32>} : memref<80x128xi32, #tpu.memory_space<vmem>>, vector<16xi32>,
          %bitcast3A_694 = vector.bitcast %get3A_693 : vector<16xi32> to vector<32xbf16>
          %mul3A_695 = arith.constant 64 : i32
          %mul3A_696 = arith.muli %squeeze3A_686, %mul3A_695 : i32
          %add3A_697 = arith.constant 0 : i32
          %add3A_698 = arith.addi %mul3A_696, %add3A_697 : i32
          %get3A_699 = arith.index_cast %add3A_698 : i32 to index
          %get3A_700 = tpu.vector_load %arg17[%get3A_699] {strides = array<i32>} : memref<4096xi32, #tpu.memory_space<vmem>>, vector<16xi32>,
          %bitcast3A_701 = vector.bitcast %get3A_700 : vector<16xi32> to vector<32xbf16>
          %get3A_702 = arith.index_cast %add3A_684 : i32 to index
          %get3A_703 = arith.constant 16 : index
          %get3A_704 = tpu.vector_load %arg15[%get3A_702, %get3A_703] {strides = array<i32>} : memref<80x128xi32, #tpu.memory_space<vmem>>, vector<16xi32>,
          %bitcast3A_705 = vector.bitcast %get3A_704 : vector<16xi32> to vector<32xbf16>
          %get3A_706 = arith.index_cast %add3A_684 : i32 to index
          %get3A_707 = arith.constant 16 : index
          %get3A_708 = tpu.vector_load %arg16[%get3A_706, %get3A_707] {strides = array<i32>} : memref<80x128xi32, #tpu.memory_space<vmem>>, vector<16xi32>,
          %bitcast3A_709 = vector.bitcast %get3A_708 : vector<16xi32> to vector<32xbf16>
          %mul3A_710 = arith.constant 64 : i32
          %mul3A_711 = arith.muli %squeeze3A_686, %mul3A_710 : i32
          %add3A_712 = arith.constant 16 : i32
          %add3A_713 = arith.addi %mul3A_711, %add3A_712 : i32
          %get3A_714 = arith.index_cast %add3A_713 : i32 to index
          %get3A_715 = tpu.vector_load %arg17[%get3A_714] {strides = array<i32>} : memref<4096xi32, #tpu.memory_space<vmem>>, vector<16xi32>,
          %bitcast3A_716 = vector.bitcast %get3A_715 : vector<16xi32> to vector<32xbf16>
          %get3A_717 = arith.index_cast %add3A_684 : i32 to index
          %get3A_718 = arith.constant 32 : index
          %get3A_719 = tpu.vector_load %arg15[%get3A_717, %get3A_718] {strides = array<i32>} : memref<80x128xi32, #tpu.memory_space<vmem>>, vector<16xi32>,
          %bitcast3A_720 = vector.bitcast %get3A_719 : vector<16xi32> to vector<32xbf16>
          %get3A_721 = arith.index_cast %add3A_684 : i32 to index
          %get3A_722 = arith.constant 32 : index
          %get3A_723 = tpu.vector_load %arg16[%get3A_721, %get3A_722] {strides = array<i32>} : memref<80x128xi32, #tpu.memory_space<vmem>>, vector<16xi32>,
          %bitcast3A_724 = vector.bitcast %get3A_723 : vector<16xi32> to vector<32xbf16>
          %mul3A_725 = arith.constant 64 : i32
          %mul3A_726 = arith.muli %squeeze3A_686, %mul3A_725 : i32
          %add3A_727 = arith.constant 32 : i32
          %add3A_728 = arith.addi %mul3A_726, %add3A_727 : i32
          %get3A_729 = arith.index_cast %add3A_728 : i32 to index
          %get3A_730 = tpu.vector_load %arg17[%get3A_729] {strides = array<i32>} : memref<4096xi32, #tpu.memory_space<vmem>>, vector<16xi32>,
          %bitcast3A_731 = vector.bitcast %get3A_730 : vector<16xi32> to vector<32xbf16>
          %get3A_732 = arith.index_cast %add3A_684 : i32 to index
          %get3A_733 = arith.constant 48 : index
          %get3A_734 = tpu.vector_load %arg15[%get3A_732, %get3A_733] {strides = array<i32>} : memref<80x128xi32, #tpu.memory_space<vmem>>, vector<16xi32>,
          %bitcast3A_735 = vector.bitcast %get3A_734 : vector<16xi32> to vector<32xbf16>
          %get3A_736 = arith.index_cast %add3A_684 : i32 to index
          %get3A_737 = arith.constant 48 : index
          %get3A_738 = tpu.vector_load %arg16[%get3A_736, %get3A_737] {strides = array<i32>} : memref<80x128xi32, #tpu.memory_space<vmem>>, vector<16xi32>,
          %bitcast3A_739 = vector.bitcast %get3A_738 : vector<16xi32> to vector<32xbf16>
          %mul3A_740 = arith.constant 64 : i32
          %mul3A_741 = arith.muli %squeeze3A_686, %mul3A_740 : i32
          %add3A_742 = arith.constant 48 : i32
          %add3A_743 = arith.addi %mul3A_741, %add3A_742 : i32
          %get3A_744 = arith.index_cast %add3A_743 : i32 to index
          %get3A_745 = tpu.vector_load %arg17[%get3A_744] {strides = array<i32>} : memref<4096xi32, #tpu.memory_space<vmem>>, vector<16xi32>,
          %bitcast3A_746 = vector.bitcast %get3A_745 : vector<16xi32> to vector<32xbf16>
          %mul3A_747 = arith.mulf %bitcast3A_508, %bitcast3A_512 : vector<32xbf16>
          %mul3A_748 = arith.mulf %mul3A_747, %bitcast3A_519 : vector<32xbf16>
          %unpack3A_749 = tpu.unpack_subelements %mul3A_748, 0 {pack_format = #tpu.pack_format<interleaved>} : vector<32xbf16> -> vector<16xf32>
          %unpack3A_750 = tpu.unpack_subelements %mul3A_748, 1 {pack_format = #tpu.pack_format<interleaved>} : vector<32xbf16> -> vector<16xf32>
          %mul3A_751 = arith.mulf %bitcast3A_523, %bitcast3A_527 : vector<32xbf16>
          %mul3A_752 = arith.mulf %mul3A_751, %bitcast3A_534 : vector<32xbf16>
          %unpack3A_753 = tpu.unpack_subelements %mul3A_752, 0 {pack_format = #tpu.pack_format<interleaved>} : vector<32xbf16> -> vector<16xf32>
          %unpack3A_754 = tpu.unpack_subelements %mul3A_752, 1 {pack_format = #tpu.pack_format<interleaved>} : vector<32xbf16> -> vector<16xf32>
          %add3A_755 = arith.addf %unpack3A_749, %unpack3A_753 : vector<16xf32>
          %add3A_756 = arith.addf %unpack3A_750, %unpack3A_754 : vector<16xf32>
          %mul3A_757 = arith.mulf %bitcast3A_538, %bitcast3A_542 : vector<32xbf16>
          %mul3A_758 = arith.mulf %mul3A_757, %bitcast3A_549 : vector<32xbf16>
          %unpack3A_759 = tpu.unpack_subelements %mul3A_758, 0 {pack_format = #tpu.pack_format<interleaved>} : vector<32xbf16> -> vector<16xf32>
          %unpack3A_760 = tpu.unpack_subelements %mul3A_758, 1 {pack_format = #tpu.pack_format<interleaved>} : vector<32xbf16> -> vector<16xf32>
          %add3A_761 = arith.addf %add3A_755, %unpack3A_759 : vector<16xf32>
          %add3A_762 = arith.addf %add3A_756, %unpack3A_760 : vector<16xf32>
          %mul3A_763 = arith.mulf %bitcast3A_553, %bitcast3A_557 : vector<32xbf16>
          %mul3A_764 = arith.mulf %mul3A_763, %bitcast3A_564 : vector<32xbf16>
          %unpack3A_765 = tpu.unpack_subelements %mul3A_764, 0 {pack_format = #tpu.pack_format<interleaved>} : vector<32xbf16> -> vector<16xf32>
          %unpack3A_766 = tpu.unpack_subelements %mul3A_764, 1 {pack_format = #tpu.pack_format<interleaved>} : vector<32xbf16> -> vector<16xf32>
          %add3A_767 = arith.addf %add3A_761, %unpack3A_765 : vector<16xf32>
          %add3A_768 = arith.addf %add3A_762, %unpack3A_766 : vector<16xf32>
          %add3A_769 = arith.addf %add3A_767, %add3A_768 : vector<16xf32>
          %swap3A_770 = arith.constant 85 : index
          %swap3A_771 = tpu.vector_load %arg19[%swap3A_770] {strides = array<i32>} : memref<272xf32, #tpu.memory_space<vmem>>, vector<16xf32>,
          tpu.vector_store %arg19[%swap3A_770], %add3A_769 {strides = array<i32>} : memref<272xf32, #tpu.memory_space<vmem>>, vector<16xf32>,
          %mul3A_772 = arith.constant 16 : i32
          %mul3A_773 = arith.muli %add3A_94, %mul3A_772 : i32
          %add3A_774 = arith.constant 8 : i32
          %add3A_775 = arith.addi %mul3A_773, %add3A_774 : i32
          %slice3A_776 = vector.extract_strided_slice %get3A_98 {offsets = [8], sizes = [1], strides = [1]} : vector<16xi32> to vector<1xi32>
          %squeeze3A_777 = vector.extract %slice3A_776[0] : i32 from vector<1xi32>
          %get3A_778 = arith.index_cast %add3A_775 : i32 to index
          %get3A_779 = arith.constant 0 : index
          %get3A_780 = tpu.vector_load %arg15[%get3A_778, %get3A_779] {strides = array<i32>} : memref<80x128xi32, #tpu.memory_space<vmem>>, vector<16xi32>,
          %bitcast3A_781 = vector.bitcast %get3A_780 : vector<16xi32> to vector<32xbf16>
          %get3A_782 = arith.index_cast %add3A_775 : i32 to index
          %get3A_783 = arith.constant 0 : index
          %get3A_784 = tpu.vector_load %arg16[%get3A_782, %get3A_783] {strides = array<i32>} : memref<80x128xi32, #tpu.memory_space<vmem>>, vector<16xi32>,
          %bitcast3A_785 = vector.bitcast %get3A_784 : vector<16xi32> to vector<32xbf16>
          %mul3A_786 = arith.constant 64 : i32
          %mul3A_787 = arith.muli %squeeze3A_777, %mul3A_786 : i32
          %add3A_788 = arith.constant 0 : i32
          %add3A_789 = arith.addi %mul3A_787, %add3A_788 : i32
          %get3A_790 = arith.index_cast %add3A_789 : i32 to index
          %get3A_791 = tpu.vector_load %arg17[%get3A_790] {strides = array<i32>} : memref<4096xi32, #tpu.memory_space<vmem>>, vector<16xi32>,
          %bitcast3A_792 = vector.bitcast %get3A_791 : vector<16xi32> to vector<32xbf16>
          %get3A_793 = arith.index_cast %add3A_775 : i32 to index
          %get3A_794 = arith.constant 16 : index
          %get3A_795 = tpu.vector_load %arg15[%get3A_793, %get3A_794] {strides = array<i32>} : memref<80x128xi32, #tpu.memory_space<vmem>>, vector<16xi32>,
          %bitcast3A_796 = vector.bitcast %get3A_795 : vector<16xi32> to vector<32xbf16>
          %get3A_797 = arith.index_cast %add3A_775 : i32 to index
          %get3A_798 = arith.constant 16 : index
          %get3A_799 = tpu.vector_load %arg16[%get3A_797, %get3A_798] {strides = array<i32>} : memref<80x128xi32, #tpu.memory_space<vmem>>, vector<16xi32>,
          %bitcast3A_800 = vector.bitcast %get3A_799 : vector<16xi32> to vector<32xbf16>
          %mul3A_801 = arith.constant 64 : i32
          %mul3A_802 = arith.muli %squeeze3A_777, %mul3A_801 : i32
          %add3A_803 = arith.constant 16 : i32
          %add3A_804 = arith.addi %mul3A_802, %add3A_803 : i32
          %get3A_805 = arith.index_cast %add3A_804 : i32 to index
          %get3A_806 = tpu.vector_load %arg17[%get3A_805] {strides = array<i32>} : memref<4096xi32, #tpu.memory_space<vmem>>, vector<16xi32>,
          %bitcast3A_807 = vector.bitcast %get3A_806 : vector<16xi32> to vector<32xbf16>
          %get3A_808 = arith.index_cast %add3A_775 : i32 to index
          %get3A_809 = arith.constant 32 : index
          %get3A_810 = tpu.vector_load %arg15[%get3A_808, %get3A_809] {strides = array<i32>} : memref<80x128xi32, #tpu.memory_space<vmem>>, vector<16xi32>,
          %bitcast3A_811 = vector.bitcast %get3A_810 : vector<16xi32> to vector<32xbf16>
          %get3A_812 = arith.index_cast %add3A_775 : i32 to index
          %get3A_813 = arith.constant 32 : index
          %get3A_814 = tpu.vector_load %arg16[%get3A_812, %get3A_813] {strides = array<i32>} : memref<80x128xi32, #tpu.memory_space<vmem>>, vector<16xi32>,
          %bitcast3A_815 = vector.bitcast %get3A_814 : vector<16xi32> to vector<32xbf16>
          %mul3A_816 = arith.constant 64 : i32
          %mul3A_817 = arith.muli %squeeze3A_777, %mul3A_816 : i32
          %add3A_818 = arith.constant 32 : i32
          %add3A_819 = arith.addi %mul3A_817, %add3A_818 : i32
          %get3A_820 = arith.index_cast %add3A_819 : i32 to index
          %get3A_821 = tpu.vector_load %arg17[%get3A_820] {strides = array<i32>} : memref<4096xi32, #tpu.memory_space<vmem>>, vector<16xi32>,
          %bitcast3A_822 = vector.bitcast %get3A_821 : vector<16xi32> to vector<32xbf16>
          %get3A_823 = arith.index_cast %add3A_775 : i32 to index
          %get3A_824 = arith.constant 48 : index
          %get3A_825 = tpu.vector_load %arg15[%get3A_823, %get3A_824] {strides = array<i32>} : memref<80x128xi32, #tpu.memory_space<vmem>>, vector<16xi32>,
          %bitcast3A_826 = vector.bitcast %get3A_825 : vector<16xi32> to vector<32xbf16>
          %get3A_827 = arith.index_cast %add3A_775 : i32 to index
          %get3A_828 = arith.constant 48 : index
          %get3A_829 = tpu.vector_load %arg16[%get3A_827, %get3A_828] {strides = array<i32>} : memref<80x128xi32, #tpu.memory_space<vmem>>, vector<16xi32>,
          %bitcast3A_830 = vector.bitcast %get3A_829 : vector<16xi32> to vector<32xbf16>
          %mul3A_831 = arith.constant 64 : i32
          %mul3A_832 = arith.muli %squeeze3A_777, %mul3A_831 : i32
          %add3A_833 = arith.constant 48 : i32
          %add3A_834 = arith.addi %mul3A_832, %add3A_833 : i32
          %get3A_835 = arith.index_cast %add3A_834 : i32 to index
          %get3A_836 = tpu.vector_load %arg17[%get3A_835] {strides = array<i32>} : memref<4096xi32, #tpu.memory_space<vmem>>, vector<16xi32>,
          %bitcast3A_837 = vector.bitcast %get3A_836 : vector<16xi32> to vector<32xbf16>
          %mul3A_838 = arith.mulf %bitcast3A_599, %bitcast3A_603 : vector<32xbf16>
          %mul3A_839 = arith.mulf %mul3A_838, %bitcast3A_610 : vector<32xbf16>
          %unpack3A_840 = tpu.unpack_subelements %mul3A_839, 0 {pack_format = #tpu.pack_format<interleaved>} : vector<32xbf16> -> vector<16xf32>
          %unpack3A_841 = tpu.unpack_subelements %mul3A_839, 1 {pack_format = #tpu.pack_format<interleaved>} : vector<32xbf16> -> vector<16xf32>
          %mul3A_842 = arith.mulf %bitcast3A_614, %bitcast3A_618 : vector<32xbf16>
          %mul3A_843 = arith.mulf %mul3A_842, %bitcast3A_625 : vector<32xbf16>
          %unpack3A_844 = tpu.unpack_subelements %mul3A_843, 0 {pack_format = #tpu.pack_format<interleaved>} : vector<32xbf16> -> vector<16xf32>
          %unpack3A_845 = tpu.unpack_subelements %mul3A_843, 1 {pack_format = #tpu.pack_format<interleaved>} : vector<32xbf16> -> vector<16xf32>
          %add3A_846 = arith.addf %unpack3A_840, %unpack3A_844 : vector<16xf32>
          %add3A_847 = arith.addf %unpack3A_841, %unpack3A_845 : vector<16xf32>
          %mul3A_848 = arith.mulf %bitcast3A_629, %bitcast3A_633 : vector<32xbf16>
          %mul3A_849 = arith.mulf %mul3A_848, %bitcast3A_640 : vector<32xbf16>
          %unpack3A_850 = tpu.unpack_subelements %mul3A_849, 0 {pack_format = #tpu.pack_format<interleaved>} : vector<32xbf16> -> vector<16xf32>
          %unpack3A_851 = tpu.unpack_subelements %mul3A_849, 1 {pack_format = #tpu.pack_format<interleaved>} : vector<32xbf16> -> vector<16xf32>
          %add3A_852 = arith.addf %add3A_846, %unpack3A_850 : vector<16xf32>
          %add3A_853 = arith.addf %add3A_847, %unpack3A_851 : vector<16xf32>
          %mul3A_854 = arith.mulf %bitcast3A_644, %bitcast3A_648 : vector<32xbf16>
          %mul3A_855 = arith.mulf %mul3A_854, %bitcast3A_655 : vector<32xbf16>
          %unpack3A_856 = tpu.unpack_subelements %mul3A_855, 0 {pack_format = #tpu.pack_format<interleaved>} : vector<32xbf16> -> vector<16xf32>
          %unpack3A_857 = tpu.unpack_subelements %mul3A_855, 1 {pack_format = #tpu.pack_format<interleaved>} : vector<32xbf16> -> vector<16xf32>
          %add3A_858 = arith.addf %add3A_852, %unpack3A_856 : vector<16xf32>
          %add3A_859 = arith.addf %add3A_853, %unpack3A_857 : vector<16xf32>
          %add3A_860 = arith.addf %add3A_858, %add3A_859 : vector<16xf32>
          %swap3A_861 = arith.constant 102 : index
          %swap3A_862 = tpu.vector_load %arg19[%swap3A_861] {strides = array<i32>} : memref<272xf32, #tpu.memory_space<vmem>>, vector<16xf32>,
          tpu.vector_store %arg19[%swap3A_861], %add3A_860 {strides = array<i32>} : memref<272xf32, #tpu.memory_space<vmem>>, vector<16xf32>,
          %mul3A_863 = arith.constant 16 : i32
          %mul3A_864 = arith.muli %add3A_94, %mul3A_863 : i32
          %add3A_865 = arith.constant 9 : i32
          %add3A_866 = arith.addi %mul3A_864, %add3A_865 : i32
          %slice3A_867 = vector.extract_strided_slice %get3A_98 {offsets = [9], sizes = [1], strides = [1]} : vector<16xi32> to vector<1xi32>
          %squeeze3A_868 = vector.extract %slice3A_867[0] : i32 from vector<1xi32>
          %get3A_869 = arith.index_cast %add3A_866 : i32 to index
          %get3A_870 = arith.constant 0 : index
          %get3A_871 = tpu.vector_load %arg15[%get3A_869, %get3A_870] {strides = array<i32>} : memref<80x128xi32, #tpu.memory_space<vmem>>, vector<16xi32>,
          %bitcast3A_872 = vector.bitcast %get3A_871 : vector<16xi32> to vector<32xbf16>
          %get3A_873 = arith.index_cast %add3A_866 : i32 to index
          %get3A_874 = arith.constant 0 : index
          %get3A_875 = tpu.vector_load %arg16[%get3A_873, %get3A_874] {strides = array<i32>} : memref<80x128xi32, #tpu.memory_space<vmem>>, vector<16xi32>,
          %bitcast3A_876 = vector.bitcast %get3A_875 : vector<16xi32> to vector<32xbf16>
          %mul3A_877 = arith.constant 64 : i32
          %mul3A_878 = arith.muli %squeeze3A_868, %mul3A_877 : i32
          %add3A_879 = arith.constant 0 : i32
          %add3A_880 = arith.addi %mul3A_878, %add3A_879 : i32
          %get3A_881 = arith.index_cast %add3A_880 : i32 to index
          %get3A_882 = tpu.vector_load %arg17[%get3A_881] {strides = array<i32>} : memref<4096xi32, #tpu.memory_space<vmem>>, vector<16xi32>,
          %bitcast3A_883 = vector.bitcast %get3A_882 : vector<16xi32> to vector<32xbf16>
          %get3A_884 = arith.index_cast %add3A_866 : i32 to index
          %get3A_885 = arith.constant 16 : index
          %get3A_886 = tpu.vector_load %arg15[%get3A_884, %get3A_885] {strides = array<i32>} : memref<80x128xi32, #tpu.memory_space<vmem>>, vector<16xi32>,
          %bitcast3A_887 = vector.bitcast %get3A_886 : vector<16xi32> to vector<32xbf16>
          %get3A_888 = arith.index_cast %add3A_866 : i32 to index
          %get3A_889 = arith.constant 16 : index
          %get3A_890 = tpu.vector_load %arg16[%get3A_888, %get3A_889] {strides = array<i32>} : memref<80x128xi32, #tpu.memory_space<vmem>>, vector<16xi32>,
          %bitcast3A_891 = vector.bitcast %get3A_890 : vector<16xi32> to vector<32xbf16>
          %mul3A_892 = arith.constant 64 : i32
          %mul3A_893 = arith.muli %squeeze3A_868, %mul3A_892 : i32
          %add3A_894 = arith.constant 16 : i32
          %add3A_895 = arith.addi %mul3A_893, %add3A_894 : i32
          %get3A_896 = arith.index_cast %add3A_895 : i32 to index
          %get3A_897 = tpu.vector_load %arg17[%get3A_896] {strides = array<i32>} : memref<4096xi32, #tpu.memory_space<vmem>>, vector<16xi32>,
          %bitcast3A_898 = vector.bitcast %get3A_897 : vector<16xi32> to vector<32xbf16>
          %get3A_899 = arith.index_cast %add3A_866 : i32 to index
          %get3A_900 = arith.constant 32 : index
          %get3A_901 = tpu.vector_load %arg15[%get3A_899, %get3A_900] {strides = array<i32>} : memref<80x128xi32, #tpu.memory_space<vmem>>, vector<16xi32>,
          %bitcast3A_902 = vector.bitcast %get3A_901 : vector<16xi32> to vector<32xbf16>
          %get3A_903 = arith.index_cast %add3A_866 : i32 to index
          %get3A_904 = arith.constant 32 : index
          %get3A_905 = tpu.vector_load %arg16[%get3A_903, %get3A_904] {strides = array<i32>} : memref<80x128xi32, #tpu.memory_space<vmem>>, vector<16xi32>,
          %bitcast3A_906 = vector.bitcast %get3A_905 : vector<16xi32> to vector<32xbf16>
          %mul3A_907 = arith.constant 64 : i32
          %mul3A_908 = arith.muli %squeeze3A_868, %mul3A_907 : i32
          %add3A_909 = arith.constant 32 : i32
          %add3A_910 = arith.addi %mul3A_908, %add3A_909 : i32
          %get3A_911 = arith.index_cast %add3A_910 : i32 to index
          %get3A_912 = tpu.vector_load %arg17[%get3A_911] {strides = array<i32>} : memref<4096xi32, #tpu.memory_space<vmem>>, vector<16xi32>,
          %bitcast3A_913 = vector.bitcast %get3A_912 : vector<16xi32> to vector<32xbf16>
          %get3A_914 = arith.index_cast %add3A_866 : i32 to index
          %get3A_915 = arith.constant 48 : index
          %get3A_916 = tpu.vector_load %arg15[%get3A_914, %get3A_915] {strides = array<i32>} : memref<80x128xi32, #tpu.memory_space<vmem>>, vector<16xi32>,
          %bitcast3A_917 = vector.bitcast %get3A_916 : vector<16xi32> to vector<32xbf16>
          %get3A_918 = arith.index_cast %add3A_866 : i32 to index
          %get3A_919 = arith.constant 48 : index
          %get3A_920 = tpu.vector_load %arg16[%get3A_918, %get3A_919] {strides = array<i32>} : memref<80x128xi32, #tpu.memory_space<vmem>>, vector<16xi32>,
          %bitcast3A_921 = vector.bitcast %get3A_920 : vector<16xi32> to vector<32xbf16>
          %mul3A_922 = arith.constant 64 : i32
          %mul3A_923 = arith.muli %squeeze3A_868, %mul3A_922 : i32
          %add3A_924 = arith.constant 48 : i32
          %add3A_925 = arith.addi %mul3A_923, %add3A_924 : i32
          %get3A_926 = arith.index_cast %add3A_925 : i32 to index
          %get3A_927 = tpu.vector_load %arg17[%get3A_926] {strides = array<i32>} : memref<4096xi32, #tpu.memory_space<vmem>>, vector<16xi32>,
          %bitcast3A_928 = vector.bitcast %get3A_927 : vector<16xi32> to vector<32xbf16>
          %mul3A_929 = arith.mulf %bitcast3A_690, %bitcast3A_694 : vector<32xbf16>
          %mul3A_930 = arith.mulf %mul3A_929, %bitcast3A_701 : vector<32xbf16>
          %unpack3A_931 = tpu.unpack_subelements %mul3A_930, 0 {pack_format = #tpu.pack_format<interleaved>} : vector<32xbf16> -> vector<16xf32>
          %unpack3A_932 = tpu.unpack_subelements %mul3A_930, 1 {pack_format = #tpu.pack_format<interleaved>} : vector<32xbf16> -> vector<16xf32>
          %mul3A_933 = arith.mulf %bitcast3A_705, %bitcast3A_709 : vector<32xbf16>
          %mul3A_934 = arith.mulf %mul3A_933, %bitcast3A_716 : vector<32xbf16>
          %unpack3A_935 = tpu.unpack_subelements %mul3A_934, 0 {pack_format = #tpu.pack_format<interleaved>} : vector<32xbf16> -> vector<16xf32>
          %unpack3A_936 = tpu.unpack_subelements %mul3A_934, 1 {pack_format = #tpu.pack_format<interleaved>} : vector<32xbf16> -> vector<16xf32>
          %add3A_937 = arith.addf %unpack3A_931, %unpack3A_935 : vector<16xf32>
          %add3A_938 = arith.addf %unpack3A_932, %unpack3A_936 : vector<16xf32>
          %mul3A_939 = arith.mulf %bitcast3A_720, %bitcast3A_724 : vector<32xbf16>
          %mul3A_940 = arith.mulf %mul3A_939, %bitcast3A_731 : vector<32xbf16>
          %unpack3A_941 = tpu.unpack_subelements %mul3A_940, 0 {pack_format = #tpu.pack_format<interleaved>} : vector<32xbf16> -> vector<16xf32>
          %unpack3A_942 = tpu.unpack_subelements %mul3A_940, 1 {pack_format = #tpu.pack_format<interleaved>} : vector<32xbf16> -> vector<16xf32>
          %add3A_943 = arith.addf %add3A_937, %unpack3A_941 : vector<16xf32>
          %add3A_944 = arith.addf %add3A_938, %unpack3A_942 : vector<16xf32>
          %mul3A_945 = arith.mulf %bitcast3A_735, %bitcast3A_739 : vector<32xbf16>
          %mul3A_946 = arith.mulf %mul3A_945, %bitcast3A_746 : vector<32xbf16>
          %unpack3A_947 = tpu.unpack_subelements %mul3A_946, 0 {pack_format = #tpu.pack_format<interleaved>} : vector<32xbf16> -> vector<16xf32>
          %unpack3A_948 = tpu.unpack_subelements %mul3A_946, 1 {pack_format = #tpu.pack_format<interleaved>} : vector<32xbf16> -> vector<16xf32>
          %add3A_949 = arith.addf %add3A_943, %unpack3A_947 : vector<16xf32>
          %add3A_950 = arith.addf %add3A_944, %unpack3A_948 : vector<16xf32>
          %add3A_951 = arith.addf %add3A_949, %add3A_950 : vector<16xf32>
          %swap3A_952 = arith.constant 119 : index
          %swap3A_953 = tpu.vector_load %arg19[%swap3A_952] {strides = array<i32>} : memref<272xf32, #tpu.memory_space<vmem>>, vector<16xf32>,
          tpu.vector_store %arg19[%swap3A_952], %add3A_951 {strides = array<i32>} : memref<272xf32, #tpu.memory_space<vmem>>, vector<16xf32>,
          %mul3A_954 = arith.constant 16 : i32
          %mul3A_955 = arith.muli %add3A_94, %mul3A_954 : i32
          %add3A_956 = arith.constant 10 : i32
          %add3A_957 = arith.addi %mul3A_955, %add3A_956 : i32
          %slice3A_958 = vector.extract_strided_slice %get3A_98 {offsets = [10], sizes = [1], strides = [1]} : vector<16xi32> to vector<1xi32>
          %squeeze3A_959 = vector.extract %slice3A_958[0] : i32 from vector<1xi32>
          %get3A_960 = arith.index_cast %add3A_957 : i32 to index
          %get3A_961 = arith.constant 0 : index
          %get3A_962 = tpu.vector_load %arg15[%get3A_960, %get3A_961] {strides = array<i32>} : memref<80x128xi32, #tpu.memory_space<vmem>>, vector<16xi32>,
          %bitcast3A_963 = vector.bitcast %get3A_962 : vector<16xi32> to vector<32xbf16>
          %get3A_964 = arith.index_cast %add3A_957 : i32 to index
          %get3A_965 = arith.constant 0 : index
          %get3A_966 = tpu.vector_load %arg16[%get3A_964, %get3A_965] {strides = array<i32>} : memref<80x128xi32, #tpu.memory_space<vmem>>, vector<16xi32>,
          %bitcast3A_967 = vector.bitcast %get3A_966 : vector<16xi32> to vector<32xbf16>
          %mul3A_968 = arith.constant 64 : i32
          %mul3A_969 = arith.muli %squeeze3A_959, %mul3A_968 : i32
          %add3A_970 = arith.constant 0 : i32
          %add3A_971 = arith.addi %mul3A_969, %add3A_970 : i32
          %get3A_972 = arith.index_cast %add3A_971 : i32 to index
          %get3A_973 = tpu.vector_load %arg17[%get3A_972] {strides = array<i32>} : memref<4096xi32, #tpu.memory_space<vmem>>, vector<16xi32>,
          %bitcast3A_974 = vector.bitcast %get3A_973 : vector<16xi32> to vector<32xbf16>
          %get3A_975 = arith.index_cast %add3A_957 : i32 to index
          %get3A_976 = arith.constant 16 : index
          %get3A_977 = tpu.vector_load %arg15[%get3A_975, %get3A_976] {strides = array<i32>} : memref<80x128xi32, #tpu.memory_space<vmem>>, vector<16xi32>,
          %bitcast3A_978 = vector.bitcast %get3A_977 : vector<16xi32> to vector<32xbf16>
          %get3A_979 = arith.index_cast %add3A_957 : i32 to index
          %get3A_980 = arith.constant 16 : index
          %get3A_981 = tpu.vector_load %arg16[%get3A_979, %get3A_980] {strides = array<i32>} : memref<80x128xi32, #tpu.memory_space<vmem>>, vector<16xi32>,
          %bitcast3A_982 = vector.bitcast %get3A_981 : vector<16xi32> to vector<32xbf16>
          %mul3A_983 = arith.constant 64 : i32
          %mul3A_984 = arith.muli %squeeze3A_959, %mul3A_983 : i32
          %add3A_985 = arith.constant 16 : i32
          %add3A_986 = arith.addi %mul3A_984, %add3A_985 : i32
          %get3A_987 = arith.index_cast %add3A_986 : i32 to index
          %get3A_988 = tpu.vector_load %arg17[%get3A_987] {strides = array<i32>} : memref<4096xi32, #tpu.memory_space<vmem>>, vector<16xi32>,
          %bitcast3A_989 = vector.bitcast %get3A_988 : vector<16xi32> to vector<32xbf16>
          %get3A_990 = arith.index_cast %add3A_957 : i32 to index
          %get3A_991 = arith.constant 32 : index
          %get3A_992 = tpu.vector_load %arg15[%get3A_990, %get3A_991] {strides = array<i32>} : memref<80x128xi32, #tpu.memory_space<vmem>>, vector<16xi32>,
          %bitcast3A_993 = vector.bitcast %get3A_992 : vector<16xi32> to vector<32xbf16>
          %get3A_994 = arith.index_cast %add3A_957 : i32 to index
          %get3A_995 = arith.constant 32 : index
          %get3A_996 = tpu.vector_load %arg16[%get3A_994, %get3A_995] {strides = array<i32>} : memref<80x128xi32, #tpu.memory_space<vmem>>, vector<16xi32>,
          %bitcast3A_997 = vector.bitcast %get3A_996 : vector<16xi32> to vector<32xbf16>
          %mul3A_998 = arith.constant 64 : i32
          %mul3A_999 = arith.muli %squeeze3A_959, %mul3A_998 : i32
          %add3A_1000 = arith.constant 32 : i32
          %add3A_1001 = arith.addi %mul3A_999, %add3A_1000 : i32
          %get3A_1002 = arith.index_cast %add3A_1001 : i32 to index
          %get3A_1003 = tpu.vector_load %arg17[%get3A_1002] {strides = array<i32>} : memref<4096xi32, #tpu.memory_space<vmem>>, vector<16xi32>,
          %bitcast3A_1004 = vector.bitcast %get3A_1003 : vector<16xi32> to vector<32xbf16>
          %get3A_1005 = arith.index_cast %add3A_957 : i32 to index
          %get3A_1006 = arith.constant 48 : index
          %get3A_1007 = tpu.vector_load %arg15[%get3A_1005, %get3A_1006] {strides = array<i32>} : memref<80x128xi32, #tpu.memory_space<vmem>>, vector<16xi32>,
          %bitcast3A_1008 = vector.bitcast %get3A_1007 : vector<16xi32> to vector<32xbf16>
          %get3A_1009 = arith.index_cast %add3A_957 : i32 to index
          %get3A_1010 = arith.constant 48 : index
          %get3A_1011 = tpu.vector_load %arg16[%get3A_1009, %get3A_1010] {strides = array<i32>} : memref<80x128xi32, #tpu.memory_space<vmem>>, vector<16xi32>,
          %bitcast3A_1012 = vector.bitcast %get3A_1011 : vector<16xi32> to vector<32xbf16>
          %mul3A_1013 = arith.constant 64 : i32
          %mul3A_1014 = arith.muli %squeeze3A_959, %mul3A_1013 : i32
          %add3A_1015 = arith.constant 48 : i32
          %add3A_1016 = arith.addi %mul3A_1014, %add3A_1015 : i32
          %get3A_1017 = arith.index_cast %add3A_1016 : i32 to index
          %get3A_1018 = tpu.vector_load %arg17[%get3A_1017] {strides = array<i32>} : memref<4096xi32, #tpu.memory_space<vmem>>, vector<16xi32>,
          %bitcast3A_1019 = vector.bitcast %get3A_1018 : vector<16xi32> to vector<32xbf16>
          %mul3A_1020 = arith.mulf %bitcast3A_781, %bitcast3A_785 : vector<32xbf16>
          %mul3A_1021 = arith.mulf %mul3A_1020, %bitcast3A_792 : vector<32xbf16>
          %unpack3A_1022 = tpu.unpack_subelements %mul3A_1021, 0 {pack_format = #tpu.pack_format<interleaved>} : vector<32xbf16> -> vector<16xf32>
          %unpack3A_1023 = tpu.unpack_subelements %mul3A_1021, 1 {pack_format = #tpu.pack_format<interleaved>} : vector<32xbf16> -> vector<16xf32>
          %mul3A_1024 = arith.mulf %bitcast3A_796, %bitcast3A_800 : vector<32xbf16>
          %mul3A_1025 = arith.mulf %mul3A_1024, %bitcast3A_807 : vector<32xbf16>
          %unpack3A_1026 = tpu.unpack_subelements %mul3A_1025, 0 {pack_format = #tpu.pack_format<interleaved>} : vector<32xbf16> -> vector<16xf32>
          %unpack3A_1027 = tpu.unpack_subelements %mul3A_1025, 1 {pack_format = #tpu.pack_format<interleaved>} : vector<32xbf16> -> vector<16xf32>
          %add3A_1028 = arith.addf %unpack3A_1022, %unpack3A_1026 : vector<16xf32>
          %add3A_1029 = arith.addf %unpack3A_1023, %unpack3A_1027 : vector<16xf32>
          %mul3A_1030 = arith.mulf %bitcast3A_811, %bitcast3A_815 : vector<32xbf16>
          %mul3A_1031 = arith.mulf %mul3A_1030, %bitcast3A_822 : vector<32xbf16>
          %unpack3A_1032 = tpu.unpack_subelements %mul3A_1031, 0 {pack_format = #tpu.pack_format<interleaved>} : vector<32xbf16> -> vector<16xf32>
          %unpack3A_1033 = tpu.unpack_subelements %mul3A_1031, 1 {pack_format = #tpu.pack_format<interleaved>} : vector<32xbf16> -> vector<16xf32>
          %add3A_1034 = arith.addf %add3A_1028, %unpack3A_1032 : vector<16xf32>
          %add3A_1035 = arith.addf %add3A_1029, %unpack3A_1033 : vector<16xf32>
          %mul3A_1036 = arith.mulf %bitcast3A_826, %bitcast3A_830 : vector<32xbf16>
          %mul3A_1037 = arith.mulf %mul3A_1036, %bitcast3A_837 : vector<32xbf16>
          %unpack3A_1038 = tpu.unpack_subelements %mul3A_1037, 0 {pack_format = #tpu.pack_format<interleaved>} : vector<32xbf16> -> vector<16xf32>
          %unpack3A_1039 = tpu.unpack_subelements %mul3A_1037, 1 {pack_format = #tpu.pack_format<interleaved>} : vector<32xbf16> -> vector<16xf32>
          %add3A_1040 = arith.addf %add3A_1034, %unpack3A_1038 : vector<16xf32>
          %add3A_1041 = arith.addf %add3A_1035, %unpack3A_1039 : vector<16xf32>
          %add3A_1042 = arith.addf %add3A_1040, %add3A_1041 : vector<16xf32>
          %swap3A_1043 = arith.constant 136 : index
          %swap3A_1044 = tpu.vector_load %arg19[%swap3A_1043] {strides = array<i32>} : memref<272xf32, #tpu.memory_space<vmem>>, vector<16xf32>,
          tpu.vector_store %arg19[%swap3A_1043], %add3A_1042 {strides = array<i32>} : memref<272xf32, #tpu.memory_space<vmem>>, vector<16xf32>,
          %mul3A_1045 = arith.constant 16 : i32
          %mul3A_1046 = arith.muli %add3A_94, %mul3A_1045 : i32
          %add3A_1047 = arith.constant 11 : i32
          %add3A_1048 = arith.addi %mul3A_1046, %add3A_1047 : i32
          %slice3A_1049 = vector.extract_strided_slice %get3A_98 {offsets = [11], sizes = [1], strides = [1]} : vector<16xi32> to vector<1xi32>
          %squeeze3A_1050 = vector.extract %slice3A_1049[0] : i32 from vector<1xi32>
          %get3A_1051 = arith.index_cast %add3A_1048 : i32 to index
          %get3A_1052 = arith.constant 0 : index
          %get3A_1053 = tpu.vector_load %arg15[%get3A_1051, %get3A_1052] {strides = array<i32>} : memref<80x128xi32, #tpu.memory_space<vmem>>, vector<16xi32>,
          %bitcast3A_1054 = vector.bitcast %get3A_1053 : vector<16xi32> to vector<32xbf16>
          %get3A_1055 = arith.index_cast %add3A_1048 : i32 to index
          %get3A_1056 = arith.constant 0 : index
          %get3A_1057 = tpu.vector_load %arg16[%get3A_1055, %get3A_1056] {strides = array<i32>} : memref<80x128xi32, #tpu.memory_space<vmem>>, vector<16xi32>,
          %bitcast3A_1058 = vector.bitcast %get3A_1057 : vector<16xi32> to vector<32xbf16>
          %mul3A_1059 = arith.constant 64 : i32
          %mul3A_1060 = arith.muli %squeeze3A_1050, %mul3A_1059 : i32
          %add3A_1061 = arith.constant 0 : i32
          %add3A_1062 = arith.addi %mul3A_1060, %add3A_1061 : i32
          %get3A_1063 = arith.index_cast %add3A_1062 : i32 to index
          %get3A_1064 = tpu.vector_load %arg17[%get3A_1063] {strides = array<i32>} : memref<4096xi32, #tpu.memory_space<vmem>>, vector<16xi32>,
          %bitcast3A_1065 = vector.bitcast %get3A_1064 : vector<16xi32> to vector<32xbf16>
          %get3A_1066 = arith.index_cast %add3A_1048 : i32 to index
          %get3A_1067 = arith.constant 16 : index
          %get3A_1068 = tpu.vector_load %arg15[%get3A_1066, %get3A_1067] {strides = array<i32>} : memref<80x128xi32, #tpu.memory_space<vmem>>, vector<16xi32>,
          %bitcast3A_1069 = vector.bitcast %get3A_1068 : vector<16xi32> to vector<32xbf16>
          %get3A_1070 = arith.index_cast %add3A_1048 : i32 to index
          %get3A_1071 = arith.constant 16 : index
          %get3A_1072 = tpu.vector_load %arg16[%get3A_1070, %get3A_1071] {strides = array<i32>} : memref<80x128xi32, #tpu.memory_space<vmem>>, vector<16xi32>,
          %bitcast3A_1073 = vector.bitcast %get3A_1072 : vector<16xi32> to vector<32xbf16>
          %mul3A_1074 = arith.constant 64 : i32
          %mul3A_1075 = arith.muli %squeeze3A_1050, %mul3A_1074 : i32
          %add3A_1076 = arith.constant 16 : i32
          %add3A_1077 = arith.addi %mul3A_1075, %add3A_1076 : i32
          %get3A_1078 = arith.index_cast %add3A_1077 : i32 to index
          %get3A_1079 = tpu.vector_load %arg17[%get3A_1078] {strides = array<i32>} : memref<4096xi32, #tpu.memory_space<vmem>>, vector<16xi32>,
          %bitcast3A_1080 = vector.bitcast %get3A_1079 : vector<16xi32> to vector<32xbf16>
          %get3A_1081 = arith.index_cast %add3A_1048 : i32 to index
          %get3A_1082 = arith.constant 32 : index
          %get3A_1083 = tpu.vector_load %arg15[%get3A_1081, %get3A_1082] {strides = array<i32>} : memref<80x128xi32, #tpu.memory_space<vmem>>, vector<16xi32>,
          %bitcast3A_1084 = vector.bitcast %get3A_1083 : vector<16xi32> to vector<32xbf16>
          %get3A_1085 = arith.index_cast %add3A_1048 : i32 to index
          %get3A_1086 = arith.constant 32 : index
          %get3A_1087 = tpu.vector_load %arg16[%get3A_1085, %get3A_1086] {strides = array<i32>} : memref<80x128xi32, #tpu.memory_space<vmem>>, vector<16xi32>,
          %bitcast3A_1088 = vector.bitcast %get3A_1087 : vector<16xi32> to vector<32xbf16>
          %mul3A_1089 = arith.constant 64 : i32
          %mul3A_1090 = arith.muli %squeeze3A_1050, %mul3A_1089 : i32
          %add3A_1091 = arith.constant 32 : i32
          %add3A_1092 = arith.addi %mul3A_1090, %add3A_1091 : i32
          %get3A_1093 = arith.index_cast %add3A_1092 : i32 to index
          %get3A_1094 = tpu.vector_load %arg17[%get3A_1093] {strides = array<i32>} : memref<4096xi32, #tpu.memory_space<vmem>>, vector<16xi32>,
          %bitcast3A_1095 = vector.bitcast %get3A_1094 : vector<16xi32> to vector<32xbf16>
          %get3A_1096 = arith.index_cast %add3A_1048 : i32 to index
          %get3A_1097 = arith.constant 48 : index
          %get3A_1098 = tpu.vector_load %arg15[%get3A_1096, %get3A_1097] {strides = array<i32>} : memref<80x128xi32, #tpu.memory_space<vmem>>, vector<16xi32>,
          %bitcast3A_1099 = vector.bitcast %get3A_1098 : vector<16xi32> to vector<32xbf16>
          %get3A_1100 = arith.index_cast %add3A_1048 : i32 to index
          %get3A_1101 = arith.constant 48 : index
          %get3A_1102 = tpu.vector_load %arg16[%get3A_1100, %get3A_1101] {strides = array<i32>} : memref<80x128xi32, #tpu.memory_space<vmem>>, vector<16xi32>,
          %bitcast3A_1103 = vector.bitcast %get3A_1102 : vector<16xi32> to vector<32xbf16>
          %mul3A_1104 = arith.constant 64 : i32
          %mul3A_1105 = arith.muli %squeeze3A_1050, %mul3A_1104 : i32
          %add3A_1106 = arith.constant 48 : i32
          %add3A_1107 = arith.addi %mul3A_1105, %add3A_1106 : i32
          %get3A_1108 = arith.index_cast %add3A_1107 : i32 to index
          %get3A_1109 = tpu.vector_load %arg17[%get3A_1108] {strides = array<i32>} : memref<4096xi32, #tpu.memory_space<vmem>>, vector<16xi32>,
          %bitcast3A_1110 = vector.bitcast %get3A_1109 : vector<16xi32> to vector<32xbf16>
          %mul3A_1111 = arith.mulf %bitcast3A_872, %bitcast3A_876 : vector<32xbf16>
          %mul3A_1112 = arith.mulf %mul3A_1111, %bitcast3A_883 : vector<32xbf16>
          %unpack3A_1113 = tpu.unpack_subelements %mul3A_1112, 0 {pack_format = #tpu.pack_format<interleaved>} : vector<32xbf16> -> vector<16xf32>
          %unpack3A_1114 = tpu.unpack_subelements %mul3A_1112, 1 {pack_format = #tpu.pack_format<interleaved>} : vector<32xbf16> -> vector<16xf32>
          %mul3A_1115 = arith.mulf %bitcast3A_887, %bitcast3A_891 : vector<32xbf16>
          %mul3A_1116 = arith.mulf %mul3A_1115, %bitcast3A_898 : vector<32xbf16>
          %unpack3A_1117 = tpu.unpack_subelements %mul3A_1116, 0 {pack_format = #tpu.pack_format<interleaved>} : vector<32xbf16> -> vector<16xf32>
          %unpack3A_1118 = tpu.unpack_subelements %mul3A_1116, 1 {pack_format = #tpu.pack_format<interleaved>} : vector<32xbf16> -> vector<16xf32>
          %add3A_1119 = arith.addf %unpack3A_1113, %unpack3A_1117 : vector<16xf32>
          %add3A_1120 = arith.addf %unpack3A_1114, %unpack3A_1118 : vector<16xf32>
          %mul3A_1121 = arith.mulf %bitcast3A_902, %bitcast3A_906 : vector<32xbf16>
          %mul3A_1122 = arith.mulf %mul3A_1121, %bitcast3A_913 : vector<32xbf16>
          %unpack3A_1123 = tpu.unpack_subelements %mul3A_1122, 0 {pack_format = #tpu.pack_format<interleaved>} : vector<32xbf16> -> vector<16xf32>
          %unpack3A_1124 = tpu.unpack_subelements %mul3A_1122, 1 {pack_format = #tpu.pack_format<interleaved>} : vector<32xbf16> -> vector<16xf32>
          %add3A_1125 = arith.addf %add3A_1119, %unpack3A_1123 : vector<16xf32>
          %add3A_1126 = arith.addf %add3A_1120, %unpack3A_1124 : vector<16xf32>
          %mul3A_1127 = arith.mulf %bitcast3A_917, %bitcast3A_921 : vector<32xbf16>
          %mul3A_1128 = arith.mulf %mul3A_1127, %bitcast3A_928 : vector<32xbf16>
          %unpack3A_1129 = tpu.unpack_subelements %mul3A_1128, 0 {pack_format = #tpu.pack_format<interleaved>} : vector<32xbf16> -> vector<16xf32>
          %unpack3A_1130 = tpu.unpack_subelements %mul3A_1128, 1 {pack_format = #tpu.pack_format<interleaved>} : vector<32xbf16> -> vector<16xf32>
          %add3A_1131 = arith.addf %add3A_1125, %unpack3A_1129 : vector<16xf32>
          %add3A_1132 = arith.addf %add3A_1126, %unpack3A_1130 : vector<16xf32>
          %add3A_1133 = arith.addf %add3A_1131, %add3A_1132 : vector<16xf32>
          %swap3A_1134 = arith.constant 153 : index
          %swap3A_1135 = tpu.vector_load %arg19[%swap3A_1134] {strides = array<i32>} : memref<272xf32, #tpu.memory_space<vmem>>, vector<16xf32>,
          tpu.vector_store %arg19[%swap3A_1134], %add3A_1133 {strides = array<i32>} : memref<272xf32, #tpu.memory_space<vmem>>, vector<16xf32>,
          %mul3A_1136 = arith.constant 16 : i32
          %mul3A_1137 = arith.muli %add3A_94, %mul3A_1136 : i32
          %add3A_1138 = arith.constant 12 : i32
          %add3A_1139 = arith.addi %mul3A_1137, %add3A_1138 : i32
          %slice3A_1140 = vector.extract_strided_slice %get3A_98 {offsets = [12], sizes = [1], strides = [1]} : vector<16xi32> to vector<1xi32>
          %squeeze3A_1141 = vector.extract %slice3A_1140[0] : i32 from vector<1xi32>
          %get3A_1142 = arith.index_cast %add3A_1139 : i32 to index
          %get3A_1143 = arith.constant 0 : index
          %get3A_1144 = tpu.vector_load %arg15[%get3A_1142, %get3A_1143] {strides = array<i32>} : memref<80x128xi32, #tpu.memory_space<vmem>>, vector<16xi32>,
          %bitcast3A_1145 = vector.bitcast %get3A_1144 : vector<16xi32> to vector<32xbf16>
          %get3A_1146 = arith.index_cast %add3A_1139 : i32 to index
          %get3A_1147 = arith.constant 0 : index
          %get3A_1148 = tpu.vector_load %arg16[%get3A_1146, %get3A_1147] {strides = array<i32>} : memref<80x128xi32, #tpu.memory_space<vmem>>, vector<16xi32>,
          %bitcast3A_1149 = vector.bitcast %get3A_1148 : vector<16xi32> to vector<32xbf16>
          %mul3A_1150 = arith.constant 64 : i32
          %mul3A_1151 = arith.muli %squeeze3A_1141, %mul3A_1150 : i32
          %add3A_1152 = arith.constant 0 : i32
          %add3A_1153 = arith.addi %mul3A_1151, %add3A_1152 : i32
          %get3A_1154 = arith.index_cast %add3A_1153 : i32 to index
          %get3A_1155 = tpu.vector_load %arg17[%get3A_1154] {strides = array<i32>} : memref<4096xi32, #tpu.memory_space<vmem>>, vector<16xi32>,
          %bitcast3A_1156 = vector.bitcast %get3A_1155 : vector<16xi32> to vector<32xbf16>
          %get3A_1157 = arith.index_cast %add3A_1139 : i32 to index
          %get3A_1158 = arith.constant 16 : index
          %get3A_1159 = tpu.vector_load %arg15[%get3A_1157, %get3A_1158] {strides = array<i32>} : memref<80x128xi32, #tpu.memory_space<vmem>>, vector<16xi32>,
          %bitcast3A_1160 = vector.bitcast %get3A_1159 : vector<16xi32> to vector<32xbf16>
          %get3A_1161 = arith.index_cast %add3A_1139 : i32 to index
          %get3A_1162 = arith.constant 16 : index
          %get3A_1163 = tpu.vector_load %arg16[%get3A_1161, %get3A_1162] {strides = array<i32>} : memref<80x128xi32, #tpu.memory_space<vmem>>, vector<16xi32>,
          %bitcast3A_1164 = vector.bitcast %get3A_1163 : vector<16xi32> to vector<32xbf16>
          %mul3A_1165 = arith.constant 64 : i32
          %mul3A_1166 = arith.muli %squeeze3A_1141, %mul3A_1165 : i32
          %add3A_1167 = arith.constant 16 : i32
          %add3A_1168 = arith.addi %mul3A_1166, %add3A_1167 : i32
          %get3A_1169 = arith.index_cast %add3A_1168 : i32 to index
          %get3A_1170 = tpu.vector_load %arg17[%get3A_1169] {strides = array<i32>} : memref<4096xi32, #tpu.memory_space<vmem>>, vector<16xi32>,
          %bitcast3A_1171 = vector.bitcast %get3A_1170 : vector<16xi32> to vector<32xbf16>
          %get3A_1172 = arith.index_cast %add3A_1139 : i32 to index
          %get3A_1173 = arith.constant 32 : index
          %get3A_1174 = tpu.vector_load %arg15[%get3A_1172, %get3A_1173] {strides = array<i32>} : memref<80x128xi32, #tpu.memory_space<vmem>>, vector<16xi32>,
          %bitcast3A_1175 = vector.bitcast %get3A_1174 : vector<16xi32> to vector<32xbf16>
          %get3A_1176 = arith.index_cast %add3A_1139 : i32 to index
          %get3A_1177 = arith.constant 32 : index
          %get3A_1178 = tpu.vector_load %arg16[%get3A_1176, %get3A_1177] {strides = array<i32>} : memref<80x128xi32, #tpu.memory_space<vmem>>, vector<16xi32>,
          %bitcast3A_1179 = vector.bitcast %get3A_1178 : vector<16xi32> to vector<32xbf16>
          %mul3A_1180 = arith.constant 64 : i32
          %mul3A_1181 = arith.muli %squeeze3A_1141, %mul3A_1180 : i32
          %add3A_1182 = arith.constant 32 : i32
          %add3A_1183 = arith.addi %mul3A_1181, %add3A_1182 : i32
          %get3A_1184 = arith.index_cast %add3A_1183 : i32 to index
          %get3A_1185 = tpu.vector_load %arg17[%get3A_1184] {strides = array<i32>} : memref<4096xi32, #tpu.memory_space<vmem>>, vector<16xi32>,
          %bitcast3A_1186 = vector.bitcast %get3A_1185 : vector<16xi32> to vector<32xbf16>
          %get3A_1187 = arith.index_cast %add3A_1139 : i32 to index
          %get3A_1188 = arith.constant 48 : index
          %get3A_1189 = tpu.vector_load %arg15[%get3A_1187, %get3A_1188] {strides = array<i32>} : memref<80x128xi32, #tpu.memory_space<vmem>>, vector<16xi32>,
          %bitcast3A_1190 = vector.bitcast %get3A_1189 : vector<16xi32> to vector<32xbf16>
          %get3A_1191 = arith.index_cast %add3A_1139 : i32 to index
          %get3A_1192 = arith.constant 48 : index
          %get3A_1193 = tpu.vector_load %arg16[%get3A_1191, %get3A_1192] {strides = array<i32>} : memref<80x128xi32, #tpu.memory_space<vmem>>, vector<16xi32>,
          %bitcast3A_1194 = vector.bitcast %get3A_1193 : vector<16xi32> to vector<32xbf16>
          %mul3A_1195 = arith.constant 64 : i32
          %mul3A_1196 = arith.muli %squeeze3A_1141, %mul3A_1195 : i32
          %add3A_1197 = arith.constant 48 : i32
          %add3A_1198 = arith.addi %mul3A_1196, %add3A_1197 : i32
          %get3A_1199 = arith.index_cast %add3A_1198 : i32 to index
          %get3A_1200 = tpu.vector_load %arg17[%get3A_1199] {strides = array<i32>} : memref<4096xi32, #tpu.memory_space<vmem>>, vector<16xi32>,
          %bitcast3A_1201 = vector.bitcast %get3A_1200 : vector<16xi32> to vector<32xbf16>
          %mul3A_1202 = arith.mulf %bitcast3A_963, %bitcast3A_967 : vector<32xbf16>
          %mul3A_1203 = arith.mulf %mul3A_1202, %bitcast3A_974 : vector<32xbf16>
          %unpack3A_1204 = tpu.unpack_subelements %mul3A_1203, 0 {pack_format = #tpu.pack_format<interleaved>} : vector<32xbf16> -> vector<16xf32>
          %unpack3A_1205 = tpu.unpack_subelements %mul3A_1203, 1 {pack_format = #tpu.pack_format<interleaved>} : vector<32xbf16> -> vector<16xf32>
          %mul3A_1206 = arith.mulf %bitcast3A_978, %bitcast3A_982 : vector<32xbf16>
          %mul3A_1207 = arith.mulf %mul3A_1206, %bitcast3A_989 : vector<32xbf16>
          %unpack3A_1208 = tpu.unpack_subelements %mul3A_1207, 0 {pack_format = #tpu.pack_format<interleaved>} : vector<32xbf16> -> vector<16xf32>
          %unpack3A_1209 = tpu.unpack_subelements %mul3A_1207, 1 {pack_format = #tpu.pack_format<interleaved>} : vector<32xbf16> -> vector<16xf32>
          %add3A_1210 = arith.addf %unpack3A_1204, %unpack3A_1208 : vector<16xf32>
          %add3A_1211 = arith.addf %unpack3A_1205, %unpack3A_1209 : vector<16xf32>
          %mul3A_1212 = arith.mulf %bitcast3A_993, %bitcast3A_997 : vector<32xbf16>
          %mul3A_1213 = arith.mulf %mul3A_1212, %bitcast3A_1004 : vector<32xbf16>
          %unpack3A_1214 = tpu.unpack_subelements %mul3A_1213, 0 {pack_format = #tpu.pack_format<interleaved>} : vector<32xbf16> -> vector<16xf32>
          %unpack3A_1215 = tpu.unpack_subelements %mul3A_1213, 1 {pack_format = #tpu.pack_format<interleaved>} : vector<32xbf16> -> vector<16xf32>
          %add3A_1216 = arith.addf %add3A_1210, %unpack3A_1214 : vector<16xf32>
          %add3A_1217 = arith.addf %add3A_1211, %unpack3A_1215 : vector<16xf32>
          %mul3A_1218 = arith.mulf %bitcast3A_1008, %bitcast3A_1012 : vector<32xbf16>
          %mul3A_1219 = arith.mulf %mul3A_1218, %bitcast3A_1019 : vector<32xbf16>
          %unpack3A_1220 = tpu.unpack_subelements %mul3A_1219, 0 {pack_format = #tpu.pack_format<interleaved>} : vector<32xbf16> -> vector<16xf32>
          %unpack3A_1221 = tpu.unpack_subelements %mul3A_1219, 1 {pack_format = #tpu.pack_format<interleaved>} : vector<32xbf16> -> vector<16xf32>
          %add3A_1222 = arith.addf %add3A_1216, %unpack3A_1220 : vector<16xf32>
          %add3A_1223 = arith.addf %add3A_1217, %unpack3A_1221 : vector<16xf32>
          %add3A_1224 = arith.addf %add3A_1222, %add3A_1223 : vector<16xf32>
          %swap3A_1225 = arith.constant 170 : index
          %swap3A_1226 = tpu.vector_load %arg19[%swap3A_1225] {strides = array<i32>} : memref<272xf32, #tpu.memory_space<vmem>>, vector<16xf32>,
          tpu.vector_store %arg19[%swap3A_1225], %add3A_1224 {strides = array<i32>} : memref<272xf32, #tpu.memory_space<vmem>>, vector<16xf32>,
          %mul3A_1227 = arith.constant 16 : i32
          %mul3A_1228 = arith.muli %add3A_94, %mul3A_1227 : i32
          %add3A_1229 = arith.constant 13 : i32
          %add3A_1230 = arith.addi %mul3A_1228, %add3A_1229 : i32
          %slice3A_1231 = vector.extract_strided_slice %get3A_98 {offsets = [13], sizes = [1], strides = [1]} : vector<16xi32> to vector<1xi32>
          %squeeze3A_1232 = vector.extract %slice3A_1231[0] : i32 from vector<1xi32>
          %get3A_1233 = arith.index_cast %add3A_1230 : i32 to index
          %get3A_1234 = arith.constant 0 : index
          %get3A_1235 = tpu.vector_load %arg15[%get3A_1233, %get3A_1234] {strides = array<i32>} : memref<80x128xi32, #tpu.memory_space<vmem>>, vector<16xi32>,
          %bitcast3A_1236 = vector.bitcast %get3A_1235 : vector<16xi32> to vector<32xbf16>
          %get3A_1237 = arith.index_cast %add3A_1230 : i32 to index
          %get3A_1238 = arith.constant 0 : index
          %get3A_1239 = tpu.vector_load %arg16[%get3A_1237, %get3A_1238] {strides = array<i32>} : memref<80x128xi32, #tpu.memory_space<vmem>>, vector<16xi32>,
          %bitcast3A_1240 = vector.bitcast %get3A_1239 : vector<16xi32> to vector<32xbf16>
          %mul3A_1241 = arith.constant 64 : i32
          %mul3A_1242 = arith.muli %squeeze3A_1232, %mul3A_1241 : i32
          %add3A_1243 = arith.constant 0 : i32
          %add3A_1244 = arith.addi %mul3A_1242, %add3A_1243 : i32
          %get3A_1245 = arith.index_cast %add3A_1244 : i32 to index
          %get3A_1246 = tpu.vector_load %arg17[%get3A_1245] {strides = array<i32>} : memref<4096xi32, #tpu.memory_space<vmem>>, vector<16xi32>,
          %bitcast3A_1247 = vector.bitcast %get3A_1246 : vector<16xi32> to vector<32xbf16>
          %get3A_1248 = arith.index_cast %add3A_1230 : i32 to index
          %get3A_1249 = arith.constant 16 : index
          %get3A_1250 = tpu.vector_load %arg15[%get3A_1248, %get3A_1249] {strides = array<i32>} : memref<80x128xi32, #tpu.memory_space<vmem>>, vector<16xi32>,
          %bitcast3A_1251 = vector.bitcast %get3A_1250 : vector<16xi32> to vector<32xbf16>
          %get3A_1252 = arith.index_cast %add3A_1230 : i32 to index
          %get3A_1253 = arith.constant 16 : index
          %get3A_1254 = tpu.vector_load %arg16[%get3A_1252, %get3A_1253] {strides = array<i32>} : memref<80x128xi32, #tpu.memory_space<vmem>>, vector<16xi32>,
          %bitcast3A_1255 = vector.bitcast %get3A_1254 : vector<16xi32> to vector<32xbf16>
          %mul3A_1256 = arith.constant 64 : i32
          %mul3A_1257 = arith.muli %squeeze3A_1232, %mul3A_1256 : i32
          %add3A_1258 = arith.constant 16 : i32
          %add3A_1259 = arith.addi %mul3A_1257, %add3A_1258 : i32
          %get3A_1260 = arith.index_cast %add3A_1259 : i32 to index
          %get3A_1261 = tpu.vector_load %arg17[%get3A_1260] {strides = array<i32>} : memref<4096xi32, #tpu.memory_space<vmem>>, vector<16xi32>,
          %bitcast3A_1262 = vector.bitcast %get3A_1261 : vector<16xi32> to vector<32xbf16>
          %get3A_1263 = arith.index_cast %add3A_1230 : i32 to index
          %get3A_1264 = arith.constant 32 : index
          %get3A_1265 = tpu.vector_load %arg15[%get3A_1263, %get3A_1264] {strides = array<i32>} : memref<80x128xi32, #tpu.memory_space<vmem>>, vector<16xi32>,
          %bitcast3A_1266 = vector.bitcast %get3A_1265 : vector<16xi32> to vector<32xbf16>
          %get3A_1267 = arith.index_cast %add3A_1230 : i32 to index
          %get3A_1268 = arith.constant 32 : index
          %get3A_1269 = tpu.vector_load %arg16[%get3A_1267, %get3A_1268] {strides = array<i32>} : memref<80x128xi32, #tpu.memory_space<vmem>>, vector<16xi32>,
          %bitcast3A_1270 = vector.bitcast %get3A_1269 : vector<16xi32> to vector<32xbf16>
          %mul3A_1271 = arith.constant 64 : i32
          %mul3A_1272 = arith.muli %squeeze3A_1232, %mul3A_1271 : i32
          %add3A_1273 = arith.constant 32 : i32
          %add3A_1274 = arith.addi %mul3A_1272, %add3A_1273 : i32
          %get3A_1275 = arith.index_cast %add3A_1274 : i32 to index
          %get3A_1276 = tpu.vector_load %arg17[%get3A_1275] {strides = array<i32>} : memref<4096xi32, #tpu.memory_space<vmem>>, vector<16xi32>,
          %bitcast3A_1277 = vector.bitcast %get3A_1276 : vector<16xi32> to vector<32xbf16>
          %get3A_1278 = arith.index_cast %add3A_1230 : i32 to index
          %get3A_1279 = arith.constant 48 : index
          %get3A_1280 = tpu.vector_load %arg15[%get3A_1278, %get3A_1279] {strides = array<i32>} : memref<80x128xi32, #tpu.memory_space<vmem>>, vector<16xi32>,
          %bitcast3A_1281 = vector.bitcast %get3A_1280 : vector<16xi32> to vector<32xbf16>
          %get3A_1282 = arith.index_cast %add3A_1230 : i32 to index
          %get3A_1283 = arith.constant 48 : index
          %get3A_1284 = tpu.vector_load %arg16[%get3A_1282, %get3A_1283] {strides = array<i32>} : memref<80x128xi32, #tpu.memory_space<vmem>>, vector<16xi32>,
          %bitcast3A_1285 = vector.bitcast %get3A_1284 : vector<16xi32> to vector<32xbf16>
          %mul3A_1286 = arith.constant 64 : i32
          %mul3A_1287 = arith.muli %squeeze3A_1232, %mul3A_1286 : i32
          %add3A_1288 = arith.constant 48 : i32
          %add3A_1289 = arith.addi %mul3A_1287, %add3A_1288 : i32
          %get3A_1290 = arith.index_cast %add3A_1289 : i32 to index
          %get3A_1291 = tpu.vector_load %arg17[%get3A_1290] {strides = array<i32>} : memref<4096xi32, #tpu.memory_space<vmem>>, vector<16xi32>,
          %bitcast3A_1292 = vector.bitcast %get3A_1291 : vector<16xi32> to vector<32xbf16>
          %mul3A_1293 = arith.mulf %bitcast3A_1054, %bitcast3A_1058 : vector<32xbf16>
          %mul3A_1294 = arith.mulf %mul3A_1293, %bitcast3A_1065 : vector<32xbf16>
          %unpack3A_1295 = tpu.unpack_subelements %mul3A_1294, 0 {pack_format = #tpu.pack_format<interleaved>} : vector<32xbf16> -> vector<16xf32>
          %unpack3A_1296 = tpu.unpack_subelements %mul3A_1294, 1 {pack_format = #tpu.pack_format<interleaved>} : vector<32xbf16> -> vector<16xf32>
          %mul3A_1297 = arith.mulf %bitcast3A_1069, %bitcast3A_1073 : vector<32xbf16>
          %mul3A_1298 = arith.mulf %mul3A_1297, %bitcast3A_1080 : vector<32xbf16>
          %unpack3A_1299 = tpu.unpack_subelements %mul3A_1298, 0 {pack_format = #tpu.pack_format<interleaved>} : vector<32xbf16> -> vector<16xf32>
          %unpack3A_1300 = tpu.unpack_subelements %mul3A_1298, 1 {pack_format = #tpu.pack_format<interleaved>} : vector<32xbf16> -> vector<16xf32>
          %add3A_1301 = arith.addf %unpack3A_1295, %unpack3A_1299 : vector<16xf32>
          %add3A_1302 = arith.addf %unpack3A_1296, %unpack3A_1300 : vector<16xf32>
          %mul3A_1303 = arith.mulf %bitcast3A_1084, %bitcast3A_1088 : vector<32xbf16>
          %mul3A_1304 = arith.mulf %mul3A_1303, %bitcast3A_1095 : vector<32xbf16>
          %unpack3A_1305 = tpu.unpack_subelements %mul3A_1304, 0 {pack_format = #tpu.pack_format<interleaved>} : vector<32xbf16> -> vector<16xf32>
          %unpack3A_1306 = tpu.unpack_subelements %mul3A_1304, 1 {pack_format = #tpu.pack_format<interleaved>} : vector<32xbf16> -> vector<16xf32>
          %add3A_1307 = arith.addf %add3A_1301, %unpack3A_1305 : vector<16xf32>
          %add3A_1308 = arith.addf %add3A_1302, %unpack3A_1306 : vector<16xf32>
          %mul3A_1309 = arith.mulf %bitcast3A_1099, %bitcast3A_1103 : vector<32xbf16>
          %mul3A_1310 = arith.mulf %mul3A_1309, %bitcast3A_1110 : vector<32xbf16>
          %unpack3A_1311 = tpu.unpack_subelements %mul3A_1310, 0 {pack_format = #tpu.pack_format<interleaved>} : vector<32xbf16> -> vector<16xf32>
          %unpack3A_1312 = tpu.unpack_subelements %mul3A_1310, 1 {pack_format = #tpu.pack_format<interleaved>} : vector<32xbf16> -> vector<16xf32>
          %add3A_1313 = arith.addf %add3A_1307, %unpack3A_1311 : vector<16xf32>
          %add3A_1314 = arith.addf %add3A_1308, %unpack3A_1312 : vector<16xf32>
          %add3A_1315 = arith.addf %add3A_1313, %add3A_1314 : vector<16xf32>
          %swap3A_1316 = arith.constant 187 : index
          %swap3A_1317 = tpu.vector_load %arg19[%swap3A_1316] {strides = array<i32>} : memref<272xf32, #tpu.memory_space<vmem>>, vector<16xf32>,
          tpu.vector_store %arg19[%swap3A_1316], %add3A_1315 {strides = array<i32>} : memref<272xf32, #tpu.memory_space<vmem>>, vector<16xf32>,
          %mul3A_1318 = arith.constant 16 : i32
          %mul3A_1319 = arith.muli %add3A_94, %mul3A_1318 : i32
          %add3A_1320 = arith.constant 14 : i32
          %add3A_1321 = arith.addi %mul3A_1319, %add3A_1320 : i32
          %slice3A_1322 = vector.extract_strided_slice %get3A_98 {offsets = [14], sizes = [1], strides = [1]} : vector<16xi32> to vector<1xi32>
          %squeeze3A_1323 = vector.extract %slice3A_1322[0] : i32 from vector<1xi32>
          %get3A_1324 = arith.index_cast %add3A_1321 : i32 to index
          %get3A_1325 = arith.constant 0 : index
          %get3A_1326 = tpu.vector_load %arg15[%get3A_1324, %get3A_1325] {strides = array<i32>} : memref<80x128xi32, #tpu.memory_space<vmem>>, vector<16xi32>,
          %bitcast3A_1327 = vector.bitcast %get3A_1326 : vector<16xi32> to vector<32xbf16>
          %get3A_1328 = arith.index_cast %add3A_1321 : i32 to index
          %get3A_1329 = arith.constant 0 : index
          %get3A_1330 = tpu.vector_load %arg16[%get3A_1328, %get3A_1329] {strides = array<i32>} : memref<80x128xi32, #tpu.memory_space<vmem>>, vector<16xi32>,
          %bitcast3A_1331 = vector.bitcast %get3A_1330 : vector<16xi32> to vector<32xbf16>
          %mul3A_1332 = arith.constant 64 : i32
          %mul3A_1333 = arith.muli %squeeze3A_1323, %mul3A_1332 : i32
          %add3A_1334 = arith.constant 0 : i32
          %add3A_1335 = arith.addi %mul3A_1333, %add3A_1334 : i32
          %get3A_1336 = arith.index_cast %add3A_1335 : i32 to index
          %get3A_1337 = tpu.vector_load %arg17[%get3A_1336] {strides = array<i32>} : memref<4096xi32, #tpu.memory_space<vmem>>, vector<16xi32>,
          %bitcast3A_1338 = vector.bitcast %get3A_1337 : vector<16xi32> to vector<32xbf16>
          %get3A_1339 = arith.index_cast %add3A_1321 : i32 to index
          %get3A_1340 = arith.constant 16 : index
          %get3A_1341 = tpu.vector_load %arg15[%get3A_1339, %get3A_1340] {strides = array<i32>} : memref<80x128xi32, #tpu.memory_space<vmem>>, vector<16xi32>,
          %bitcast3A_1342 = vector.bitcast %get3A_1341 : vector<16xi32> to vector<32xbf16>
          %get3A_1343 = arith.index_cast %add3A_1321 : i32 to index
          %get3A_1344 = arith.constant 16 : index
          %get3A_1345 = tpu.vector_load %arg16[%get3A_1343, %get3A_1344] {strides = array<i32>} : memref<80x128xi32, #tpu.memory_space<vmem>>, vector<16xi32>,
          %bitcast3A_1346 = vector.bitcast %get3A_1345 : vector<16xi32> to vector<32xbf16>
          %mul3A_1347 = arith.constant 64 : i32
          %mul3A_1348 = arith.muli %squeeze3A_1323, %mul3A_1347 : i32
          %add3A_1349 = arith.constant 16 : i32
          %add3A_1350 = arith.addi %mul3A_1348, %add3A_1349 : i32
          %get3A_1351 = arith.index_cast %add3A_1350 : i32 to index
          %get3A_1352 = tpu.vector_load %arg17[%get3A_1351] {strides = array<i32>} : memref<4096xi32, #tpu.memory_space<vmem>>, vector<16xi32>,
          %bitcast3A_1353 = vector.bitcast %get3A_1352 : vector<16xi32> to vector<32xbf16>
          %get3A_1354 = arith.index_cast %add3A_1321 : i32 to index
          %get3A_1355 = arith.constant 32 : index
          %get3A_1356 = tpu.vector_load %arg15[%get3A_1354, %get3A_1355] {strides = array<i32>} : memref<80x128xi32, #tpu.memory_space<vmem>>, vector<16xi32>,
          %bitcast3A_1357 = vector.bitcast %get3A_1356 : vector<16xi32> to vector<32xbf16>
          %get3A_1358 = arith.index_cast %add3A_1321 : i32 to index
          %get3A_1359 = arith.constant 32 : index
          %get3A_1360 = tpu.vector_load %arg16[%get3A_1358, %get3A_1359] {strides = array<i32>} : memref<80x128xi32, #tpu.memory_space<vmem>>, vector<16xi32>,
          %bitcast3A_1361 = vector.bitcast %get3A_1360 : vector<16xi32> to vector<32xbf16>
          %mul3A_1362 = arith.constant 64 : i32
          %mul3A_1363 = arith.muli %squeeze3A_1323, %mul3A_1362 : i32
          %add3A_1364 = arith.constant 32 : i32
          %add3A_1365 = arith.addi %mul3A_1363, %add3A_1364 : i32
          %get3A_1366 = arith.index_cast %add3A_1365 : i32 to index
          %get3A_1367 = tpu.vector_load %arg17[%get3A_1366] {strides = array<i32>} : memref<4096xi32, #tpu.memory_space<vmem>>, vector<16xi32>,
          %bitcast3A_1368 = vector.bitcast %get3A_1367 : vector<16xi32> to vector<32xbf16>
          %get3A_1369 = arith.index_cast %add3A_1321 : i32 to index
          %get3A_1370 = arith.constant 48 : index
          %get3A_1371 = tpu.vector_load %arg15[%get3A_1369, %get3A_1370] {strides = array<i32>} : memref<80x128xi32, #tpu.memory_space<vmem>>, vector<16xi32>,
          %bitcast3A_1372 = vector.bitcast %get3A_1371 : vector<16xi32> to vector<32xbf16>
          %get3A_1373 = arith.index_cast %add3A_1321 : i32 to index
          %get3A_1374 = arith.constant 48 : index
          %get3A_1375 = tpu.vector_load %arg16[%get3A_1373, %get3A_1374] {strides = array<i32>} : memref<80x128xi32, #tpu.memory_space<vmem>>, vector<16xi32>,
          %bitcast3A_1376 = vector.bitcast %get3A_1375 : vector<16xi32> to vector<32xbf16>
          %mul3A_1377 = arith.constant 64 : i32
          %mul3A_1378 = arith.muli %squeeze3A_1323, %mul3A_1377 : i32
          %add3A_1379 = arith.constant 48 : i32
          %add3A_1380 = arith.addi %mul3A_1378, %add3A_1379 : i32
          %get3A_1381 = arith.index_cast %add3A_1380 : i32 to index
          %get3A_1382 = tpu.vector_load %arg17[%get3A_1381] {strides = array<i32>} : memref<4096xi32, #tpu.memory_space<vmem>>, vector<16xi32>,
          %bitcast3A_1383 = vector.bitcast %get3A_1382 : vector<16xi32> to vector<32xbf16>
          %mul3A_1384 = arith.mulf %bitcast3A_1145, %bitcast3A_1149 : vector<32xbf16>
          %mul3A_1385 = arith.mulf %mul3A_1384, %bitcast3A_1156 : vector<32xbf16>
          %unpack3A_1386 = tpu.unpack_subelements %mul3A_1385, 0 {pack_format = #tpu.pack_format<interleaved>} : vector<32xbf16> -> vector<16xf32>
          %unpack3A_1387 = tpu.unpack_subelements %mul3A_1385, 1 {pack_format = #tpu.pack_format<interleaved>} : vector<32xbf16> -> vector<16xf32>
          %mul3A_1388 = arith.mulf %bitcast3A_1160, %bitcast3A_1164 : vector<32xbf16>
          %mul3A_1389 = arith.mulf %mul3A_1388, %bitcast3A_1171 : vector<32xbf16>
          %unpack3A_1390 = tpu.unpack_subelements %mul3A_1389, 0 {pack_format = #tpu.pack_format<interleaved>} : vector<32xbf16> -> vector<16xf32>
          %unpack3A_1391 = tpu.unpack_subelements %mul3A_1389, 1 {pack_format = #tpu.pack_format<interleaved>} : vector<32xbf16> -> vector<16xf32>
          %add3A_1392 = arith.addf %unpack3A_1386, %unpack3A_1390 : vector<16xf32>
          %add3A_1393 = arith.addf %unpack3A_1387, %unpack3A_1391 : vector<16xf32>
          %mul3A_1394 = arith.mulf %bitcast3A_1175, %bitcast3A_1179 : vector<32xbf16>
          %mul3A_1395 = arith.mulf %mul3A_1394, %bitcast3A_1186 : vector<32xbf16>
          %unpack3A_1396 = tpu.unpack_subelements %mul3A_1395, 0 {pack_format = #tpu.pack_format<interleaved>} : vector<32xbf16> -> vector<16xf32>
          %unpack3A_1397 = tpu.unpack_subelements %mul3A_1395, 1 {pack_format = #tpu.pack_format<interleaved>} : vector<32xbf16> -> vector<16xf32>
          %add3A_1398 = arith.addf %add3A_1392, %unpack3A_1396 : vector<16xf32>
          %add3A_1399 = arith.addf %add3A_1393, %unpack3A_1397 : vector<16xf32>
          %mul3A_1400 = arith.mulf %bitcast3A_1190, %bitcast3A_1194 : vector<32xbf16>
          %mul3A_1401 = arith.mulf %mul3A_1400, %bitcast3A_1201 : vector<32xbf16>
          %unpack3A_1402 = tpu.unpack_subelements %mul3A_1401, 0 {pack_format = #tpu.pack_format<interleaved>} : vector<32xbf16> -> vector<16xf32>
          %unpack3A_1403 = tpu.unpack_subelements %mul3A_1401, 1 {pack_format = #tpu.pack_format<interleaved>} : vector<32xbf16> -> vector<16xf32>
          %add3A_1404 = arith.addf %add3A_1398, %unpack3A_1402 : vector<16xf32>
          %add3A_1405 = arith.addf %add3A_1399, %unpack3A_1403 : vector<16xf32>
          %add3A_1406 = arith.addf %add3A_1404, %add3A_1405 : vector<16xf32>
          %swap3A_1407 = arith.constant 204 : index
          %swap3A_1408 = tpu.vector_load %arg19[%swap3A_1407] {strides = array<i32>} : memref<272xf32, #tpu.memory_space<vmem>>, vector<16xf32>,
          tpu.vector_store %arg19[%swap3A_1407], %add3A_1406 {strides = array<i32>} : memref<272xf32, #tpu.memory_space<vmem>>, vector<16xf32>,
          %mul3A_1409 = arith.constant 16 : i32
          %mul3A_1410 = arith.muli %add3A_94, %mul3A_1409 : i32
          %add3A_1411 = arith.constant 15 : i32
          %add3A_1412 = arith.addi %mul3A_1410, %add3A_1411 : i32
          %slice3A_1413 = vector.extract_strided_slice %get3A_98 {offsets = [15], sizes = [1], strides = [1]} : vector<16xi32> to vector<1xi32>
          %squeeze3A_1414 = vector.extract %slice3A_1413[0] : i32 from vector<1xi32>
          %get3A_1415 = arith.index_cast %add3A_1412 : i32 to index
          %get3A_1416 = arith.constant 0 : index
          %get3A_1417 = tpu.vector_load %arg15[%get3A_1415, %get3A_1416] {strides = array<i32>} : memref<80x128xi32, #tpu.memory_space<vmem>>, vector<16xi32>,
          %bitcast3A_1418 = vector.bitcast %get3A_1417 : vector<16xi32> to vector<32xbf16>
          %get3A_1419 = arith.index_cast %add3A_1412 : i32 to index
          %get3A_1420 = arith.constant 0 : index
          %get3A_1421 = tpu.vector_load %arg16[%get3A_1419, %get3A_1420] {strides = array<i32>} : memref<80x128xi32, #tpu.memory_space<vmem>>, vector<16xi32>,
          %bitcast3A_1422 = vector.bitcast %get3A_1421 : vector<16xi32> to vector<32xbf16>
          %mul3A_1423 = arith.constant 64 : i32
          %mul3A_1424 = arith.muli %squeeze3A_1414, %mul3A_1423 : i32
          %add3A_1425 = arith.constant 0 : i32
          %add3A_1426 = arith.addi %mul3A_1424, %add3A_1425 : i32
          %get3A_1427 = arith.index_cast %add3A_1426 : i32 to index
          %get3A_1428 = tpu.vector_load %arg17[%get3A_1427] {strides = array<i32>} : memref<4096xi32, #tpu.memory_space<vmem>>, vector<16xi32>,
          %bitcast3A_1429 = vector.bitcast %get3A_1428 : vector<16xi32> to vector<32xbf16>
          %get3A_1430 = arith.index_cast %add3A_1412 : i32 to index
          %get3A_1431 = arith.constant 16 : index
          %get3A_1432 = tpu.vector_load %arg15[%get3A_1430, %get3A_1431] {strides = array<i32>} : memref<80x128xi32, #tpu.memory_space<vmem>>, vector<16xi32>,
          %bitcast3A_1433 = vector.bitcast %get3A_1432 : vector<16xi32> to vector<32xbf16>
          %get3A_1434 = arith.index_cast %add3A_1412 : i32 to index
          %get3A_1435 = arith.constant 16 : index
          %get3A_1436 = tpu.vector_load %arg16[%get3A_1434, %get3A_1435] {strides = array<i32>} : memref<80x128xi32, #tpu.memory_space<vmem>>, vector<16xi32>,
          %bitcast3A_1437 = vector.bitcast %get3A_1436 : vector<16xi32> to vector<32xbf16>
          %mul3A_1438 = arith.constant 64 : i32
          %mul3A_1439 = arith.muli %squeeze3A_1414, %mul3A_1438 : i32
          %add3A_1440 = arith.constant 16 : i32
          %add3A_1441 = arith.addi %mul3A_1439, %add3A_1440 : i32
          %get3A_1442 = arith.index_cast %add3A_1441 : i32 to index
          %get3A_1443 = tpu.vector_load %arg17[%get3A_1442] {strides = array<i32>} : memref<4096xi32, #tpu.memory_space<vmem>>, vector<16xi32>,
          %bitcast3A_1444 = vector.bitcast %get3A_1443 : vector<16xi32> to vector<32xbf16>
          %get3A_1445 = arith.index_cast %add3A_1412 : i32 to index
          %get3A_1446 = arith.constant 32 : index
          %get3A_1447 = tpu.vector_load %arg15[%get3A_1445, %get3A_1446] {strides = array<i32>} : memref<80x128xi32, #tpu.memory_space<vmem>>, vector<16xi32>,
          %bitcast3A_1448 = vector.bitcast %get3A_1447 : vector<16xi32> to vector<32xbf16>
          %get3A_1449 = arith.index_cast %add3A_1412 : i32 to index
          %get3A_1450 = arith.constant 32 : index
          %get3A_1451 = tpu.vector_load %arg16[%get3A_1449, %get3A_1450] {strides = array<i32>} : memref<80x128xi32, #tpu.memory_space<vmem>>, vector<16xi32>,
          %bitcast3A_1452 = vector.bitcast %get3A_1451 : vector<16xi32> to vector<32xbf16>
          %mul3A_1453 = arith.constant 64 : i32
          %mul3A_1454 = arith.muli %squeeze3A_1414, %mul3A_1453 : i32
          %add3A_1455 = arith.constant 32 : i32
          %add3A_1456 = arith.addi %mul3A_1454, %add3A_1455 : i32
          %get3A_1457 = arith.index_cast %add3A_1456 : i32 to index
          %get3A_1458 = tpu.vector_load %arg17[%get3A_1457] {strides = array<i32>} : memref<4096xi32, #tpu.memory_space<vmem>>, vector<16xi32>,
          %bitcast3A_1459 = vector.bitcast %get3A_1458 : vector<16xi32> to vector<32xbf16>
          %get3A_1460 = arith.index_cast %add3A_1412 : i32 to index
          %get3A_1461 = arith.constant 48 : index
          %get3A_1462 = tpu.vector_load %arg15[%get3A_1460, %get3A_1461] {strides = array<i32>} : memref<80x128xi32, #tpu.memory_space<vmem>>, vector<16xi32>,
          %bitcast3A_1463 = vector.bitcast %get3A_1462 : vector<16xi32> to vector<32xbf16>
          %get3A_1464 = arith.index_cast %add3A_1412 : i32 to index
          %get3A_1465 = arith.constant 48 : index
          %get3A_1466 = tpu.vector_load %arg16[%get3A_1464, %get3A_1465] {strides = array<i32>} : memref<80x128xi32, #tpu.memory_space<vmem>>, vector<16xi32>,
          %bitcast3A_1467 = vector.bitcast %get3A_1466 : vector<16xi32> to vector<32xbf16>
          %mul3A_1468 = arith.constant 64 : i32
          %mul3A_1469 = arith.muli %squeeze3A_1414, %mul3A_1468 : i32
          %add3A_1470 = arith.constant 48 : i32
          %add3A_1471 = arith.addi %mul3A_1469, %add3A_1470 : i32
          %get3A_1472 = arith.index_cast %add3A_1471 : i32 to index
          %get3A_1473 = tpu.vector_load %arg17[%get3A_1472] {strides = array<i32>} : memref<4096xi32, #tpu.memory_space<vmem>>, vector<16xi32>,
          %bitcast3A_1474 = vector.bitcast %get3A_1473 : vector<16xi32> to vector<32xbf16>
          %mul3A_1475 = arith.mulf %bitcast3A_1236, %bitcast3A_1240 : vector<32xbf16>
          %mul3A_1476 = arith.mulf %mul3A_1475, %bitcast3A_1247 : vector<32xbf16>
          %unpack3A_1477 = tpu.unpack_subelements %mul3A_1476, 0 {pack_format = #tpu.pack_format<interleaved>} : vector<32xbf16> -> vector<16xf32>
          %unpack3A_1478 = tpu.unpack_subelements %mul3A_1476, 1 {pack_format = #tpu.pack_format<interleaved>} : vector<32xbf16> -> vector<16xf32>
          %mul3A_1479 = arith.mulf %bitcast3A_1251, %bitcast3A_1255 : vector<32xbf16>
          %mul3A_1480 = arith.mulf %mul3A_1479, %bitcast3A_1262 : vector<32xbf16>
          %unpack3A_1481 = tpu.unpack_subelements %mul3A_1480, 0 {pack_format = #tpu.pack_format<interleaved>} : vector<32xbf16> -> vector<16xf32>
          %unpack3A_1482 = tpu.unpack_subelements %mul3A_1480, 1 {pack_format = #tpu.pack_format<interleaved>} : vector<32xbf16> -> vector<16xf32>
          %add3A_1483 = arith.addf %unpack3A_1477, %unpack3A_1481 : vector<16xf32>
          %add3A_1484 = arith.addf %unpack3A_1478, %unpack3A_1482 : vector<16xf32>
          %mul3A_1485 = arith.mulf %bitcast3A_1266, %bitcast3A_1270 : vector<32xbf16>
          %mul3A_1486 = arith.mulf %mul3A_1485, %bitcast3A_1277 : vector<32xbf16>
          %unpack3A_1487 = tpu.unpack_subelements %mul3A_1486, 0 {pack_format = #tpu.pack_format<interleaved>} : vector<32xbf16> -> vector<16xf32>
          %unpack3A_1488 = tpu.unpack_subelements %mul3A_1486, 1 {pack_format = #tpu.pack_format<interleaved>} : vector<32xbf16> -> vector<16xf32>
          %add3A_1489 = arith.addf %add3A_1483, %unpack3A_1487 : vector<16xf32>
          %add3A_1490 = arith.addf %add3A_1484, %unpack3A_1488 : vector<16xf32>
          %mul3A_1491 = arith.mulf %bitcast3A_1281, %bitcast3A_1285 : vector<32xbf16>
          %mul3A_1492 = arith.mulf %mul3A_1491, %bitcast3A_1292 : vector<32xbf16>
          %unpack3A_1493 = tpu.unpack_subelements %mul3A_1492, 0 {pack_format = #tpu.pack_format<interleaved>} : vector<32xbf16> -> vector<16xf32>
          %unpack3A_1494 = tpu.unpack_subelements %mul3A_1492, 1 {pack_format = #tpu.pack_format<interleaved>} : vector<32xbf16> -> vector<16xf32>
          %add3A_1495 = arith.addf %add3A_1489, %unpack3A_1493 : vector<16xf32>
          %add3A_1496 = arith.addf %add3A_1490, %unpack3A_1494 : vector<16xf32>
          %add3A_1497 = arith.addf %add3A_1495, %add3A_1496 : vector<16xf32>
          %swap3A_1498 = arith.constant 221 : index
          %swap3A_1499 = tpu.vector_load %arg19[%swap3A_1498] {strides = array<i32>} : memref<272xf32, #tpu.memory_space<vmem>>, vector<16xf32>,
          tpu.vector_store %arg19[%swap3A_1498], %add3A_1497 {strides = array<i32>} : memref<272xf32, #tpu.memory_space<vmem>>, vector<16xf32>,
          %mul3A_1500 = arith.mulf %bitcast3A_1327, %bitcast3A_1331 : vector<32xbf16>
          %mul3A_1501 = arith.mulf %mul3A_1500, %bitcast3A_1338 : vector<32xbf16>
          %unpack3A_1502 = tpu.unpack_subelements %mul3A_1501, 0 {pack_format = #tpu.pack_format<interleaved>} : vector<32xbf16> -> vector<16xf32>
          %unpack3A_1503 = tpu.unpack_subelements %mul3A_1501, 1 {pack_format = #tpu.pack_format<interleaved>} : vector<32xbf16> -> vector<16xf32>
          %mul3A_1504 = arith.mulf %bitcast3A_1342, %bitcast3A_1346 : vector<32xbf16>
          %mul3A_1505 = arith.mulf %mul3A_1504, %bitcast3A_1353 : vector<32xbf16>
          %unpack3A_1506 = tpu.unpack_subelements %mul3A_1505, 0 {pack_format = #tpu.pack_format<interleaved>} : vector<32xbf16> -> vector<16xf32>
          %unpack3A_1507 = tpu.unpack_subelements %mul3A_1505, 1 {pack_format = #tpu.pack_format<interleaved>} : vector<32xbf16> -> vector<16xf32>
          %add3A_1508 = arith.addf %unpack3A_1502, %unpack3A_1506 : vector<16xf32>
          %add3A_1509 = arith.addf %unpack3A_1503, %unpack3A_1507 : vector<16xf32>
          %mul3A_1510 = arith.mulf %bitcast3A_1357, %bitcast3A_1361 : vector<32xbf16>
          %mul3A_1511 = arith.mulf %mul3A_1510, %bitcast3A_1368 : vector<32xbf16>
          %unpack3A_1512 = tpu.unpack_subelements %mul3A_1511, 0 {pack_format = #tpu.pack_format<interleaved>} : vector<32xbf16> -> vector<16xf32>
          %unpack3A_1513 = tpu.unpack_subelements %mul3A_1511, 1 {pack_format = #tpu.pack_format<interleaved>} : vector<32xbf16> -> vector<16xf32>
          %add3A_1514 = arith.addf %add3A_1508, %unpack3A_1512 : vector<16xf32>
          %add3A_1515 = arith.addf %add3A_1509, %unpack3A_1513 : vector<16xf32>
          %mul3A_1516 = arith.mulf %bitcast3A_1372, %bitcast3A_1376 : vector<32xbf16>
          %mul3A_1517 = arith.mulf %mul3A_1516, %bitcast3A_1383 : vector<32xbf16>
          %unpack3A_1518 = tpu.unpack_subelements %mul3A_1517, 0 {pack_format = #tpu.pack_format<interleaved>} : vector<32xbf16> -> vector<16xf32>
          %unpack3A_1519 = tpu.unpack_subelements %mul3A_1517, 1 {pack_format = #tpu.pack_format<interleaved>} : vector<32xbf16> -> vector<16xf32>
          %add3A_1520 = arith.addf %add3A_1514, %unpack3A_1518 : vector<16xf32>
          %add3A_1521 = arith.addf %add3A_1515, %unpack3A_1519 : vector<16xf32>
          %add3A_1522 = arith.addf %add3A_1520, %add3A_1521 : vector<16xf32>
          %swap3A_1523 = arith.constant 238 : index
          %swap3A_1524 = tpu.vector_load %arg19[%swap3A_1523] {strides = array<i32>} : memref<272xf32, #tpu.memory_space<vmem>>, vector<16xf32>,
          tpu.vector_store %arg19[%swap3A_1523], %add3A_1522 {strides = array<i32>} : memref<272xf32, #tpu.memory_space<vmem>>, vector<16xf32>,
          %mul3A_1525 = arith.mulf %bitcast3A_1418, %bitcast3A_1422 : vector<32xbf16>
          %mul3A_1526 = arith.mulf %mul3A_1525, %bitcast3A_1429 : vector<32xbf16>
          %unpack3A_1527 = tpu.unpack_subelements %mul3A_1526, 0 {pack_format = #tpu.pack_format<interleaved>} : vector<32xbf16> -> vector<16xf32>
          %unpack3A_1528 = tpu.unpack_subelements %mul3A_1526, 1 {pack_format = #tpu.pack_format<interleaved>} : vector<32xbf16> -> vector<16xf32>
          %mul3A_1529 = arith.mulf %bitcast3A_1433, %bitcast3A_1437 : vector<32xbf16>
          %mul3A_1530 = arith.mulf %mul3A_1529, %bitcast3A_1444 : vector<32xbf16>
          %unpack3A_1531 = tpu.unpack_subelements %mul3A_1530, 0 {pack_format = #tpu.pack_format<interleaved>} : vector<32xbf16> -> vector<16xf32>
          %unpack3A_1532 = tpu.unpack_subelements %mul3A_1530, 1 {pack_format = #tpu.pack_format<interleaved>} : vector<32xbf16> -> vector<16xf32>
          %add3A_1533 = arith.addf %unpack3A_1527, %unpack3A_1531 : vector<16xf32>
          %add3A_1534 = arith.addf %unpack3A_1528, %unpack3A_1532 : vector<16xf32>
          %mul3A_1535 = arith.mulf %bitcast3A_1448, %bitcast3A_1452 : vector<32xbf16>
          %mul3A_1536 = arith.mulf %mul3A_1535, %bitcast3A_1459 : vector<32xbf16>
          %unpack3A_1537 = tpu.unpack_subelements %mul3A_1536, 0 {pack_format = #tpu.pack_format<interleaved>} : vector<32xbf16> -> vector<16xf32>
          %unpack3A_1538 = tpu.unpack_subelements %mul3A_1536, 1 {pack_format = #tpu.pack_format<interleaved>} : vector<32xbf16> -> vector<16xf32>
          %add3A_1539 = arith.addf %add3A_1533, %unpack3A_1537 : vector<16xf32>
          %add3A_1540 = arith.addf %add3A_1534, %unpack3A_1538 : vector<16xf32>
          %mul3A_1541 = arith.mulf %bitcast3A_1463, %bitcast3A_1467 : vector<32xbf16>
          %mul3A_1542 = arith.mulf %mul3A_1541, %bitcast3A_1474 : vector<32xbf16>
          %unpack3A_1543 = tpu.unpack_subelements %mul3A_1542, 0 {pack_format = #tpu.pack_format<interleaved>} : vector<32xbf16> -> vector<16xf32>
          %unpack3A_1544 = tpu.unpack_subelements %mul3A_1542, 1 {pack_format = #tpu.pack_format<interleaved>} : vector<32xbf16> -> vector<16xf32>
          %add3A_1545 = arith.addf %add3A_1539, %unpack3A_1543 : vector<16xf32>
          %add3A_1546 = arith.addf %add3A_1540, %unpack3A_1544 : vector<16xf32>
          %add3A_1547 = arith.addf %add3A_1545, %add3A_1546 : vector<16xf32>
          %swap3A_1548 = arith.constant 255 : index
          %swap3A_1549 = tpu.vector_load %arg19[%swap3A_1548] {strides = array<i32>} : memref<272xf32, #tpu.memory_space<vmem>>, vector<16xf32>,
          tpu.vector_store %arg19[%swap3A_1548], %add3A_1547 {strides = array<i32>} : memref<272xf32, #tpu.memory_space<vmem>>, vector<16xf32>,
          %add3A_1550 = arith.constant 0 : i32
          %add3A_1551 = vector.broadcast %add3A_1550 : i32 to vector<16xi32>
          %add3A_1552 = arith.addi %mul3A_5, %add3A_1551 : vector<16xi32>
          %gather3A = tpu.vector_load_idx %arg19[%add3A_1552] : memref<272xf32, #tpu.memory_space<vmem>>[vector<16xi32>], vector<16xf32>,
          %add3A_1553 = arith.constant 1 : i32
          %add3A_1554 = vector.broadcast %add3A_1553 : i32 to vector<16xi32>
          %add3A_1555 = arith.addi %mul3A_5, %add3A_1554 : vector<16xi32>
          %gather3A_1556 = tpu.vector_load_idx %arg19[%add3A_1555] : memref<272xf32, #tpu.memory_space<vmem>>[vector<16xi32>], vector<16xf32>,
          %add3A_1557 = arith.constant 2 : i32
          %add3A_1558 = vector.broadcast %add3A_1557 : i32 to vector<16xi32>
          %add3A_1559 = arith.addi %mul3A_5, %add3A_1558 : vector<16xi32>
          %gather3A_1560 = tpu.vector_load_idx %arg19[%add3A_1559] : memref<272xf32, #tpu.memory_space<vmem>>[vector<16xi32>], vector<16xf32>,
          %add3A_1561 = arith.addf %gather3A, %gather3A_1560 : vector<16xf32>
          %add3A_1562 = arith.constant 3 : i32
          %add3A_1563 = vector.broadcast %add3A_1562 : i32 to vector<16xi32>
          %add3A_1564 = arith.addi %mul3A_5, %add3A_1563 : vector<16xi32>
          %gather3A_1565 = tpu.vector_load_idx %arg19[%add3A_1564] : memref<272xf32, #tpu.memory_space<vmem>>[vector<16xi32>], vector<16xf32>,
          %add3A_1566 = arith.addf %gather3A_1556, %gather3A_1565 : vector<16xf32>
          %add3A_1567 = arith.constant 4 : i32
          %add3A_1568 = vector.broadcast %add3A_1567 : i32 to vector<16xi32>
          %add3A_1569 = arith.addi %mul3A_5, %add3A_1568 : vector<16xi32>
          %gather3A_1570 = tpu.vector_load_idx %arg19[%add3A_1569] : memref<272xf32, #tpu.memory_space<vmem>>[vector<16xi32>], vector<16xf32>,
          %add3A_1571 = arith.addf %add3A_1561, %gather3A_1570 : vector<16xf32>
          %add3A_1572 = arith.constant 5 : i32
          %add3A_1573 = vector.broadcast %add3A_1572 : i32 to vector<16xi32>
          %add3A_1574 = arith.addi %mul3A_5, %add3A_1573 : vector<16xi32>
          %gather3A_1575 = tpu.vector_load_idx %arg19[%add3A_1574] : memref<272xf32, #tpu.memory_space<vmem>>[vector<16xi32>], vector<16xf32>,
          %add3A_1576 = arith.addf %add3A_1566, %gather3A_1575 : vector<16xf32>
          %add3A_1577 = arith.constant 6 : i32
          %add3A_1578 = vector.broadcast %add3A_1577 : i32 to vector<16xi32>
          %add3A_1579 = arith.addi %mul3A_5, %add3A_1578 : vector<16xi32>
          %gather3A_1580 = tpu.vector_load_idx %arg19[%add3A_1579] : memref<272xf32, #tpu.memory_space<vmem>>[vector<16xi32>], vector<16xf32>,
          %add3A_1581 = arith.addf %add3A_1571, %gather3A_1580 : vector<16xf32>
          %add3A_1582 = arith.constant 7 : i32
          %add3A_1583 = vector.broadcast %add3A_1582 : i32 to vector<16xi32>
          %add3A_1584 = arith.addi %mul3A_5, %add3A_1583 : vector<16xi32>
          %gather3A_1585 = tpu.vector_load_idx %arg19[%add3A_1584] : memref<272xf32, #tpu.memory_space<vmem>>[vector<16xi32>], vector<16xf32>,
          %add3A_1586 = arith.addf %add3A_1576, %gather3A_1585 : vector<16xf32>
          %add3A_1587 = arith.constant 8 : i32
          %add3A_1588 = vector.broadcast %add3A_1587 : i32 to vector<16xi32>
          %add3A_1589 = arith.addi %mul3A_5, %add3A_1588 : vector<16xi32>
          %gather3A_1590 = tpu.vector_load_idx %arg19[%add3A_1589] : memref<272xf32, #tpu.memory_space<vmem>>[vector<16xi32>], vector<16xf32>,
          %add3A_1591 = arith.addf %add3A_1581, %gather3A_1590 : vector<16xf32>
          %add3A_1592 = arith.constant 9 : i32
          %add3A_1593 = vector.broadcast %add3A_1592 : i32 to vector<16xi32>
          %add3A_1594 = arith.addi %mul3A_5, %add3A_1593 : vector<16xi32>
          %gather3A_1595 = tpu.vector_load_idx %arg19[%add3A_1594] : memref<272xf32, #tpu.memory_space<vmem>>[vector<16xi32>], vector<16xf32>,
          %add3A_1596 = arith.addf %add3A_1586, %gather3A_1595 : vector<16xf32>
          %add3A_1597 = arith.constant 10 : i32
          %add3A_1598 = vector.broadcast %add3A_1597 : i32 to vector<16xi32>
          %add3A_1599 = arith.addi %mul3A_5, %add3A_1598 : vector<16xi32>
          %gather3A_1600 = tpu.vector_load_idx %arg19[%add3A_1599] : memref<272xf32, #tpu.memory_space<vmem>>[vector<16xi32>], vector<16xf32>,
          %add3A_1601 = arith.addf %add3A_1591, %gather3A_1600 : vector<16xf32>
          %add3A_1602 = arith.constant 11 : i32
          %add3A_1603 = vector.broadcast %add3A_1602 : i32 to vector<16xi32>
          %add3A_1604 = arith.addi %mul3A_5, %add3A_1603 : vector<16xi32>
          %gather3A_1605 = tpu.vector_load_idx %arg19[%add3A_1604] : memref<272xf32, #tpu.memory_space<vmem>>[vector<16xi32>], vector<16xf32>,
          %add3A_1606 = arith.addf %add3A_1596, %gather3A_1605 : vector<16xf32>
          %add3A_1607 = arith.constant 12 : i32
          %add3A_1608 = vector.broadcast %add3A_1607 : i32 to vector<16xi32>
          %add3A_1609 = arith.addi %mul3A_5, %add3A_1608 : vector<16xi32>
          %gather3A_1610 = tpu.vector_load_idx %arg19[%add3A_1609] : memref<272xf32, #tpu.memory_space<vmem>>[vector<16xi32>], vector<16xf32>,
          %add3A_1611 = arith.addf %add3A_1601, %gather3A_1610 : vector<16xf32>
          %add3A_1612 = arith.constant 13 : i32
          %add3A_1613 = vector.broadcast %add3A_1612 : i32 to vector<16xi32>
          %add3A_1614 = arith.addi %mul3A_5, %add3A_1613 : vector<16xi32>
          %gather3A_1615 = tpu.vector_load_idx %arg19[%add3A_1614] : memref<272xf32, #tpu.memory_space<vmem>>[vector<16xi32>], vector<16xf32>,
          %add3A_1616 = arith.addf %add3A_1606, %gather3A_1615 : vector<16xf32>
          %add3A_1617 = arith.constant 14 : i32
          %add3A_1618 = vector.broadcast %add3A_1617 : i32 to vector<16xi32>
          %add3A_1619 = arith.addi %mul3A_5, %add3A_1618 : vector<16xi32>
          %gather3A_1620 = tpu.vector_load_idx %arg19[%add3A_1619] : memref<272xf32, #tpu.memory_space<vmem>>[vector<16xi32>], vector<16xf32>,
          %add3A_1621 = arith.addf %add3A_1611, %gather3A_1620 : vector<16xf32>
          %add3A_1622 = arith.constant 15 : i32
          %add3A_1623 = vector.broadcast %add3A_1622 : i32 to vector<16xi32>
          %add3A_1624 = arith.addi %mul3A_5, %add3A_1623 : vector<16xi32>
          %gather3A_1625 = tpu.vector_load_idx %arg19[%add3A_1624] : memref<272xf32, #tpu.memory_space<vmem>>[vector<16xi32>], vector<16xf32>,
          %add3A_1626 = arith.addf %add3A_1616, %gather3A_1625 : vector<16xf32>
          %add3A_1627 = arith.addf %add3A_1621, %add3A_1626 : vector<16xf32>
          %mul3A_1628 = arith.constant 80 : i32
          %mul3A_1629 = arith.muli %add3A_41, %mul3A_1628 : i32
          %mul3A_1630 = arith.constant 16 : i32
          %mul3A_1631 = arith.muli %add3A_94, %mul3A_1630 : i32
          %add3A_1632 = arith.addi %mul3A_1629, %mul3A_1631 : i32
          %swap3A_1633 = arith.constant 0 : i32
          %swap3A_1634 = arith.index_cast %swap3A_1633 : i32 to index
          %swap3A_1635 = arith.index_cast %add3A_1632 : i32 to index
          %swap3A_1636 = tpu.vector_load %arg18[%swap3A_1634, %swap3A_1635] {strides = array<i32>} : memref<1x10000xf32, #tpu.memory_space<vmem>>, vector<16xf32>,
          tpu.vector_store %arg18[%swap3A_1634, %swap3A_1635], %add3A_1627 {strides = array<i32>} : memref<1x10000xf32, #tpu.memory_space<vmem>>, vector<16xf32>,
        }
        %scan3A_89 = arith.constant 5 : i32
      } else {
      }
    }
    %scan3A_36 = arith.constant 125 : i32
    "tpu.region"() ({
      %run_scoped3A = tpu.sem_alloc : memref<!tpu.dma_semaphore, #tpu.memory_space<semaphore_mem>>
      %dma_start3A_37 = arith.constant 0 : i32
      %dma_start3A_38 = arith.constant 0 : i32
      %dma_start3A_39 = tpu.memref_slice %arg7[%add3A, %dma_start3A_37, %dma_start3A_38] : memref<32x1x10000xf32, #tpu.memory_space<hbm>> -> memref<1x1x10000xf32, #tpu.memory_space<hbm>>
      %dma_start3A_40 = tpu.memref_squeeze %dma_start3A_39 : memref<1x1x10000xf32, #tpu.memory_space<hbm>> -> memref<1x10000xf32, #tpu.memory_space<hbm>>
      %dma_start3A_41 = arith.constant 0 : i32
      %dma_start3A_42 = arith.constant 0 : i32
      %dma_start3A_43 = tpu.memref_slice %arg7[%add3A, %dma_start3A_41, %dma_start3A_42] : memref<32x1x10000xf32, #tpu.memory_space<hbm>> -> memref<1x1x10000xf32, #tpu.memory_space<hbm>>
      %dma_start3A_44 = tpu.memref_squeeze %dma_start3A_43 : memref<1x1x10000xf32, #tpu.memory_space<hbm>> -> memref<1x10000xf32, #tpu.memory_space<hbm>>
      tpu.enqueue_dma source(%arg18 : memref<1x10000xf32, #tpu.memory_space<vmem>>) target(%dma_start3A_44 : memref<1x10000xf32, #tpu.memory_space<hbm>>) target_semaphore(%run_scoped3A : memref<!tpu.dma_semaphore, #tpu.memory_space<semaphore_mem>>)
      %dma_wait3A = arith.constant 0 : i32
      %dma_wait3A_45 = arith.constant 0 : i32
      %dma_wait3A_46 = tpu.memref_slice %arg7[%add3A, %dma_wait3A, %dma_wait3A_45] : memref<32x1x10000xf32, #tpu.memory_space<hbm>> -> memref<1x1x10000xf32, #tpu.memory_space<hbm>>
      %dma_wait3A_47 = tpu.memref_squeeze %dma_wait3A_46 : memref<1x1x10000xf32, #tpu.memory_space<hbm>> -> memref<1x10000xf32, #tpu.memory_space<hbm>>
      %dma_wait3A_48 = arith.constant 0 : i32
      %dma_wait3A_49 = arith.constant 0 : i32
      %dma_wait3A_50 = tpu.memref_slice %arg7[%add3A, %dma_wait3A_48, %dma_wait3A_49] : memref<32x1x10000xf32, #tpu.memory_space<hbm>> -> memref<1x1x10000xf32, #tpu.memory_space<hbm>>
      %dma_wait3A_51 = tpu.memref_squeeze %dma_wait3A_50 : memref<1x1x10000xf32, #tpu.memory_space<hbm>> -> memref<1x10000xf32, #tpu.memory_space<hbm>>
      tpu.wait_dma2 semaphore(%run_scoped3A : memref<!tpu.dma_semaphore, #tpu.memory_space<semaphore_mem>>) src(%arg18 : memref<1x10000xf32, #tpu.memory_space<vmem>>) dst(%dma_wait3A_51 : memref<1x10000xf32, #tpu.memory_space<hbm>>)
      tpu.yield
    }) : () -> ()
    return
  }
}

</mosaic_0001>

<sc_bundles>
// kernel: kernel.3.cloned.1.call-start
scs
__scs_entry_jumppad:
0x0: {  	(pc) =	sbr.rel $0x88, $3  }
0x1: {  	(tag) =	ssettag $0x0;
	lr =	simm.s32 $0x1  }
0x2: {  	[smem:$0x3F9D] =	sst lr;
	_ =	strace $0xD0000000  }
0x3: {  	_ = 	snop  }
0x4: {  	_ = 	snop  }
0x5: {  	_ = 	snop  }
0x6: {  	_ = 	snop  }
0x7: {  	_ = 	snop  }
__scs_overlays_trampoline_lowered:
0x8: {  	[smem:$0x3FAC] =	sst s0  }
0x9: {  	[smem:$0x3FAD] =	sst s1  }
0xa: {  	[smem:$0x3FAE] =	sst s2  }
0xb: {  	[smem:$0x3FAF] =	sst s3  }
0xc: {  	[smem:$0x3FB0] =	sst s4  }
0xd: {  	[smem:$0x3FB1] =	sst s5  }
0xe: {  	[smem:$0x3FB2] =	sst s6  }
0xf: {  	[smem:$0x3FB3] =	sst s7  }
0x10: {  	[smem:$0x3FB4] =	sst s8  }
0x11: {  	[smem:$0x3FB5] =	sst s9;
	s0 =	simm.s32 @!p0 $0x0  }
0x12: {  	s1 =	sld [smem:$0x3F9B];
	s0 =	simm.s32 @p0 $0x1  }
0x13: {  	[smem:$0x3FB6] =	sst s0;
	s0 =	simm.s32 @!p1 $0x0  }
0x14: {  	s2 =	sld [smem:$0x3F9A];
	s0 =	simm.s32 @p1 $0x1  }
0x15: {  	[smem:$0x3FB7] =	sst s0;
	s0 =	simm.s32 @!p2 $0x0  }
0x16: {  	s3 =	sld [smem:$0x3FDB];
	s0 =	simm.s32 @p2 $0x1  }
0x17: {  	s4 =	simm.s32 $0x1BF5;
	[smem:$0x3FB9] =	sst s0  }
0x18: {  	s0 =	sld [smem:$0x3F9C];
	_ =	swait.ge [sflag:s4], $0x0  }
0x19: {  	s7 =	sld [smem:$0x3F9D]  }
0x1a: {  	s8 =	sadd.s32 $0xFFFFE003, lr  }
0x1b: {  	s9 =	sadd.s32 $0xFFFFFEF7, lr;
	s5 =	simm.s32 $0xFFFFFFFF;
	p2 =	slt.u32 s8, $0xFFFFF086  }
0x1c: {  	p1 =	slt.u32 s9, $0xF7A;
	s5 =	simm.s32 @!p2 $0x0  }
0x1d: {  	s5 =	simm.s32 @p1 $0x1;
	p0 =	seq.s32 s7, s2  }
0x1e: {  	s7 =	smul.u32 @!p0 $0xF7A, s2;
	p2 =	seq.s32 @!p0 s5, $0x0  }
0x1f: {  	s9 =	smul.u32 $0xF7A, s1;
	s8 =	simm.s32 @!p0 $0x1BF5;
	p2 =	por !p2, p0  }
0x20: {  	[sflag:s8] =	ssyncset.s32 @!p0 $0xFFFFF086;
	s6 =	sadd.s32 @!p0 s3, s7;
	s7 =	simm.s32 @!p0 $0x108  }
0x21: {  	s3 =	sadd.s32 s3, s9;
	s6 =	sadd.s32 @!p0 $0x88, s6;
	s7 =	simm.s32 @p2 $0x1082  }
0x22: {  	[simem:s7], [sflag:s8] =	dma.local @!p0 [hbm:s6], $0xF7A  }
0x23: {  	s9 =	sor.u32 $0xD0000000, s2;
	s6 =	simm.s32 $0x108;
	_ =	swait.ge @!p0 [sflag:s8], $0x0  }
0x24: {  	s3 =	sadd.s32 $0x88, s3;
	s6 =	simm.s32 @!p1 $0x1082;
	[sflag:s4] =	ssyncset.s32 $0xFFFFF086  }
0x25: {  	[simem:s6], [sflag:s4] =	dma.local [hbm:s3], $0xF7A  }
0x26: {  	[smem:$0x3F9D] =	sst s1;
	(tag) =	ssettag s2;
	_ =	strace s9  }
0x27: {  	s1 =	sld [smem:$0x3FAD]  }
0x28: {  	s2 =	sld [smem:$0x3FAE]  }
0x29: {  	s4 =	sld [smem:$0x3FB0]  }
0x2a: {  	p0 =	seq.s32 s5, $0x0;
	s5 =	sld [smem:$0x3FB1]  }
0x2b: {  	s6 =	sld [smem:$0x3FB2]  }
0x2c: {  	s7 =	sld [smem:$0x3FB3]  }
0x2d: {  	s3 =	simm.s32 $0x108;
	s8 =	sld [smem:$0x3FB4]  }
0x2e: {  	s3 =	simm.s32 @!p0 $0x1082;
	s9 =	sld [smem:$0x3FB5]  }
0x2f: {  	lr =	sadd.s32 s0, s3;
	s0 =	sld [smem:$0x3FAC]  }
0x30: {  	s3 =	sld [smem:$0x3FAF]  }
0x31: {  	[smem:$0x3FB8] =	sst s10  }
0x32: {  	s10 =	sld [smem:$0x3FB6];
	_ =	sdelay $0x3  }
0x33: {  	p0 =	seq.s32 s10, $0x1;
	s10 =	sld [smem:$0x3FB8];
	_ =	sdelay $0x3  }
0x34: {  	[smem:$0x3FB8] =	sst s10  }
0x35: {  	s10 =	sld [smem:$0x3FB7];
	_ =	sdelay $0x3  }
0x36: {  	p1 =	seq.s32 s10, $0x1;
	s10 =	sld [smem:$0x3FB8];
	_ =	sdelay $0x3  }
0x37: {  	[smem:$0x3FB8] =	sst s10  }
0x38: {  	s10 =	sld [smem:$0x3FB9]  }
0x39: {  	_ = 	snop;
	(pc) =	sbr.ind lr, $3  }
0x3a: {  	_ = 	snop  }
0x3b: {  	_ = 	snop  }
0x3c: {  	p2 =	seq.s32 s10, $0x1;
	s10 =	sld [smem:$0x3FB8]  }
0x3d: {  	_ =	shalt  }
0x3e: {  	_ =	shalt  }
0x3f: {  	_ =	shalt  }
0x40: {  	_ =	shalt  }
0x41: {  	_ =	shalt  }
0x42: {  	_ =	shalt  }
0x43: {  	_ =	shalt  }
0x44: {  	_ =	shalt  }
0x45: {  	_ =	shalt  }
0x46: {  	_ =	shalt  }
0x47: {  	_ =	shalt  }
0x48: {  	_ =	shalt  }
0x49: {  	_ =	shalt  }
0x4a: {  	_ =	shalt  }
0x4b: {  	_ =	shalt  }
0x4c: {  	_ =	shalt  }
0x4d: {  	_ =	shalt  }
0x4e: {  	_ =	shalt  }
0x4f: {  	_ =	shalt  }
0x50: {  	_ =	shalt  }
0x51: {  	_ =	shalt  }
0x52: {  	_ =	shalt  }
0x53: {  	_ =	shalt  }
0x54: {  	_ =	shalt  }
0x55: {  	_ =	shalt  }
0x56: {  	_ =	shalt  }
0x57: {  	_ =	shalt  }
0x58: {  	_ =	shalt  }
0x59: {  	_ =	shalt  }
0x5a: {  	_ =	shalt  }
0x5b: {  	_ =	shalt  }
0x5c: {  	_ =	shalt  }
0x5d: {  	_ =	shalt  }
0x5e: {  	_ =	shalt  }
0x5f: {  	_ =	shalt  }
0x60: {  	_ =	shalt  }
0x61: {  	_ =	shalt  }
0x62: {  	_ =	shalt  }
0x63: {  	_ =	shalt  }
0x64: {  	_ =	shalt  }
0x65: {  	_ =	shalt  }
0x66: {  	_ =	shalt  }
0x67: {  	_ =	shalt  }
0x68: {  	_ =	shalt  }
0x69: {  	_ =	shalt  }
0x6a: {  	_ =	shalt  }
0x6b: {  	_ =	shalt  }
0x6c: {  	_ =	shalt  }
0x6d: {  	_ =	shalt  }
0x6e: {  	_ =	shalt  }
0x6f: {  	_ =	shalt  }
0x70: {  	_ =	shalt  }
0x71: {  	_ =	shalt  }
0x72: {  	_ =	shalt  }
0x73: {  	_ =	shalt  }
0x74: {  	_ =	shalt  }
0x75: {  	_ =	shalt  }
0x76: {  	_ =	shalt  }
0x77: {  	_ =	shalt  }
0x78: {  	_ =	shalt  }
0x79: {  	_ =	shalt  }
0x7a: {  	_ =	shalt  }
0x7b: {  	_ =	shalt  }
0x7c: {  	_ =	shalt  }
0x7d: {  	_ =	shalt  }
0x7e: {  	_ =	shalt  }
0x7f: {  	_ =	shalt  }
0x80: {  	_ =	shalt  }
0x81: {  	_ =	shalt  }
0x82: {  	_ =	shalt  }
0x83: {  	_ =	shalt  }
0x84: {  	_ =	shalt  }
0x85: {  	_ =	shalt  }
0x86: {  	_ =	shalt  }
0x87: {  	_ =	shalt  }
.Lfunc_end0:
.L_simem_size_0:
called_computation_lowered:
.L_overlay_start_0:
0x88: {  	s2 =	sld [smem:$0x3FD9]  }
0x89: {  	s3 =	sld [smem:$0x3FFE];
	_ =	sdelay $0x1  }
0x8a: {  	s1 =	srdreg.scid  }
0x8b: {  	s0 =	sand.u32 $0x1, s1  }
0x8c: {  	s17 =	sshll.u32 s0, $0xA;
	s2 =	sadd.s32 s3, s2  }
0x8d: {  	s2 =	sadd.s32 s2, s17  }
0x8e: {  	[smem:$0x3FC4] =	sst s2  }
0x8f: {  	_ = 	snop  }
0x90: {  	s2 =	sld [smem:$0x3FD0];
	(tm) =	ssettm $0x1  }
0x91: {  	s18 =	sld [smem:$0x3FFB];
	_ =	sdelay $0x3  }
0x92: {  	_ =	strace s18  }
0x93: {  	s3 =	sld [smem:$0x3FFC];
	_ =	sdelay $0x3  }
0x94: {  	_ =	strace s3  }
0x95: {  	s3 =	sld [smem:$0x3FFD];
	_ =	sdelay $0x3  }
0x96: {  	_ =	strace s3  }
0x97: {  	_ =	strace $0x8FFFFFFF  }
0x98: {  	s19 =	sld [smem:$0x3FDB];
	_ =	sdelay $0x1  }
0x99: {  	s4 =	simm.s32 $_scs_section_size  }
0x9a: {  	s5 =	simm.s32 $_size__tile_overlayer_lowered;
	s6 =	simm.s32 $_tile_overlayer_lowered  }
0x9b: {  	s22 =	simm.s32 $0x1BFF;
	s21 =	sshll.u32 s6, $0x1;
	s3 =	sadd.s32 s4, s19  }
0x9c: {  	s7 =	simm.s32 $0x0;
	s20 =	sshll.u32 s5, $0x1;
	s5 =	sadd.s32 s21, s3  }
0x9d: {  	[timem:s7], [sflag:s22] =	dma.local [hbm:s5], s20  }
0x9e: {  	_ =	swait.ge [sflag:s22], s20  }
0x9f: {  	s4 =	ssub.s32 $0x0, s20;
	[sflag:s22] =	ssyncset.done $0x0  }
0xa0: {  	[sflag:s22] =	ssyncadd.s32 s4;
	_ =	sdelay $0x1  }
0xa1: {  	s23 =	simm.s32 $0x1B8B  }
0xa2: {  	_ =	swait.ge [sflag:s23], $0x1  }
0xa3: {  	[sflag:s23] =	ssyncset.done $0x0  }
0xa4: {  	s25 =	simm.s32 $0x1B8E;
	s24 =	sld [smem:$0x3FFE];
	[sflag:s23] =	ssyncadd.s32 $0xFFFFFFFF  }
0xa5: {  	s26 =	simm.s32 $execute0_lowered;
	[smem:$0x3FD2] =	sst s25  }
0xa6: {  	s5 =	sshll.u32 s26, $0x1;
	_ =	strace $0x80000046;
	[dreg:$0x1] =	wrdreg $0xFFFFFFFF  }
0xa7: {  	s28 =	simm.s32 $_size_execute0_lowered;
	s3 =	sadd.s32 s3, s5;
	[dreg:$0x0] =	wrdreg $0x0  }
0xa8: {  	s5 =	sshll.u32 s28, $0x1;
	[dreg:$0x2] =	wrdreg s3  }
0xa9: {  	[dreg:$0x3] =	wrdreg s5  }
0xaa: {  	[dreg:$0x4] =	wrdreg $0xC0  }
0xab: {  	_ =	task [dreg:s7], $0x5FFFF  }
0xac: {  	[dreg:$0x1] =	wrdreg $0xFFFFFFFF  }
0xad: {  	[dreg:$0x0] =	wrdreg $0x60  }
0xae: {  	[dreg:$0x2] =	wrdreg s24  }
0xaf: {  	[dreg:$0x3] =	wrdreg s2  }
0xb0: {  	[dreg:$0x4] =	wrdreg $0x9  }
0xb1: {  	_ =	task.clear_ibuf [dreg:s7], $0x5FFFF;
	_ =	strace $0x90000046  }
0xb2: {  	s29 =	simm.s32 $0x9;
	_ =	strace $0x80000048  }
0xb3: {  	_ =	swait.ge [sflag:s29], $0x1  }
0xb4: {  	[sflag:s29] =	ssyncadd.s32 $0xFFFFFFFF  }
0xb5: {  	_ =	strace $0x90000048  }
0xb6: {  	_ =	sfence  }
0xb7: {  	s30 =	sld [smem:$0x0];
	_ =	sdelay $0x2  }
0xb8: {  	s31 =	sshll.u32 s1, $0xD;
	s1 =	sshrl.u32 s1, $0x2  }
0xb9: {  	s3 =	sand.u32 $0x4000, s31;
	s1 =	sadd.s32 s1, s30  }
0xba: {  	s0 =	sor.u32 s3, s0;
	s1 =	sshll.u32 s1, $0x11  }
0xbb: {  	s0 =	sor.u32 s1, s0  }
0xbc: {  	s0 =	sadd.s32 $0x8F2B, s0  }
0xbd: {  	[sflag:s0] =	ssyncadd.remote.s32 $0x1  }
0xbe: {  	_ =	sfence.sel $0xFFFF  }
0xbf: {  	[dreg:$0x0] =	wrdreg $0xFFFFFFFF;
	(pc) =	sbr.abs _section_cstart, $3  }
0xc0: {  	[dreg:$0x1] =	wrdreg $0xFFFFFFFF  }
0xc1: {  	_ =	task.clear_ibuf [dreg:s7], $0x2FFFF;
	_ =	strace $0x9FFFFFFF  }
0xc2: {  	(tm) =	ssettm $0x7FFFFFFF  }
0xc3: {  	_ =	shalt  }
tec
execute0_lowered:
.L_overlay_start_1:
0x0: {  	(tag) =	ssettag $0x1  }
0x1: {  	s2 =	rddreg [dreg:$0x0];
	s0 =	srdreg.scid  }
0x2: {  	s1 =	stileid.u32;
	s4 =	simm.s32 $0x0;
	s10 =	simm.s32 $0x4  }
0x3: {  	s11 =	simm.s32 $0x4000;
	s12 =	simm.s32 $0x1B000;
	s13 =	simm.s32 $0x50  }
0x4: {  	s14 =	simm.s32 $0xC000;
	s15 =	simm.s32 $0xE800;
	s16 =	simm.s32 $0x80  }
0x5: {  	s17 =	simm.s32 $0x11000;
	s18 =	simm.s32 $0x4080;
	s19 =	simm.s32 $0x13800  }
0x6: {  	v0 =	vlaneseq.u32;
	s20 =	simm.s32 $0x3;
	s21 =	simm.s32 $0x1E780;
	s22 =	simm.s32 $0x1C000  }
0x7: {  	s23 =	simm.s32 $0x2;
	s24 =	simm.s32 $0x1;
	s25 =	simm.s32 $0x0;
	v0 =	vmul.u32 $0x11, v0  }
0x8: {  	s0 =	sand.u32 $0x1, s0;
	s1 =	sshll.u32 s1, $0x1;
	[smem:$0x7FF] =	sst s4  }
.Ltmp0:
0x9: {  	s1 =	sor.u32 s0, s1;
	s0 =	ssub.s32 $0x2, s0;
	v1 =	vadd.s32 $0x1, v0;
	v2 =	vadd.s32 $0x2, v0;
	v3 =	vadd.s32 $0x3, v0;
	(pc) =	sbr.rel .LBB2_1-.Ltmp0, $4  }
0xa: {  	s5 =	smul.u32 $0x4F0, s1;
	s1 =	sshll.u32 s1, $0xB;
	s6 =	sshrl.u32 s0, $0x1;
	v4 =	vadd.s32 $0x4, v0;
	v5 =	vadd.s32 $0x5, v0;
	v6 =	vadd.s32 $0x6, v0  }
0xb: {  	_ =	strace $0x80000047;
	v7 =	vadd.s32 $0x7, v0;
	v8 =	vadd.s32 $0x8, v0;
	v9 =	vadd.s32 $0x9, v0;
	s1 =	sadd.s32 s1, s2;
	s0 =	ssub.s32 s0, s6  }
0xc: {  	v10 =	vadd.s32 $0xA, v0;
	v11 =	vadd.s32 $0xB, v0;
	v12 =	vadd.s32 $0xC, v0;
	s8 =	sadd.s32 s5, s2;
	s5 =	sadd.s32 $0x27200, s1;
	s6 =	sadd.s32 $0x37200, s1  }
0xd: {  	v13 =	vadd.s32 $0xD, v0;
	v14 =	vadd.s32 $0xE, v0;
	v15 =	vadd.s32 $0xF, v0;
	s7 =	sadd.s32 $0x47200, s1;
	s9 =	smax.u32 s0, $0x1;
	s8 =	sadd.s32 $0x57200, s8  }
.LBB2_11:
0xe: {  	s25 =	sadd.s32 $0x1, s25  }
0xf: {  	p0 =	sne.s32 s25, s9  }
.Ltmp1:
0x10: {  	_ = 	snop;
	(pc) =	sbr.rel @!p0 .LBB2_12-.Ltmp1, $4  }
0x11: {  	[hbm4b:s8+s4] =	stream.linear.scatter [tilespmem:s22], [sflag:$0x4], $0x2780, $0x38;
	[tilespmem:$0x1E900] =	vst v63  }
0x12: {  	_ =	swait.ge [sflag:s10], $0x2780  }
0x13: {  	[sflag:s10] =	ssyncset.done $0x0  }
0x14: {  	[sflag:s10] =	ssyncadd.s32 $0xFFFFD880  }
.LBB2_1:
0x15: {  	[tilespmem:s4], [sflag:$0x4] =	stream.linear.gather [hbm4b:s5+s4], $0x3E80, $0x38;
	[tilespmem:$0x1E900] =	vst v63  }
0x16: {  	_ =	swait.ge [sflag:s10], $0x3E80  }
0x17: {  	[sflag:s10] =	ssyncset.done $0x0  }
0x18: {  	[sflag:s10] =	ssyncadd.s32 $0xFFFFC180  }
0x19: {  	[tilespmem:s11], [sflag:$0x4] =	stream.linear.gather [hbm4b:s6+s4], $0x3E80, $0x38;
	[tilespmem:$0x1E900] =	vst v63  }
0x1a: {  	_ =	swait.ge [sflag:s10], $0x3E80  }
0x1b: {  	[sflag:s10] =	ssyncset.done $0x0  }
0x1c: {  	s26 =	simm.s32 $0x8000;
	[sflag:s10] =	ssyncadd.s32 $0xFFFFC180  }
0x1d: {  	[tilespmem:s26], [sflag:$0x4] =	stream.linear.gather [hbm4b:s7+s4], $0x3E80, $0x38;
	[tilespmem:$0x1E900] =	vst v63  }
0x1e: {  	_ =	swait.ge [sflag:s10], $0x3E80  }
0x1f: {  	[sflag:s10] =	ssyncset.done $0x0  }
0x20: {  	[sflag:s10] =	ssyncadd.s32 $0xFFFFC180  }
0x21: {  	s0 =	rddreg [dreg:$0x1]  }
0x22: {  	[tilespmem:s12], [sflag:$0x4] =	stream.linear.gather [hbm4b:s0+s4], $0x1000, $0x38;
	[tilespmem:$0x1E900] =	vst v63  }
0x23: {  	_ =	swait.ge [sflag:s10], $0x1000  }
0x24: {  	[sflag:s10] =	ssyncset.done $0x0  }
0x25: {  	[sflag:s10] =	ssyncadd.s32 $0xFFFFF000  }
0x26: {  	[tilespmem:s14], [sflag:$0x1] =	stream.indirect.gather [hbm4b:s2+s13], $0x80, s4, s13, $0xb8;
	[tilespmem:$0x1E900] =	vst v63  }
0x27: {  	_ = 	snop  }
0x28: {  	[tilespmem:s15], [sflag:$0x1] =	stream.indirect.gather [hbm4b:s2+s13], $0x80, s11, s13, $0xb8;
	[tilespmem:$0x1E900] =	vst v63  }
.Ltmp2:
0x29: {  	_ = 	snop;
	(pc) =	sbr.rel .LBB2_2-.Ltmp2, $4  }
0x2a: {  	_ = 	snop  }
0x2b: {  	[tilespmem:s17], [sflag:$0x2] =	stream.indirect.gather [hbm4b:s2+s13], $0x80, s16, s13, $0xb8;
	[tilespmem:$0x1E900] =	vst v63  }
0x2c: {  	s28 =	simm.s32 $0x1C000;
	s29 =	simm.s32 $0x0  }
0x2d: {  	[tilespmem:s19], [sflag:$0x2] =	stream.indirect.gather [hbm4b:s2+s13], $0x80, s18, s13, $0xb8;
	[tilespmem:$0x1E900] =	vst v63  }
.LBB2_10:
0x2e: {  	s29 =	sadd.s32 $0x1, s29  }
0x2f: {  	p0 =	sne.s32 s29, $0x7D  }
.Ltmp3:
0x30: {  	_ = 	snop;
	(pc) =	sbr.rel @!p0 .LBB2_11-.Ltmp3, $2  }
0x31: {  	_ =	sdelay $0x2  }
0x32: {  	s28 =	sadd.s32 $0x50, s28;
	s26 =	sadd.s32 $0x80, s26  }
.LBB2_2:
0x33: {  	s0 =	smul.u32 $0xAB, s29;
	_ =	sdelay $0x1  }
0x34: {  	s0 =	sshrl.u32 s0, $0x9  }
0x35: {  	s0 =	sand.u32 $0x7F, s0  }
0x36: {  	s0 =	smul.u32 $0x3, s0;
	_ =	sdelay $0x1  }
0x37: {  	s0 =	ssub.s32 s29, s0  }
0x38: {  	s1 =	sand.u32 $0xFF, s0  }
0x39: {  	p1 =	seq.s32 s1, $0x2  }
.Ltmp4:
0x3a: {  	_ = 	snop;
	(pc) =	sbr.rel @p1 .LBB2_8-.Ltmp4, $3  }
0x3b: {  	_ =	sdelay $0x1  }
0x3c: {  	p0 =	sgt.u32 s29, $0x7A  }
0x3d: {  	s0 =	sshll.u32 @!p0 s29, $0x7  }
0x3e: {  	p1 =	seq.s32 s1, $0x1  }
.Ltmp5:
0x3f: {  	_ = 	snop;
	(pc) =	sbr.rel @!p1 .LBB2_4-.Ltmp5, $1  }
0x40: {  	_ =	sdelay $0x3  }
0x41: {  	_ =	swait.ge [sflag:s23], $0x2800  }
0x42: {  	[sflag:s23] =	ssyncset.done $0x0  }
0x43: {  	[sflag:s23] =	ssyncadd.s32 $0xFFFFD800  }
0x44: {  	_ =	swait.ge [sflag:s23], $0x2800  }
0x45: {  	s1 =	sadd.s32 @!p0 $0x100, s0;
	[sflag:s23] =	ssyncset.done $0x0  }
0x46: {  	s3 =	simm.s32 @!p0 $0x50;
	s30 =	simm.s32 @!p0 $0xC000;
	[sflag:s23] =	ssyncadd.s32 $0xFFFFD800  }
0x47: {  	v16 =	vmov s26;
	[tilespmem:s30], [sflag:$0x1] =	stream.indirect.gather @!p0 [hbm4b:s2+s3], $0x80, s1, s3, $0xb8;
	[tilespmem:$0x1E900] =	vst v63  }
0x48: {  	s0 =	sadd.s32 @!p0 $0x4100, s0;
	s1 =	simm.s32 @!p0 $0xE800  }
0x49: {  	[tilespmem:s1], [sflag:$0x1] =	stream.indirect.gather @!p0 [hbm4b:s2+s3], $0x80, s0, s3, $0xb8;
	[tilespmem:$0x1E900] =	vst v63  }
0x4a: {  	s31 =	simm.s32 $0x11400;
	v17 =	vmov s28;
	s30 =	simm.s32 $0x0;
	s1 =	simm.s32 $0x13C00  }
.LBB2_7:
0x4b: {  	s0 =	sshra.s32 s30, $0x2  }
0x4c: {  	v18 =	vld.idx.msk [tilespmem:v16+s0+$0x0 ss:$0x1], $0xffff;
	_ =	sdelay $0x4  }
0x4d: {  	v18 =	vshll.u32 v18, $0x8  }
0x4e: {  	v19 =	vld [tilespmem:s31+$0xFFFFFC00];
	v18 =	vshra.s32 v18, $0x2  }
0x4f: {  	v20 =	vld [tilespmem:s1+$0xFFFFFC00];
	(v2sf) =	vpush v18, $0x0  }
0x50: {  	v22 =	vld [tilespmem:s31+$0xFFFFFC10]  }
0x51: {  	v23 =	vld [tilespmem:s1+$0xFFFFFC10]  }
0x52: {  	v25 =	vld [tilespmem:s31+$0xFFFFFC20]  }
0x53: {  	v26 =	vld [tilespmem:s1+$0xFFFFFC20]  }
0x54: {  	v28 =	vld [tilespmem:s31+$0xFFFFFC30]  }
0x55: {  	v29 =	vld [tilespmem:s1+$0xFFFFFC30];
	(v2sf) =	vpush v18, $0x1  }
0x56: {  	v31 =	vld [tilespmem:s31+$0xFFFFFC80]  }
0x57: {  	v32 =	vld [tilespmem:s1+$0xFFFFFC80]  }
0x58: {  	v34 =	vld [tilespmem:s31+$0xFFFFFC90]  }
0x59: {  	v35 =	vld [tilespmem:s1+$0xFFFFFC90]  }
0x5a: {  	v37 =	vld [tilespmem:s31+$0xFFFFFCA0]  }
0x5b: {  	v38 =	vld [tilespmem:s1+$0xFFFFFCA0]  }
0x5c: {  	v40 =	vld [tilespmem:s31+$0xFFFFFCB0]  }
0x5d: {  	v41 =	vld [tilespmem:s1+$0xFFFFFCB0]  }
0x5e: {  	v43 =	vld [tilespmem:s31+$0xFFFFFD10];
	s3 =	spop (v2sf);
	(v2sf) =	vpush v18, $0x2  }
0x5f: {  	v51 =	vld [tilespmem:s31+$0xFFFFFD20]  }
0x60: {  	v21 =	vld [tilespmem:s3+$0x1B000]  }
0x61: {  	v24 =	vld [tilespmem:s3+$0x1B010]  }
0x62: {  	v27 =	vld [tilespmem:s3+$0x1B020]  }
0x63: {  	v52 =	vld [tilespmem:s1+$0xFFFFFD20];
	v19 =	vmul.bf16 v20, v19  }
0x64: {  	v44 =	vmul.bf16 v23, v22;
	v30 =	vld [tilespmem:s3+$0x1B030];
	s3 =	spop (v2sf);
	(v2sf) =	vpush v18, $0x3  }
0x65: {  	v55 =	vld [tilespmem:s31+$0xFFFFFD30];
	v46 =	vmul.bf16 v26, v25;
	v19 =	vmul.bf16 v21, v19  }
0x66: {  	v56 =	vld [tilespmem:s1+$0xFFFFFD30];
	v20 =	vmul.bf16 v24, v44  }
0x67: {  	v23 =	vld [tilespmem:s31+$0xFFFFFD00];
	v48 =	vmul.bf16 v29, v28;
	v24 =	vmul.bf16 v27, v46;
	v47 =	vunpack.i.u.bf16.f32 v19  }
0x68: {  	v28 =	vld [tilespmem:s1+$0xFFFFFD10];
	v19 =	vunpack.i.l.bf16.f32 v19;
	v42 =	vunpack.i.u.bf16.f32 v20;
	v20 =	vunpack.i.l.bf16.f32 v20  }
0x69: {  	v33 =	vld [tilespmem:s3+$0x1B000];
	v19 =	vadd.f32 v20, v19;
	v49 =	vadd.f32 v42, v47  }
0x6a: {  	v36 =	vld [tilespmem:s3+$0x1B010];
	v27 =	vmul.bf16 v30, v48;
	v50 =	vunpack.i.u.bf16.f32 v24;
	v24 =	vunpack.i.l.bf16.f32 v24  }
0x6b: {  	v39 =	vld [tilespmem:s3+$0x1B020];
	v19 =	vadd.f32 v24, v19;
	v20 =	vadd.f32 v50, v49  }
0x6c: {  	v45 =	vld [tilespmem:s3+$0x1B030];
	v53 =	vunpack.i.u.bf16.f32 v27;
	v27 =	vunpack.i.l.bf16.f32 v27  }
0x6d: {  	v21 =	vld [tilespmem:s1+$0xFFFFFD00];
	v19 =	vadd.f32 v27, v19;
	v20 =	vadd.f32 v53, v20;
	s3 =	spop (v2sf)  }
0x6e: {  	v25 =	vld [tilespmem:s3+$0x1B000]  }
0x6f: {  	v31 =	vmul.bf16 v32, v31;
	v19 =	vadd.f32 v19, v20;
	v26 =	vld [tilespmem:s3+$0x1B010]  }
0x70: {  	v58 =	vmul.bf16 v35, v34;
	v54 =	vld [tilespmem:s3+$0x1B020]  }
0x71: {  	v59 =	vmul.bf16 v38, v37;
	v31 =	vmul.bf16 v33, v31;
	v57 =	vld [tilespmem:s3+$0x1B030];
	[tilespmem:$0x1E780] =	vst v19  }
0x72: {  	v32 =	vmul.bf16 v36, v58;
	v19 =	vld [tilespmem:s31+$0xFFFFFD80]  }
0x73: {  	v62 =	vmul.bf16 v41, v40;
	v34 =	vmul.bf16 v39, v59;
	v60 =	vunpack.i.u.bf16.f32 v31;
	s3 =	spop (v2sf);
	v33 =	vld [tilespmem:s1+$0xFFFFFD80]  }
0x74: {  	v31 =	vunpack.i.l.bf16.f32 v31;
	v61 =	vunpack.i.u.bf16.f32 v32;
	v32 =	vunpack.i.l.bf16.f32 v32;
	v35 =	vld [tilespmem:s3+$0x1B000]  }
0x75: {  	v22 =	vmul.bf16 v45, v62;
	v31 =	vadd.f32 v32, v31;
	v63 =	vadd.f32 v61, v60;
	v38 =	vld [tilespmem:s31+$0xFFFFFD90]  }
0x76: {  	v44 =	vunpack.i.u.bf16.f32 v34;
	v34 =	vunpack.i.l.bf16.f32 v34;
	(v2sf) =	vpush v18, $0x4;
	v40 =	vld [tilespmem:s1+$0xFFFFFD90]  }
0x77: {  	v31 =	vadd.f32 v34, v31;
	v32 =	vadd.f32 v44, v63;
	v36 =	vld [tilespmem:s3+$0x1B010]  }
0x78: {  	v45 =	vunpack.i.u.bf16.f32 v22;
	v22 =	vunpack.i.l.bf16.f32 v22;
	v39 =	vld [tilespmem:s31+$0xFFFFFDA0]  }
0x79: {  	v22 =	vadd.f32 v22, v31;
	v46 =	vadd.f32 v45, v32;
	v34 =	vld [tilespmem:s1+$0xFFFFFDA0]  }
0x7a: {  	v41 =	vld [tilespmem:s3+$0x1B020]  }
0x7b: {  	v21 =	vmul.bf16 v21, v23;
	v22 =	vadd.f32 v22, v46;
	v47 =	vld [tilespmem:s31+$0xFFFFFDB0]  }
0x7c: {  	v50 =	vmul.bf16 v28, v43;
	(v2sf) =	vpush v18, $0x5;
	v48 =	vld [tilespmem:s1+$0xFFFFFDB0]  }
0x7d: {  	v24 =	vmul.bf16 v52, v51;
	v49 =	vld [tilespmem:s3+$0x1B030];
	[tilespmem:$0x1E791] =	vst v22;
	v21 =	vmul.bf16 v25, v21  }
0x7e: {  	v22 =	vld [tilespmem:s31+$0xFFFFFE00];
	v23 =	vmul.bf16 v26, v50  }
0x7f: {  	v27 =	vmul.bf16 v56, v55;
	v43 =	vld [tilespmem:s31+$0xFFFFFE10];
	v24 =	vmul.bf16 v54, v24;
	v51 =	vunpack.i.u.bf16.f32 v21  }
0x80: {  	v29 =	vld [tilespmem:s1+$0xFFFFFE10];
	v21 =	vunpack.i.l.bf16.f32 v21;
	v52 =	vunpack.i.u.bf16.f32 v23;
	v23 =	vunpack.i.l.bf16.f32 v23  }
0x81: {  	v56 =	vld [tilespmem:s31+$0xFFFFFE20];
	v21 =	vadd.f32 v23, v21;
	v53 =	vadd.f32 v52, v51  }
0x82: {  	v61 =	vld [tilespmem:s31+$0xFFFFFE30];
	v20 =	vmul.bf16 v57, v27;
	v55 =	vunpack.i.u.bf16.f32 v24;
	v24 =	vunpack.i.l.bf16.f32 v24  }
0x83: {  	v62 =	vld [tilespmem:s1+$0xFFFFFE30];
	v21 =	vadd.f32 v24, v21;
	v23 =	vadd.f32 v55, v53  }
0x84: {  	v25 =	vld [tilespmem:s1+$0xFFFFFE00];
	v58 =	vunpack.i.u.bf16.f32 v20;
	v20 =	vunpack.i.l.bf16.f32 v20  }
0x85: {  	v57 =	vld [tilespmem:s1+$0xFFFFFE20];
	v20 =	vadd.f32 v20, v21;
	v60 =	vadd.f32 v58, v23;
	s3 =	spop (v2sf)  }
0x86: {  	v26 =	vld [tilespmem:s3+$0x1B000]  }
0x87: {  	v19 =	vmul.bf16 v33, v19;
	v20 =	vadd.f32 v20, v60;
	v54 =	vld [tilespmem:s3+$0x1B010]  }
0x88: {  	v40 =	vmul.bf16 v40, v38;
	v59 =	vld [tilespmem:s3+$0x1B020]  }
0x89: {  	v34 =	vmul.bf16 v34, v39;
	v19 =	vmul.bf16 v35, v19;
	v63 =	vld [tilespmem:s3+$0x1B030];
	[tilespmem:$0x1E7A2] =	vst v20  }
0x8a: {  	v33 =	vmul.bf16 v36, v40;
	v20 =	vld [tilespmem:s31+$0xFFFFFE80]  }
0x8b: {  	v32 =	vmul.bf16 v48, v47;
	v34 =	vmul.bf16 v41, v34;
	v44 =	vunpack.i.u.bf16.f32 v19;
	s3 =	spop (v2sf);
	v35 =	vld [tilespmem:s1+$0xFFFFFE80]  }
0x8c: {  	v19 =	vunpack.i.l.bf16.f32 v19;
	v45 =	vunpack.i.u.bf16.f32 v33;
	v33 =	vunpack.i.l.bf16.f32 v33;
	v36 =	vld [tilespmem:s3+$0x1B000]  }
0x8d: {  	v31 =	vmul.bf16 v49, v32;
	v19 =	vadd.f32 v33, v19;
	v46 =	vadd.f32 v45, v44;
	v40 =	vld [tilespmem:s31+$0xFFFFFE90]  }
0x8e: {  	v47 =	vunpack.i.u.bf16.f32 v34;
	v34 =	vunpack.i.l.bf16.f32 v34;
	(v2sf) =	vpush v18, $0x6;
	v37 =	vld [tilespmem:s1+$0xFFFFFE90]  }
0x8f: {  	v19 =	vadd.f32 v34, v19;
	v33 =	vadd.f32 v47, v46;
	v38 =	vld [tilespmem:s3+$0x1B010]  }
0x90: {  	v48 =	vunpack.i.u.bf16.f32 v31;
	v31 =	vunpack.i.l.bf16.f32 v31;
	v32 =	vld [tilespmem:s31+$0xFFFFFEA0]  }
0x91: {  	v19 =	vadd.f32 v31, v19;
	v49 =	vadd.f32 v48, v33;
	v34 =	vld [tilespmem:s1+$0xFFFFFEA0]  }
0x92: {  	v41 =	vld [tilespmem:s3+$0x1B020]  }
0x93: {  	v22 =	vmul.bf16 v25, v22;
	v50 =	vld [tilespmem:s31+$0xFFFFFEB0];
	v19 =	vadd.f32 v19, v49  }
0x94: {  	v53 =	vmul.bf16 v29, v43;
	(v2sf) =	vpush v18, $0x7;
	v51 =	vld [tilespmem:s1+$0xFFFFFEB0]  }
0x95: {  	v24 =	vmul.bf16 v57, v56;
	v52 =	vld [tilespmem:s3+$0x1B030];
	[tilespmem:$0x1E7B3] =	vst v19;
	v22 =	vmul.bf16 v26, v22  }
0x96: {  	v25 =	vmul.bf16 v54, v53;
	v19 =	vld [tilespmem:s31+$0xFFFFFF00]  }
0x97: {  	v23 =	vmul.bf16 v62, v61;
	v24 =	vmul.bf16 v59, v24;
	v26 =	vld [tilespmem:s1+$0xFFFFFF00];
	v54 =	vunpack.i.u.bf16.f32 v22  }
0x98: {  	v43 =	vld [tilespmem:s31+$0xFFFFFF10];
	v22 =	vunpack.i.l.bf16.f32 v22;
	v55 =	vunpack.i.u.bf16.f32 v25;
	v25 =	vunpack.i.l.bf16.f32 v25  }
0x99: {  	v30 =	vld [tilespmem:s1+$0xFFFFFF10];
	v22 =	vadd.f32 v25, v22;
	v56 =	vadd.f32 v55, v54  }
0x9a: {  	v21 =	vmul.bf16 v63, v23;
	v23 =	vld [tilespmem:s31+$0xFFFFFF20];
	v57 =	vunpack.i.u.bf16.f32 v24;
	v24 =	vunpack.i.l.bf16.f32 v24  }
0x9b: {  	v59 =	vld [tilespmem:s1+$0xFFFFFF20];
	v22 =	vadd.f32 v24, v22;
	v58 =	vadd.f32 v57, v56  }
0x9c: {  	v63 =	vld [tilespmem:s31+$0xFFFFFF30];
	v60 =	vunpack.i.u.bf16.f32 v21;
	v21 =	vunpack.i.l.bf16.f32 v21  }
0x9d: {  	v45 =	vld [tilespmem:s1+$0xFFFFFF30];
	v21 =	vadd.f32 v21, v22;
	v62 =	vadd.f32 v60, v58;
	s3 =	spop (v2sf)  }
0x9e: {  	v27 =	vld [tilespmem:s3+$0x1B000]  }
0x9f: {  	v20 =	vmul.bf16 v35, v20;
	v21 =	vadd.f32 v21, v62;
	v28 =	vld [tilespmem:s3+$0x1B010]  }
0xa0: {  	v47 =	vmul.bf16 v37, v40;
	v61 =	vld [tilespmem:s3+$0x1B020]  }
0xa1: {  	v32 =	vmul.bf16 v34, v32;
	v20 =	vmul.bf16 v36, v20;
	v46 =	vld [tilespmem:s3+$0x1B030];
	[tilespmem:$0x1E7C4] =	vst v21  }
0xa2: {  	v35 =	vmul.bf16 v38, v47;
	v21 =	vld [tilespmem:s31+$0xFFFFFF80]  }
0xa3: {  	v33 =	vmul.bf16 v51, v50;
	v32 =	vmul.bf16 v41, v32;
	v48 =	vunpack.i.u.bf16.f32 v20;
	s3 =	spop (v2sf);
	v36 =	vld [tilespmem:s1+$0xFFFFFF80]  }
0xa4: {  	v20 =	vunpack.i.l.bf16.f32 v20;
	v38 =	vunpack.i.u.bf16.f32 v35;
	v35 =	vunpack.i.l.bf16.f32 v35;
	v34 =	vld [tilespmem:s3+$0x1B000]  }
0xa5: {  	v31 =	vmul.bf16 v52, v33;
	v20 =	vadd.f32 v35, v20;
	v49 =	vadd.f32 v38, v48;
	v40 =	vld [tilespmem:s31+$0xFFFFFF90]  }
0xa6: {  	v50 =	vunpack.i.u.bf16.f32 v32;
	v32 =	vunpack.i.l.bf16.f32 v32;
	(v2sf) =	vpush v18, $0x8;
	v39 =	vld [tilespmem:s1+$0xFFFFFF90]  }
0xa7: {  	v20 =	vadd.f32 v32, v20;
	v51 =	vadd.f32 v50, v49;
	v37 =	vld [tilespmem:s3+$0x1B010]  }
0xa8: {  	v52 =	vunpack.i.u.bf16.f32 v31;
	v31 =	vunpack.i.l.bf16.f32 v31;
	v33 =	vld [tilespmem:s31+$0xFFFFFFA0]  }
0xa9: {  	v20 =	vadd.f32 v31, v20;
	v53 =	vadd.f32 v52, v51;
	v35 =	vld [tilespmem:s1+$0xFFFFFFA0]  }
0xaa: {  	v41 =	vld [tilespmem:s3+$0x1B020]  }
0xab: {  	v19 =	vmul.bf16 v26, v19;
	v54 =	vld [tilespmem:s31+$0xFFFFFFB0];
	v20 =	vadd.f32 v20, v53  }
0xac: {  	v57 =	vmul.bf16 v30, v43;
	(v2sf) =	vpush v18, $0x9;
	v55 =	vld [tilespmem:s1+$0xFFFFFFB0]  }
0xad: {  	v23 =	vmul.bf16 v59, v23;
	v56 =	vld [tilespmem:s3+$0x1B030];
	[tilespmem:$0x1E7D5] =	vst v20;
	v19 =	vmul.bf16 v27, v19  }
0xae: {  	v26 =	vmul.bf16 v28, v57;
	v20 =	vld [tilespmem:s31+$0x0]  }
0xaf: {  	v24 =	vmul.bf16 v45, v63;
	v23 =	vmul.bf16 v61, v23;
	v27 =	vld [tilespmem:s1+$0x0];
	v58 =	vunpack.i.u.bf16.f32 v19  }
0xb0: {  	v43 =	vld [tilespmem:s31+$0x10];
	v19 =	vunpack.i.l.bf16.f32 v19;
	v59 =	vunpack.i.u.bf16.f32 v26;
	v26 =	vunpack.i.l.bf16.f32 v26  }
0xb1: {  	v29 =	vld [tilespmem:s1+$0x10];
	v19 =	vadd.f32 v26, v19;
	v60 =	vadd.f32 v59, v58  }
0xb2: {  	v22 =	vmul.bf16 v46, v24;
	v24 =	vld [tilespmem:s31+$0x20];
	v61 =	vunpack.i.u.bf16.f32 v23;
	v23 =	vunpack.i.l.bf16.f32 v23  }
0xb3: {  	v63 =	vld [tilespmem:s1+$0x20];
	v19 =	vadd.f32 v23, v19;
	v62 =	vadd.f32 v61, v60  }
0xb4: {  	v47 =	vld [tilespmem:s31+$0x30];
	v45 =	vunpack.i.u.bf16.f32 v22;
	v22 =	vunpack.i.l.bf16.f32 v22  }
0xb5: {  	v48 =	vld [tilespmem:s1+$0x30];
	v19 =	vadd.f32 v22, v19;
	v46 =	vadd.f32 v45, v62;
	s3 =	spop (v2sf)  }
0xb6: {  	v25 =	vld [tilespmem:s3+$0x1B000]  }
0xb7: {  	v21 =	vmul.bf16 v36, v21;
	v19 =	vadd.f32 v19, v46;
	v28 =	vld [tilespmem:s3+$0x1B010]  }
0xb8: {  	v50 =	vmul.bf16 v39, v40;
	v42 =	vld [tilespmem:s3+$0x1B020]  }
0xb9: {  	v33 =	vmul.bf16 v35, v33;
	v21 =	vmul.bf16 v34, v21;
	v49 =	vld [tilespmem:s3+$0x1B030];
	[tilespmem:$0x1E7E6] =	vst v19  }
0xba: {  	v51 =	vmul.bf16 v37, v50;
	v19 =	vld [tilespmem:s31+$0x80]  }
0xbb: {  	v32 =	vmul.bf16 v55, v54;
	v33 =	vmul.bf16 v41, v33;
	v52 =	vunpack.i.u.bf16.f32 v21;
	s3 =	spop (v2sf);
	v36 =	vld [tilespmem:s1+$0x80]  }
0xbc: {  	v21 =	vunpack.i.l.bf16.f32 v21;
	v53 =	vunpack.i.u.bf16.f32 v51;
	v34 =	vunpack.i.l.bf16.f32 v51;
	v35 =	vld [tilespmem:s3+$0x1B000]  }
0xbd: {  	v31 =	vmul.bf16 v56, v32;
	v21 =	vadd.f32 v34, v21;
	v54 =	vadd.f32 v53, v52;
	v40 =	vld [tilespmem:s31+$0x90]  }
0xbe: {  	v55 =	vunpack.i.u.bf16.f32 v33;
	v33 =	vunpack.i.l.bf16.f32 v33;
	(v2sf) =	vpush v18, $0xA;
	v38 =	vld [tilespmem:s1+$0x90]  }
0xbf: {  	v21 =	vadd.f32 v33, v21;
	v56 =	vadd.f32 v55, v54;
	v37 =	vld [tilespmem:s3+$0x1B010]  }
0xc0: {  	v57 =	vunpack.i.u.bf16.f32 v31;
	v31 =	vunpack.i.l.bf16.f32 v31;
	v32 =	vld [tilespmem:s31+$0xA0]  }
0xc1: {  	v21 =	vadd.f32 v31, v21;
	v58 =	vadd.f32 v57, v56;
	v34 =	vld [tilespmem:s1+$0xA0]  }
0xc2: {  	v41 =	vld [tilespmem:s3+$0x1B020]  }
0xc3: {  	v20 =	vmul.bf16 v27, v20;
	v59 =	vld [tilespmem:s31+$0xB0];
	v21 =	vadd.f32 v21, v58  }
0xc4: {  	v61 =	vmul.bf16 v29, v43;
	(v2sf) =	vpush v18, $0xB;
	v60 =	vld [tilespmem:s1+$0xB0]  }
0xc5: {  	v24 =	vmul.bf16 v63, v24;
	v31 =	vld [tilespmem:s3+$0x1B030];
	[tilespmem:$0x1E7F7] =	vst v21;
	v20 =	vmul.bf16 v25, v20  }
0xc6: {  	v62 =	vmul.bf16 v28, v61;
	v21 =	vld [tilespmem:s31+$0x100]  }
0xc7: {  	v23 =	vmul.bf16 v48, v47;
	v24 =	vmul.bf16 v42, v24;
	v27 =	vld [tilespmem:s1+$0x100];
	v63 =	vunpack.i.u.bf16.f32 v20  }
0xc8: {  	v43 =	vld [tilespmem:s31+$0x110];
	v20 =	vunpack.i.l.bf16.f32 v20;
	v45 =	vunpack.i.u.bf16.f32 v62;
	v25 =	vunpack.i.l.bf16.f32 v62  }
0xc9: {  	v30 =	vld [tilespmem:s1+$0x110];
	v20 =	vadd.f32 v25, v20;
	v46 =	vadd.f32 v45, v63  }
0xca: {  	v22 =	vmul.bf16 v49, v23;
	v23 =	vld [tilespmem:s31+$0x120];
	v47 =	vunpack.i.u.bf16.f32 v24;
	v24 =	vunpack.i.l.bf16.f32 v24  }
0xcb: {  	v49 =	vld [tilespmem:s1+$0x120];
	v20 =	vadd.f32 v24, v20;
	v48 =	vadd.f32 v47, v46  }
0xcc: {  	v52 =	vld [tilespmem:s31+$0x130];
	v50 =	vunpack.i.u.bf16.f32 v22;
	v22 =	vunpack.i.l.bf16.f32 v22  }
0xcd: {  	v53 =	vld [tilespmem:s1+$0x130];
	v20 =	vadd.f32 v22, v20;
	v51 =	vadd.f32 v50, v48;
	s3 =	spop (v2sf)  }
0xce: {  	v26 =	vld [tilespmem:s3+$0x1B000]  }
0xcf: {  	v19 =	vmul.bf16 v36, v19;
	v20 =	vadd.f32 v20, v51;
	v28 =	vld [tilespmem:s3+$0x1B010]  }
0xd0: {  	v55 =	vmul.bf16 v38, v40;
	v42 =	vld [tilespmem:s3+$0x1B020]  }
0xd1: {  	v32 =	vmul.bf16 v34, v32;
	v19 =	vmul.bf16 v35, v19;
	v54 =	vld [tilespmem:s3+$0x1B030];
	[tilespmem:$0x1E808] =	vst v20  }
0xd2: {  	v56 =	vmul.bf16 v37, v55;
	v20 =	vld [tilespmem:s31+$0x180]  }
0xd3: {  	v33 =	vmul.bf16 v60, v59;
	v32 =	vmul.bf16 v41, v32;
	v57 =	vunpack.i.u.bf16.f32 v19;
	s3 =	spop (v2sf);
	v36 =	vld [tilespmem:s1+$0x180]  }
0xd4: {  	v19 =	vunpack.i.l.bf16.f32 v19;
	v58 =	vunpack.i.u.bf16.f32 v56;
	v35 =	vunpack.i.l.bf16.f32 v56;
	v34 =	vld [tilespmem:s3+$0x1B000]  }
0xd5: {  	v31 =	vmul.bf16 v31, v33;
	v19 =	vadd.f32 v35, v19;
	v59 =	vadd.f32 v58, v57;
	v40 =	vld [tilespmem:s31+$0x190]  }
0xd6: {  	v60 =	vunpack.i.u.bf16.f32 v32;
	v32 =	vunpack.i.l.bf16.f32 v32;
	(v2sf) =	vpush v18, $0xC;
	v39 =	vld [tilespmem:s1+$0x190]  }
0xd7: {  	v19 =	vadd.f32 v32, v19;
	v61 =	vadd.f32 v60, v59;
	v37 =	vld [tilespmem:s3+$0x1B010]  }
0xd8: {  	v63 =	vunpack.i.u.bf16.f32 v31;
	v31 =	vunpack.i.l.bf16.f32 v31;
	v33 =	vld [tilespmem:s31+$0x1A0]  }
0xd9: {  	v19 =	vadd.f32 v31, v19;
	v44 =	vadd.f32 v63, v61;
	v62 =	vld [tilespmem:s1+$0x1A0]  }
0xda: {  	v41 =	vld [tilespmem:s3+$0x1B020]  }
0xdb: {  	v21 =	vmul.bf16 v27, v21;
	v45 =	vld [tilespmem:s31+$0x1B0];
	v19 =	vadd.f32 v19, v44  }
0xdc: {  	v47 =	vmul.bf16 v30, v43;
	(v2sf) =	vpush v18, $0xD;
	v46 =	vld [tilespmem:s1+$0x1B0]  }
0xdd: {  	v23 =	vmul.bf16 v49, v23;
	v31 =	vld [tilespmem:s3+$0x1B030];
	[tilespmem:$0x1E819] =	vst v19;
	v21 =	vmul.bf16 v26, v21  }
0xde: {  	v48 =	vmul.bf16 v28, v47;
	v19 =	vld [tilespmem:s31+$0x200]  }
0xdf: {  	v24 =	vmul.bf16 v53, v52;
	v23 =	vmul.bf16 v42, v23;
	v27 =	vld [tilespmem:s1+$0x200];
	v49 =	vunpack.i.u.bf16.f32 v21  }
0xe0: {  	v43 =	vld [tilespmem:s31+$0x210];
	v21 =	vunpack.i.l.bf16.f32 v21;
	v50 =	vunpack.i.u.bf16.f32 v48;
	v26 =	vunpack.i.l.bf16.f32 v48  }
0xe1: {  	v29 =	vld [tilespmem:s1+$0x210];
	v21 =	vadd.f32 v26, v21;
	v51 =	vadd.f32 v50, v49  }
0xe2: {  	v22 =	vmul.bf16 v54, v24;
	v24 =	vld [tilespmem:s31+$0x220];
	v52 =	vunpack.i.u.bf16.f32 v23;
	v23 =	vunpack.i.l.bf16.f32 v23  }
0xe3: {  	v54 =	vld [tilespmem:s1+$0x220];
	v21 =	vadd.f32 v23, v21;
	v53 =	vadd.f32 v52, v51  }
0xe4: {  	v57 =	vld [tilespmem:s31+$0x230];
	v55 =	vunpack.i.u.bf16.f32 v22;
	v22 =	vunpack.i.l.bf16.f32 v22  }
0xe5: {  	v58 =	vld [tilespmem:s1+$0x230];
	v21 =	vadd.f32 v22, v21;
	v56 =	vadd.f32 v55, v53;
	s3 =	spop (v2sf)  }
0xe6: {  	v25 =	vld [tilespmem:s3+$0x1B000]  }
0xe7: {  	v20 =	vmul.bf16 v36, v20;
	v21 =	vadd.f32 v21, v56;
	v28 =	vld [tilespmem:s3+$0x1B010]  }
0xe8: {  	v60 =	vmul.bf16 v39, v40;
	v42 =	vld [tilespmem:s3+$0x1B020]  }
0xe9: {  	v33 =	vmul.bf16 v62, v33;
	v20 =	vmul.bf16 v34, v20;
	v59 =	vld [tilespmem:s3+$0x1B030];
	[tilespmem:$0x1E82A] =	vst v21  }
0xea: {  	v61 =	vmul.bf16 v37, v60;
	v21 =	vld [tilespmem:s31+$0x280]  }
0xeb: {  	v32 =	vmul.bf16 v46, v45;
	v33 =	vmul.bf16 v41, v33;
	v62 =	vunpack.i.u.bf16.f32 v20;
	s3 =	spop (v2sf);
	v36 =	vld [tilespmem:s1+$0x280]  }
0xec: {  	v20 =	vunpack.i.l.bf16.f32 v20;
	v63 =	vunpack.i.u.bf16.f32 v61;
	v34 =	vunpack.i.l.bf16.f32 v61;
	v35 =	vld [tilespmem:s3+$0x1B000]  }
0xed: {  	v31 =	vmul.bf16 v31, v32;
	v20 =	vadd.f32 v34, v20;
	v45 =	vadd.f32 v63, v62;
	v40 =	vld [tilespmem:s31+$0x290]  }
0xee: {  	v46 =	vunpack.i.u.bf16.f32 v33;
	v33 =	vunpack.i.l.bf16.f32 v33;
	(v2sf) =	vpush v18, $0xE;
	v44 =	vld [tilespmem:s1+$0x290]  }
0xef: {  	v20 =	vadd.f32 v33, v20;
	v47 =	vadd.f32 v46, v45;
	v37 =	vld [tilespmem:s3+$0x1B010]  }
0xf0: {  	v49 =	vunpack.i.u.bf16.f32 v31;
	v31 =	vunpack.i.l.bf16.f32 v31;
	v32 =	vld [tilespmem:s31+$0x2A0]  }
0xf1: {  	v20 =	vadd.f32 v31, v20;
	v50 =	vadd.f32 v49, v47;
	v48 =	vld [tilespmem:s1+$0x2A0]  }
0xf2: {  	v41 =	vld [tilespmem:s3+$0x1B020]  }
0xf3: {  	v19 =	vmul.bf16 v27, v19;
	v51 =	vld [tilespmem:s31+$0x2B0];
	v20 =	vadd.f32 v20, v50  }
0xf4: {  	v29 =	vmul.bf16 v29, v43;
	(v2sf) =	vpush v18, $0xF;
	v52 =	vld [tilespmem:s1+$0x2B0]  }
0xf5: {  	v24 =	vmul.bf16 v54, v24;
	v27 =	vld [tilespmem:s3+$0x1B030];
	[tilespmem:$0x1E83B] =	vst v20;
	v19 =	vmul.bf16 v25, v19  }
0xf6: {  	v53 =	vmul.bf16 v28, v29;
	v18 =	vld [tilespmem:s31+$0x300]  }
0xf7: {  	v23 =	vmul.bf16 v58, v57;
	v24 =	vmul.bf16 v42, v24;
	v54 =	vld [tilespmem:s1+$0x300];
	v55 =	vunpack.i.l.bf16.f32 v19  }
0xf8: {  	v56 =	vld [tilespmem:s31+$0x310];
	v29 =	vunpack.i.l.bf16.f32 v53;
	v19 =	vunpack.i.u.bf16.f32 v19;
	v20 =	vunpack.i.u.bf16.f32 v53  }
0xf9: {  	v57 =	vld [tilespmem:s1+$0x310];
	v26 =	vadd.f32 v29, v55;
	v19 =	vadd.f32 v20, v19  }
0xfa: {  	v22 =	vmul.bf16 v59, v23;
	v60 =	vld [tilespmem:s31+$0x320];
	v58 =	vunpack.i.l.bf16.f32 v24;
	v24 =	vunpack.i.u.bf16.f32 v24  }
0xfb: {  	v62 =	vld [tilespmem:s1+$0x320];
	v20 =	vadd.f32 v58, v26;
	v19 =	vadd.f32 v24, v19  }
0xfc: {  	v43 =	vld [tilespmem:s31+$0x330];
	v61 =	vunpack.i.l.bf16.f32 v22;
	v22 =	vunpack.i.u.bf16.f32 v22  }
0xfd: {  	v42 =	vmul.bf16 v44, v40;
	v44 =	vld [tilespmem:s1+$0x330];
	v20 =	vadd.f32 v61, v20;
	v19 =	vadd.f32 v22, v19;
	s3 =	spop (v2sf)  }
0xfe: {  	v28 =	vld [tilespmem:s3+$0x1B000]  }
0xff: {  	v19 =	vadd.f32 v20, v19;
	v59 =	vld [tilespmem:s3+$0x1B010]  }
0x100: {  	v32 =	vmul.bf16 v48, v32;
	v63 =	vld [tilespmem:s3+$0x1B020]  }
0x101: {  	v21 =	vmul.bf16 v36, v21;
	v33 =	vmul.bf16 v52, v51;
	v47 =	vld [tilespmem:s3+$0x1B030];
	[tilespmem:$0x1E84C] =	vst v19  }
0x102: {  	v46 =	vmul.bf16 v37, v42;
	v32 =	vmul.bf16 v41, v32;
	v49 =	vld [tilespmem:s31+$0x380]  }
0x103: {  	v45 =	vmul.bf16 v35, v21;
	v27 =	vmul.bf16 v27, v33;
	s3 =	spop (v2sf);
	v50 =	vld [tilespmem:s1+$0x380]  }
0x104: {  	v48 =	vunpack.i.u.bf16.f32 v46;
	v21 =	vunpack.i.l.bf16.f32 v46;
	v52 =	vunpack.i.u.bf16.f32 v32;
	v51 =	vld [tilespmem:s3+$0x1B000]  }
0x105: {  	v32 =	vunpack.i.l.bf16.f32 v32;
	v18 =	vmul.bf16 v54, v18;
	v20 =	vunpack.i.l.bf16.f32 v45;
	v53 =	vld [tilespmem:s31+$0x390]  }
0x106: {  	v55 =	vunpack.i.u.bf16.f32 v27;
	v20 =	vadd.f32 v21, v20;
	v19 =	vunpack.i.u.bf16.f32 v45;
	v54 =	vld [tilespmem:s1+$0x390]  }
0x107: {  	v27 =	vunpack.i.l.bf16.f32 v27;
	v29 =	vmul.bf16 v57, v56;
	v19 =	vadd.f32 v48, v19;
	v56 =	vld [tilespmem:s3+$0x1B010]  }
0x108: {  	v26 =	vmul.bf16 v62, v60;
	v60 =	vmul.bf16 v44, v43;
	v20 =	vadd.f32 v32, v20;
	v57 =	vld [tilespmem:s31+$0x3A0]  }
0x109: {  	v58 =	vld [tilespmem:s1+$0x3A0];
	v19 =	vadd.f32 v52, v19;
	v18 =	vmul.bf16 v28, v18;
	v23 =	vmul.bf16 v59, v29  }
0x10a: {  	v61 =	vld [tilespmem:s3+$0x1B020];
	v20 =	vadd.f32 v27, v20;
	v24 =	vmul.bf16 v63, v26;
	v22 =	vmul.bf16 v47, v60  }
0x10b: {  	v36 =	vld [tilespmem:s1+$0x3B0];
	v19 =	vadd.f32 v55, v19;
	v59 =	vunpack.i.u.bf16.f32 v18;
	v18 =	vunpack.i.l.bf16.f32 v18  }
0x10c: {  	v63 =	vld [tilespmem:s31+$0x3B0];
	v62 =	vunpack.i.l.bf16.f32 v23;
	v23 =	vunpack.i.u.bf16.f32 v23;
	v38 =	vunpack.i.l.bf16.f32 v24  }
0x10d: {  	v39 =	vmul.bf16 v50, v49;
	v25 =	vmul.bf16 v54, v53;
	v40 =	vunpack.i.u.bf16.f32 v24  }
0x10e: {  	v42 =	vunpack.i.l.bf16.f32 v22;
	v43 =	vmul.bf16 v58, v57;
	v18 =	vadd.f32 v62, v18  }
0x10f: {  	v41 =	vld [tilespmem:s3+$0x1B030];
	v19 =	vadd.f32 v20, v19;
	v20 =	vadd.f32 v23, v59;
	v21 =	vmul.bf16 v51, v39  }
0x110: {  	v25 =	vmul.bf16 v56, v25;
	v23 =	vmul.bf16 v61, v43;
	v18 =	vadd.f32 v38, v18  }
0x111: {  	v20 =	vadd.f32 v40, v20;
	v26 =	vmul.bf16 v36, v63;
	v44 =	vunpack.i.u.bf16.f32 v21  }
0x112: {  	v21 =	vunpack.i.l.bf16.f32 v21;
	v45 =	vunpack.i.u.bf16.f32 v25;
	v25 =	vunpack.i.l.bf16.f32 v25  }
0x113: {  	v47 =	vunpack.i.u.bf16.f32 v23;
	v21 =	vadd.f32 v25, v21;
	v46 =	vadd.f32 v45, v44  }
0x114: {  	v23 =	vunpack.i.l.bf16.f32 v23;
	v18 =	vadd.f32 v42, v18;
	v24 =	vmul.bf16 v41, v26  }
0x115: {  	v22 =	vunpack.i.u.bf16.f32 v22;
	v21 =	vadd.f32 v23, v21;
	v48 =	vadd.f32 v47, v46  }
0x116: {  	v20 =	vadd.f32 v22, v20;
	v49 =	vunpack.i.u.bf16.f32 v24;
	v24 =	vunpack.i.l.bf16.f32 v24  }
0x117: {  	v21 =	vadd.f32 v24, v21;
	v22 =	vadd.f32 v49, v48  }
0x118: {  	v18 =	vadd.f32 v18, v20  }
0x119: {  	[tilespmem:$0x1E85D] =	vst v19;
	v19 =	vadd.f32 v21, v22  }
0x11a: {  	[tilespmem:$0x1E86E] =	vst v18  }
0x11b: {  	[tilespmem:$0x1E87F] =	vst v19  }
0x11c: {  	v18 =	vld.idx.msk [tilespmem:v0+s21+$0x0], $0xffff  }
0x11d: {  	v19 =	vld.idx.msk [tilespmem:v1+s21+$0x0], $0xffff  }
0x11e: {  	v50 =	vld.idx.msk [tilespmem:v2+s21+$0x0], $0xffff  }
0x11f: {  	v51 =	vld.idx.msk [tilespmem:v3+s21+$0x0], $0xffff  }
0x120: {  	v52 =	vld.idx.msk [tilespmem:v4+s21+$0x0], $0xffff  }
0x121: {  	v53 =	vld.idx.msk [tilespmem:v5+s21+$0x0], $0xffff  }
0x122: {  	v54 =	vld.idx.msk [tilespmem:v6+s21+$0x0], $0xffff  }
0x123: {  	v55 =	vld.idx.msk [tilespmem:v7+s21+$0x0], $0xffff  }
0x124: {  	v56 =	vld.idx.msk [tilespmem:v8+s21+$0x0], $0xffff;
	v18 =	vadd.f32 v50, v18;
	v19 =	vadd.f32 v51, v19  }
0x125: {  	v57 =	vld.idx.msk [tilespmem:v9+s21+$0x0], $0xffff  }
0x126: {  	v58 =	vld.idx.msk [tilespmem:v10+s21+$0x0], $0xffff;
	v18 =	vadd.f32 v52, v18;
	v19 =	vadd.f32 v53, v19  }
0x127: {  	v59 =	vld.idx.msk [tilespmem:v11+s21+$0x0], $0xffff  }
0x128: {  	v60 =	vld.idx.msk [tilespmem:v12+s21+$0x0], $0xffff;
	v18 =	vadd.f32 v54, v18;
	v19 =	vadd.f32 v55, v19  }
0x129: {  	v61 =	vld.idx.msk [tilespmem:v13+s21+$0x0], $0xffff  }
0x12a: {  	v62 =	vld.idx.msk [tilespmem:v14+s21+$0x0], $0xffff;
	v18 =	vadd.f32 v56, v18;
	v19 =	vadd.f32 v57, v19  }
0x12b: {  	v63 =	vld.idx.msk [tilespmem:v15+s21+$0x0], $0xffff  }
0x12c: {  	v18 =	vadd.f32 v58, v18;
	v19 =	vadd.f32 v59, v19;
	_ =	sdelay $0x1  }
0x12d: {  	v18 =	vadd.f32 v60, v18;
	v19 =	vadd.f32 v61, v19  }
0x12e: {  	p0 =	seq.s32 s30, $0x100  }
.Ltmp6:
0x12f: {  	v18 =	vadd.f32 v62, v18;
	v19 =	vadd.f32 v63, v19;
	(pc) =	sbr.rel @!p0 .LBB2_7-.Ltmp6, $3  }
0x130: {  	_ = 	snop  }
0x131: {  	v18 =	vadd.f32 v19, v18;
	_ =	sdelay $0x1  }
0x132: {  	s30 =	sadd.s32 $0x40, s30;
	s1 =	sadd.s32 $0x800, s1;
	s31 =	sadd.s32 $0x800, s31;
	[tilespmem:v17+s0+$0x0 ss:$0x1] =	vst.idx.msk $0xffff, v18  }
.Ltmp7:
0x133: {  	_ = 	snop;
	(pc) =	sbr.rel .LBB2_10-.Ltmp7, $1  }
0x134: {  	_ =	sdelay $0x3  }
.LBB2_8:
0x135: {  	_ =	swait.ge [sflag:s20], $0x2800  }
0x136: {  	[sflag:s20] =	ssyncset.done $0x0  }
0x137: {  	[sflag:s20] =	ssyncadd.s32 $0xFFFFD800  }
0x138: {  	_ =	swait.ge [sflag:s20], $0x2800  }
0x139: {  	s1 =	sadd.s32 @!p0 $0x100, s0;
	[sflag:s20] =	ssyncset.done $0x0  }
0x13a: {  	s3 =	simm.s32 @!p0 $0x50;
	s30 =	simm.s32 @!p0 $0x11000;
	[sflag:s20] =	ssyncadd.s32 $0xFFFFD800  }
0x13b: {  	v16 =	vmov s26;
	[tilespmem:s30], [sflag:$0x2] =	stream.indirect.gather @!p0 [hbm4b:s2+s3], $0x80, s1, s3, $0xb8;
	[tilespmem:$0x1E900] =	vst v63  }
0x13c: {  	s0 =	sadd.s32 @!p0 $0x4100, s0;
	s1 =	simm.s32 @!p0 $0x13800  }
0x13d: {  	[tilespmem:s1], [sflag:$0x2] =	stream.indirect.gather @!p0 [hbm4b:s2+s3], $0x80, s0, s3, $0xb8;
	[tilespmem:$0x1E900] =	vst v63  }
0x13e: {  	s31 =	simm.s32 $0x16400;
	v17 =	vmov s28;
	s30 =	simm.s32 $0x0;
	s1 =	simm.s32 $0x18C00  }
.LBB2_9:
0x13f: {  	s0 =	sshra.s32 s30, $0x2  }
0x140: {  	v18 =	vld.idx.msk [tilespmem:v16+s0+$0x0 ss:$0x1], $0xffff;
	_ =	sdelay $0x4  }
0x141: {  	v18 =	vshll.u32 v18, $0x8  }
0x142: {  	v19 =	vld [tilespmem:s31+$0xFFFFFC00];
	v18 =	vshra.s32 v18, $0x2  }
0x143: {  	v20 =	vld [tilespmem:s1+$0xFFFFFC00];
	(v2sf) =	vpush v18, $0x0  }
0x144: {  	v22 =	vld [tilespmem:s31+$0xFFFFFC10]  }
0x145: {  	v23 =	vld [tilespmem:s1+$0xFFFFFC10]  }
0x146: {  	v25 =	vld [tilespmem:s31+$0xFFFFFC20]  }
0x147: {  	v26 =	vld [tilespmem:s1+$0xFFFFFC20]  }
0x148: {  	v28 =	vld [tilespmem:s31+$0xFFFFFC30]  }
0x149: {  	v29 =	vld [tilespmem:s1+$0xFFFFFC30];
	(v2sf) =	vpush v18, $0x1  }
0x14a: {  	v31 =	vld [tilespmem:s31+$0xFFFFFC80]  }
0x14b: {  	v32 =	vld [tilespmem:s1+$0xFFFFFC80]  }
0x14c: {  	v34 =	vld [tilespmem:s31+$0xFFFFFC90]  }
0x14d: {  	v35 =	vld [tilespmem:s1+$0xFFFFFC90]  }
0x14e: {  	v37 =	vld [tilespmem:s31+$0xFFFFFCA0]  }
0x14f: {  	v38 =	vld [tilespmem:s1+$0xFFFFFCA0]  }
0x150: {  	v40 =	vld [tilespmem:s31+$0xFFFFFCB0]  }
0x151: {  	v41 =	vld [tilespmem:s1+$0xFFFFFCB0]  }
0x152: {  	v43 =	vld [tilespmem:s31+$0xFFFFFD10];
	s3 =	spop (v2sf);
	(v2sf) =	vpush v18, $0x2  }
0x153: {  	v51 =	vld [tilespmem:s31+$0xFFFFFD20]  }
0x154: {  	v21 =	vld [tilespmem:s3+$0x1B000]  }
0x155: {  	v24 =	vld [tilespmem:s3+$0x1B010]  }
0x156: {  	v27 =	vld [tilespmem:s3+$0x1B020]  }
0x157: {  	v52 =	vld [tilespmem:s1+$0xFFFFFD20];
	v19 =	vmul.bf16 v20, v19  }
0x158: {  	v44 =	vmul.bf16 v23, v22;
	v30 =	vld [tilespmem:s3+$0x1B030];
	s3 =	spop (v2sf);
	(v2sf) =	vpush v18, $0x3  }
0x159: {  	v55 =	vld [tilespmem:s31+$0xFFFFFD30];
	v46 =	vmul.bf16 v26, v25;
	v19 =	vmul.bf16 v21, v19  }
0x15a: {  	v56 =	vld [tilespmem:s1+$0xFFFFFD30];
	v20 =	vmul.bf16 v24, v44  }
0x15b: {  	v23 =	vld [tilespmem:s31+$0xFFFFFD00];
	v48 =	vmul.bf16 v29, v28;
	v24 =	vmul.bf16 v27, v46;
	v47 =	vunpack.i.u.bf16.f32 v19  }
0x15c: {  	v28 =	vld [tilespmem:s1+$0xFFFFFD10];
	v19 =	vunpack.i.l.bf16.f32 v19;
	v42 =	vunpack.i.u.bf16.f32 v20;
	v20 =	vunpack.i.l.bf16.f32 v20  }
0x15d: {  	v33 =	vld [tilespmem:s3+$0x1B000];
	v19 =	vadd.f32 v20, v19;
	v49 =	vadd.f32 v42, v47  }
0x15e: {  	v36 =	vld [tilespmem:s3+$0x1B010];
	v27 =	vmul.bf16 v30, v48;
	v50 =	vunpack.i.u.bf16.f32 v24;
	v24 =	vunpack.i.l.bf16.f32 v24  }
0x15f: {  	v39 =	vld [tilespmem:s3+$0x1B020];
	v19 =	vadd.f32 v24, v19;
	v20 =	vadd.f32 v50, v49  }
0x160: {  	v45 =	vld [tilespmem:s3+$0x1B030];
	v53 =	vunpack.i.u.bf16.f32 v27;
	v27 =	vunpack.i.l.bf16.f32 v27  }
0x161: {  	v21 =	vld [tilespmem:s1+$0xFFFFFD00];
	v19 =	vadd.f32 v27, v19;
	v20 =	vadd.f32 v53, v20;
	s3 =	spop (v2sf)  }
0x162: {  	v25 =	vld [tilespmem:s3+$0x1B000]  }
0x163: {  	v31 =	vmul.bf16 v32, v31;
	v19 =	vadd.f32 v19, v20;
	v26 =	vld [tilespmem:s3+$0x1B010]  }
0x164: {  	v58 =	vmul.bf16 v35, v34;
	v54 =	vld [tilespmem:s3+$0x1B020]  }
0x165: {  	v59 =	vmul.bf16 v38, v37;
	v31 =	vmul.bf16 v33, v31;
	v57 =	vld [tilespmem:s3+$0x1B030];
	[tilespmem:$0x1E780] =	vst v19  }
0x166: {  	v32 =	vmul.bf16 v36, v58;
	v19 =	vld [tilespmem:s31+$0xFFFFFD80]  }
0x167: {  	v62 =	vmul.bf16 v41, v40;
	v34 =	vmul.bf16 v39, v59;
	v60 =	vunpack.i.u.bf16.f32 v31;
	s3 =	spop (v2sf);
	v33 =	vld [tilespmem:s1+$0xFFFFFD80]  }
0x168: {  	v31 =	vunpack.i.l.bf16.f32 v31;
	v61 =	vunpack.i.u.bf16.f32 v32;
	v32 =	vunpack.i.l.bf16.f32 v32;
	v35 =	vld [tilespmem:s3+$0x1B000]  }
0x169: {  	v22 =	vmul.bf16 v45, v62;
	v31 =	vadd.f32 v32, v31;
	v63 =	vadd.f32 v61, v60;
	v38 =	vld [tilespmem:s31+$0xFFFFFD90]  }
0x16a: {  	v44 =	vunpack.i.u.bf16.f32 v34;
	v34 =	vunpack.i.l.bf16.f32 v34;
	(v2sf) =	vpush v18, $0x4;
	v40 =	vld [tilespmem:s1+$0xFFFFFD90]  }
0x16b: {  	v31 =	vadd.f32 v34, v31;
	v32 =	vadd.f32 v44, v63;
	v36 =	vld [tilespmem:s3+$0x1B010]  }
0x16c: {  	v45 =	vunpack.i.u.bf16.f32 v22;
	v22 =	vunpack.i.l.bf16.f32 v22;
	v39 =	vld [tilespmem:s31+$0xFFFFFDA0]  }
0x16d: {  	v22 =	vadd.f32 v22, v31;
	v46 =	vadd.f32 v45, v32;
	v34 =	vld [tilespmem:s1+$0xFFFFFDA0]  }
0x16e: {  	v41 =	vld [tilespmem:s3+$0x1B020]  }
0x16f: {  	v21 =	vmul.bf16 v21, v23;
	v22 =	vadd.f32 v22, v46;
	v47 =	vld [tilespmem:s31+$0xFFFFFDB0]  }
0x170: {  	v50 =	vmul.bf16 v28, v43;
	(v2sf) =	vpush v18, $0x5;
	v48 =	vld [tilespmem:s1+$0xFFFFFDB0]  }
0x171: {  	v24 =	vmul.bf16 v52, v51;
	v49 =	vld [tilespmem:s3+$0x1B030];
	[tilespmem:$0x1E791] =	vst v22;
	v21 =	vmul.bf16 v25, v21  }
0x172: {  	v22 =	vld [tilespmem:s31+$0xFFFFFE00];
	v23 =	vmul.bf16 v26, v50  }
0x173: {  	v27 =	vmul.bf16 v56, v55;
	v43 =	vld [tilespmem:s31+$0xFFFFFE10];
	v24 =	vmul.bf16 v54, v24;
	v51 =	vunpack.i.u.bf16.f32 v21  }
0x174: {  	v29 =	vld [tilespmem:s1+$0xFFFFFE10];
	v21 =	vunpack.i.l.bf16.f32 v21;
	v52 =	vunpack.i.u.bf16.f32 v23;
	v23 =	vunpack.i.l.bf16.f32 v23  }
0x175: {  	v56 =	vld [tilespmem:s31+$0xFFFFFE20];
	v21 =	vadd.f32 v23, v21;
	v53 =	vadd.f32 v52, v51  }
0x176: {  	v61 =	vld [tilespmem:s31+$0xFFFFFE30];
	v20 =	vmul.bf16 v57, v27;
	v55 =	vunpack.i.u.bf16.f32 v24;
	v24 =	vunpack.i.l.bf16.f32 v24  }
0x177: {  	v62 =	vld [tilespmem:s1+$0xFFFFFE30];
	v21 =	vadd.f32 v24, v21;
	v23 =	vadd.f32 v55, v53  }
0x178: {  	v25 =	vld [tilespmem:s1+$0xFFFFFE00];
	v58 =	vunpack.i.u.bf16.f32 v20;
	v20 =	vunpack.i.l.bf16.f32 v20  }
0x179: {  	v57 =	vld [tilespmem:s1+$0xFFFFFE20];
	v20 =	vadd.f32 v20, v21;
	v60 =	vadd.f32 v58, v23;
	s3 =	spop (v2sf)  }
0x17a: {  	v26 =	vld [tilespmem:s3+$0x1B000]  }
0x17b: {  	v19 =	vmul.bf16 v33, v19;
	v20 =	vadd.f32 v20, v60;
	v54 =	vld [tilespmem:s3+$0x1B010]  }
0x17c: {  	v40 =	vmul.bf16 v40, v38;
	v59 =	vld [tilespmem:s3+$0x1B020]  }
0x17d: {  	v34 =	vmul.bf16 v34, v39;
	v19 =	vmul.bf16 v35, v19;
	v63 =	vld [tilespmem:s3+$0x1B030];
	[tilespmem:$0x1E7A2] =	vst v20  }
0x17e: {  	v33 =	vmul.bf16 v36, v40;
	v20 =	vld [tilespmem:s31+$0xFFFFFE80]  }
0x17f: {  	v32 =	vmul.bf16 v48, v47;
	v34 =	vmul.bf16 v41, v34;
	v44 =	vunpack.i.u.bf16.f32 v19;
	s3 =	spop (v2sf);
	v35 =	vld [tilespmem:s1+$0xFFFFFE80]  }
0x180: {  	v19 =	vunpack.i.l.bf16.f32 v19;
	v45 =	vunpack.i.u.bf16.f32 v33;
	v33 =	vunpack.i.l.bf16.f32 v33;
	v36 =	vld [tilespmem:s3+$0x1B000]  }
0x181: {  	v31 =	vmul.bf16 v49, v32;
	v19 =	vadd.f32 v33, v19;
	v46 =	vadd.f32 v45, v44;
	v40 =	vld [tilespmem:s31+$0xFFFFFE90]  }
0x182: {  	v47 =	vunpack.i.u.bf16.f32 v34;
	v34 =	vunpack.i.l.bf16.f32 v34;
	(v2sf) =	vpush v18, $0x6;
	v37 =	vld [tilespmem:s1+$0xFFFFFE90]  }
0x183: {  	v19 =	vadd.f32 v34, v19;
	v33 =	vadd.f32 v47, v46;
	v38 =	vld [tilespmem:s3+$0x1B010]  }
0x184: {  	v48 =	vunpack.i.u.bf16.f32 v31;
	v31 =	vunpack.i.l.bf16.f32 v31;
	v32 =	vld [tilespmem:s31+$0xFFFFFEA0]  }
0x185: {  	v19 =	vadd.f32 v31, v19;
	v49 =	vadd.f32 v48, v33;
	v34 =	vld [tilespmem:s1+$0xFFFFFEA0]  }
0x186: {  	v41 =	vld [tilespmem:s3+$0x1B020]  }
0x187: {  	v22 =	vmul.bf16 v25, v22;
	v50 =	vld [tilespmem:s31+$0xFFFFFEB0];
	v19 =	vadd.f32 v19, v49  }
0x188: {  	v53 =	vmul.bf16 v29, v43;
	(v2sf) =	vpush v18, $0x7;
	v51 =	vld [tilespmem:s1+$0xFFFFFEB0]  }
0x189: {  	v24 =	vmul.bf16 v57, v56;
	v52 =	vld [tilespmem:s3+$0x1B030];
	[tilespmem:$0x1E7B3] =	vst v19;
	v22 =	vmul.bf16 v26, v22  }
0x18a: {  	v25 =	vmul.bf16 v54, v53;
	v19 =	vld [tilespmem:s31+$0xFFFFFF00]  }
0x18b: {  	v23 =	vmul.bf16 v62, v61;
	v24 =	vmul.bf16 v59, v24;
	v26 =	vld [tilespmem:s1+$0xFFFFFF00];
	v54 =	vunpack.i.u.bf16.f32 v22  }
0x18c: {  	v43 =	vld [tilespmem:s31+$0xFFFFFF10];
	v22 =	vunpack.i.l.bf16.f32 v22;
	v55 =	vunpack.i.u.bf16.f32 v25;
	v25 =	vunpack.i.l.bf16.f32 v25  }
0x18d: {  	v30 =	vld [tilespmem:s1+$0xFFFFFF10];
	v22 =	vadd.f32 v25, v22;
	v56 =	vadd.f32 v55, v54  }
0x18e: {  	v21 =	vmul.bf16 v63, v23;
	v23 =	vld [tilespmem:s31+$0xFFFFFF20];
	v57 =	vunpack.i.u.bf16.f32 v24;
	v24 =	vunpack.i.l.bf16.f32 v24  }
0x18f: {  	v59 =	vld [tilespmem:s1+$0xFFFFFF20];
	v22 =	vadd.f32 v24, v22;
	v58 =	vadd.f32 v57, v56  }
0x190: {  	v63 =	vld [tilespmem:s31+$0xFFFFFF30];
	v60 =	vunpack.i.u.bf16.f32 v21;
	v21 =	vunpack.i.l.bf16.f32 v21  }
0x191: {  	v45 =	vld [tilespmem:s1+$0xFFFFFF30];
	v21 =	vadd.f32 v21, v22;
	v62 =	vadd.f32 v60, v58;
	s3 =	spop (v2sf)  }
0x192: {  	v27 =	vld [tilespmem:s3+$0x1B000]  }
0x193: {  	v20 =	vmul.bf16 v35, v20;
	v21 =	vadd.f32 v21, v62;
	v28 =	vld [tilespmem:s3+$0x1B010]  }
0x194: {  	v47 =	vmul.bf16 v37, v40;
	v61 =	vld [tilespmem:s3+$0x1B020]  }
0x195: {  	v32 =	vmul.bf16 v34, v32;
	v20 =	vmul.bf16 v36, v20;
	v46 =	vld [tilespmem:s3+$0x1B030];
	[tilespmem:$0x1E7C4] =	vst v21  }
0x196: {  	v35 =	vmul.bf16 v38, v47;
	v21 =	vld [tilespmem:s31+$0xFFFFFF80]  }
0x197: {  	v33 =	vmul.bf16 v51, v50;
	v32 =	vmul.bf16 v41, v32;
	v48 =	vunpack.i.u.bf16.f32 v20;
	s3 =	spop (v2sf);
	v36 =	vld [tilespmem:s1+$0xFFFFFF80]  }
0x198: {  	v20 =	vunpack.i.l.bf16.f32 v20;
	v38 =	vunpack.i.u.bf16.f32 v35;
	v35 =	vunpack.i.l.bf16.f32 v35;
	v34 =	vld [tilespmem:s3+$0x1B000]  }
0x199: {  	v31 =	vmul.bf16 v52, v33;
	v20 =	vadd.f32 v35, v20;
	v49 =	vadd.f32 v38, v48;
	v40 =	vld [tilespmem:s31+$0xFFFFFF90]  }
0x19a: {  	v50 =	vunpack.i.u.bf16.f32 v32;
	v32 =	vunpack.i.l.bf16.f32 v32;
	(v2sf) =	vpush v18, $0x8;
	v39 =	vld [tilespmem:s1+$0xFFFFFF90]  }
0x19b: {  	v20 =	vadd.f32 v32, v20;
	v51 =	vadd.f32 v50, v49;
	v37 =	vld [tilespmem:s3+$0x1B010]  }
0x19c: {  	v52 =	vunpack.i.u.bf16.f32 v31;
	v31 =	vunpack.i.l.bf16.f32 v31;
	v33 =	vld [tilespmem:s31+$0xFFFFFFA0]  }
0x19d: {  	v20 =	vadd.f32 v31, v20;
	v53 =	vadd.f32 v52, v51;
	v35 =	vld [tilespmem:s1+$0xFFFFFFA0]  }
0x19e: {  	v41 =	vld [tilespmem:s3+$0x1B020]  }
0x19f: {  	v19 =	vmul.bf16 v26, v19;
	v54 =	vld [tilespmem:s31+$0xFFFFFFB0];
	v20 =	vadd.f32 v20, v53  }
0x1a0: {  	v57 =	vmul.bf16 v30, v43;
	(v2sf) =	vpush v18, $0x9;
	v55 =	vld [tilespmem:s1+$0xFFFFFFB0]  }
0x1a1: {  	v23 =	vmul.bf16 v59, v23;
	v56 =	vld [tilespmem:s3+$0x1B030];
	[tilespmem:$0x1E7D5] =	vst v20;
	v19 =	vmul.bf16 v27, v19  }
0x1a2: {  	v26 =	vmul.bf16 v28, v57;
	v20 =	vld [tilespmem:s31+$0x0]  }
0x1a3: {  	v24 =	vmul.bf16 v45, v63;
	v23 =	vmul.bf16 v61, v23;
	v27 =	vld [tilespmem:s1+$0x0];
	v58 =	vunpack.i.u.bf16.f32 v19  }
0x1a4: {  	v43 =	vld [tilespmem:s31+$0x10];
	v19 =	vunpack.i.l.bf16.f32 v19;
	v59 =	vunpack.i.u.bf16.f32 v26;
	v26 =	vunpack.i.l.bf16.f32 v26  }
0x1a5: {  	v29 =	vld [tilespmem:s1+$0x10];
	v19 =	vadd.f32 v26, v19;
	v60 =	vadd.f32 v59, v58  }
0x1a6: {  	v22 =	vmul.bf16 v46, v24;
	v24 =	vld [tilespmem:s31+$0x20];
	v61 =	vunpack.i.u.bf16.f32 v23;
	v23 =	vunpack.i.l.bf16.f32 v23  }
0x1a7: {  	v63 =	vld [tilespmem:s1+$0x20];
	v19 =	vadd.f32 v23, v19;
	v62 =	vadd.f32 v61, v60  }
0x1a8: {  	v47 =	vld [tilespmem:s31+$0x30];
	v45 =	vunpack.i.u.bf16.f32 v22;
	v22 =	vunpack.i.l.bf16.f32 v22  }
0x1a9: {  	v48 =	vld [tilespmem:s1+$0x30];
	v19 =	vadd.f32 v22, v19;
	v46 =	vadd.f32 v45, v62;
	s3 =	spop (v2sf)  }
0x1aa: {  	v25 =	vld [tilespmem:s3+$0x1B000]  }
0x1ab: {  	v21 =	vmul.bf16 v36, v21;
	v19 =	vadd.f32 v19, v46;
	v28 =	vld [tilespmem:s3+$0x1B010]  }
0x1ac: {  	v50 =	vmul.bf16 v39, v40;
	v42 =	vld [tilespmem:s3+$0x1B020]  }
0x1ad: {  	v33 =	vmul.bf16 v35, v33;
	v21 =	vmul.bf16 v34, v21;
	v49 =	vld [tilespmem:s3+$0x1B030];
	[tilespmem:$0x1E7E6] =	vst v19  }
0x1ae: {  	v51 =	vmul.bf16 v37, v50;
	v19 =	vld [tilespmem:s31+$0x80]  }
0x1af: {  	v32 =	vmul.bf16 v55, v54;
	v33 =	vmul.bf16 v41, v33;
	v52 =	vunpack.i.u.bf16.f32 v21;
	s3 =	spop (v2sf);
	v36 =	vld [tilespmem:s1+$0x80]  }
0x1b0: {  	v21 =	vunpack.i.l.bf16.f32 v21;
	v53 =	vunpack.i.u.bf16.f32 v51;
	v34 =	vunpack.i.l.bf16.f32 v51;
	v35 =	vld [tilespmem:s3+$0x1B000]  }
0x1b1: {  	v31 =	vmul.bf16 v56, v32;
	v21 =	vadd.f32 v34, v21;
	v54 =	vadd.f32 v53, v52;
	v40 =	vld [tilespmem:s31+$0x90]  }
0x1b2: {  	v55 =	vunpack.i.u.bf16.f32 v33;
	v33 =	vunpack.i.l.bf16.f32 v33;
	(v2sf) =	vpush v18, $0xA;
	v38 =	vld [tilespmem:s1+$0x90]  }
0x1b3: {  	v21 =	vadd.f32 v33, v21;
	v56 =	vadd.f32 v55, v54;
	v37 =	vld [tilespmem:s3+$0x1B010]  }
0x1b4: {  	v57 =	vunpack.i.u.bf16.f32 v31;
	v31 =	vunpack.i.l.bf16.f32 v31;
	v32 =	vld [tilespmem:s31+$0xA0]  }
0x1b5: {  	v21 =	vadd.f32 v31, v21;
	v58 =	vadd.f32 v57, v56;
	v34 =	vld [tilespmem:s1+$0xA0]  }
0x1b6: {  	v41 =	vld [tilespmem:s3+$0x1B020]  }
0x1b7: {  	v20 =	vmul.bf16 v27, v20;
	v59 =	vld [tilespmem:s31+$0xB0];
	v21 =	vadd.f32 v21, v58  }
0x1b8: {  	v61 =	vmul.bf16 v29, v43;
	(v2sf) =	vpush v18, $0xB;
	v60 =	vld [tilespmem:s1+$0xB0]  }
0x1b9: {  	v24 =	vmul.bf16 v63, v24;
	v31 =	vld [tilespmem:s3+$0x1B030];
	[tilespmem:$0x1E7F7] =	vst v21;
	v20 =	vmul.bf16 v25, v20  }
0x1ba: {  	v62 =	vmul.bf16 v28, v61;
	v21 =	vld [tilespmem:s31+$0x100]  }
0x1bb: {  	v23 =	vmul.bf16 v48, v47;
	v24 =	vmul.bf16 v42, v24;
	v27 =	vld [tilespmem:s1+$0x100];
	v63 =	vunpack.i.u.bf16.f32 v20  }
0x1bc: {  	v43 =	vld [tilespmem:s31+$0x110];
	v20 =	vunpack.i.l.bf16.f32 v20;
	v45 =	vunpack.i.u.bf16.f32 v62;
	v25 =	vunpack.i.l.bf16.f32 v62  }
0x1bd: {  	v30 =	vld [tilespmem:s1+$0x110];
	v20 =	vadd.f32 v25, v20;
	v46 =	vadd.f32 v45, v63  }
0x1be: {  	v22 =	vmul.bf16 v49, v23;
	v23 =	vld [tilespmem:s31+$0x120];
	v47 =	vunpack.i.u.bf16.f32 v24;
	v24 =	vunpack.i.l.bf16.f32 v24  }
0x1bf: {  	v49 =	vld [tilespmem:s1+$0x120];
	v20 =	vadd.f32 v24, v20;
	v48 =	vadd.f32 v47, v46  }
0x1c0: {  	v52 =	vld [tilespmem:s31+$0x130];
	v50 =	vunpack.i.u.bf16.f32 v22;
	v22 =	vunpack.i.l.bf16.f32 v22  }
0x1c1: {  	v53 =	vld [tilespmem:s1+$0x130];
	v20 =	vadd.f32 v22, v20;
	v51 =	vadd.f32 v50, v48;
	s3 =	spop (v2sf)  }
0x1c2: {  	v26 =	vld [tilespmem:s3+$0x1B000]  }
0x1c3: {  	v19 =	vmul.bf16 v36, v19;
	v20 =	vadd.f32 v20, v51;
	v28 =	vld [tilespmem:s3+$0x1B010]  }
0x1c4: {  	v55 =	vmul.bf16 v38, v40;
	v42 =	vld [tilespmem:s3+$0x1B020]  }
0x1c5: {  	v32 =	vmul.bf16 v34, v32;
	v19 =	vmul.bf16 v35, v19;
	v54 =	vld [tilespmem:s3+$0x1B030];
	[tilespmem:$0x1E808] =	vst v20  }
0x1c6: {  	v56 =	vmul.bf16 v37, v55;
	v20 =	vld [tilespmem:s31+$0x180]  }
0x1c7: {  	v33 =	vmul.bf16 v60, v59;
	v32 =	vmul.bf16 v41, v32;
	v57 =	vunpack.i.u.bf16.f32 v19;
	s3 =	spop (v2sf);
	v36 =	vld [tilespmem:s1+$0x180]  }
0x1c8: {  	v19 =	vunpack.i.l.bf16.f32 v19;
	v58 =	vunpack.i.u.bf16.f32 v56;
	v35 =	vunpack.i.l.bf16.f32 v56;
	v34 =	vld [tilespmem:s3+$0x1B000]  }
0x1c9: {  	v31 =	vmul.bf16 v31, v33;
	v19 =	vadd.f32 v35, v19;
	v59 =	vadd.f32 v58, v57;
	v40 =	vld [tilespmem:s31+$0x190]  }
0x1ca: {  	v60 =	vunpack.i.u.bf16.f32 v32;
	v32 =	vunpack.i.l.bf16.f32 v32;
	(v2sf) =	vpush v18, $0xC;
	v39 =	vld [tilespmem:s1+$0x190]  }
0x1cb: {  	v19 =	vadd.f32 v32, v19;
	v61 =	vadd.f32 v60, v59;
	v37 =	vld [tilespmem:s3+$0x1B010]  }
0x1cc: {  	v63 =	vunpack.i.u.bf16.f32 v31;
	v31 =	vunpack.i.l.bf16.f32 v31;
	v33 =	vld [tilespmem:s31+$0x1A0]  }
0x1cd: {  	v19 =	vadd.f32 v31, v19;
	v44 =	vadd.f32 v63, v61;
	v62 =	vld [tilespmem:s1+$0x1A0]  }
0x1ce: {  	v41 =	vld [tilespmem:s3+$0x1B020]  }
0x1cf: {  	v21 =	vmul.bf16 v27, v21;
	v45 =	vld [tilespmem:s31+$0x1B0];
	v19 =	vadd.f32 v19, v44  }
0x1d0: {  	v47 =	vmul.bf16 v30, v43;
	(v2sf) =	vpush v18, $0xD;
	v46 =	vld [tilespmem:s1+$0x1B0]  }
0x1d1: {  	v23 =	vmul.bf16 v49, v23;
	v31 =	vld [tilespmem:s3+$0x1B030];
	[tilespmem:$0x1E819] =	vst v19;
	v21 =	vmul.bf16 v26, v21  }
0x1d2: {  	v48 =	vmul.bf16 v28, v47;
	v19 =	vld [tilespmem:s31+$0x200]  }
0x1d3: {  	v24 =	vmul.bf16 v53, v52;
	v23 =	vmul.bf16 v42, v23;
	v27 =	vld [tilespmem:s1+$0x200];
	v49 =	vunpack.i.u.bf16.f32 v21  }
0x1d4: {  	v43 =	vld [tilespmem:s31+$0x210];
	v21 =	vunpack.i.l.bf16.f32 v21;
	v50 =	vunpack.i.u.bf16.f32 v48;
	v26 =	vunpack.i.l.bf16.f32 v48  }
0x1d5: {  	v29 =	vld [tilespmem:s1+$0x210];
	v21 =	vadd.f32 v26, v21;
	v51 =	vadd.f32 v50, v49  }
0x1d6: {  	v22 =	vmul.bf16 v54, v24;
	v24 =	vld [tilespmem:s31+$0x220];
	v52 =	vunpack.i.u.bf16.f32 v23;
	v23 =	vunpack.i.l.bf16.f32 v23  }
0x1d7: {  	v54 =	vld [tilespmem:s1+$0x220];
	v21 =	vadd.f32 v23, v21;
	v53 =	vadd.f32 v52, v51  }
0x1d8: {  	v57 =	vld [tilespmem:s31+$0x230];
	v55 =	vunpack.i.u.bf16.f32 v22;
	v22 =	vunpack.i.l.bf16.f32 v22  }
0x1d9: {  	v58 =	vld [tilespmem:s1+$0x230];
	v21 =	vadd.f32 v22, v21;
	v56 =	vadd.f32 v55, v53;
	s3 =	spop (v2sf)  }
0x1da: {  	v25 =	vld [tilespmem:s3+$0x1B000]  }
0x1db: {  	v20 =	vmul.bf16 v36, v20;
	v21 =	vadd.f32 v21, v56;
	v28 =	vld [tilespmem:s3+$0x1B010]  }
0x1dc: {  	v60 =	vmul.bf16 v39, v40;
	v42 =	vld [tilespmem:s3+$0x1B020]  }
0x1dd: {  	v33 =	vmul.bf16 v62, v33;
	v20 =	vmul.bf16 v34, v20;
	v59 =	vld [tilespmem:s3+$0x1B030];
	[tilespmem:$0x1E82A] =	vst v21  }
0x1de: {  	v61 =	vmul.bf16 v37, v60;
	v21 =	vld [tilespmem:s31+$0x280]  }
0x1df: {  	v32 =	vmul.bf16 v46, v45;
	v33 =	vmul.bf16 v41, v33;
	v62 =	vunpack.i.u.bf16.f32 v20;
	s3 =	spop (v2sf);
	v36 =	vld [tilespmem:s1+$0x280]  }
0x1e0: {  	v20 =	vunpack.i.l.bf16.f32 v20;
	v63 =	vunpack.i.u.bf16.f32 v61;
	v34 =	vunpack.i.l.bf16.f32 v61;
	v35 =	vld [tilespmem:s3+$0x1B000]  }
0x1e1: {  	v31 =	vmul.bf16 v31, v32;
	v20 =	vadd.f32 v34, v20;
	v45 =	vadd.f32 v63, v62;
	v40 =	vld [tilespmem:s31+$0x290]  }
0x1e2: {  	v46 =	vunpack.i.u.bf16.f32 v33;
	v33 =	vunpack.i.l.bf16.f32 v33;
	(v2sf) =	vpush v18, $0xE;
	v44 =	vld [tilespmem:s1+$0x290]  }
0x1e3: {  	v20 =	vadd.f32 v33, v20;
	v47 =	vadd.f32 v46, v45;
	v37 =	vld [tilespmem:s3+$0x1B010]  }
0x1e4: {  	v49 =	vunpack.i.u.bf16.f32 v31;
	v31 =	vunpack.i.l.bf16.f32 v31;
	v32 =	vld [tilespmem:s31+$0x2A0]  }
0x1e5: {  	v20 =	vadd.f32 v31, v20;
	v50 =	vadd.f32 v49, v47;
	v48 =	vld [tilespmem:s1+$0x2A0]  }
0x1e6: {  	v41 =	vld [tilespmem:s3+$0x1B020]  }
0x1e7: {  	v19 =	vmul.bf16 v27, v19;
	v51 =	vld [tilespmem:s31+$0x2B0];
	v20 =	vadd.f32 v20, v50  }
0x1e8: {  	v29 =	vmul.bf16 v29, v43;
	(v2sf) =	vpush v18, $0xF;
	v52 =	vld [tilespmem:s1+$0x2B0]  }
0x1e9: {  	v24 =	vmul.bf16 v54, v24;
	v27 =	vld [tilespmem:s3+$0x1B030];
	[tilespmem:$0x1E83B] =	vst v20;
	v19 =	vmul.bf16 v25, v19  }
0x1ea: {  	v53 =	vmul.bf16 v28, v29;
	v18 =	vld [tilespmem:s31+$0x300]  }
0x1eb: {  	v23 =	vmul.bf16 v58, v57;
	v24 =	vmul.bf16 v42, v24;
	v54 =	vld [tilespmem:s1+$0x300];
	v55 =	vunpack.i.l.bf16.f32 v19  }
0x1ec: {  	v56 =	vld [tilespmem:s31+$0x310];
	v29 =	vunpack.i.l.bf16.f32 v53;
	v19 =	vunpack.i.u.bf16.f32 v19;
	v20 =	vunpack.i.u.bf16.f32 v53  }
0x1ed: {  	v57 =	vld [tilespmem:s1+$0x310];
	v26 =	vadd.f32 v29, v55;
	v19 =	vadd.f32 v20, v19  }
0x1ee: {  	v22 =	vmul.bf16 v59, v23;
	v60 =	vld [tilespmem:s31+$0x320];
	v58 =	vunpack.i.l.bf16.f32 v24;
	v24 =	vunpack.i.u.bf16.f32 v24  }
0x1ef: {  	v62 =	vld [tilespmem:s1+$0x320];
	v20 =	vadd.f32 v58, v26;
	v19 =	vadd.f32 v24, v19  }
0x1f0: {  	v43 =	vld [tilespmem:s31+$0x330];
	v61 =	vunpack.i.l.bf16.f32 v22;
	v22 =	vunpack.i.u.bf16.f32 v22  }
0x1f1: {  	v42 =	vmul.bf16 v44, v40;
	v44 =	vld [tilespmem:s1+$0x330];
	v20 =	vadd.f32 v61, v20;
	v19 =	vadd.f32 v22, v19;
	s3 =	spop (v2sf)  }
0x1f2: {  	v28 =	vld [tilespmem:s3+$0x1B000]  }
0x1f3: {  	v19 =	vadd.f32 v20, v19;
	v59 =	vld [tilespmem:s3+$0x1B010]  }
0x1f4: {  	v32 =	vmul.bf16 v48, v32;
	v63 =	vld [tilespmem:s3+$0x1B020]  }
0x1f5: {  	v21 =	vmul.bf16 v36, v21;
	v33 =	vmul.bf16 v52, v51;
	v47 =	vld [tilespmem:s3+$0x1B030];
	[tilespmem:$0x1E84C] =	vst v19  }
0x1f6: {  	v46 =	vmul.bf16 v37, v42;
	v32 =	vmul.bf16 v41, v32;
	v49 =	vld [tilespmem:s31+$0x380]  }
0x1f7: {  	v45 =	vmul.bf16 v35, v21;
	v27 =	vmul.bf16 v27, v33;
	s3 =	spop (v2sf);
	v50 =	vld [tilespmem:s1+$0x380]  }
0x1f8: {  	v48 =	vunpack.i.u.bf16.f32 v46;
	v21 =	vunpack.i.l.bf16.f32 v46;
	v52 =	vunpack.i.u.bf16.f32 v32;
	v51 =	vld [tilespmem:s3+$0x1B000]  }
0x1f9: {  	v32 =	vunpack.i.l.bf16.f32 v32;
	v18 =	vmul.bf16 v54, v18;
	v20 =	vunpack.i.l.bf16.f32 v45;
	v53 =	vld [tilespmem:s31+$0x390]  }
0x1fa: {  	v55 =	vunpack.i.u.bf16.f32 v27;
	v20 =	vadd.f32 v21, v20;
	v19 =	vunpack.i.u.bf16.f32 v45;
	v54 =	vld [tilespmem:s1+$0x390]  }
0x1fb: {  	v27 =	vunpack.i.l.bf16.f32 v27;
	v29 =	vmul.bf16 v57, v56;
	v19 =	vadd.f32 v48, v19;
	v56 =	vld [tilespmem:s3+$0x1B010]  }
0x1fc: {  	v26 =	vmul.bf16 v62, v60;
	v60 =	vmul.bf16 v44, v43;
	v20 =	vadd.f32 v32, v20;
	v57 =	vld [tilespmem:s31+$0x3A0]  }
0x1fd: {  	v58 =	vld [tilespmem:s1+$0x3A0];
	v19 =	vadd.f32 v52, v19;
	v18 =	vmul.bf16 v28, v18;
	v23 =	vmul.bf16 v59, v29  }
0x1fe: {  	v61 =	vld [tilespmem:s3+$0x1B020];
	v20 =	vadd.f32 v27, v20;
	v24 =	vmul.bf16 v63, v26;
	v22 =	vmul.bf16 v47, v60  }
0x1ff: {  	v36 =	vld [tilespmem:s1+$0x3B0];
	v19 =	vadd.f32 v55, v19;
	v59 =	vunpack.i.u.bf16.f32 v18;
	v18 =	vunpack.i.l.bf16.f32 v18  }
0x200: {  	v63 =	vld [tilespmem:s31+$0x3B0];
	v62 =	vunpack.i.l.bf16.f32 v23;
	v23 =	vunpack.i.u.bf16.f32 v23;
	v38 =	vunpack.i.l.bf16.f32 v24  }
0x201: {  	v39 =	vmul.bf16 v50, v49;
	v25 =	vmul.bf16 v54, v53;
	v40 =	vunpack.i.u.bf16.f32 v24  }
0x202: {  	v42 =	vunpack.i.l.bf16.f32 v22;
	v43 =	vmul.bf16 v58, v57;
	v18 =	vadd.f32 v62, v18  }
0x203: {  	v41 =	vld [tilespmem:s3+$0x1B030];
	v19 =	vadd.f32 v20, v19;
	v20 =	vadd.f32 v23, v59;
	v21 =	vmul.bf16 v51, v39  }
0x204: {  	v25 =	vmul.bf16 v56, v25;
	v23 =	vmul.bf16 v61, v43;
	v18 =	vadd.f32 v38, v18  }
0x205: {  	v20 =	vadd.f32 v40, v20;
	v26 =	vmul.bf16 v36, v63;
	v44 =	vunpack.i.u.bf16.f32 v21  }
0x206: {  	v21 =	vunpack.i.l.bf16.f32 v21;
	v45 =	vunpack.i.u.bf16.f32 v25;
	v25 =	vunpack.i.l.bf16.f32 v25  }
0x207: {  	v47 =	vunpack.i.u.bf16.f32 v23;
	v21 =	vadd.f32 v25, v21;
	v46 =	vadd.f32 v45, v44  }
0x208: {  	v23 =	vunpack.i.l.bf16.f32 v23;
	v18 =	vadd.f32 v42, v18;
	v24 =	vmul.bf16 v41, v26  }
0x209: {  	v22 =	vunpack.i.u.bf16.f32 v22;
	v21 =	vadd.f32 v23, v21;
	v48 =	vadd.f32 v47, v46  }
0x20a: {  	v20 =	vadd.f32 v22, v20;
	v49 =	vunpack.i.u.bf16.f32 v24;
	v24 =	vunpack.i.l.bf16.f32 v24  }
0x20b: {  	v21 =	vadd.f32 v24, v21;
	v22 =	vadd.f32 v49, v48  }
0x20c: {  	v18 =	vadd.f32 v18, v20  }
0x20d: {  	[tilespmem:$0x1E85D] =	vst v19;
	v19 =	vadd.f32 v21, v22  }
0x20e: {  	[tilespmem:$0x1E86E] =	vst v18  }
0x20f: {  	[tilespmem:$0x1E87F] =	vst v19  }
0x210: {  	v18 =	vld.idx.msk [tilespmem:v0+s21+$0x0], $0xffff  }
0x211: {  	v19 =	vld.idx.msk [tilespmem:v1+s21+$0x0], $0xffff  }
0x212: {  	v50 =	vld.idx.msk [tilespmem:v2+s21+$0x0], $0xffff  }
0x213: {  	v51 =	vld.idx.msk [tilespmem:v3+s21+$0x0], $0xffff  }
0x214: {  	v52 =	vld.idx.msk [tilespmem:v4+s21+$0x0], $0xffff  }
0x215: {  	v53 =	vld.idx.msk [tilespmem:v5+s21+$0x0], $0xffff  }
0x216: {  	v54 =	vld.idx.msk [tilespmem:v6+s21+$0x0], $0xffff  }
0x217: {  	v55 =	vld.idx.msk [tilespmem:v7+s21+$0x0], $0xffff  }
0x218: {  	v56 =	vld.idx.msk [tilespmem:v8+s21+$0x0], $0xffff;
	v18 =	vadd.f32 v50, v18;
	v19 =	vadd.f32 v51, v19  }
0x219: {  	v57 =	vld.idx.msk [tilespmem:v9+s21+$0x0], $0xffff  }
0x21a: {  	v58 =	vld.idx.msk [tilespmem:v10+s21+$0x0], $0xffff;
	v18 =	vadd.f32 v52, v18;
	v19 =	vadd.f32 v53, v19  }
0x21b: {  	v59 =	vld.idx.msk [tilespmem:v11+s21+$0x0], $0xffff  }
0x21c: {  	v60 =	vld.idx.msk [tilespmem:v12+s21+$0x0], $0xffff;
	v18 =	vadd.f32 v54, v18;
	v19 =	vadd.f32 v55, v19  }
0x21d: {  	v61 =	vld.idx.msk [tilespmem:v13+s21+$0x0], $0xffff  }
0x21e: {  	v62 =	vld.idx.msk [tilespmem:v14+s21+$0x0], $0xffff;
	v18 =	vadd.f32 v56, v18;
	v19 =	vadd.f32 v57, v19  }
0x21f: {  	v63 =	vld.idx.msk [tilespmem:v15+s21+$0x0], $0xffff  }
0x220: {  	v18 =	vadd.f32 v58, v18;
	v19 =	vadd.f32 v59, v19;
	_ =	sdelay $0x1  }
0x221: {  	v18 =	vadd.f32 v60, v18;
	v19 =	vadd.f32 v61, v19  }
0x222: {  	p0 =	seq.s32 s30, $0x100  }
.Ltmp8:
0x223: {  	v18 =	vadd.f32 v62, v18;
	v19 =	vadd.f32 v63, v19;
	(pc) =	sbr.rel @!p0 .LBB2_9-.Ltmp8, $3  }
0x224: {  	_ = 	snop  }
0x225: {  	v18 =	vadd.f32 v19, v18;
	_ =	sdelay $0x1  }
0x226: {  	s30 =	sadd.s32 $0x40, s30;
	s1 =	sadd.s32 $0x800, s1;
	s31 =	sadd.s32 $0x800, s31;
	[tilespmem:v17+s0+$0x0 ss:$0x1] =	vst.idx.msk $0xffff, v18  }
.Ltmp9:
0x227: {  	_ = 	snop;
	(pc) =	sbr.rel .LBB2_10-.Ltmp9, $1  }
0x228: {  	_ =	sdelay $0x3  }
.LBB2_4:
0x229: {  	_ =	swait.ge [sflag:s24], $0x2800  }
0x22a: {  	[sflag:s24] =	ssyncset.done $0x0  }
0x22b: {  	[sflag:s24] =	ssyncadd.s32 $0xFFFFD800  }
0x22c: {  	_ =	swait.ge [sflag:s24], $0x2800  }
0x22d: {  	s1 =	sadd.s32 @!p0 $0x100, s0;
	[sflag:s24] =	ssyncset.done $0x0  }
0x22e: {  	s30 =	simm.s32 @!p0 $0x50;
	s31 =	simm.s32 @!p0 $0x16000;
	[sflag:s24] =	ssyncadd.s32 $0xFFFFD800  }
0x22f: {  	v16 =	vmov s26;
	[tilespmem:s31], [sflag:$0x3] =	stream.indirect.gather @!p0 [hbm4b:s2+s30], $0x80, s1, s30, $0xb8;
	[tilespmem:$0x1E900] =	vst v63  }
0x230: {  	s0 =	sadd.s32 @!p0 $0x4100, s0;
	s1 =	simm.s32 @!p0 $0x18800  }
0x231: {  	[tilespmem:s1], [sflag:$0x3] =	stream.indirect.gather @!p0 [hbm4b:s2+s30], $0x80, s0, s30, $0xb8;
	[tilespmem:$0x1E900] =	vst v63  }
0x232: {  	v17 =	vmov s28;
	s31 =	simm.s32 $0xC400;
	s30 =	simm.s32 $0x0;
	s1 =	simm.s32 $0xEC00  }
.LBB2_5:
0x233: {  	s0 =	sshra.s32 s30, $0x2  }
0x234: {  	v18 =	vld.idx.msk [tilespmem:v16+s0+$0x0 ss:$0x1], $0xffff;
	_ =	sdelay $0x4  }
0x235: {  	v18 =	vshll.u32 v18, $0x8  }
0x236: {  	v19 =	vld [tilespmem:s31+$0xFFFFFC00];
	v18 =	vshra.s32 v18, $0x2  }
0x237: {  	v20 =	vld [tilespmem:s1+$0xFFFFFC00];
	(v2sf) =	vpush v18, $0x0  }
0x238: {  	v22 =	vld [tilespmem:s31+$0xFFFFFC10]  }
0x239: {  	v23 =	vld [tilespmem:s1+$0xFFFFFC10]  }
0x23a: {  	v25 =	vld [tilespmem:s31+$0xFFFFFC20]  }
0x23b: {  	v26 =	vld [tilespmem:s1+$0xFFFFFC20]  }
0x23c: {  	v28 =	vld [tilespmem:s31+$0xFFFFFC30]  }
0x23d: {  	v29 =	vld [tilespmem:s1+$0xFFFFFC30];
	(v2sf) =	vpush v18, $0x1  }
0x23e: {  	v31 =	vld [tilespmem:s31+$0xFFFFFC80]  }
0x23f: {  	v32 =	vld [tilespmem:s1+$0xFFFFFC80]  }
0x240: {  	v34 =	vld [tilespmem:s31+$0xFFFFFC90]  }
0x241: {  	v35 =	vld [tilespmem:s1+$0xFFFFFC90]  }
0x242: {  	v37 =	vld [tilespmem:s31+$0xFFFFFCA0]  }
0x243: {  	v38 =	vld [tilespmem:s1+$0xFFFFFCA0]  }
0x244: {  	v40 =	vld [tilespmem:s31+$0xFFFFFCB0]  }
0x245: {  	v41 =	vld [tilespmem:s1+$0xFFFFFCB0]  }
0x246: {  	v43 =	vld [tilespmem:s31+$0xFFFFFD10];
	s3 =	spop (v2sf);
	(v2sf) =	vpush v18, $0x2  }
0x247: {  	v51 =	vld [tilespmem:s31+$0xFFFFFD20]  }
0x248: {  	v21 =	vld [tilespmem:s3+$0x1B000]  }
0x249: {  	v24 =	vld [tilespmem:s3+$0x1B010]  }
0x24a: {  	v27 =	vld [tilespmem:s3+$0x1B020]  }
0x24b: {  	v52 =	vld [tilespmem:s1+$0xFFFFFD20];
	v19 =	vmul.bf16 v20, v19  }
0x24c: {  	v44 =	vmul.bf16 v23, v22;
	v30 =	vld [tilespmem:s3+$0x1B030];
	s3 =	spop (v2sf);
	(v2sf) =	vpush v18, $0x3  }
0x24d: {  	v55 =	vld [tilespmem:s31+$0xFFFFFD30];
	v46 =	vmul.bf16 v26, v25;
	v19 =	vmul.bf16 v21, v19  }
0x24e: {  	v56 =	vld [tilespmem:s1+$0xFFFFFD30];
	v20 =	vmul.bf16 v24, v44  }
0x24f: {  	v23 =	vld [tilespmem:s31+$0xFFFFFD00];
	v48 =	vmul.bf16 v29, v28;
	v24 =	vmul.bf16 v27, v46;
	v47 =	vunpack.i.u.bf16.f32 v19  }
0x250: {  	v28 =	vld [tilespmem:s1+$0xFFFFFD10];
	v19 =	vunpack.i.l.bf16.f32 v19;
	v42 =	vunpack.i.u.bf16.f32 v20;
	v20 =	vunpack.i.l.bf16.f32 v20  }
0x251: {  	v33 =	vld [tilespmem:s3+$0x1B000];
	v19 =	vadd.f32 v20, v19;
	v49 =	vadd.f32 v42, v47  }
0x252: {  	v36 =	vld [tilespmem:s3+$0x1B010];
	v27 =	vmul.bf16 v30, v48;
	v50 =	vunpack.i.u.bf16.f32 v24;
	v24 =	vunpack.i.l.bf16.f32 v24  }
0x253: {  	v39 =	vld [tilespmem:s3+$0x1B020];
	v19 =	vadd.f32 v24, v19;
	v20 =	vadd.f32 v50, v49  }
0x254: {  	v45 =	vld [tilespmem:s3+$0x1B030];
	v53 =	vunpack.i.u.bf16.f32 v27;
	v27 =	vunpack.i.l.bf16.f32 v27  }
0x255: {  	v21 =	vld [tilespmem:s1+$0xFFFFFD00];
	v19 =	vadd.f32 v27, v19;
	v20 =	vadd.f32 v53, v20;
	s3 =	spop (v2sf)  }
0x256: {  	v25 =	vld [tilespmem:s3+$0x1B000]  }
0x257: {  	v31 =	vmul.bf16 v32, v31;
	v19 =	vadd.f32 v19, v20;
	v26 =	vld [tilespmem:s3+$0x1B010]  }
0x258: {  	v58 =	vmul.bf16 v35, v34;
	v54 =	vld [tilespmem:s3+$0x1B020]  }
0x259: {  	v59 =	vmul.bf16 v38, v37;
	v31 =	vmul.bf16 v33, v31;
	v57 =	vld [tilespmem:s3+$0x1B030];
	[tilespmem:$0x1E780] =	vst v19  }
0x25a: {  	v32 =	vmul.bf16 v36, v58;
	v19 =	vld [tilespmem:s31+$0xFFFFFD80]  }
0x25b: {  	v62 =	vmul.bf16 v41, v40;
	v34 =	vmul.bf16 v39, v59;
	v60 =	vunpack.i.u.bf16.f32 v31;
	s3 =	spop (v2sf);
	v33 =	vld [tilespmem:s1+$0xFFFFFD80]  }
0x25c: {  	v31 =	vunpack.i.l.bf16.f32 v31;
	v61 =	vunpack.i.u.bf16.f32 v32;
	v32 =	vunpack.i.l.bf16.f32 v32;
	v35 =	vld [tilespmem:s3+$0x1B000]  }
0x25d: {  	v22 =	vmul.bf16 v45, v62;
	v31 =	vadd.f32 v32, v31;
	v63 =	vadd.f32 v61, v60;
	v38 =	vld [tilespmem:s31+$0xFFFFFD90]  }
0x25e: {  	v44 =	vunpack.i.u.bf16.f32 v34;
	v34 =	vunpack.i.l.bf16.f32 v34;
	(v2sf) =	vpush v18, $0x4;
	v40 =	vld [tilespmem:s1+$0xFFFFFD90]  }
0x25f: {  	v31 =	vadd.f32 v34, v31;
	v32 =	vadd.f32 v44, v63;
	v36 =	vld [tilespmem:s3+$0x1B010]  }
0x260: {  	v45 =	vunpack.i.u.bf16.f32 v22;
	v22 =	vunpack.i.l.bf16.f32 v22;
	v39 =	vld [tilespmem:s31+$0xFFFFFDA0]  }
0x261: {  	v22 =	vadd.f32 v22, v31;
	v46 =	vadd.f32 v45, v32;
	v34 =	vld [tilespmem:s1+$0xFFFFFDA0]  }
0x262: {  	v41 =	vld [tilespmem:s3+$0x1B020]  }
0x263: {  	v21 =	vmul.bf16 v21, v23;
	v22 =	vadd.f32 v22, v46;
	v47 =	vld [tilespmem:s31+$0xFFFFFDB0]  }
0x264: {  	v50 =	vmul.bf16 v28, v43;
	(v2sf) =	vpush v18, $0x5;
	v48 =	vld [tilespmem:s1+$0xFFFFFDB0]  }
0x265: {  	v24 =	vmul.bf16 v52, v51;
	v49 =	vld [tilespmem:s3+$0x1B030];
	[tilespmem:$0x1E791] =	vst v22;
	v21 =	vmul.bf16 v25, v21  }
0x266: {  	v22 =	vld [tilespmem:s31+$0xFFFFFE00];
	v23 =	vmul.bf16 v26, v50  }
0x267: {  	v27 =	vmul.bf16 v56, v55;
	v43 =	vld [tilespmem:s31+$0xFFFFFE10];
	v24 =	vmul.bf16 v54, v24;
	v51 =	vunpack.i.u.bf16.f32 v21  }
0x268: {  	v29 =	vld [tilespmem:s1+$0xFFFFFE10];
	v21 =	vunpack.i.l.bf16.f32 v21;
	v52 =	vunpack.i.u.bf16.f32 v23;
	v23 =	vunpack.i.l.bf16.f32 v23  }
0x269: {  	v56 =	vld [tilespmem:s31+$0xFFFFFE20];
	v21 =	vadd.f32 v23, v21;
	v53 =	vadd.f32 v52, v51  }
0x26a: {  	v61 =	vld [tilespmem:s31+$0xFFFFFE30];
	v20 =	vmul.bf16 v57, v27;
	v55 =	vunpack.i.u.bf16.f32 v24;
	v24 =	vunpack.i.l.bf16.f32 v24  }
0x26b: {  	v62 =	vld [tilespmem:s1+$0xFFFFFE30];
	v21 =	vadd.f32 v24, v21;
	v23 =	vadd.f32 v55, v53  }
0x26c: {  	v25 =	vld [tilespmem:s1+$0xFFFFFE00];
	v58 =	vunpack.i.u.bf16.f32 v20;
	v20 =	vunpack.i.l.bf16.f32 v20  }
0x26d: {  	v57 =	vld [tilespmem:s1+$0xFFFFFE20];
	v20 =	vadd.f32 v20, v21;
	v60 =	vadd.f32 v58, v23;
	s3 =	spop (v2sf)  }
0x26e: {  	v26 =	vld [tilespmem:s3+$0x1B000]  }
0x26f: {  	v19 =	vmul.bf16 v33, v19;
	v20 =	vadd.f32 v20, v60;
	v54 =	vld [tilespmem:s3+$0x1B010]  }
0x270: {  	v40 =	vmul.bf16 v40, v38;
	v59 =	vld [tilespmem:s3+$0x1B020]  }
0x271: {  	v34 =	vmul.bf16 v34, v39;
	v19 =	vmul.bf16 v35, v19;
	v63 =	vld [tilespmem:s3+$0x1B030];
	[tilespmem:$0x1E7A2] =	vst v20  }
0x272: {  	v33 =	vmul.bf16 v36, v40;
	v20 =	vld [tilespmem:s31+$0xFFFFFE80]  }
0x273: {  	v32 =	vmul.bf16 v48, v47;
	v34 =	vmul.bf16 v41, v34;
	v44 =	vunpack.i.u.bf16.f32 v19;
	s3 =	spop (v2sf);
	v35 =	vld [tilespmem:s1+$0xFFFFFE80]  }
0x274: {  	v19 =	vunpack.i.l.bf16.f32 v19;
	v45 =	vunpack.i.u.bf16.f32 v33;
	v33 =	vunpack.i.l.bf16.f32 v33;
	v36 =	vld [tilespmem:s3+$0x1B000]  }
0x275: {  	v31 =	vmul.bf16 v49, v32;
	v19 =	vadd.f32 v33, v19;
	v46 =	vadd.f32 v45, v44;
	v40 =	vld [tilespmem:s31+$0xFFFFFE90]  }
0x276: {  	v47 =	vunpack.i.u.bf16.f32 v34;
	v34 =	vunpack.i.l.bf16.f32 v34;
	(v2sf) =	vpush v18, $0x6;
	v37 =	vld [tilespmem:s1+$0xFFFFFE90]  }
0x277: {  	v19 =	vadd.f32 v34, v19;
	v33 =	vadd.f32 v47, v46;
	v38 =	vld [tilespmem:s3+$0x1B010]  }
0x278: {  	v48 =	vunpack.i.u.bf16.f32 v31;
	v31 =	vunpack.i.l.bf16.f32 v31;
	v32 =	vld [tilespmem:s31+$0xFFFFFEA0]  }
0x279: {  	v19 =	vadd.f32 v31, v19;
	v49 =	vadd.f32 v48, v33;
	v34 =	vld [tilespmem:s1+$0xFFFFFEA0]  }
0x27a: {  	v41 =	vld [tilespmem:s3+$0x1B020]  }
0x27b: {  	v22 =	vmul.bf16 v25, v22;
	v50 =	vld [tilespmem:s31+$0xFFFFFEB0];
	v19 =	vadd.f32 v19, v49  }
0x27c: {  	v53 =	vmul.bf16 v29, v43;
	(v2sf) =	vpush v18, $0x7;
	v51 =	vld [tilespmem:s1+$0xFFFFFEB0]  }
0x27d: {  	v24 =	vmul.bf16 v57, v56;
	v52 =	vld [tilespmem:s3+$0x1B030];
	[tilespmem:$0x1E7B3] =	vst v19;
	v22 =	vmul.bf16 v26, v22  }
0x27e: {  	v25 =	vmul.bf16 v54, v53;
	v19 =	vld [tilespmem:s31+$0xFFFFFF00]  }
0x27f: {  	v23 =	vmul.bf16 v62, v61;
	v24 =	vmul.bf16 v59, v24;
	v26 =	vld [tilespmem:s1+$0xFFFFFF00];
	v54 =	vunpack.i.u.bf16.f32 v22  }
0x280: {  	v43 =	vld [tilespmem:s31+$0xFFFFFF10];
	v22 =	vunpack.i.l.bf16.f32 v22;
	v55 =	vunpack.i.u.bf16.f32 v25;
	v25 =	vunpack.i.l.bf16.f32 v25  }
0x281: {  	v30 =	vld [tilespmem:s1+$0xFFFFFF10];
	v22 =	vadd.f32 v25, v22;
	v56 =	vadd.f32 v55, v54  }
0x282: {  	v21 =	vmul.bf16 v63, v23;
	v23 =	vld [tilespmem:s31+$0xFFFFFF20];
	v57 =	vunpack.i.u.bf16.f32 v24;
	v24 =	vunpack.i.l.bf16.f32 v24  }
0x283: {  	v59 =	vld [tilespmem:s1+$0xFFFFFF20];
	v22 =	vadd.f32 v24, v22;
	v58 =	vadd.f32 v57, v56  }
0x284: {  	v63 =	vld [tilespmem:s31+$0xFFFFFF30];
	v60 =	vunpack.i.u.bf16.f32 v21;
	v21 =	vunpack.i.l.bf16.f32 v21  }
0x285: {  	v45 =	vld [tilespmem:s1+$0xFFFFFF30];
	v21 =	vadd.f32 v21, v22;
	v62 =	vadd.f32 v60, v58;
	s3 =	spop (v2sf)  }
0x286: {  	v27 =	vld [tilespmem:s3+$0x1B000]  }
0x287: {  	v20 =	vmul.bf16 v35, v20;
	v21 =	vadd.f32 v21, v62;
	v28 =	vld [tilespmem:s3+$0x1B010]  }
0x288: {  	v47 =	vmul.bf16 v37, v40;
	v61 =	vld [tilespmem:s3+$0x1B020]  }
0x289: {  	v32 =	vmul.bf16 v34, v32;
	v20 =	vmul.bf16 v36, v20;
	v46 =	vld [tilespmem:s3+$0x1B030];
	[tilespmem:$0x1E7C4] =	vst v21  }
0x28a: {  	v35 =	vmul.bf16 v38, v47;
	v21 =	vld [tilespmem:s31+$0xFFFFFF80]  }
0x28b: {  	v33 =	vmul.bf16 v51, v50;
	v32 =	vmul.bf16 v41, v32;
	v48 =	vunpack.i.u.bf16.f32 v20;
	s3 =	spop (v2sf);
	v36 =	vld [tilespmem:s1+$0xFFFFFF80]  }
0x28c: {  	v20 =	vunpack.i.l.bf16.f32 v20;
	v38 =	vunpack.i.u.bf16.f32 v35;
	v35 =	vunpack.i.l.bf16.f32 v35;
	v34 =	vld [tilespmem:s3+$0x1B000]  }
0x28d: {  	v31 =	vmul.bf16 v52, v33;
	v20 =	vadd.f32 v35, v20;
	v49 =	vadd.f32 v38, v48;
	v40 =	vld [tilespmem:s31+$0xFFFFFF90]  }
0x28e: {  	v50 =	vunpack.i.u.bf16.f32 v32;
	v32 =	vunpack.i.l.bf16.f32 v32;
	(v2sf) =	vpush v18, $0x8;
	v39 =	vld [tilespmem:s1+$0xFFFFFF90]  }
0x28f: {  	v20 =	vadd.f32 v32, v20;
	v51 =	vadd.f32 v50, v49;
	v37 =	vld [tilespmem:s3+$0x1B010]  }
0x290: {  	v52 =	vunpack.i.u.bf16.f32 v31;
	v31 =	vunpack.i.l.bf16.f32 v31;
	v33 =	vld [tilespmem:s31+$0xFFFFFFA0]  }
0x291: {  	v20 =	vadd.f32 v31, v20;
	v53 =	vadd.f32 v52, v51;
	v35 =	vld [tilespmem:s1+$0xFFFFFFA0]  }
0x292: {  	v41 =	vld [tilespmem:s3+$0x1B020]  }
0x293: {  	v19 =	vmul.bf16 v26, v19;
	v54 =	vld [tilespmem:s31+$0xFFFFFFB0];
	v20 =	vadd.f32 v20, v53  }
0x294: {  	v57 =	vmul.bf16 v30, v43;
	(v2sf) =	vpush v18, $0x9;
	v55 =	vld [tilespmem:s1+$0xFFFFFFB0]  }
0x295: {  	v23 =	vmul.bf16 v59, v23;
	v56 =	vld [tilespmem:s3+$0x1B030];
	[tilespmem:$0x1E7D5] =	vst v20;
	v19 =	vmul.bf16 v27, v19  }
0x296: {  	v26 =	vmul.bf16 v28, v57;
	v20 =	vld [tilespmem:s31+$0x0]  }
0x297: {  	v24 =	vmul.bf16 v45, v63;
	v23 =	vmul.bf16 v61, v23;
	v27 =	vld [tilespmem:s1+$0x0];
	v58 =	vunpack.i.u.bf16.f32 v19  }
0x298: {  	v43 =	vld [tilespmem:s31+$0x10];
	v19 =	vunpack.i.l.bf16.f32 v19;
	v59 =	vunpack.i.u.bf16.f32 v26;
	v26 =	vunpack.i.l.bf16.f32 v26  }
0x299: {  	v29 =	vld [tilespmem:s1+$0x10];
	v19 =	vadd.f32 v26, v19;
	v60 =	vadd.f32 v59, v58  }
0x29a: {  	v22 =	vmul.bf16 v46, v24;
	v24 =	vld [tilespmem:s31+$0x20];
	v61 =	vunpack.i.u.bf16.f32 v23;
	v23 =	vunpack.i.l.bf16.f32 v23  }
0x29b: {  	v63 =	vld [tilespmem:s1+$0x20];
	v19 =	vadd.f32 v23, v19;
	v62 =	vadd.f32 v61, v60  }
0x29c: {  	v47 =	vld [tilespmem:s31+$0x30];
	v45 =	vunpack.i.u.bf16.f32 v22;
	v22 =	vunpack.i.l.bf16.f32 v22  }
0x29d: {  	v48 =	vld [tilespmem:s1+$0x30];
	v19 =	vadd.f32 v22, v19;
	v46 =	vadd.f32 v45, v62;
	s3 =	spop (v2sf)  }
0x29e: {  	v25 =	vld [tilespmem:s3+$0x1B000]  }
0x29f: {  	v21 =	vmul.bf16 v36, v21;
	v19 =	vadd.f32 v19, v46;
	v28 =	vld [tilespmem:s3+$0x1B010]  }
0x2a0: {  	v50 =	vmul.bf16 v39, v40;
	v42 =	vld [tilespmem:s3+$0x1B020]  }
0x2a1: {  	v33 =	vmul.bf16 v35, v33;
	v21 =	vmul.bf16 v34, v21;
	v49 =	vld [tilespmem:s3+$0x1B030];
	[tilespmem:$0x1E7E6] =	vst v19  }
0x2a2: {  	v51 =	vmul.bf16 v37, v50;
	v19 =	vld [tilespmem:s31+$0x80]  }
0x2a3: {  	v32 =	vmul.bf16 v55, v54;
	v33 =	vmul.bf16 v41, v33;
	v52 =	vunpack.i.u.bf16.f32 v21;
	s3 =	spop (v2sf);
	v36 =	vld [tilespmem:s1+$0x80]  }
0x2a4: {  	v21 =	vunpack.i.l.bf16.f32 v21;
	v53 =	vunpack.i.u.bf16.f32 v51;
	v34 =	vunpack.i.l.bf16.f32 v51;
	v35 =	vld [tilespmem:s3+$0x1B000]  }
0x2a5: {  	v31 =	vmul.bf16 v56, v32;
	v21 =	vadd.f32 v34, v21;
	v54 =	vadd.f32 v53, v52;
	v40 =	vld [tilespmem:s31+$0x90]  }
0x2a6: {  	v55 =	vunpack.i.u.bf16.f32 v33;
	v33 =	vunpack.i.l.bf16.f32 v33;
	(v2sf) =	vpush v18, $0xA;
	v38 =	vld [tilespmem:s1+$0x90]  }
0x2a7: {  	v21 =	vadd.f32 v33, v21;
	v56 =	vadd.f32 v55, v54;
	v37 =	vld [tilespmem:s3+$0x1B010]  }
0x2a8: {  	v57 =	vunpack.i.u.bf16.f32 v31;
	v31 =	vunpack.i.l.bf16.f32 v31;
	v32 =	vld [tilespmem:s31+$0xA0]  }
0x2a9: {  	v21 =	vadd.f32 v31, v21;
	v58 =	vadd.f32 v57, v56;
	v34 =	vld [tilespmem:s1+$0xA0]  }
0x2aa: {  	v41 =	vld [tilespmem:s3+$0x1B020]  }
0x2ab: {  	v20 =	vmul.bf16 v27, v20;
	v59 =	vld [tilespmem:s31+$0xB0];
	v21 =	vadd.f32 v21, v58  }
0x2ac: {  	v61 =	vmul.bf16 v29, v43;
	(v2sf) =	vpush v18, $0xB;
	v60 =	vld [tilespmem:s1+$0xB0]  }
0x2ad: {  	v24 =	vmul.bf16 v63, v24;
	v31 =	vld [tilespmem:s3+$0x1B030];
	[tilespmem:$0x1E7F7] =	vst v21;
	v20 =	vmul.bf16 v25, v20  }
0x2ae: {  	v62 =	vmul.bf16 v28, v61;
	v21 =	vld [tilespmem:s31+$0x100]  }
0x2af: {  	v23 =	vmul.bf16 v48, v47;
	v24 =	vmul.bf16 v42, v24;
	v27 =	vld [tilespmem:s1+$0x100];
	v63 =	vunpack.i.u.bf16.f32 v20  }
0x2b0: {  	v43 =	vld [tilespmem:s31+$0x110];
	v20 =	vunpack.i.l.bf16.f32 v20;
	v45 =	vunpack.i.u.bf16.f32 v62;
	v25 =	vunpack.i.l.bf16.f32 v62  }
0x2b1: {  	v30 =	vld [tilespmem:s1+$0x110];
	v20 =	vadd.f32 v25, v20;
	v46 =	vadd.f32 v45, v63  }
0x2b2: {  	v22 =	vmul.bf16 v49, v23;
	v23 =	vld [tilespmem:s31+$0x120];
	v47 =	vunpack.i.u.bf16.f32 v24;
	v24 =	vunpack.i.l.bf16.f32 v24  }
0x2b3: {  	v49 =	vld [tilespmem:s1+$0x120];
	v20 =	vadd.f32 v24, v20;
	v48 =	vadd.f32 v47, v46  }
0x2b4: {  	v52 =	vld [tilespmem:s31+$0x130];
	v50 =	vunpack.i.u.bf16.f32 v22;
	v22 =	vunpack.i.l.bf16.f32 v22  }
0x2b5: {  	v53 =	vld [tilespmem:s1+$0x130];
	v20 =	vadd.f32 v22, v20;
	v51 =	vadd.f32 v50, v48;
	s3 =	spop (v2sf)  }
0x2b6: {  	v26 =	vld [tilespmem:s3+$0x1B000]  }
0x2b7: {  	v19 =	vmul.bf16 v36, v19;
	v20 =	vadd.f32 v20, v51;
	v28 =	vld [tilespmem:s3+$0x1B010]  }
0x2b8: {  	v55 =	vmul.bf16 v38, v40;
	v42 =	vld [tilespmem:s3+$0x1B020]  }
0x2b9: {  	v32 =	vmul.bf16 v34, v32;
	v19 =	vmul.bf16 v35, v19;
	v54 =	vld [tilespmem:s3+$0x1B030];
	[tilespmem:$0x1E808] =	vst v20  }
0x2ba: {  	v56 =	vmul.bf16 v37, v55;
	v20 =	vld [tilespmem:s31+$0x180]  }
0x2bb: {  	v33 =	vmul.bf16 v60, v59;
	v32 =	vmul.bf16 v41, v32;
	v57 =	vunpack.i.u.bf16.f32 v19;
	s3 =	spop (v2sf);
	v36 =	vld [tilespmem:s1+$0x180]  }
0x2bc: {  	v19 =	vunpack.i.l.bf16.f32 v19;
	v58 =	vunpack.i.u.bf16.f32 v56;
	v35 =	vunpack.i.l.bf16.f32 v56;
	v34 =	vld [tilespmem:s3+$0x1B000]  }
0x2bd: {  	v31 =	vmul.bf16 v31, v33;
	v19 =	vadd.f32 v35, v19;
	v59 =	vadd.f32 v58, v57;
	v40 =	vld [tilespmem:s31+$0x190]  }
0x2be: {  	v60 =	vunpack.i.u.bf16.f32 v32;
	v32 =	vunpack.i.l.bf16.f32 v32;
	(v2sf) =	vpush v18, $0xC;
	v39 =	vld [tilespmem:s1+$0x190]  }
0x2bf: {  	v19 =	vadd.f32 v32, v19;
	v61 =	vadd.f32 v60, v59;
	v37 =	vld [tilespmem:s3+$0x1B010]  }
0x2c0: {  	v63 =	vunpack.i.u.bf16.f32 v31;
	v31 =	vunpack.i.l.bf16.f32 v31;
	v33 =	vld [tilespmem:s31+$0x1A0]  }
0x2c1: {  	v19 =	vadd.f32 v31, v19;
	v44 =	vadd.f32 v63, v61;
	v62 =	vld [tilespmem:s1+$0x1A0]  }
0x2c2: {  	v41 =	vld [tilespmem:s3+$0x1B020]  }
0x2c3: {  	v21 =	vmul.bf16 v27, v21;
	v45 =	vld [tilespmem:s31+$0x1B0];
	v19 =	vadd.f32 v19, v44  }
0x2c4: {  	v47 =	vmul.bf16 v30, v43;
	(v2sf) =	vpush v18, $0xD;
	v46 =	vld [tilespmem:s1+$0x1B0]  }
0x2c5: {  	v23 =	vmul.bf16 v49, v23;
	v31 =	vld [tilespmem:s3+$0x1B030];
	[tilespmem:$0x1E819] =	vst v19;
	v21 =	vmul.bf16 v26, v21  }
0x2c6: {  	v48 =	vmul.bf16 v28, v47;
	v19 =	vld [tilespmem:s31+$0x200]  }
0x2c7: {  	v24 =	vmul.bf16 v53, v52;
	v23 =	vmul.bf16 v42, v23;
	v27 =	vld [tilespmem:s1+$0x200];
	v49 =	vunpack.i.u.bf16.f32 v21  }
0x2c8: {  	v43 =	vld [tilespmem:s31+$0x210];
	v21 =	vunpack.i.l.bf16.f32 v21;
	v50 =	vunpack.i.u.bf16.f32 v48;
	v26 =	vunpack.i.l.bf16.f32 v48  }
0x2c9: {  	v29 =	vld [tilespmem:s1+$0x210];
	v21 =	vadd.f32 v26, v21;
	v51 =	vadd.f32 v50, v49  }
0x2ca: {  	v22 =	vmul.bf16 v54, v24;
	v24 =	vld [tilespmem:s31+$0x220];
	v52 =	vunpack.i.u.bf16.f32 v23;
	v23 =	vunpack.i.l.bf16.f32 v23  }
0x2cb: {  	v54 =	vld [tilespmem:s1+$0x220];
	v21 =	vadd.f32 v23, v21;
	v53 =	vadd.f32 v52, v51  }
0x2cc: {  	v57 =	vld [tilespmem:s31+$0x230];
	v55 =	vunpack.i.u.bf16.f32 v22;
	v22 =	vunpack.i.l.bf16.f32 v22  }
0x2cd: {  	v58 =	vld [tilespmem:s1+$0x230];
	v21 =	vadd.f32 v22, v21;
	v56 =	vadd.f32 v55, v53;
	s3 =	spop (v2sf)  }
0x2ce: {  	v25 =	vld [tilespmem:s3+$0x1B000]  }
0x2cf: {  	v20 =	vmul.bf16 v36, v20;
	v21 =	vadd.f32 v21, v56;
	v28 =	vld [tilespmem:s3+$0x1B010]  }
0x2d0: {  	v60 =	vmul.bf16 v39, v40;
	v42 =	vld [tilespmem:s3+$0x1B020]  }
0x2d1: {  	v33 =	vmul.bf16 v62, v33;
	v20 =	vmul.bf16 v34, v20;
	v59 =	vld [tilespmem:s3+$0x1B030];
	[tilespmem:$0x1E82A] =	vst v21  }
0x2d2: {  	v61 =	vmul.bf16 v37, v60;
	v21 =	vld [tilespmem:s31+$0x280]  }
0x2d3: {  	v32 =	vmul.bf16 v46, v45;
	v33 =	vmul.bf16 v41, v33;
	v62 =	vunpack.i.u.bf16.f32 v20;
	s3 =	spop (v2sf);
	v36 =	vld [tilespmem:s1+$0x280]  }
0x2d4: {  	v20 =	vunpack.i.l.bf16.f32 v20;
	v63 =	vunpack.i.u.bf16.f32 v61;
	v34 =	vunpack.i.l.bf16.f32 v61;
	v35 =	vld [tilespmem:s3+$0x1B000]  }
0x2d5: {  	v31 =	vmul.bf16 v31, v32;
	v20 =	vadd.f32 v34, v20;
	v45 =	vadd.f32 v63, v62;
	v40 =	vld [tilespmem:s31+$0x290]  }
0x2d6: {  	v46 =	vunpack.i.u.bf16.f32 v33;
	v33 =	vunpack.i.l.bf16.f32 v33;
	(v2sf) =	vpush v18, $0xE;
	v44 =	vld [tilespmem:s1+$0x290]  }
0x2d7: {  	v20 =	vadd.f32 v33, v20;
	v47 =	vadd.f32 v46, v45;
	v37 =	vld [tilespmem:s3+$0x1B010]  }
0x2d8: {  	v49 =	vunpack.i.u.bf16.f32 v31;
	v31 =	vunpack.i.l.bf16.f32 v31;
	v32 =	vld [tilespmem:s31+$0x2A0]  }
0x2d9: {  	v20 =	vadd.f32 v31, v20;
	v50 =	vadd.f32 v49, v47;
	v48 =	vld [tilespmem:s1+$0x2A0]  }
0x2da: {  	v41 =	vld [tilespmem:s3+$0x1B020]  }
0x2db: {  	v19 =	vmul.bf16 v27, v19;
	v51 =	vld [tilespmem:s31+$0x2B0];
	v20 =	vadd.f32 v20, v50  }
0x2dc: {  	v29 =	vmul.bf16 v29, v43;
	(v2sf) =	vpush v18, $0xF;
	v52 =	vld [tilespmem:s1+$0x2B0]  }
0x2dd: {  	v24 =	vmul.bf16 v54, v24;
	v27 =	vld [tilespmem:s3+$0x1B030];
	[tilespmem:$0x1E83B] =	vst v20;
	v19 =	vmul.bf16 v25, v19  }
0x2de: {  	v53 =	vmul.bf16 v28, v29;
	v18 =	vld [tilespmem:s31+$0x300]  }
0x2df: {  	v23 =	vmul.bf16 v58, v57;
	v24 =	vmul.bf16 v42, v24;
	v54 =	vld [tilespmem:s1+$0x300];
	v55 =	vunpack.i.l.bf16.f32 v19  }
0x2e0: {  	v56 =	vld [tilespmem:s31+$0x310];
	v29 =	vunpack.i.l.bf16.f32 v53;
	v19 =	vunpack.i.u.bf16.f32 v19;
	v20 =	vunpack.i.u.bf16.f32 v53  }
0x2e1: {  	v57 =	vld [tilespmem:s1+$0x310];
	v26 =	vadd.f32 v29, v55;
	v19 =	vadd.f32 v20, v19  }
0x2e2: {  	v22 =	vmul.bf16 v59, v23;
	v60 =	vld [tilespmem:s31+$0x320];
	v58 =	vunpack.i.l.bf16.f32 v24;
	v24 =	vunpack.i.u.bf16.f32 v24  }
0x2e3: {  	v62 =	vld [tilespmem:s1+$0x320];
	v20 =	vadd.f32 v58, v26;
	v19 =	vadd.f32 v24, v19  }
0x2e4: {  	v43 =	vld [tilespmem:s31+$0x330];
	v61 =	vunpack.i.l.bf16.f32 v22;
	v22 =	vunpack.i.u.bf16.f32 v22  }
0x2e5: {  	v42 =	vmul.bf16 v44, v40;
	v44 =	vld [tilespmem:s1+$0x330];
	v20 =	vadd.f32 v61, v20;
	v19 =	vadd.f32 v22, v19;
	s3 =	spop (v2sf)  }
0x2e6: {  	v28 =	vld [tilespmem:s3+$0x1B000]  }
0x2e7: {  	v19 =	vadd.f32 v20, v19;
	v59 =	vld [tilespmem:s3+$0x1B010]  }
0x2e8: {  	v32 =	vmul.bf16 v48, v32;
	v63 =	vld [tilespmem:s3+$0x1B020]  }
0x2e9: {  	v21 =	vmul.bf16 v36, v21;
	v33 =	vmul.bf16 v52, v51;
	v47 =	vld [tilespmem:s3+$0x1B030];
	[tilespmem:$0x1E84C] =	vst v19  }
0x2ea: {  	v46 =	vmul.bf16 v37, v42;
	v32 =	vmul.bf16 v41, v32;
	v49 =	vld [tilespmem:s31+$0x380]  }
0x2eb: {  	v45 =	vmul.bf16 v35, v21;
	v27 =	vmul.bf16 v27, v33;
	s3 =	spop (v2sf);
	v50 =	vld [tilespmem:s1+$0x380]  }
0x2ec: {  	v48 =	vunpack.i.u.bf16.f32 v46;
	v21 =	vunpack.i.l.bf16.f32 v46;
	v52 =	vunpack.i.u.bf16.f32 v32;
	v51 =	vld [tilespmem:s3+$0x1B000]  }
0x2ed: {  	v32 =	vunpack.i.l.bf16.f32 v32;
	v18 =	vmul.bf16 v54, v18;
	v20 =	vunpack.i.l.bf16.f32 v45;
	v53 =	vld [tilespmem:s31+$0x390]  }
0x2ee: {  	v55 =	vunpack.i.u.bf16.f32 v27;
	v20 =	vadd.f32 v21, v20;
	v19 =	vunpack.i.u.bf16.f32 v45;
	v54 =	vld [tilespmem:s1+$0x390]  }
0x2ef: {  	v27 =	vunpack.i.l.bf16.f32 v27;
	v29 =	vmul.bf16 v57, v56;
	v19 =	vadd.f32 v48, v19;
	v56 =	vld [tilespmem:s3+$0x1B010]  }
0x2f0: {  	v26 =	vmul.bf16 v62, v60;
	v60 =	vmul.bf16 v44, v43;
	v20 =	vadd.f32 v32, v20;
	v57 =	vld [tilespmem:s31+$0x3A0]  }
0x2f1: {  	v58 =	vld [tilespmem:s1+$0x3A0];
	v19 =	vadd.f32 v52, v19;
	v18 =	vmul.bf16 v28, v18;
	v23 =	vmul.bf16 v59, v29  }
0x2f2: {  	v61 =	vld [tilespmem:s3+$0x1B020];
	v20 =	vadd.f32 v27, v20;
	v24 =	vmul.bf16 v63, v26;
	v22 =	vmul.bf16 v47, v60  }
0x2f3: {  	v36 =	vld [tilespmem:s1+$0x3B0];
	v19 =	vadd.f32 v55, v19;
	v59 =	vunpack.i.u.bf16.f32 v18;
	v18 =	vunpack.i.l.bf16.f32 v18  }
0x2f4: {  	v63 =	vld [tilespmem:s31+$0x3B0];
	v62 =	vunpack.i.l.bf16.f32 v23;
	v23 =	vunpack.i.u.bf16.f32 v23;
	v38 =	vunpack.i.l.bf16.f32 v24  }
0x2f5: {  	v39 =	vmul.bf16 v50, v49;
	v25 =	vmul.bf16 v54, v53;
	v40 =	vunpack.i.u.bf16.f32 v24  }
0x2f6: {  	v42 =	vunpack.i.l.bf16.f32 v22;
	v43 =	vmul.bf16 v58, v57;
	v18 =	vadd.f32 v62, v18  }
0x2f7: {  	v41 =	vld [tilespmem:s3+$0x1B030];
	v19 =	vadd.f32 v20, v19;
	v20 =	vadd.f32 v23, v59;
	v21 =	vmul.bf16 v51, v39  }
0x2f8: {  	v25 =	vmul.bf16 v56, v25;
	v23 =	vmul.bf16 v61, v43;
	v18 =	vadd.f32 v38, v18  }
0x2f9: {  	v20 =	vadd.f32 v40, v20;
	v26 =	vmul.bf16 v36, v63;
	v44 =	vunpack.i.u.bf16.f32 v21  }
0x2fa: {  	v21 =	vunpack.i.l.bf16.f32 v21;
	v45 =	vunpack.i.u.bf16.f32 v25;
	v25 =	vunpack.i.l.bf16.f32 v25  }
0x2fb: {  	v47 =	vunpack.i.u.bf16.f32 v23;
	v21 =	vadd.f32 v25, v21;
	v46 =	vadd.f32 v45, v44  }
0x2fc: {  	v23 =	vunpack.i.l.bf16.f32 v23;
	v18 =	vadd.f32 v42, v18;
	v24 =	vmul.bf16 v41, v26  }
0x2fd: {  	v22 =	vunpack.i.u.bf16.f32 v22;
	v21 =	vadd.f32 v23, v21;
	v48 =	vadd.f32 v47, v46  }
0x2fe: {  	v20 =	vadd.f32 v22, v20;
	v49 =	vunpack.i.u.bf16.f32 v24;
	v24 =	vunpack.i.l.bf16.f32 v24  }
0x2ff: {  	v21 =	vadd.f32 v24, v21;
	v22 =	vadd.f32 v49, v48  }
0x300: {  	v18 =	vadd.f32 v18, v20  }
0x301: {  	[tilespmem:$0x1E85D] =	vst v19;
	v19 =	vadd.f32 v21, v22  }
0x302: {  	[tilespmem:$0x1E86E] =	vst v18  }
0x303: {  	[tilespmem:$0x1E87F] =	vst v19  }
0x304: {  	v18 =	vld.idx.msk [tilespmem:v0+s21+$0x0], $0xffff  }
0x305: {  	v19 =	vld.idx.msk [tilespmem:v1+s21+$0x0], $0xffff  }
0x306: {  	v50 =	vld.idx.msk [tilespmem:v2+s21+$0x0], $0xffff  }
0x307: {  	v51 =	vld.idx.msk [tilespmem:v3+s21+$0x0], $0xffff  }
0x308: {  	v52 =	vld.idx.msk [tilespmem:v4+s21+$0x0], $0xffff  }
0x309: {  	v53 =	vld.idx.msk [tilespmem:v5+s21+$0x0], $0xffff  }
0x30a: {  	v54 =	vld.idx.msk [tilespmem:v6+s21+$0x0], $0xffff  }
0x30b: {  	v55 =	vld.idx.msk [tilespmem:v7+s21+$0x0], $0xffff  }
0x30c: {  	v56 =	vld.idx.msk [tilespmem:v8+s21+$0x0], $0xffff;
	v18 =	vadd.f32 v50, v18;
	v19 =	vadd.f32 v51, v19  }
0x30d: {  	v57 =	vld.idx.msk [tilespmem:v9+s21+$0x0], $0xffff  }
0x30e: {  	v58 =	vld.idx.msk [tilespmem:v10+s21+$0x0], $0xffff;
	v18 =	vadd.f32 v52, v18;
	v19 =	vadd.f32 v53, v19  }
0x30f: {  	v59 =	vld.idx.msk [tilespmem:v11+s21+$0x0], $0xffff  }
0x310: {  	v60 =	vld.idx.msk [tilespmem:v12+s21+$0x0], $0xffff;
	v18 =	vadd.f32 v54, v18;
	v19 =	vadd.f32 v55, v19  }
0x311: {  	v61 =	vld.idx.msk [tilespmem:v13+s21+$0x0], $0xffff  }
0x312: {  	v62 =	vld.idx.msk [tilespmem:v14+s21+$0x0], $0xffff;
	v18 =	vadd.f32 v56, v18;
	v19 =	vadd.f32 v57, v19  }
0x313: {  	v63 =	vld.idx.msk [tilespmem:v15+s21+$0x0], $0xffff  }
0x314: {  	v18 =	vadd.f32 v58, v18;
	v19 =	vadd.f32 v59, v19;
	_ =	sdelay $0x1  }
0x315: {  	v18 =	vadd.f32 v60, v18;
	v19 =	vadd.f32 v61, v19  }
0x316: {  	p0 =	seq.s32 s30, $0x100  }
.Ltmp10:
0x317: {  	v18 =	vadd.f32 v62, v18;
	v19 =	vadd.f32 v63, v19;
	(pc) =	sbr.rel @!p0 .LBB2_5-.Ltmp10, $3  }
0x318: {  	_ = 	snop  }
0x319: {  	v18 =	vadd.f32 v19, v18;
	_ =	sdelay $0x1  }
0x31a: {  	s30 =	sadd.s32 $0x40, s30;
	s1 =	sadd.s32 $0x800, s1;
	s31 =	sadd.s32 $0x800, s31;
	[tilespmem:v17+s0+$0x0 ss:$0x1] =	vst.idx.msk $0xffff, v18  }
.Ltmp11:
0x31b: {  	_ = 	snop;
	(pc) =	sbr.rel .LBB2_10-.Ltmp11, $1  }
0x31c: {  	_ =	sdelay $0x3  }
.LBB2_12:
0x31d: {  	_ =	sfence.sel $0x180000  }
0x31e: {  	[bflag:$0x0] =	sbarrier.arrive $0xFFFF  }
0x31f: {  	_ =	strace $0x90000047  }
0x320: {  	s0 =	stileid.u32;
	[bflag:$0x2] =	sbarrier.arrive $0xFFFF  }
0x321: {  	p0 =	sne.s32 s0, $0x0;
	s0 =	rddreg [dreg:$0x2]  }
0x322: {  	s0 =	sadd.s32 @!p0 $0x100000, s0  }
0x323: {  	[sflag:s0] =	ssyncadd.tile.s32 @!p0 $0x1;
	_ =	shalt  }
.Lfunc_end2:
_tile_overlayer_lowered:
.L_overlay_start_2:
0x324: {  	(tag) =	ssettag $0x2  }
0x325: {  	s0 =	rddreg [dreg:$0x0];
	s2 =	stileid.u32  }
0x326: {  	s1 =	rddreg [dreg:$0x1];
	p0 =	sne.s32 s2, $0x0  }
0x327: {  	s3 =	rddreg [dreg:$0x2];
	[bflag:$0x3] =	sbarrier.arrive $0xFFFF;
	s2 =	simm.s32 @!p0 $0x1C04  }
0x328: {  	[timem:s3], [sflag:s2] =	dma.local @!p0 [hbm:s0], s1  }
0x329: {  	s0 =	simm.s32 @!p0 $0x4  }
0x32a: {  	_ =	swait.ge @!p0 [sflag:s0], s1  }
0x32b: {  	s1 =	ssub.s32 @!p0 $0x0, s1;
	[sflag:s0] =	ssyncset.done @!p0 $0x0  }
0x32c: {  	[sflag:s0] =	ssyncadd.s32 @!p0 s1  }
0x32d: {  	[bflag:$0x3] =	sbarrier.arrive $0xFFFF  }
0x32e: {  	_ =	shalt  }

</sc_bundles>
